<compile_context>
chip_gen: v7x
topology: tpu7x:2x2x1
jax: 0.10.2.dev20260603
libtpu: 0.0.44.dev20260713+nightly
codegen_flags: <defaults>
</compile_context>

<pallas_src>
import functools

import jax
import jax.numpy as jnp
from jax import lax
from jax.experimental import pallas as pl
from jax.experimental.pallas import tpu as pltpu
from jax.experimental.pallas import tpu_sc as plsc

N = 10000
D = 2
I = 32
T = 128
P = 100000
DN = D * N
DNP = 20096
NC = 2
NS = 16
NW = NC * NS
TPW = T // NW
CP = 4096
NCH = 25
TAILB = P - CP


def _tc_body(times_ref, vr_ref, x0r_ref, u_ref):
    t = times_ref[:]
    j = lax.broadcasted_iota(jnp.int32, (T, I), 1).astype(jnp.float32)
    s = jnp.float32(1.0 / I)
    w = jnp.clip(t - j * s, 0.0, s)
    u = lax.dot_general(w, vr_ref[:], (((1,), (0,)), ((), ())),
                        precision=lax.Precision.HIGHEST,
                        preferred_element_type=jnp.float32)
    u = u + x0r_ref[:]
    for t_ in range(T):
        u_ref[pl.ds(t_ * DNP, DNP)] = u[t_]


def _sc_pair_kernel(u, pa, pb, bsq16):
    mesh = plsc.VectorSubcoreMesh(core_axis_name="c", subcore_axis_name="s")

    @functools.partial(
        pl.kernel,
        mesh=mesh,
        compiler_params=pltpu.CompilerParams(
            use_tc_tiling_on_sc=False, needs_layout_passes=False),
        out_type=jax.ShapeDtypeStruct((T, P), jnp.float32),
        scratch_types=[
            pltpu.VMEM((TPW * D * N,), jnp.float32),
            pltpu.VMEM((CP,), jnp.int32),
            pltpu.VMEM((CP,), jnp.int32),
            pltpu.VMEM((CP,), jnp.int32),
            pltpu.VMEM((CP,), jnp.int32),
            pltpu.VMEM((TPW, CP), jnp.float32),
            pltpu.VMEM((TPW, CP), jnp.float32),
            pltpu.VMEM((16,), jnp.float32),
            pltpu.SemaphoreType.DMA,
            pltpu.SemaphoreType.DMA,
            pltpu.SemaphoreType.DMA,
            pltpu.SemaphoreType.DMA,
        ],
    )
    def body(u_hbm, pa_hbm, pb_hbm, bsq_hbm, out_hbm,
             tab, ia0, ia1, ib0, ib1, ob0, ob1, bv,
             psem0, psem1, osem0, osem1):
        wid = lax.axis_index("s") * NC + lax.axis_index("c")
        t0 = wid * TPW
        for k in range(TPW):
            for d in range(D):
                pltpu.sync_copy(u_hbm.at[pl.ds((t0 + k) * DNP + d * N, N)],
                                tab.at[pl.ds((k * D + d) * N, N)])
        pltpu.sync_copy(bsq_hbm, bv)
        bs = bv[...]

        def compute_store(base, ia, ib, ob, osem):
            @plsc.parallel_loop(0, CP // 16, unroll=8)
            def group_step(g):
                sl = pl.ds(g * 16, 16)
                av = ia[sl]
                bv_ = ib[sl]
                for k in range(TPW):
                    r0 = tab.at[pl.ds((k * D) * N, N)]
                    r1 = tab.at[pl.ds((k * D + 1) * N, N)]
                    d0 = plsc.load_gather(r0, [av]) - plsc.load_gather(r0, [bv_])
                    d1 = plsc.load_gather(r1, [av]) - plsc.load_gather(r1, [bv_])
                    ob[k, sl] = jnp.exp(bs - (d0 * d0 + d1 * d1))

            for k in range(TPW):
                pltpu.async_copy(ob.at[k], out_hbm.at[t0 + k, pl.ds(base, CP)],
                                 osem)

        def wait_pair(ia, ib, psem):
            pltpu.make_async_copy(pa_hbm.at[pl.ds(0, CP)], ia, psem).wait()
            pltpu.make_async_copy(pb_hbm.at[pl.ds(0, CP)], ib, psem).wait()

        def fetch_pair(base, ia, ib, psem):
            pltpu.async_copy(pa_hbm.at[pl.ds(base, CP)], ia, psem)
            pltpu.async_copy(pb_hbm.at[pl.ds(base, CP)], ib, psem)

        def drain_out(ob, osem):
            for k in range(TPW):
                pltpu.make_async_copy(ob.at[k], out_hbm.at[0, pl.ds(0, CP)],
                                      osem).wait()

        fetch_pair(0, ia0, ib0, psem0)

        def chunk2_step(j, carry):
            c0 = 2 * j
            wait_pair(ia0, ib0, psem0)
            fetch_pair((c0 + 1) * CP, ia1, ib1, psem1)

            @pl.when(j >= 1)
            def _():
                drain_out(ob0, osem0)

            compute_store(c0 * CP, ia0, ib0, ob0, osem0)

            wait_pair(ia1, ib1, psem1)
            fetch_pair(jnp.minimum((c0 + 2) * CP, TAILB), ia0, ib0, psem0)

            @pl.when(j >= 1)
            def _():
                drain_out(ob1, osem1)

            compute_store((c0 + 1) * CP, ia1, ib1, ob1, osem1)
            return carry

        lax.fori_loop(0, (NCH - 1) // 2, chunk2_step, 0)

        wait_pair(ia0, ib0, psem0)
        drain_out(ob0, osem0)
        compute_store(TAILB, ia0, ib0, ob0, osem0)
        drain_out(ob0, osem0)
        drain_out(ob1, osem1)

    return body(u, pa, pb, bsq16)


def kernel(x0, v, beta, times_list, node_pairs):
    pad = DNP - DN
    vr = jnp.pad(jnp.transpose(v, (0, 2, 1)).reshape(I, DN), ((0, 0), (0, pad)))
    x0r = jnp.pad(jnp.transpose(x0, (1, 0)).reshape(1, DN), ((0, 0), (0, pad)))
    u = pl.pallas_call(
        _tc_body,
        out_shape=jax.ShapeDtypeStruct((T * DNP,), jnp.float32),
    )(times_list.reshape(T, 1), vr, x0r)

    bsq16 = jnp.full((16,), beta[0] * beta[0], jnp.float32)
    return _sc_pair_kernel(u, node_pairs[0], node_pairs[1], bsq16)

# --- scband reference (transcript-rebuilt; emitter-appended) ---
"""Pipeline reference for scband-base-model-85418309583316 (READ-ONLY COPY).

The authoritative reference and input builder live on the scoring server;
editing this copy changes nothing except your own understanding.
"""

import jax, jax.numpy as jnp
import numpy as np

N = 10000
D = 2
I = 32
T = 128
P = 100000
LAST_TIME = 1.0
INIT_TIME = 0.0


def mean_normalization(x):
    # subtract mean over the node axis (works for [N,D] and [I,N,D])
    return x - x.mean(axis=-2, keepdims=True)


def setup_inputs(seed: int = 0) -> dict:
    key = jax.random.key(seed)
    k1, k2, k3, k4, k5 = jax.random.split(key, 5)
    x0 = jax.random.normal(k1, (N, D), dtype=jnp.float32)
    v = jax.random.normal(k2, (I, N, D), dtype=jnp.float32)
    beta = jax.random.normal(k3, (1,), dtype=jnp.float32)
    times_list = jax.random.uniform(k4, (T,), dtype=jnp.float32)  # in [0, last_time=1)
    node_pairs = jax.random.randint(k5, (2, P), 0, N, dtype=jnp.int32)
    return {"x0": x0, "v": v, "beta": beta, "times_list": times_list, "node_pairs": node_pairs}


def reference(x0, v, beta, times_list, node_pairs):
    # bin bounds: softmax over relative widths, cumsum scaled by timeline length
    bins_rwidth = jnp.ones((I,), dtype=jnp.float32) / I
    timeline_len = LAST_TIME - INIT_TIME
    bounds = jnp.concatenate([
        jnp.asarray([INIT_TIME], dtype=jnp.float32),
        INIT_TIME + jnp.cumsum(jax.nn.softmax(bins_rwidth)) * timeline_len,
    ])
    bin_widths = bounds[1:] - bounds[:-1]

    x_tilde = mean_normalization(x0)
    v_tilde = mean_normalization(v)

    delta_x0 = x_tilde[node_pairs[0], :] - x_tilde[node_pairs[1], :]          # [P, D]
    delta_v = v_tilde[:, node_pairs[0], :] - v_tilde[:, node_pairs[1], :]     # [I, P, D]

    # torch.bucketize(times, boundaries, right=True) == searchsorted side='right'
    boundaries = bounds[1:-1]
    time_interval_indices = jnp.searchsorted(boundaries, times_list, side='right')  # [T]
    time_remainders = times_list - bounds[time_interval_indices]                    # [T]

    cum_displacement = jnp.concatenate([
        jnp.zeros((1, P, D), dtype=jnp.float32),
        jnp.cumsum(delta_v * bin_widths[:, None, None], axis=0),
    ], axis=0)                                                                      # [I+1, P, D]

    xt = delta_x0[None, :, :] + cum_displacement[time_interval_indices, :, :]       # [T, P, D]
    xt = xt + delta_v[time_interval_indices, :, :] * time_remainders[:, None, None]

    # squared euclidean norm over latent dim
    norm = jnp.sum(xt * xt, axis=2)                                                 # [T, P]

    intensities = -norm + (beta ** 2)  # beta is [1] -> broadcasts over [T, P]
    return jnp.exp(intensities)


if False:  # reference __main__ guard neutralized (emitter)
    out = reference(**setup_inputs())
    print(out.shape, out.dtype)

if __name__ == "__main__":
    import jax
    _d = setup_inputs()
    print(jax.jit(kernel)(*tuple(_d.values())))

</pallas_src>

<mosaic_0001>
#map = affine_map<(d0, d1) -> (0)>
#map1 = affine_map<(d0, d1) -> (0, 0)>
module attributes {stable_mosaic.version = 14 : i64} {
  func.func @body(%arg0: i32, %arg1: i32, %arg2: memref<2572288xf32, #tpu.memory_space<hbm>>, %arg3: memref<100000xi32, #tpu.memory_space<hbm>>, %arg4: memref<100000xi32, #tpu.memory_space<hbm>>, %arg5: memref<16xf32, #tpu.memory_space<hbm>>, %arg6: memref<128x100000xf32, #tpu.memory_space<hbm>>, %arg7: memref<80000xf32, #tpu.memory_space<vmem>>, %arg8: memref<4096xi32, #tpu.memory_space<vmem>>, %arg9: memref<4096xi32, #tpu.memory_space<vmem>>, %arg10: memref<4096xi32, #tpu.memory_space<vmem>>, %arg11: memref<4096xi32, #tpu.memory_space<vmem>>, %arg12: memref<4x4096xf32, #tpu.memory_space<vmem>>, %arg13: memref<4x4096xf32, #tpu.memory_space<vmem>>, %arg14: memref<16xf32, #tpu.memory_space<vmem>>, %arg15: memref<!tpu.dma_semaphore, #tpu.memory_space<semaphore_mem>>, %arg16: memref<!tpu.dma_semaphore, #tpu.memory_space<semaphore_mem>>, %arg17: memref<!tpu.dma_semaphore, #tpu.memory_space<semaphore_mem>>, %arg18: memref<!tpu.dma_semaphore, #tpu.memory_space<semaphore_mem>>) attributes {dimension_semantics = [#tpu.dimension_semantics<core_parallel>, #tpu.dimension_semantics<subcore_parallel>], iteration_bounds = array<i64: 2, 16>, scalar_prefetch = 0 : i64, scratch_operands = 12 : i64, tpu.core_type = #tpu.core_type<sc_vector_subcore>, window_params = [{transform_indices = #map}, {transform_indices = #map}, {transform_indices = #map}, {transform_indices = #map}, {transform_indices = #map1}]} {
    %mul3A = arith.constant 2 : i32
    %mul3A_0 = arith.muli %arg1, %mul3A : i32
    %add3A = arith.addi %mul3A_0, %arg0 : i32
    %mul3A_1 = arith.constant 4 : i32
    %mul3A_2 = arith.muli %add3A, %mul3A_1 : i32
    %add3A_3 = arith.constant 0 : i32
    %add3A_4 = arith.addi %mul3A_2, %add3A_3 : i32
    %mul3A_5 = arith.constant 20096 : i32
    %mul3A_6 = arith.muli %add3A_4, %mul3A_5 : i32
    %add3A_7 = arith.constant 0 : i32
    %add3A_8 = arith.addi %mul3A_6, %add3A_7 : i32
    "tpu.region"() ({
      %run_scoped3A = tpu.sem_alloc : memref<!tpu.dma_semaphore, #tpu.memory_space<semaphore_mem>>
      %dma_start3A_301 = arith.constant 0 : i32
      %dma_start3A_302 = tpu.memref_slice %arg7[%dma_start3A_301] : memref<80000xf32, #tpu.memory_space<vmem>> -> memref<10000xf32, #tpu.memory_space<vmem>>
      %dma_start3A_303 = tpu.memref_slice %arg2[%add3A_8] : memref<2572288xf32, #tpu.memory_space<hbm>> -> memref<10000xf32, #tpu.memory_space<hbm>>
      %dma_start3A_304 = arith.constant 0 : i32
      %dma_start3A_305 = tpu.memref_slice %arg7[%dma_start3A_304] : memref<80000xf32, #tpu.memory_space<vmem>> -> memref<10000xf32, #tpu.memory_space<vmem>>
      %dma_start3A_306 = tpu.memref_slice %arg2[%add3A_8] : memref<2572288xf32, #tpu.memory_space<hbm>> -> memref<10000xf32, #tpu.memory_space<hbm>>
      tpu.enqueue_dma source(%dma_start3A_306 : memref<10000xf32, #tpu.memory_space<hbm>>) target(%dma_start3A_305 : memref<10000xf32, #tpu.memory_space<vmem>>) target_semaphore(%run_scoped3A : memref<!tpu.dma_semaphore, #tpu.memory_space<semaphore_mem>>)
      %dma_wait3A_307 = arith.constant 0 : i32
      %dma_wait3A_308 = tpu.memref_slice %arg7[%dma_wait3A_307] : memref<80000xf32, #tpu.memory_space<vmem>> -> memref<10000xf32, #tpu.memory_space<vmem>>
      %dma_wait3A_309 = tpu.memref_slice %arg2[%add3A_8] : memref<2572288xf32, #tpu.memory_space<hbm>> -> memref<10000xf32, #tpu.memory_space<hbm>>
      %dma_wait3A_310 = arith.constant 0 : i32
      %dma_wait3A_311 = tpu.memref_slice %arg7[%dma_wait3A_310] : memref<80000xf32, #tpu.memory_space<vmem>> -> memref<10000xf32, #tpu.memory_space<vmem>>
      %dma_wait3A_312 = tpu.memref_slice %arg2[%add3A_8] : memref<2572288xf32, #tpu.memory_space<hbm>> -> memref<10000xf32, #tpu.memory_space<hbm>>
      tpu.wait_dma2 semaphore(%run_scoped3A : memref<!tpu.dma_semaphore, #tpu.memory_space<semaphore_mem>>) src(%dma_wait3A_312 : memref<10000xf32, #tpu.memory_space<hbm>>) dst(%dma_wait3A_311 : memref<10000xf32, #tpu.memory_space<vmem>>)
      tpu.yield
    }) : () -> ()
    %add3A_9 = arith.constant 0 : i32
    %add3A_10 = arith.addi %mul3A_2, %add3A_9 : i32
    %mul3A_11 = arith.constant 20096 : i32
    %mul3A_12 = arith.muli %add3A_10, %mul3A_11 : i32
    %add3A_13 = arith.constant 10000 : i32
    %add3A_14 = arith.addi %mul3A_12, %add3A_13 : i32
    "tpu.region"() ({
      %run_scoped3A = tpu.sem_alloc : memref<!tpu.dma_semaphore, #tpu.memory_space<semaphore_mem>>
      %dma_start3A_301 = arith.constant 10000 : i32
      %dma_start3A_302 = tpu.memref_slice %arg7[%dma_start3A_301] : memref<80000xf32, #tpu.memory_space<vmem>> -> memref<10000xf32, #tpu.memory_space<vmem>>
      %dma_start3A_303 = tpu.memref_slice %arg2[%add3A_14] : memref<2572288xf32, #tpu.memory_space<hbm>> -> memref<10000xf32, #tpu.memory_space<hbm>>
      %dma_start3A_304 = arith.constant 10000 : i32
      %dma_start3A_305 = tpu.memref_slice %arg7[%dma_start3A_304] : memref<80000xf32, #tpu.memory_space<vmem>> -> memref<10000xf32, #tpu.memory_space<vmem>>
      %dma_start3A_306 = tpu.memref_slice %arg2[%add3A_14] : memref<2572288xf32, #tpu.memory_space<hbm>> -> memref<10000xf32, #tpu.memory_space<hbm>>
      tpu.enqueue_dma source(%dma_start3A_306 : memref<10000xf32, #tpu.memory_space<hbm>>) target(%dma_start3A_305 : memref<10000xf32, #tpu.memory_space<vmem>>) target_semaphore(%run_scoped3A : memref<!tpu.dma_semaphore, #tpu.memory_space<semaphore_mem>>)
      %dma_wait3A_307 = arith.constant 10000 : i32
      %dma_wait3A_308 = tpu.memref_slice %arg7[%dma_wait3A_307] : memref<80000xf32, #tpu.memory_space<vmem>> -> memref<10000xf32, #tpu.memory_space<vmem>>
      %dma_wait3A_309 = tpu.memref_slice %arg2[%add3A_14] : memref<2572288xf32, #tpu.memory_space<hbm>> -> memref<10000xf32, #tpu.memory_space<hbm>>
      %dma_wait3A_310 = arith.constant 10000 : i32
      %dma_wait3A_311 = tpu.memref_slice %arg7[%dma_wait3A_310] : memref<80000xf32, #tpu.memory_space<vmem>> -> memref<10000xf32, #tpu.memory_space<vmem>>
      %dma_wait3A_312 = tpu.memref_slice %arg2[%add3A_14] : memref<2572288xf32, #tpu.memory_space<hbm>> -> memref<10000xf32, #tpu.memory_space<hbm>>
      tpu.wait_dma2 semaphore(%run_scoped3A : memref<!tpu.dma_semaphore, #tpu.memory_space<semaphore_mem>>) src(%dma_wait3A_312 : memref<10000xf32, #tpu.memory_space<hbm>>) dst(%dma_wait3A_311 : memref<10000xf32, #tpu.memory_space<vmem>>)
      tpu.yield
    }) : () -> ()
    %add3A_15 = arith.constant 1 : i32
    %add3A_16 = arith.addi %mul3A_2, %add3A_15 : i32
    %mul3A_17 = arith.constant 20096 : i32
    %mul3A_18 = arith.muli %add3A_16, %mul3A_17 : i32
    %add3A_19 = arith.constant 0 : i32
    %add3A_20 = arith.addi %mul3A_18, %add3A_19 : i32
    "tpu.region"() ({
      %run_scoped3A = tpu.sem_alloc : memref<!tpu.dma_semaphore, #tpu.memory_space<semaphore_mem>>
      %dma_start3A_301 = arith.constant 20000 : i32
      %dma_start3A_302 = tpu.memref_slice %arg7[%dma_start3A_301] : memref<80000xf32, #tpu.memory_space<vmem>> -> memref<10000xf32, #tpu.memory_space<vmem>>
      %dma_start3A_303 = tpu.memref_slice %arg2[%add3A_20] : memref<2572288xf32, #tpu.memory_space<hbm>> -> memref<10000xf32, #tpu.memory_space<hbm>>
      %dma_start3A_304 = arith.constant 20000 : i32
      %dma_start3A_305 = tpu.memref_slice %arg7[%dma_start3A_304] : memref<80000xf32, #tpu.memory_space<vmem>> -> memref<10000xf32, #tpu.memory_space<vmem>>
      %dma_start3A_306 = tpu.memref_slice %arg2[%add3A_20] : memref<2572288xf32, #tpu.memory_space<hbm>> -> memref<10000xf32, #tpu.memory_space<hbm>>
      tpu.enqueue_dma source(%dma_start3A_306 : memref<10000xf32, #tpu.memory_space<hbm>>) target(%dma_start3A_305 : memref<10000xf32, #tpu.memory_space<vmem>>) target_semaphore(%run_scoped3A : memref<!tpu.dma_semaphore, #tpu.memory_space<semaphore_mem>>)
      %dma_wait3A_307 = arith.constant 20000 : i32
      %dma_wait3A_308 = tpu.memref_slice %arg7[%dma_wait3A_307] : memref<80000xf32, #tpu.memory_space<vmem>> -> memref<10000xf32, #tpu.memory_space<vmem>>
      %dma_wait3A_309 = tpu.memref_slice %arg2[%add3A_20] : memref<2572288xf32, #tpu.memory_space<hbm>> -> memref<10000xf32, #tpu.memory_space<hbm>>
      %dma_wait3A_310 = arith.constant 20000 : i32
      %dma_wait3A_311 = tpu.memref_slice %arg7[%dma_wait3A_310] : memref<80000xf32, #tpu.memory_space<vmem>> -> memref<10000xf32, #tpu.memory_space<vmem>>
      %dma_wait3A_312 = tpu.memref_slice %arg2[%add3A_20] : memref<2572288xf32, #tpu.memory_space<hbm>> -> memref<10000xf32, #tpu.memory_space<hbm>>
      tpu.wait_dma2 semaphore(%run_scoped3A : memref<!tpu.dma_semaphore, #tpu.memory_space<semaphore_mem>>) src(%dma_wait3A_312 : memref<10000xf32, #tpu.memory_space<hbm>>) dst(%dma_wait3A_311 : memref<10000xf32, #tpu.memory_space<vmem>>)
      tpu.yield
    }) : () -> ()
    %add3A_21 = arith.constant 1 : i32
    %add3A_22 = arith.addi %mul3A_2, %add3A_21 : i32
    %mul3A_23 = arith.constant 20096 : i32
    %mul3A_24 = arith.muli %add3A_22, %mul3A_23 : i32
    %add3A_25 = arith.constant 10000 : i32
    %add3A_26 = arith.addi %mul3A_24, %add3A_25 : i32
    "tpu.region"() ({
      %run_scoped3A = tpu.sem_alloc : memref<!tpu.dma_semaphore, #tpu.memory_space<semaphore_mem>>
      %dma_start3A_301 = arith.constant 30000 : i32
      %dma_start3A_302 = tpu.memref_slice %arg7[%dma_start3A_301] : memref<80000xf32, #tpu.memory_space<vmem>> -> memref<10000xf32, #tpu.memory_space<vmem>>
      %dma_start3A_303 = tpu.memref_slice %arg2[%add3A_26] : memref<2572288xf32, #tpu.memory_space<hbm>> -> memref<10000xf32, #tpu.memory_space<hbm>>
      %dma_start3A_304 = arith.constant 30000 : i32
      %dma_start3A_305 = tpu.memref_slice %arg7[%dma_start3A_304] : memref<80000xf32, #tpu.memory_space<vmem>> -> memref<10000xf32, #tpu.memory_space<vmem>>
      %dma_start3A_306 = tpu.memref_slice %arg2[%add3A_26] : memref<2572288xf32, #tpu.memory_space<hbm>> -> memref<10000xf32, #tpu.memory_space<hbm>>
      tpu.enqueue_dma source(%dma_start3A_306 : memref<10000xf32, #tpu.memory_space<hbm>>) target(%dma_start3A_305 : memref<10000xf32, #tpu.memory_space<vmem>>) target_semaphore(%run_scoped3A : memref<!tpu.dma_semaphore, #tpu.memory_space<semaphore_mem>>)
      %dma_wait3A_307 = arith.constant 30000 : i32
      %dma_wait3A_308 = tpu.memref_slice %arg7[%dma_wait3A_307] : memref<80000xf32, #tpu.memory_space<vmem>> -> memref<10000xf32, #tpu.memory_space<vmem>>
      %dma_wait3A_309 = tpu.memref_slice %arg2[%add3A_26] : memref<2572288xf32, #tpu.memory_space<hbm>> -> memref<10000xf32, #tpu.memory_space<hbm>>
      %dma_wait3A_310 = arith.constant 30000 : i32
      %dma_wait3A_311 = tpu.memref_slice %arg7[%dma_wait3A_310] : memref<80000xf32, #tpu.memory_space<vmem>> -> memref<10000xf32, #tpu.memory_space<vmem>>
      %dma_wait3A_312 = tpu.memref_slice %arg2[%add3A_26] : memref<2572288xf32, #tpu.memory_space<hbm>> -> memref<10000xf32, #tpu.memory_space<hbm>>
      tpu.wait_dma2 semaphore(%run_scoped3A : memref<!tpu.dma_semaphore, #tpu.memory_space<semaphore_mem>>) src(%dma_wait3A_312 : memref<10000xf32, #tpu.memory_space<hbm>>) dst(%dma_wait3A_311 : memref<10000xf32, #tpu.memory_space<vmem>>)
      tpu.yield
    }) : () -> ()
    %add3A_27 = arith.constant 2 : i32
    %add3A_28 = arith.addi %mul3A_2, %add3A_27 : i32
    %mul3A_29 = arith.constant 20096 : i32
    %mul3A_30 = arith.muli %add3A_28, %mul3A_29 : i32
    %add3A_31 = arith.constant 0 : i32
    %add3A_32 = arith.addi %mul3A_30, %add3A_31 : i32
    "tpu.region"() ({
      %run_scoped3A = tpu.sem_alloc : memref<!tpu.dma_semaphore, #tpu.memory_space<semaphore_mem>>
      %dma_start3A_301 = arith.constant 40000 : i32
      %dma_start3A_302 = tpu.memref_slice %arg7[%dma_start3A_301] : memref<80000xf32, #tpu.memory_space<vmem>> -> memref<10000xf32, #tpu.memory_space<vmem>>
      %dma_start3A_303 = tpu.memref_slice %arg2[%add3A_32] : memref<2572288xf32, #tpu.memory_space<hbm>> -> memref<10000xf32, #tpu.memory_space<hbm>>
      %dma_start3A_304 = arith.constant 40000 : i32
      %dma_start3A_305 = tpu.memref_slice %arg7[%dma_start3A_304] : memref<80000xf32, #tpu.memory_space<vmem>> -> memref<10000xf32, #tpu.memory_space<vmem>>
      %dma_start3A_306 = tpu.memref_slice %arg2[%add3A_32] : memref<2572288xf32, #tpu.memory_space<hbm>> -> memref<10000xf32, #tpu.memory_space<hbm>>
      tpu.enqueue_dma source(%dma_start3A_306 : memref<10000xf32, #tpu.memory_space<hbm>>) target(%dma_start3A_305 : memref<10000xf32, #tpu.memory_space<vmem>>) target_semaphore(%run_scoped3A : memref<!tpu.dma_semaphore, #tpu.memory_space<semaphore_mem>>)
      %dma_wait3A_307 = arith.constant 40000 : i32
      %dma_wait3A_308 = tpu.memref_slice %arg7[%dma_wait3A_307] : memref<80000xf32, #tpu.memory_space<vmem>> -> memref<10000xf32, #tpu.memory_space<vmem>>
      %dma_wait3A_309 = tpu.memref_slice %arg2[%add3A_32] : memref<2572288xf32, #tpu.memory_space<hbm>> -> memref<10000xf32, #tpu.memory_space<hbm>>
      %dma_wait3A_310 = arith.constant 40000 : i32
      %dma_wait3A_311 = tpu.memref_slice %arg7[%dma_wait3A_310] : memref<80000xf32, #tpu.memory_space<vmem>> -> memref<10000xf32, #tpu.memory_space<vmem>>
      %dma_wait3A_312 = tpu.memref_slice %arg2[%add3A_32] : memref<2572288xf32, #tpu.memory_space<hbm>> -> memref<10000xf32, #tpu.memory_space<hbm>>
      tpu.wait_dma2 semaphore(%run_scoped3A : memref<!tpu.dma_semaphore, #tpu.memory_space<semaphore_mem>>) src(%dma_wait3A_312 : memref<10000xf32, #tpu.memory_space<hbm>>) dst(%dma_wait3A_311 : memref<10000xf32, #tpu.memory_space<vmem>>)
      tpu.yield
    }) : () -> ()
    %add3A_33 = arith.constant 2 : i32
    %add3A_34 = arith.addi %mul3A_2, %add3A_33 : i32
    %mul3A_35 = arith.constant 20096 : i32
    %mul3A_36 = arith.muli %add3A_34, %mul3A_35 : i32
    %add3A_37 = arith.constant 10000 : i32
    %add3A_38 = arith.addi %mul3A_36, %add3A_37 : i32
    "tpu.region"() ({
      %run_scoped3A = tpu.sem_alloc : memref<!tpu.dma_semaphore, #tpu.memory_space<semaphore_mem>>
      %dma_start3A_301 = arith.constant 50000 : i32
      %dma_start3A_302 = tpu.memref_slice %arg7[%dma_start3A_301] : memref<80000xf32, #tpu.memory_space<vmem>> -> memref<10000xf32, #tpu.memory_space<vmem>>
      %dma_start3A_303 = tpu.memref_slice %arg2[%add3A_38] : memref<2572288xf32, #tpu.memory_space<hbm>> -> memref<10000xf32, #tpu.memory_space<hbm>>
      %dma_start3A_304 = arith.constant 50000 : i32
      %dma_start3A_305 = tpu.memref_slice %arg7[%dma_start3A_304] : memref<80000xf32, #tpu.memory_space<vmem>> -> memref<10000xf32, #tpu.memory_space<vmem>>
      %dma_start3A_306 = tpu.memref_slice %arg2[%add3A_38] : memref<2572288xf32, #tpu.memory_space<hbm>> -> memref<10000xf32, #tpu.memory_space<hbm>>
      tpu.enqueue_dma source(%dma_start3A_306 : memref<10000xf32, #tpu.memory_space<hbm>>) target(%dma_start3A_305 : memref<10000xf32, #tpu.memory_space<vmem>>) target_semaphore(%run_scoped3A : memref<!tpu.dma_semaphore, #tpu.memory_space<semaphore_mem>>)
      %dma_wait3A_307 = arith.constant 50000 : i32
      %dma_wait3A_308 = tpu.memref_slice %arg7[%dma_wait3A_307] : memref<80000xf32, #tpu.memory_space<vmem>> -> memref<10000xf32, #tpu.memory_space<vmem>>
      %dma_wait3A_309 = tpu.memref_slice %arg2[%add3A_38] : memref<2572288xf32, #tpu.memory_space<hbm>> -> memref<10000xf32, #tpu.memory_space<hbm>>
      %dma_wait3A_310 = arith.constant 50000 : i32
      %dma_wait3A_311 = tpu.memref_slice %arg7[%dma_wait3A_310] : memref<80000xf32, #tpu.memory_space<vmem>> -> memref<10000xf32, #tpu.memory_space<vmem>>
      %dma_wait3A_312 = tpu.memref_slice %arg2[%add3A_38] : memref<2572288xf32, #tpu.memory_space<hbm>> -> memref<10000xf32, #tpu.memory_space<hbm>>
      tpu.wait_dma2 semaphore(%run_scoped3A : memref<!tpu.dma_semaphore, #tpu.memory_space<semaphore_mem>>) src(%dma_wait3A_312 : memref<10000xf32, #tpu.memory_space<hbm>>) dst(%dma_wait3A_311 : memref<10000xf32, #tpu.memory_space<vmem>>)
      tpu.yield
    }) : () -> ()
    %add3A_39 = arith.constant 3 : i32
    %add3A_40 = arith.addi %mul3A_2, %add3A_39 : i32
    %mul3A_41 = arith.constant 20096 : i32
    %mul3A_42 = arith.muli %add3A_40, %mul3A_41 : i32
    %add3A_43 = arith.constant 0 : i32
    %add3A_44 = arith.addi %mul3A_42, %add3A_43 : i32
    "tpu.region"() ({
      %run_scoped3A = tpu.sem_alloc : memref<!tpu.dma_semaphore, #tpu.memory_space<semaphore_mem>>
      %dma_start3A_301 = arith.constant 60000 : i32
      %dma_start3A_302 = tpu.memref_slice %arg7[%dma_start3A_301] : memref<80000xf32, #tpu.memory_space<vmem>> -> memref<10000xf32, #tpu.memory_space<vmem>>
      %dma_start3A_303 = tpu.memref_slice %arg2[%add3A_44] : memref<2572288xf32, #tpu.memory_space<hbm>> -> memref<10000xf32, #tpu.memory_space<hbm>>
      %dma_start3A_304 = arith.constant 60000 : i32
      %dma_start3A_305 = tpu.memref_slice %arg7[%dma_start3A_304] : memref<80000xf32, #tpu.memory_space<vmem>> -> memref<10000xf32, #tpu.memory_space<vmem>>
      %dma_start3A_306 = tpu.memref_slice %arg2[%add3A_44] : memref<2572288xf32, #tpu.memory_space<hbm>> -> memref<10000xf32, #tpu.memory_space<hbm>>
      tpu.enqueue_dma source(%dma_start3A_306 : memref<10000xf32, #tpu.memory_space<hbm>>) target(%dma_start3A_305 : memref<10000xf32, #tpu.memory_space<vmem>>) target_semaphore(%run_scoped3A : memref<!tpu.dma_semaphore, #tpu.memory_space<semaphore_mem>>)
      %dma_wait3A_307 = arith.constant 60000 : i32
      %dma_wait3A_308 = tpu.memref_slice %arg7[%dma_wait3A_307] : memref<80000xf32, #tpu.memory_space<vmem>> -> memref<10000xf32, #tpu.memory_space<vmem>>
      %dma_wait3A_309 = tpu.memref_slice %arg2[%add3A_44] : memref<2572288xf32, #tpu.memory_space<hbm>> -> memref<10000xf32, #tpu.memory_space<hbm>>
      %dma_wait3A_310 = arith.constant 60000 : i32
      %dma_wait3A_311 = tpu.memref_slice %arg7[%dma_wait3A_310] : memref<80000xf32, #tpu.memory_space<vmem>> -> memref<10000xf32, #tpu.memory_space<vmem>>
      %dma_wait3A_312 = tpu.memref_slice %arg2[%add3A_44] : memref<2572288xf32, #tpu.memory_space<hbm>> -> memref<10000xf32, #tpu.memory_space<hbm>>
      tpu.wait_dma2 semaphore(%run_scoped3A : memref<!tpu.dma_semaphore, #tpu.memory_space<semaphore_mem>>) src(%dma_wait3A_312 : memref<10000xf32, #tpu.memory_space<hbm>>) dst(%dma_wait3A_311 : memref<10000xf32, #tpu.memory_space<vmem>>)
      tpu.yield
    }) : () -> ()
    %add3A_45 = arith.constant 3 : i32
    %add3A_46 = arith.addi %mul3A_2, %add3A_45 : i32
    %mul3A_47 = arith.constant 20096 : i32
    %mul3A_48 = arith.muli %add3A_46, %mul3A_47 : i32
    %add3A_49 = arith.constant 10000 : i32
    %add3A_50 = arith.addi %mul3A_48, %add3A_49 : i32
    "tpu.region"() ({
      %run_scoped3A = tpu.sem_alloc : memref<!tpu.dma_semaphore, #tpu.memory_space<semaphore_mem>>
      %dma_start3A_301 = arith.constant 70000 : i32
      %dma_start3A_302 = tpu.memref_slice %arg7[%dma_start3A_301] : memref<80000xf32, #tpu.memory_space<vmem>> -> memref<10000xf32, #tpu.memory_space<vmem>>
      %dma_start3A_303 = tpu.memref_slice %arg2[%add3A_50] : memref<2572288xf32, #tpu.memory_space<hbm>> -> memref<10000xf32, #tpu.memory_space<hbm>>
      %dma_start3A_304 = arith.constant 70000 : i32
      %dma_start3A_305 = tpu.memref_slice %arg7[%dma_start3A_304] : memref<80000xf32, #tpu.memory_space<vmem>> -> memref<10000xf32, #tpu.memory_space<vmem>>
      %dma_start3A_306 = tpu.memref_slice %arg2[%add3A_50] : memref<2572288xf32, #tpu.memory_space<hbm>> -> memref<10000xf32, #tpu.memory_space<hbm>>
      tpu.enqueue_dma source(%dma_start3A_306 : memref<10000xf32, #tpu.memory_space<hbm>>) target(%dma_start3A_305 : memref<10000xf32, #tpu.memory_space<vmem>>) target_semaphore(%run_scoped3A : memref<!tpu.dma_semaphore, #tpu.memory_space<semaphore_mem>>)
      %dma_wait3A_307 = arith.constant 70000 : i32
      %dma_wait3A_308 = tpu.memref_slice %arg7[%dma_wait3A_307] : memref<80000xf32, #tpu.memory_space<vmem>> -> memref<10000xf32, #tpu.memory_space<vmem>>
      %dma_wait3A_309 = tpu.memref_slice %arg2[%add3A_50] : memref<2572288xf32, #tpu.memory_space<hbm>> -> memref<10000xf32, #tpu.memory_space<hbm>>
      %dma_wait3A_310 = arith.constant 70000 : i32
      %dma_wait3A_311 = tpu.memref_slice %arg7[%dma_wait3A_310] : memref<80000xf32, #tpu.memory_space<vmem>> -> memref<10000xf32, #tpu.memory_space<vmem>>
      %dma_wait3A_312 = tpu.memref_slice %arg2[%add3A_50] : memref<2572288xf32, #tpu.memory_space<hbm>> -> memref<10000xf32, #tpu.memory_space<hbm>>
      tpu.wait_dma2 semaphore(%run_scoped3A : memref<!tpu.dma_semaphore, #tpu.memory_space<semaphore_mem>>) src(%dma_wait3A_312 : memref<10000xf32, #tpu.memory_space<hbm>>) dst(%dma_wait3A_311 : memref<10000xf32, #tpu.memory_space<vmem>>)
      tpu.yield
    }) : () -> ()
    "tpu.region"() ({
      %run_scoped3A = tpu.sem_alloc : memref<!tpu.dma_semaphore, #tpu.memory_space<semaphore_mem>>
      tpu.enqueue_dma source(%arg5 : memref<16xf32, #tpu.memory_space<hbm>>) target(%arg14 : memref<16xf32, #tpu.memory_space<vmem>>) target_semaphore(%run_scoped3A : memref<!tpu.dma_semaphore, #tpu.memory_space<semaphore_mem>>)
      tpu.wait_dma2 semaphore(%run_scoped3A : memref<!tpu.dma_semaphore, #tpu.memory_space<semaphore_mem>>) src(%arg5 : memref<16xf32, #tpu.memory_space<hbm>>) dst(%arg14 : memref<16xf32, #tpu.memory_space<vmem>>)
      tpu.yield
    }) : () -> ()
    %get3A = arith.constant 0 : index
    %get3A_51 = tpu.vector_load %arg14[%get3A] {strides = array<i32>} : memref<16xf32, #tpu.memory_space<vmem>>, vector<16xf32>,
    %dma_start3A = arith.constant 0 : i32
    %dma_start3A_52 = tpu.memref_slice %arg3[%dma_start3A] : memref<100000xi32, #tpu.memory_space<hbm>> -> memref<4096xi32, #tpu.memory_space<hbm>>
    %dma_start3A_53 = arith.constant 0 : i32
    %dma_start3A_54 = tpu.memref_slice %arg3[%dma_start3A_53] : memref<100000xi32, #tpu.memory_space<hbm>> -> memref<4096xi32, #tpu.memory_space<hbm>>
    tpu.enqueue_dma source(%dma_start3A_54 : memref<4096xi32, #tpu.memory_space<hbm>>) target(%arg8 : memref<4096xi32, #tpu.memory_space<vmem>>) target_semaphore(%arg15 : memref<!tpu.dma_semaphore, #tpu.memory_space<semaphore_mem>>)
    %dma_start3A_55 = arith.constant 0 : i32
    %dma_start3A_56 = tpu.memref_slice %arg4[%dma_start3A_55] : memref<100000xi32, #tpu.memory_space<hbm>> -> memref<4096xi32, #tpu.memory_space<hbm>>
    %dma_start3A_57 = arith.constant 0 : i32
    %dma_start3A_58 = tpu.memref_slice %arg4[%dma_start3A_57] : memref<100000xi32, #tpu.memory_space<hbm>> -> memref<4096xi32, #tpu.memory_space<hbm>>
    tpu.enqueue_dma source(%dma_start3A_58 : memref<4096xi32, #tpu.memory_space<hbm>>) target(%arg10 : memref<4096xi32, #tpu.memory_space<vmem>>) target_semaphore(%arg15 : memref<!tpu.dma_semaphore, #tpu.memory_space<semaphore_mem>>)
    %scan3A = arith.constant 0 : i32
    %scan3A_59 = arith.constant 0 : i32
    %scan3A_60 = arith.constant 12 : i32
    %scan3A_61 = arith.addi %scan3A_59, %scan3A_60 : i32
    %scan3A_62 = arith.constant 1 : i32
    scf.for %scan3A_301 = %scan3A_59 to %scan3A_61 step %scan3A_62  : i32 {
      %mul3A_302 = arith.constant 2 : i32
      %mul3A_303 = arith.muli %mul3A_302, %scan3A_301 : i32
      %dma_wait3A_304 = arith.constant 0 : i32
      %dma_wait3A_305 = tpu.memref_slice %arg3[%dma_wait3A_304] : memref<100000xi32, #tpu.memory_space<hbm>> -> memref<4096xi32, #tpu.memory_space<hbm>>
      %dma_wait3A_306 = arith.constant 0 : i32
      %dma_wait3A_307 = tpu.memref_slice %arg3[%dma_wait3A_306] : memref<100000xi32, #tpu.memory_space<hbm>> -> memref<4096xi32, #tpu.memory_space<hbm>>
      tpu.wait_dma2 semaphore(%arg15 : memref<!tpu.dma_semaphore, #tpu.memory_space<semaphore_mem>>) src(%dma_wait3A_307 : memref<4096xi32, #tpu.memory_space<hbm>>) dst(%arg8 : memref<4096xi32, #tpu.memory_space<vmem>>)
      %dma_wait3A_308 = arith.constant 0 : i32
      %dma_wait3A_309 = tpu.memref_slice %arg4[%dma_wait3A_308] : memref<100000xi32, #tpu.memory_space<hbm>> -> memref<4096xi32, #tpu.memory_space<hbm>>
      %dma_wait3A_310 = arith.constant 0 : i32
      %dma_wait3A_311 = tpu.memref_slice %arg4[%dma_wait3A_310] : memref<100000xi32, #tpu.memory_space<hbm>> -> memref<4096xi32, #tpu.memory_space<hbm>>
      tpu.wait_dma2 semaphore(%arg15 : memref<!tpu.dma_semaphore, #tpu.memory_space<semaphore_mem>>) src(%dma_wait3A_311 : memref<4096xi32, #tpu.memory_space<hbm>>) dst(%arg10 : memref<4096xi32, #tpu.memory_space<vmem>>)
      %add3A_312 = arith.constant 1 : i32
      %add3A_313 = arith.addi %mul3A_303, %add3A_312 : i32
      %mul3A_314 = arith.constant 4096 : i32
      %mul3A_315 = arith.muli %add3A_313, %mul3A_314 : i32
      %dma_start3A_316 = tpu.memref_slice %arg3[%mul3A_315] : memref<100000xi32, #tpu.memory_space<hbm>> -> memref<4096xi32, #tpu.memory_space<hbm>>
      %dma_start3A_317 = tpu.memref_slice %arg3[%mul3A_315] : memref<100000xi32, #tpu.memory_space<hbm>> -> memref<4096xi32, #tpu.memory_space<hbm>>
      tpu.enqueue_dma source(%dma_start3A_317 : memref<4096xi32, #tpu.memory_space<hbm>>) target(%arg9 : memref<4096xi32, #tpu.memory_space<vmem>>) target_semaphore(%arg16 : memref<!tpu.dma_semaphore, #tpu.memory_space<semaphore_mem>>)
      %dma_start3A_318 = tpu.memref_slice %arg4[%mul3A_315] : memref<100000xi32, #tpu.memory_space<hbm>> -> memref<4096xi32, #tpu.memory_space<hbm>>
      %dma_start3A_319 = tpu.memref_slice %arg4[%mul3A_315] : memref<100000xi32, #tpu.memory_space<hbm>> -> memref<4096xi32, #tpu.memory_space<hbm>>
      tpu.enqueue_dma source(%dma_start3A_319 : memref<4096xi32, #tpu.memory_space<hbm>>) target(%arg11 : memref<4096xi32, #tpu.memory_space<vmem>>) target_semaphore(%arg16 : memref<!tpu.dma_semaphore, #tpu.memory_space<semaphore_mem>>)
      %ge3A = arith.constant 1 : i32
      %ge3A_320 = arith.cmpi sge, %scan3A_301, %ge3A : i32
      %convert_element_type3A = arith.extui %ge3A_320 : i1 to i32
      %cond3A = arith.constant 0 : i32
      %cond3A_321 = arith.cmpi ne, %convert_element_type3A, %cond3A : i32
      scf.if %cond3A_321 {
        %dma_wait3A_460 = arith.constant 0 : i32
        %dma_wait3A_461 = arith.constant 0 : i32
        %dma_wait3A_462 = arith.constant 0 : i32
        %dma_wait3A_463 = tpu.memref_slice %arg12[%dma_wait3A_460, %dma_wait3A_462] : memref<4x4096xf32, #tpu.memory_space<vmem>> -> memref<1x4096xf32, #tpu.memory_space<vmem>>
        %dma_wait3A_464 = tpu.memref_squeeze %dma_wait3A_463 : memref<1x4096xf32, #tpu.memory_space<vmem>> -> memref<4096xf32, #tpu.memory_space<vmem>>
        %dma_wait3A_465 = arith.constant 0 : i32
        %dma_wait3A_466 = tpu.memref_slice %arg6[%dma_wait3A_461, %dma_wait3A_465] : memref<128x100000xf32, #tpu.memory_space<hbm>> -> memref<1x4096xf32, #tpu.memory_space<hbm>>
        %dma_wait3A_467 = tpu.memref_squeeze %dma_wait3A_466 : memref<1x4096xf32, #tpu.memory_space<hbm>> -> memref<4096xf32, #tpu.memory_space<hbm>>
        %dma_wait3A_468 = arith.constant 0 : i32
        %dma_wait3A_469 = tpu.memref_slice %arg6[%dma_wait3A_461, %dma_wait3A_468] : memref<128x100000xf32, #tpu.memory_space<hbm>> -> memref<1x4096xf32, #tpu.memory_space<hbm>>
        %dma_wait3A_470 = tpu.memref_squeeze %dma_wait3A_469 : memref<1x4096xf32, #tpu.memory_space<hbm>> -> memref<4096xf32, #tpu.memory_space<hbm>>
        %dma_wait3A_471 = arith.constant 0 : i32
        %dma_wait3A_472 = tpu.memref_slice %arg12[%dma_wait3A_460, %dma_wait3A_471] : memref<4x4096xf32, #tpu.memory_space<vmem>> -> memref<1x4096xf32, #tpu.memory_space<vmem>>
        %dma_wait3A_473 = tpu.memref_squeeze %dma_wait3A_472 : memref<1x4096xf32, #tpu.memory_space<vmem>> -> memref<4096xf32, #tpu.memory_space<vmem>>
        tpu.wait_dma2 semaphore(%arg17 : memref<!tpu.dma_semaphore, #tpu.memory_space<semaphore_mem>>) src(%dma_wait3A_473 : memref<4096xf32, #tpu.memory_space<vmem>>) dst(%dma_wait3A_470 : memref<4096xf32, #tpu.memory_space<hbm>>)
        %dma_wait3A_474 = arith.constant 1 : i32
        %dma_wait3A_475 = arith.constant 0 : i32
        %dma_wait3A_476 = arith.constant 0 : i32
        %dma_wait3A_477 = tpu.memref_slice %arg12[%dma_wait3A_474, %dma_wait3A_476] : memref<4x4096xf32, #tpu.memory_space<vmem>> -> memref<1x4096xf32, #tpu.memory_space<vmem>>
        %dma_wait3A_478 = tpu.memref_squeeze %dma_wait3A_477 : memref<1x4096xf32, #tpu.memory_space<vmem>> -> memref<4096xf32, #tpu.memory_space<vmem>>
        %dma_wait3A_479 = arith.constant 0 : i32
        %dma_wait3A_480 = tpu.memref_slice %arg6[%dma_wait3A_475, %dma_wait3A_479] : memref<128x100000xf32, #tpu.memory_space<hbm>> -> memref<1x4096xf32, #tpu.memory_space<hbm>>
        %dma_wait3A_481 = tpu.memref_squeeze %dma_wait3A_480 : memref<1x4096xf32, #tpu.memory_space<hbm>> -> memref<4096xf32, #tpu.memory_space<hbm>>
        %dma_wait3A_482 = arith.constant 0 : i32
        %dma_wait3A_483 = tpu.memref_slice %arg6[%dma_wait3A_475, %dma_wait3A_482] : memref<128x100000xf32, #tpu.memory_space<hbm>> -> memref<1x4096xf32, #tpu.memory_space<hbm>>
        %dma_wait3A_484 = tpu.memref_squeeze %dma_wait3A_483 : memref<1x4096xf32, #tpu.memory_space<hbm>> -> memref<4096xf32, #tpu.memory_space<hbm>>
        %dma_wait3A_485 = arith.constant 0 : i32
        %dma_wait3A_486 = tpu.memref_slice %arg12[%dma_wait3A_474, %dma_wait3A_485] : memref<4x4096xf32, #tpu.memory_space<vmem>> -> memref<1x4096xf32, #tpu.memory_space<vmem>>
        %dma_wait3A_487 = tpu.memref_squeeze %dma_wait3A_486 : memref<1x4096xf32, #tpu.memory_space<vmem>> -> memref<4096xf32, #tpu.memory_space<vmem>>
        tpu.wait_dma2 semaphore(%arg17 : memref<!tpu.dma_semaphore, #tpu.memory_space<semaphore_mem>>) src(%dma_wait3A_487 : memref<4096xf32, #tpu.memory_space<vmem>>) dst(%dma_wait3A_484 : memref<4096xf32, #tpu.memory_space<hbm>>)
        %dma_wait3A_488 = arith.constant 2 : i32
        %dma_wait3A_489 = arith.constant 0 : i32
        %dma_wait3A_490 = arith.constant 0 : i32
        %dma_wait3A_491 = tpu.memref_slice %arg12[%dma_wait3A_488, %dma_wait3A_490] : memref<4x4096xf32, #tpu.memory_space<vmem>> -> memref<1x4096xf32, #tpu.memory_space<vmem>>
        %dma_wait3A_492 = tpu.memref_squeeze %dma_wait3A_491 : memref<1x4096xf32, #tpu.memory_space<vmem>> -> memref<4096xf32, #tpu.memory_space<vmem>>
        %dma_wait3A_493 = arith.constant 0 : i32
        %dma_wait3A_494 = tpu.memref_slice %arg6[%dma_wait3A_489, %dma_wait3A_493] : memref<128x100000xf32, #tpu.memory_space<hbm>> -> memref<1x4096xf32, #tpu.memory_space<hbm>>
        %dma_wait3A_495 = tpu.memref_squeeze %dma_wait3A_494 : memref<1x4096xf32, #tpu.memory_space<hbm>> -> memref<4096xf32, #tpu.memory_space<hbm>>
        %dma_wait3A_496 = arith.constant 0 : i32
        %dma_wait3A_497 = tpu.memref_slice %arg6[%dma_wait3A_489, %dma_wait3A_496] : memref<128x100000xf32, #tpu.memory_space<hbm>> -> memref<1x4096xf32, #tpu.memory_space<hbm>>
        %dma_wait3A_498 = tpu.memref_squeeze %dma_wait3A_497 : memref<1x4096xf32, #tpu.memory_space<hbm>> -> memref<4096xf32, #tpu.memory_space<hbm>>
        %dma_wait3A_499 = arith.constant 0 : i32
        %dma_wait3A_500 = tpu.memref_slice %arg12[%dma_wait3A_488, %dma_wait3A_499] : memref<4x4096xf32, #tpu.memory_space<vmem>> -> memref<1x4096xf32, #tpu.memory_space<vmem>>
        %dma_wait3A_501 = tpu.memref_squeeze %dma_wait3A_500 : memref<1x4096xf32, #tpu.memory_space<vmem>> -> memref<4096xf32, #tpu.memory_space<vmem>>
        tpu.wait_dma2 semaphore(%arg17 : memref<!tpu.dma_semaphore, #tpu.memory_space<semaphore_mem>>) src(%dma_wait3A_501 : memref<4096xf32, #tpu.memory_space<vmem>>) dst(%dma_wait3A_498 : memref<4096xf32, #tpu.memory_space<hbm>>)
        %dma_wait3A_502 = arith.constant 3 : i32
        %dma_wait3A_503 = arith.constant 0 : i32
        %dma_wait3A_504 = arith.constant 0 : i32
        %dma_wait3A_505 = tpu.memref_slice %arg12[%dma_wait3A_502, %dma_wait3A_504] : memref<4x4096xf32, #tpu.memory_space<vmem>> -> memref<1x4096xf32, #tpu.memory_space<vmem>>
        %dma_wait3A_506 = tpu.memref_squeeze %dma_wait3A_505 : memref<1x4096xf32, #tpu.memory_space<vmem>> -> memref<4096xf32, #tpu.memory_space<vmem>>
        %dma_wait3A_507 = arith.constant 0 : i32
        %dma_wait3A_508 = tpu.memref_slice %arg6[%dma_wait3A_503, %dma_wait3A_507] : memref<128x100000xf32, #tpu.memory_space<hbm>> -> memref<1x4096xf32, #tpu.memory_space<hbm>>
        %dma_wait3A_509 = tpu.memref_squeeze %dma_wait3A_508 : memref<1x4096xf32, #tpu.memory_space<hbm>> -> memref<4096xf32, #tpu.memory_space<hbm>>
        %dma_wait3A_510 = arith.constant 0 : i32
        %dma_wait3A_511 = tpu.memref_slice %arg6[%dma_wait3A_503, %dma_wait3A_510] : memref<128x100000xf32, #tpu.memory_space<hbm>> -> memref<1x4096xf32, #tpu.memory_space<hbm>>
        %dma_wait3A_512 = tpu.memref_squeeze %dma_wait3A_511 : memref<1x4096xf32, #tpu.memory_space<hbm>> -> memref<4096xf32, #tpu.memory_space<hbm>>
        %dma_wait3A_513 = arith.constant 0 : i32
        %dma_wait3A_514 = tpu.memref_slice %arg12[%dma_wait3A_502, %dma_wait3A_513] : memref<4x4096xf32, #tpu.memory_space<vmem>> -> memref<1x4096xf32, #tpu.memory_space<vmem>>
        %dma_wait3A_515 = tpu.memref_squeeze %dma_wait3A_514 : memref<1x4096xf32, #tpu.memory_space<vmem>> -> memref<4096xf32, #tpu.memory_space<vmem>>
        tpu.wait_dma2 semaphore(%arg17 : memref<!tpu.dma_semaphore, #tpu.memory_space<semaphore_mem>>) src(%dma_wait3A_515 : memref<4096xf32, #tpu.memory_space<vmem>>) dst(%dma_wait3A_512 : memref<4096xf32, #tpu.memory_space<hbm>>)
      } else {
      }
      %mul3A_322 = arith.constant 4096 : i32
      %mul3A_323 = arith.muli %mul3A_303, %mul3A_322 : i32
      %parallel_loop3A_324 = arith.constant 0 : i32
      %parallel_loop3A_325 = arith.constant 256 : i32
      %parallel_loop3A_326 = arith.constant 1 : i32
      scf.for %parallel_loop3A_460 = %parallel_loop3A_324 to %parallel_loop3A_325 step %parallel_loop3A_326  : i32 {
        %parallel_loop3A_461 = arith.constant 16 : i32
        %parallel_loop3A_462 = arith.muli %parallel_loop3A_460, %parallel_loop3A_461 : i32
        %parallel_loop3A_463 = arith.index_cast %parallel_loop3A_462 : i32 to index
        %parallel_loop3A_464 = tpu.vector_load %arg8[%parallel_loop3A_463] {strides = array<i32>} : memref<4096xi32, #tpu.memory_space<vmem>>, vector<16xi32>,
        %parallel_loop3A_465 = arith.index_cast %parallel_loop3A_462 : i32 to index
        %parallel_loop3A_466 = tpu.vector_load %arg10[%parallel_loop3A_465] {strides = array<i32>} : memref<4096xi32, #tpu.memory_space<vmem>>, vector<16xi32>,
        %parallel_loop3A_467 = arith.constant 0 : i32
        %parallel_loop3A_468 = tpu.memref_slice %arg7[%parallel_loop3A_467] : memref<80000xf32, #tpu.memory_space<vmem>> -> memref<10000xf32, #tpu.memory_space<vmem>>
        %parallel_loop3A_469 = tpu.vector_load_idx %parallel_loop3A_468[%parallel_loop3A_464] : memref<10000xf32, #tpu.memory_space<vmem>>[vector<16xi32>], vector<16xf32>,
        %parallel_loop3A_470 = arith.constant 0 : i32
        %parallel_loop3A_471 = tpu.memref_slice %arg7[%parallel_loop3A_470] : memref<80000xf32, #tpu.memory_space<vmem>> -> memref<10000xf32, #tpu.memory_space<vmem>>
        %parallel_loop3A_472 = tpu.vector_load_idx %parallel_loop3A_471[%parallel_loop3A_466] : memref<10000xf32, #tpu.memory_space<vmem>>[vector<16xi32>], vector<16xf32>,
        %parallel_loop3A_473 = arith.subf %parallel_loop3A_469, %parallel_loop3A_472 : vector<16xf32>
        %parallel_loop3A_474 = arith.constant 10000 : i32
        %parallel_loop3A_475 = tpu.memref_slice %arg7[%parallel_loop3A_474] : memref<80000xf32, #tpu.memory_space<vmem>> -> memref<10000xf32, #tpu.memory_space<vmem>>
        %parallel_loop3A_476 = tpu.vector_load_idx %parallel_loop3A_475[%parallel_loop3A_464] : memref<10000xf32, #tpu.memory_space<vmem>>[vector<16xi32>], vector<16xf32>,
        %parallel_loop3A_477 = arith.constant 10000 : i32
        %parallel_loop3A_478 = tpu.memref_slice %arg7[%parallel_loop3A_477] : memref<80000xf32, #tpu.memory_space<vmem>> -> memref<10000xf32, #tpu.memory_space<vmem>>
        %parallel_loop3A_479 = tpu.vector_load_idx %parallel_loop3A_478[%parallel_loop3A_466] : memref<10000xf32, #tpu.memory_space<vmem>>[vector<16xi32>], vector<16xf32>,
        %parallel_loop3A_480 = arith.subf %parallel_loop3A_476, %parallel_loop3A_479 : vector<16xf32>
        %parallel_loop3A_481 = arith.mulf %parallel_loop3A_473, %parallel_loop3A_473 : vector<16xf32>
        %parallel_loop3A_482 = arith.mulf %parallel_loop3A_480, %parallel_loop3A_480 : vector<16xf32>
        %parallel_loop3A_483 = arith.addf %parallel_loop3A_481, %parallel_loop3A_482 : vector<16xf32>
        %parallel_loop3A_484 = arith.subf %get3A_51, %parallel_loop3A_483 : vector<16xf32>
        %parallel_loop3A_485 = math.exp %parallel_loop3A_484 : vector<16xf32>
        %parallel_loop3A_486 = arith.constant 0 : i32
        %parallel_loop3A_487 = arith.index_cast %parallel_loop3A_486 : i32 to index
        %parallel_loop3A_488 = arith.index_cast %parallel_loop3A_462 : i32 to index
        %parallel_loop3A_489 = tpu.vector_load %arg12[%parallel_loop3A_487, %parallel_loop3A_488] {strides = array<i32>} : memref<4x4096xf32, #tpu.memory_space<vmem>>, vector<16xf32>,
        tpu.vector_store %arg12[%parallel_loop3A_487, %parallel_loop3A_488], %parallel_loop3A_485 {strides = array<i32>} : memref<4x4096xf32, #tpu.memory_space<vmem>>, vector<16xf32>,
        %parallel_loop3A_490 = arith.constant 20000 : i32
        %parallel_loop3A_491 = tpu.memref_slice %arg7[%parallel_loop3A_490] : memref<80000xf32, #tpu.memory_space<vmem>> -> memref<10000xf32, #tpu.memory_space<vmem>>
        %parallel_loop3A_492 = tpu.vector_load_idx %parallel_loop3A_491[%parallel_loop3A_464] : memref<10000xf32, #tpu.memory_space<vmem>>[vector<16xi32>], vector<16xf32>,
        %parallel_loop3A_493 = arith.constant 20000 : i32
        %parallel_loop3A_494 = tpu.memref_slice %arg7[%parallel_loop3A_493] : memref<80000xf32, #tpu.memory_space<vmem>> -> memref<10000xf32, #tpu.memory_space<vmem>>
        %parallel_loop3A_495 = tpu.vector_load_idx %parallel_loop3A_494[%parallel_loop3A_466] : memref<10000xf32, #tpu.memory_space<vmem>>[vector<16xi32>], vector<16xf32>,
        %parallel_loop3A_496 = arith.subf %parallel_loop3A_492, %parallel_loop3A_495 : vector<16xf32>
        %parallel_loop3A_497 = arith.constant 30000 : i32
        %parallel_loop3A_498 = tpu.memref_slice %arg7[%parallel_loop3A_497] : memref<80000xf32, #tpu.memory_space<vmem>> -> memref<10000xf32, #tpu.memory_space<vmem>>
        %parallel_loop3A_499 = tpu.vector_load_idx %parallel_loop3A_498[%parallel_loop3A_464] : memref<10000xf32, #tpu.memory_space<vmem>>[vector<16xi32>], vector<16xf32>,
        %parallel_loop3A_500 = arith.constant 30000 : i32
        %parallel_loop3A_501 = tpu.memref_slice %arg7[%parallel_loop3A_500] : memref<80000xf32, #tpu.memory_space<vmem>> -> memref<10000xf32, #tpu.memory_space<vmem>>
        %parallel_loop3A_502 = tpu.vector_load_idx %parallel_loop3A_501[%parallel_loop3A_466] : memref<10000xf32, #tpu.memory_space<vmem>>[vector<16xi32>], vector<16xf32>,
        %parallel_loop3A_503 = arith.subf %parallel_loop3A_499, %parallel_loop3A_502 : vector<16xf32>
        %parallel_loop3A_504 = arith.mulf %parallel_loop3A_496, %parallel_loop3A_496 : vector<16xf32>
        %parallel_loop3A_505 = arith.mulf %parallel_loop3A_503, %parallel_loop3A_503 : vector<16xf32>
        %parallel_loop3A_506 = arith.addf %parallel_loop3A_504, %parallel_loop3A_505 : vector<16xf32>
        %parallel_loop3A_507 = arith.subf %get3A_51, %parallel_loop3A_506 : vector<16xf32>
        %parallel_loop3A_508 = math.exp %parallel_loop3A_507 : vector<16xf32>
        %parallel_loop3A_509 = arith.constant 1 : i32
        %parallel_loop3A_510 = arith.index_cast %parallel_loop3A_509 : i32 to index
        %parallel_loop3A_511 = arith.index_cast %parallel_loop3A_462 : i32 to index
        %parallel_loop3A_512 = tpu.vector_load %arg12[%parallel_loop3A_510, %parallel_loop3A_511] {strides = array<i32>} : memref<4x4096xf32, #tpu.memory_space<vmem>>, vector<16xf32>,
        tpu.vector_store %arg12[%parallel_loop3A_510, %parallel_loop3A_511], %parallel_loop3A_508 {strides = array<i32>} : memref<4x4096xf32, #tpu.memory_space<vmem>>, vector<16xf32>,
        %parallel_loop3A_513 = arith.constant 40000 : i32
        %parallel_loop3A_514 = tpu.memref_slice %arg7[%parallel_loop3A_513] : memref<80000xf32, #tpu.memory_space<vmem>> -> memref<10000xf32, #tpu.memory_space<vmem>>
        %parallel_loop3A_515 = tpu.vector_load_idx %parallel_loop3A_514[%parallel_loop3A_464] : memref<10000xf32, #tpu.memory_space<vmem>>[vector<16xi32>], vector<16xf32>,
        %parallel_loop3A_516 = arith.constant 40000 : i32
        %parallel_loop3A_517 = tpu.memref_slice %arg7[%parallel_loop3A_516] : memref<80000xf32, #tpu.memory_space<vmem>> -> memref<10000xf32, #tpu.memory_space<vmem>>
        %parallel_loop3A_518 = tpu.vector_load_idx %parallel_loop3A_517[%parallel_loop3A_466] : memref<10000xf32, #tpu.memory_space<vmem>>[vector<16xi32>], vector<16xf32>,
        %parallel_loop3A_519 = arith.subf %parallel_loop3A_515, %parallel_loop3A_518 : vector<16xf32>
        %parallel_loop3A_520 = arith.constant 50000 : i32
        %parallel_loop3A_521 = tpu.memref_slice %arg7[%parallel_loop3A_520] : memref<80000xf32, #tpu.memory_space<vmem>> -> memref<10000xf32, #tpu.memory_space<vmem>>
        %parallel_loop3A_522 = tpu.vector_load_idx %parallel_loop3A_521[%parallel_loop3A_464] : memref<10000xf32, #tpu.memory_space<vmem>>[vector<16xi32>], vector<16xf32>,
        %parallel_loop3A_523 = arith.constant 50000 : i32
        %parallel_loop3A_524 = tpu.memref_slice %arg7[%parallel_loop3A_523] : memref<80000xf32, #tpu.memory_space<vmem>> -> memref<10000xf32, #tpu.memory_space<vmem>>
        %parallel_loop3A_525 = tpu.vector_load_idx %parallel_loop3A_524[%parallel_loop3A_466] : memref<10000xf32, #tpu.memory_space<vmem>>[vector<16xi32>], vector<16xf32>,
        %parallel_loop3A_526 = arith.subf %parallel_loop3A_522, %parallel_loop3A_525 : vector<16xf32>
        %parallel_loop3A_527 = arith.mulf %parallel_loop3A_519, %parallel_loop3A_519 : vector<16xf32>
        %parallel_loop3A_528 = arith.mulf %parallel_loop3A_526, %parallel_loop3A_526 : vector<16xf32>
        %parallel_loop3A_529 = arith.addf %parallel_loop3A_527, %parallel_loop3A_528 : vector<16xf32>
        %parallel_loop3A_530 = arith.subf %get3A_51, %parallel_loop3A_529 : vector<16xf32>
        %parallel_loop3A_531 = math.exp %parallel_loop3A_530 : vector<16xf32>
        %parallel_loop3A_532 = arith.constant 2 : i32
        %parallel_loop3A_533 = arith.index_cast %parallel_loop3A_532 : i32 to index
        %parallel_loop3A_534 = arith.index_cast %parallel_loop3A_462 : i32 to index
        %parallel_loop3A_535 = tpu.vector_load %arg12[%parallel_loop3A_533, %parallel_loop3A_534] {strides = array<i32>} : memref<4x4096xf32, #tpu.memory_space<vmem>>, vector<16xf32>,
        tpu.vector_store %arg12[%parallel_loop3A_533, %parallel_loop3A_534], %parallel_loop3A_531 {strides = array<i32>} : memref<4x4096xf32, #tpu.memory_space<vmem>>, vector<16xf32>,
        %parallel_loop3A_536 = arith.constant 60000 : i32
        %parallel_loop3A_537 = tpu.memref_slice %arg7[%parallel_loop3A_536] : memref<80000xf32, #tpu.memory_space<vmem>> -> memref<10000xf32, #tpu.memory_space<vmem>>
        %parallel_loop3A_538 = tpu.vector_load_idx %parallel_loop3A_537[%parallel_loop3A_464] : memref<10000xf32, #tpu.memory_space<vmem>>[vector<16xi32>], vector<16xf32>,
        %parallel_loop3A_539 = arith.constant 60000 : i32
        %parallel_loop3A_540 = tpu.memref_slice %arg7[%parallel_loop3A_539] : memref<80000xf32, #tpu.memory_space<vmem>> -> memref<10000xf32, #tpu.memory_space<vmem>>
        %parallel_loop3A_541 = tpu.vector_load_idx %parallel_loop3A_540[%parallel_loop3A_466] : memref<10000xf32, #tpu.memory_space<vmem>>[vector<16xi32>], vector<16xf32>,
        %parallel_loop3A_542 = arith.subf %parallel_loop3A_538, %parallel_loop3A_541 : vector<16xf32>
        %parallel_loop3A_543 = arith.constant 70000 : i32
        %parallel_loop3A_544 = tpu.memref_slice %arg7[%parallel_loop3A_543] : memref<80000xf32, #tpu.memory_space<vmem>> -> memref<10000xf32, #tpu.memory_space<vmem>>
        %parallel_loop3A_545 = tpu.vector_load_idx %parallel_loop3A_544[%parallel_loop3A_464] : memref<10000xf32, #tpu.memory_space<vmem>>[vector<16xi32>], vector<16xf32>,
        %parallel_loop3A_546 = arith.constant 70000 : i32
        %parallel_loop3A_547 = tpu.memref_slice %arg7[%parallel_loop3A_546] : memref<80000xf32, #tpu.memory_space<vmem>> -> memref<10000xf32, #tpu.memory_space<vmem>>
        %parallel_loop3A_548 = tpu.vector_load_idx %parallel_loop3A_547[%parallel_loop3A_466] : memref<10000xf32, #tpu.memory_space<vmem>>[vector<16xi32>], vector<16xf32>,
        %parallel_loop3A_549 = arith.subf %parallel_loop3A_545, %parallel_loop3A_548 : vector<16xf32>
        %parallel_loop3A_550 = arith.mulf %parallel_loop3A_542, %parallel_loop3A_542 : vector<16xf32>
        %parallel_loop3A_551 = arith.mulf %parallel_loop3A_549, %parallel_loop3A_549 : vector<16xf32>
        %parallel_loop3A_552 = arith.addf %parallel_loop3A_550, %parallel_loop3A_551 : vector<16xf32>
        %parallel_loop3A_553 = arith.subf %get3A_51, %parallel_loop3A_552 : vector<16xf32>
        %parallel_loop3A_554 = math.exp %parallel_loop3A_553 : vector<16xf32>
        %parallel_loop3A_555 = arith.constant 3 : i32
        %parallel_loop3A_556 = arith.index_cast %parallel_loop3A_555 : i32 to index
        %parallel_loop3A_557 = arith.index_cast %parallel_loop3A_462 : i32 to index
        %parallel_loop3A_558 = tpu.vector_load %arg12[%parallel_loop3A_556, %parallel_loop3A_557] {strides = array<i32>} : memref<4x4096xf32, #tpu.memory_space<vmem>>, vector<16xf32>,
        tpu.vector_store %arg12[%parallel_loop3A_556, %parallel_loop3A_557], %parallel_loop3A_554 {strides = array<i32>} : memref<4x4096xf32, #tpu.memory_space<vmem>>, vector<16xf32>,
      } {sc.loop_unroll_factor = 8 : i64, sc.parallel_access}
      %add3A_327 = arith.constant 0 : i32
      %add3A_328 = arith.addi %mul3A_2, %add3A_327 : i32
      %dma_start3A_329 = arith.constant 0 : i32
      %dma_start3A_330 = arith.constant 0 : i32
      %dma_start3A_331 = tpu.memref_slice %arg12[%dma_start3A_329, %dma_start3A_330] : memref<4x4096xf32, #tpu.memory_space<vmem>> -> memref<1x4096xf32, #tpu.memory_space<vmem>>
      %dma_start3A_332 = tpu.memref_squeeze %dma_start3A_331 : memref<1x4096xf32, #tpu.memory_space<vmem>> -> memref<4096xf32, #tpu.memory_space<vmem>>
      %dma_start3A_333 = tpu.memref_slice %arg6[%add3A_328, %mul3A_323] : memref<128x100000xf32, #tpu.memory_space<hbm>> -> memref<1x4096xf32, #tpu.memory_space<hbm>>
      %dma_start3A_334 = tpu.memref_squeeze %dma_start3A_333 : memref<1x4096xf32, #tpu.memory_space<hbm>> -> memref<4096xf32, #tpu.memory_space<hbm>>
      %dma_start3A_335 = tpu.memref_slice %arg6[%add3A_328, %mul3A_323] : memref<128x100000xf32, #tpu.memory_space<hbm>> -> memref<1x4096xf32, #tpu.memory_space<hbm>>
      %dma_start3A_336 = tpu.memref_squeeze %dma_start3A_335 : memref<1x4096xf32, #tpu.memory_space<hbm>> -> memref<4096xf32, #tpu.memory_space<hbm>>
      %dma_start3A_337 = arith.constant 0 : i32
      %dma_start3A_338 = tpu.memref_slice %arg12[%dma_start3A_329, %dma_start3A_337] : memref<4x4096xf32, #tpu.memory_space<vmem>> -> memref<1x4096xf32, #tpu.memory_space<vmem>>
      %dma_start3A_339 = tpu.memref_squeeze %dma_start3A_338 : memref<1x4096xf32, #tpu.memory_space<vmem>> -> memref<4096xf32, #tpu.memory_space<vmem>>
      tpu.enqueue_dma source(%dma_start3A_339 : memref<4096xf32, #tpu.memory_space<vmem>>) target(%dma_start3A_336 : memref<4096xf32, #tpu.memory_space<hbm>>) target_semaphore(%arg17 : memref<!tpu.dma_semaphore, #tpu.memory_space<semaphore_mem>>)
      %add3A_340 = arith.constant 1 : i32
      %add3A_341 = arith.addi %mul3A_2, %add3A_340 : i32
      %dma_start3A_342 = arith.constant 1 : i32
      %dma_start3A_343 = arith.constant 0 : i32
      %dma_start3A_344 = tpu.memref_slice %arg12[%dma_start3A_342, %dma_start3A_343] : memref<4x4096xf32, #tpu.memory_space<vmem>> -> memref<1x4096xf32, #tpu.memory_space<vmem>>
      %dma_start3A_345 = tpu.memref_squeeze %dma_start3A_344 : memref<1x4096xf32, #tpu.memory_space<vmem>> -> memref<4096xf32, #tpu.memory_space<vmem>>
      %dma_start3A_346 = tpu.memref_slice %arg6[%add3A_341, %mul3A_323] : memref<128x100000xf32, #tpu.memory_space<hbm>> -> memref<1x4096xf32, #tpu.memory_space<hbm>>
      %dma_start3A_347 = tpu.memref_squeeze %dma_start3A_346 : memref<1x4096xf32, #tpu.memory_space<hbm>> -> memref<4096xf32, #tpu.memory_space<hbm>>
      %dma_start3A_348 = tpu.memref_slice %arg6[%add3A_341, %mul3A_323] : memref<128x100000xf32, #tpu.memory_space<hbm>> -> memref<1x4096xf32, #tpu.memory_space<hbm>>
      %dma_start3A_349 = tpu.memref_squeeze %dma_start3A_348 : memref<1x4096xf32, #tpu.memory_space<hbm>> -> memref<4096xf32, #tpu.memory_space<hbm>>
      %dma_start3A_350 = arith.constant 0 : i32
      %dma_start3A_351 = tpu.memref_slice %arg12[%dma_start3A_342, %dma_start3A_350] : memref<4x4096xf32, #tpu.memory_space<vmem>> -> memref<1x4096xf32, #tpu.memory_space<vmem>>
      %dma_start3A_352 = tpu.memref_squeeze %dma_start3A_351 : memref<1x4096xf32, #tpu.memory_space<vmem>> -> memref<4096xf32, #tpu.memory_space<vmem>>
      tpu.enqueue_dma source(%dma_start3A_352 : memref<4096xf32, #tpu.memory_space<vmem>>) target(%dma_start3A_349 : memref<4096xf32, #tpu.memory_space<hbm>>) target_semaphore(%arg17 : memref<!tpu.dma_semaphore, #tpu.memory_space<semaphore_mem>>)
      %add3A_353 = arith.constant 2 : i32
      %add3A_354 = arith.addi %mul3A_2, %add3A_353 : i32
      %dma_start3A_355 = arith.constant 2 : i32
      %dma_start3A_356 = arith.constant 0 : i32
      %dma_start3A_357 = tpu.memref_slice %arg12[%dma_start3A_355, %dma_start3A_356] : memref<4x4096xf32, #tpu.memory_space<vmem>> -> memref<1x4096xf32, #tpu.memory_space<vmem>>
      %dma_start3A_358 = tpu.memref_squeeze %dma_start3A_357 : memref<1x4096xf32, #tpu.memory_space<vmem>> -> memref<4096xf32, #tpu.memory_space<vmem>>
      %dma_start3A_359 = tpu.memref_slice %arg6[%add3A_354, %mul3A_323] : memref<128x100000xf32, #tpu.memory_space<hbm>> -> memref<1x4096xf32, #tpu.memory_space<hbm>>
      %dma_start3A_360 = tpu.memref_squeeze %dma_start3A_359 : memref<1x4096xf32, #tpu.memory_space<hbm>> -> memref<4096xf32, #tpu.memory_space<hbm>>
      %dma_start3A_361 = tpu.memref_slice %arg6[%add3A_354, %mul3A_323] : memref<128x100000xf32, #tpu.memory_space<hbm>> -> memref<1x4096xf32, #tpu.memory_space<hbm>>
      %dma_start3A_362 = tpu.memref_squeeze %dma_start3A_361 : memref<1x4096xf32, #tpu.memory_space<hbm>> -> memref<4096xf32, #tpu.memory_space<hbm>>
      %dma_start3A_363 = arith.constant 0 : i32
      %dma_start3A_364 = tpu.memref_slice %arg12[%dma_start3A_355, %dma_start3A_363] : memref<4x4096xf32, #tpu.memory_space<vmem>> -> memref<1x4096xf32, #tpu.memory_space<vmem>>
      %dma_start3A_365 = tpu.memref_squeeze %dma_start3A_364 : memref<1x4096xf32, #tpu.memory_space<vmem>> -> memref<4096xf32, #tpu.memory_space<vmem>>
      tpu.enqueue_dma source(%dma_start3A_365 : memref<4096xf32, #tpu.memory_space<vmem>>) target(%dma_start3A_362 : memref<4096xf32, #tpu.memory_space<hbm>>) target_semaphore(%arg17 : memref<!tpu.dma_semaphore, #tpu.memory_space<semaphore_mem>>)
      %add3A_366 = arith.constant 3 : i32
      %add3A_367 = arith.addi %mul3A_2, %add3A_366 : i32
      %dma_start3A_368 = arith.constant 3 : i32
      %dma_start3A_369 = arith.constant 0 : i32
      %dma_start3A_370 = tpu.memref_slice %arg12[%dma_start3A_368, %dma_start3A_369] : memref<4x4096xf32, #tpu.memory_space<vmem>> -> memref<1x4096xf32, #tpu.memory_space<vmem>>
      %dma_start3A_371 = tpu.memref_squeeze %dma_start3A_370 : memref<1x4096xf32, #tpu.memory_space<vmem>> -> memref<4096xf32, #tpu.memory_space<vmem>>
      %dma_start3A_372 = tpu.memref_slice %arg6[%add3A_367, %mul3A_323] : memref<128x100000xf32, #tpu.memory_space<hbm>> -> memref<1x4096xf32, #tpu.memory_space<hbm>>
      %dma_start3A_373 = tpu.memref_squeeze %dma_start3A_372 : memref<1x4096xf32, #tpu.memory_space<hbm>> -> memref<4096xf32, #tpu.memory_space<hbm>>
      %dma_start3A_374 = tpu.memref_slice %arg6[%add3A_367, %mul3A_323] : memref<128x100000xf32, #tpu.memory_space<hbm>> -> memref<1x4096xf32, #tpu.memory_space<hbm>>
      %dma_start3A_375 = tpu.memref_squeeze %dma_start3A_374 : memref<1x4096xf32, #tpu.memory_space<hbm>> -> memref<4096xf32, #tpu.memory_space<hbm>>
      %dma_start3A_376 = arith.constant 0 : i32
      %dma_start3A_377 = tpu.memref_slice %arg12[%dma_start3A_368, %dma_start3A_376] : memref<4x4096xf32, #tpu.memory_space<vmem>> -> memref<1x4096xf32, #tpu.memory_space<vmem>>
      %dma_start3A_378 = tpu.memref_squeeze %dma_start3A_377 : memref<1x4096xf32, #tpu.memory_space<vmem>> -> memref<4096xf32, #tpu.memory_space<vmem>>
      tpu.enqueue_dma source(%dma_start3A_378 : memref<4096xf32, #tpu.memory_space<vmem>>) target(%dma_start3A_375 : memref<4096xf32, #tpu.memory_space<hbm>>) target_semaphore(%arg17 : memref<!tpu.dma_semaphore, #tpu.memory_space<semaphore_mem>>)
      %dma_wait3A_379 = arith.constant 0 : i32
      %dma_wait3A_380 = tpu.memref_slice %arg3[%dma_wait3A_379] : memref<100000xi32, #tpu.memory_space<hbm>> -> memref<4096xi32, #tpu.memory_space<hbm>>
      %dma_wait3A_381 = arith.constant 0 : i32
      %dma_wait3A_382 = tpu.memref_slice %arg3[%dma_wait3A_381] : memref<100000xi32, #tpu.memory_space<hbm>> -> memref<4096xi32, #tpu.memory_space<hbm>>
      tpu.wait_dma2 semaphore(%arg16 : memref<!tpu.dma_semaphore, #tpu.memory_space<semaphore_mem>>) src(%dma_wait3A_382 : memref<4096xi32, #tpu.memory_space<hbm>>) dst(%arg9 : memref<4096xi32, #tpu.memory_space<vmem>>)
      %dma_wait3A_383 = arith.constant 0 : i32
      %dma_wait3A_384 = tpu.memref_slice %arg4[%dma_wait3A_383] : memref<100000xi32, #tpu.memory_space<hbm>> -> memref<4096xi32, #tpu.memory_space<hbm>>
      %dma_wait3A_385 = arith.constant 0 : i32
      %dma_wait3A_386 = tpu.memref_slice %arg4[%dma_wait3A_385] : memref<100000xi32, #tpu.memory_space<hbm>> -> memref<4096xi32, #tpu.memory_space<hbm>>
      tpu.wait_dma2 semaphore(%arg16 : memref<!tpu.dma_semaphore, #tpu.memory_space<semaphore_mem>>) src(%dma_wait3A_386 : memref<4096xi32, #tpu.memory_space<hbm>>) dst(%arg11 : memref<4096xi32, #tpu.memory_space<vmem>>)
      %add3A_387 = arith.constant 2 : i32
      %add3A_388 = arith.addi %mul3A_303, %add3A_387 : i32
      %mul3A_389 = arith.constant 4096 : i32
      %mul3A_390 = arith.muli %add3A_388, %mul3A_389 : i32
      %min3A = arith.constant 95904 : i32
      %min3A_391 = arith.minsi %mul3A_390, %min3A : i32
      %dma_start3A_392 = tpu.memref_slice %arg3[%min3A_391] : memref<100000xi32, #tpu.memory_space<hbm>> -> memref<4096xi32, #tpu.memory_space<hbm>>
      %dma_start3A_393 = tpu.memref_slice %arg3[%min3A_391] : memref<100000xi32, #tpu.memory_space<hbm>> -> memref<4096xi32, #tpu.memory_space<hbm>>
      tpu.enqueue_dma source(%dma_start3A_393 : memref<4096xi32, #tpu.memory_space<hbm>>) target(%arg8 : memref<4096xi32, #tpu.memory_space<vmem>>) target_semaphore(%arg15 : memref<!tpu.dma_semaphore, #tpu.memory_space<semaphore_mem>>)
      %dma_start3A_394 = tpu.memref_slice %arg4[%min3A_391] : memref<100000xi32, #tpu.memory_space<hbm>> -> memref<4096xi32, #tpu.memory_space<hbm>>
      %dma_start3A_395 = tpu.memref_slice %arg4[%min3A_391] : memref<100000xi32, #tpu.memory_space<hbm>> -> memref<4096xi32, #tpu.memory_space<hbm>>
      tpu.enqueue_dma source(%dma_start3A_395 : memref<4096xi32, #tpu.memory_space<hbm>>) target(%arg10 : memref<4096xi32, #tpu.memory_space<vmem>>) target_semaphore(%arg15 : memref<!tpu.dma_semaphore, #tpu.memory_space<semaphore_mem>>)
      %ge3A_396 = arith.constant 1 : i32
      %ge3A_397 = arith.cmpi sge, %scan3A_301, %ge3A_396 : i32
      %convert_element_type3A_398 = arith.extui %ge3A_397 : i1 to i32
      %cond3A_399 = arith.constant 0 : i32
      %cond3A_400 = arith.cmpi ne, %convert_element_type3A_398, %cond3A_399 : i32
      scf.if %cond3A_400 {
        %dma_wait3A_460 = arith.constant 0 : i32
        %dma_wait3A_461 = arith.constant 0 : i32
        %dma_wait3A_462 = arith.constant 0 : i32
        %dma_wait3A_463 = tpu.memref_slice %arg13[%dma_wait3A_460, %dma_wait3A_462] : memref<4x4096xf32, #tpu.memory_space<vmem>> -> memref<1x4096xf32, #tpu.memory_space<vmem>>
        %dma_wait3A_464 = tpu.memref_squeeze %dma_wait3A_463 : memref<1x4096xf32, #tpu.memory_space<vmem>> -> memref<4096xf32, #tpu.memory_space<vmem>>
        %dma_wait3A_465 = arith.constant 0 : i32
        %dma_wait3A_466 = tpu.memref_slice %arg6[%dma_wait3A_461, %dma_wait3A_465] : memref<128x100000xf32, #tpu.memory_space<hbm>> -> memref<1x4096xf32, #tpu.memory_space<hbm>>
        %dma_wait3A_467 = tpu.memref_squeeze %dma_wait3A_466 : memref<1x4096xf32, #tpu.memory_space<hbm>> -> memref<4096xf32, #tpu.memory_space<hbm>>
        %dma_wait3A_468 = arith.constant 0 : i32
        %dma_wait3A_469 = tpu.memref_slice %arg6[%dma_wait3A_461, %dma_wait3A_468] : memref<128x100000xf32, #tpu.memory_space<hbm>> -> memref<1x4096xf32, #tpu.memory_space<hbm>>
        %dma_wait3A_470 = tpu.memref_squeeze %dma_wait3A_469 : memref<1x4096xf32, #tpu.memory_space<hbm>> -> memref<4096xf32, #tpu.memory_space<hbm>>
        %dma_wait3A_471 = arith.constant 0 : i32
        %dma_wait3A_472 = tpu.memref_slice %arg13[%dma_wait3A_460, %dma_wait3A_471] : memref<4x4096xf32, #tpu.memory_space<vmem>> -> memref<1x4096xf32, #tpu.memory_space<vmem>>
        %dma_wait3A_473 = tpu.memref_squeeze %dma_wait3A_472 : memref<1x4096xf32, #tpu.memory_space<vmem>> -> memref<4096xf32, #tpu.memory_space<vmem>>
        tpu.wait_dma2 semaphore(%arg18 : memref<!tpu.dma_semaphore, #tpu.memory_space<semaphore_mem>>) src(%dma_wait3A_473 : memref<4096xf32, #tpu.memory_space<vmem>>) dst(%dma_wait3A_470 : memref<4096xf32, #tpu.memory_space<hbm>>)
        %dma_wait3A_474 = arith.constant 1 : i32
        %dma_wait3A_475 = arith.constant 0 : i32
        %dma_wait3A_476 = arith.constant 0 : i32
        %dma_wait3A_477 = tpu.memref_slice %arg13[%dma_wait3A_474, %dma_wait3A_476] : memref<4x4096xf32, #tpu.memory_space<vmem>> -> memref<1x4096xf32, #tpu.memory_space<vmem>>
        %dma_wait3A_478 = tpu.memref_squeeze %dma_wait3A_477 : memref<1x4096xf32, #tpu.memory_space<vmem>> -> memref<4096xf32, #tpu.memory_space<vmem>>
        %dma_wait3A_479 = arith.constant 0 : i32
        %dma_wait3A_480 = tpu.memref_slice %arg6[%dma_wait3A_475, %dma_wait3A_479] : memref<128x100000xf32, #tpu.memory_space<hbm>> -> memref<1x4096xf32, #tpu.memory_space<hbm>>
        %dma_wait3A_481 = tpu.memref_squeeze %dma_wait3A_480 : memref<1x4096xf32, #tpu.memory_space<hbm>> -> memref<4096xf32, #tpu.memory_space<hbm>>
        %dma_wait3A_482 = arith.constant 0 : i32
        %dma_wait3A_483 = tpu.memref_slice %arg6[%dma_wait3A_475, %dma_wait3A_482] : memref<128x100000xf32, #tpu.memory_space<hbm>> -> memref<1x4096xf32, #tpu.memory_space<hbm>>
        %dma_wait3A_484 = tpu.memref_squeeze %dma_wait3A_483 : memref<1x4096xf32, #tpu.memory_space<hbm>> -> memref<4096xf32, #tpu.memory_space<hbm>>
        %dma_wait3A_485 = arith.constant 0 : i32
        %dma_wait3A_486 = tpu.memref_slice %arg13[%dma_wait3A_474, %dma_wait3A_485] : memref<4x4096xf32, #tpu.memory_space<vmem>> -> memref<1x4096xf32, #tpu.memory_space<vmem>>
        %dma_wait3A_487 = tpu.memref_squeeze %dma_wait3A_486 : memref<1x4096xf32, #tpu.memory_space<vmem>> -> memref<4096xf32, #tpu.memory_space<vmem>>
        tpu.wait_dma2 semaphore(%arg18 : memref<!tpu.dma_semaphore, #tpu.memory_space<semaphore_mem>>) src(%dma_wait3A_487 : memref<4096xf32, #tpu.memory_space<vmem>>) dst(%dma_wait3A_484 : memref<4096xf32, #tpu.memory_space<hbm>>)
        %dma_wait3A_488 = arith.constant 2 : i32
        %dma_wait3A_489 = arith.constant 0 : i32
        %dma_wait3A_490 = arith.constant 0 : i32
        %dma_wait3A_491 = tpu.memref_slice %arg13[%dma_wait3A_488, %dma_wait3A_490] : memref<4x4096xf32, #tpu.memory_space<vmem>> -> memref<1x4096xf32, #tpu.memory_space<vmem>>
        %dma_wait3A_492 = tpu.memref_squeeze %dma_wait3A_491 : memref<1x4096xf32, #tpu.memory_space<vmem>> -> memref<4096xf32, #tpu.memory_space<vmem>>
        %dma_wait3A_493 = arith.constant 0 : i32
        %dma_wait3A_494 = tpu.memref_slice %arg6[%dma_wait3A_489, %dma_wait3A_493] : memref<128x100000xf32, #tpu.memory_space<hbm>> -> memref<1x4096xf32, #tpu.memory_space<hbm>>
        %dma_wait3A_495 = tpu.memref_squeeze %dma_wait3A_494 : memref<1x4096xf32, #tpu.memory_space<hbm>> -> memref<4096xf32, #tpu.memory_space<hbm>>
        %dma_wait3A_496 = arith.constant 0 : i32
        %dma_wait3A_497 = tpu.memref_slice %arg6[%dma_wait3A_489, %dma_wait3A_496] : memref<128x100000xf32, #tpu.memory_space<hbm>> -> memref<1x4096xf32, #tpu.memory_space<hbm>>
        %dma_wait3A_498 = tpu.memref_squeeze %dma_wait3A_497 : memref<1x4096xf32, #tpu.memory_space<hbm>> -> memref<4096xf32, #tpu.memory_space<hbm>>
        %dma_wait3A_499 = arith.constant 0 : i32
        %dma_wait3A_500 = tpu.memref_slice %arg13[%dma_wait3A_488, %dma_wait3A_499] : memref<4x4096xf32, #tpu.memory_space<vmem>> -> memref<1x4096xf32, #tpu.memory_space<vmem>>
        %dma_wait3A_501 = tpu.memref_squeeze %dma_wait3A_500 : memref<1x4096xf32, #tpu.memory_space<vmem>> -> memref<4096xf32, #tpu.memory_space<vmem>>
        tpu.wait_dma2 semaphore(%arg18 : memref<!tpu.dma_semaphore, #tpu.memory_space<semaphore_mem>>) src(%dma_wait3A_501 : memref<4096xf32, #tpu.memory_space<vmem>>) dst(%dma_wait3A_498 : memref<4096xf32, #tpu.memory_space<hbm>>)
        %dma_wait3A_502 = arith.constant 3 : i32
        %dma_wait3A_503 = arith.constant 0 : i32
        %dma_wait3A_504 = arith.constant 0 : i32
        %dma_wait3A_505 = tpu.memref_slice %arg13[%dma_wait3A_502, %dma_wait3A_504] : memref<4x4096xf32, #tpu.memory_space<vmem>> -> memref<1x4096xf32, #tpu.memory_space<vmem>>
        %dma_wait3A_506 = tpu.memref_squeeze %dma_wait3A_505 : memref<1x4096xf32, #tpu.memory_space<vmem>> -> memref<4096xf32, #tpu.memory_space<vmem>>
        %dma_wait3A_507 = arith.constant 0 : i32
        %dma_wait3A_508 = tpu.memref_slice %arg6[%dma_wait3A_503, %dma_wait3A_507] : memref<128x100000xf32, #tpu.memory_space<hbm>> -> memref<1x4096xf32, #tpu.memory_space<hbm>>
        %dma_wait3A_509 = tpu.memref_squeeze %dma_wait3A_508 : memref<1x4096xf32, #tpu.memory_space<hbm>> -> memref<4096xf32, #tpu.memory_space<hbm>>
        %dma_wait3A_510 = arith.constant 0 : i32
        %dma_wait3A_511 = tpu.memref_slice %arg6[%dma_wait3A_503, %dma_wait3A_510] : memref<128x100000xf32, #tpu.memory_space<hbm>> -> memref<1x4096xf32, #tpu.memory_space<hbm>>
        %dma_wait3A_512 = tpu.memref_squeeze %dma_wait3A_511 : memref<1x4096xf32, #tpu.memory_space<hbm>> -> memref<4096xf32, #tpu.memory_space<hbm>>
        %dma_wait3A_513 = arith.constant 0 : i32
        %dma_wait3A_514 = tpu.memref_slice %arg13[%dma_wait3A_502, %dma_wait3A_513] : memref<4x4096xf32, #tpu.memory_space<vmem>> -> memref<1x4096xf32, #tpu.memory_space<vmem>>
        %dma_wait3A_515 = tpu.memref_squeeze %dma_wait3A_514 : memref<1x4096xf32, #tpu.memory_space<vmem>> -> memref<4096xf32, #tpu.memory_space<vmem>>
        tpu.wait_dma2 semaphore(%arg18 : memref<!tpu.dma_semaphore, #tpu.memory_space<semaphore_mem>>) src(%dma_wait3A_515 : memref<4096xf32, #tpu.memory_space<vmem>>) dst(%dma_wait3A_512 : memref<4096xf32, #tpu.memory_space<hbm>>)
      } else {
      }
      %add3A_401 = arith.constant 1 : i32
      %add3A_402 = arith.addi %mul3A_303, %add3A_401 : i32
      %mul3A_403 = arith.constant 4096 : i32
      %mul3A_404 = arith.muli %add3A_402, %mul3A_403 : i32
      %parallel_loop3A_405 = arith.constant 0 : i32
      %parallel_loop3A_406 = arith.constant 256 : i32
      %parallel_loop3A_407 = arith.constant 1 : i32
      scf.for %parallel_loop3A_460 = %parallel_loop3A_405 to %parallel_loop3A_406 step %parallel_loop3A_407  : i32 {
        %parallel_loop3A_461 = arith.constant 16 : i32
        %parallel_loop3A_462 = arith.muli %parallel_loop3A_460, %parallel_loop3A_461 : i32
        %parallel_loop3A_463 = arith.index_cast %parallel_loop3A_462 : i32 to index
        %parallel_loop3A_464 = tpu.vector_load %arg9[%parallel_loop3A_463] {strides = array<i32>} : memref<4096xi32, #tpu.memory_space<vmem>>, vector<16xi32>,
        %parallel_loop3A_465 = arith.index_cast %parallel_loop3A_462 : i32 to index
        %parallel_loop3A_466 = tpu.vector_load %arg11[%parallel_loop3A_465] {strides = array<i32>} : memref<4096xi32, #tpu.memory_space<vmem>>, vector<16xi32>,
        %parallel_loop3A_467 = arith.constant 0 : i32
        %parallel_loop3A_468 = tpu.memref_slice %arg7[%parallel_loop3A_467] : memref<80000xf32, #tpu.memory_space<vmem>> -> memref<10000xf32, #tpu.memory_space<vmem>>
        %parallel_loop3A_469 = tpu.vector_load_idx %parallel_loop3A_468[%parallel_loop3A_464] : memref<10000xf32, #tpu.memory_space<vmem>>[vector<16xi32>], vector<16xf32>,
        %parallel_loop3A_470 = arith.constant 0 : i32
        %parallel_loop3A_471 = tpu.memref_slice %arg7[%parallel_loop3A_470] : memref<80000xf32, #tpu.memory_space<vmem>> -> memref<10000xf32, #tpu.memory_space<vmem>>
        %parallel_loop3A_472 = tpu.vector_load_idx %parallel_loop3A_471[%parallel_loop3A_466] : memref<10000xf32, #tpu.memory_space<vmem>>[vector<16xi32>], vector<16xf32>,
        %parallel_loop3A_473 = arith.subf %parallel_loop3A_469, %parallel_loop3A_472 : vector<16xf32>
        %parallel_loop3A_474 = arith.constant 10000 : i32
        %parallel_loop3A_475 = tpu.memref_slice %arg7[%parallel_loop3A_474] : memref<80000xf32, #tpu.memory_space<vmem>> -> memref<10000xf32, #tpu.memory_space<vmem>>
        %parallel_loop3A_476 = tpu.vector_load_idx %parallel_loop3A_475[%parallel_loop3A_464] : memref<10000xf32, #tpu.memory_space<vmem>>[vector<16xi32>], vector<16xf32>,
        %parallel_loop3A_477 = arith.constant 10000 : i32
        %parallel_loop3A_478 = tpu.memref_slice %arg7[%parallel_loop3A_477] : memref<80000xf32, #tpu.memory_space<vmem>> -> memref<10000xf32, #tpu.memory_space<vmem>>
        %parallel_loop3A_479 = tpu.vector_load_idx %parallel_loop3A_478[%parallel_loop3A_466] : memref<10000xf32, #tpu.memory_space<vmem>>[vector<16xi32>], vector<16xf32>,
        %parallel_loop3A_480 = arith.subf %parallel_loop3A_476, %parallel_loop3A_479 : vector<16xf32>
        %parallel_loop3A_481 = arith.mulf %parallel_loop3A_473, %parallel_loop3A_473 : vector<16xf32>
        %parallel_loop3A_482 = arith.mulf %parallel_loop3A_480, %parallel_loop3A_480 : vector<16xf32>
        %parallel_loop3A_483 = arith.addf %parallel_loop3A_481, %parallel_loop3A_482 : vector<16xf32>
        %parallel_loop3A_484 = arith.subf %get3A_51, %parallel_loop3A_483 : vector<16xf32>
        %parallel_loop3A_485 = math.exp %parallel_loop3A_484 : vector<16xf32>
        %parallel_loop3A_486 = arith.constant 0 : i32
        %parallel_loop3A_487 = arith.index_cast %parallel_loop3A_486 : i32 to index
        %parallel_loop3A_488 = arith.index_cast %parallel_loop3A_462 : i32 to index
        %parallel_loop3A_489 = tpu.vector_load %arg13[%parallel_loop3A_487, %parallel_loop3A_488] {strides = array<i32>} : memref<4x4096xf32, #tpu.memory_space<vmem>>, vector<16xf32>,
        tpu.vector_store %arg13[%parallel_loop3A_487, %parallel_loop3A_488], %parallel_loop3A_485 {strides = array<i32>} : memref<4x4096xf32, #tpu.memory_space<vmem>>, vector<16xf32>,
        %parallel_loop3A_490 = arith.constant 20000 : i32
        %parallel_loop3A_491 = tpu.memref_slice %arg7[%parallel_loop3A_490] : memref<80000xf32, #tpu.memory_space<vmem>> -> memref<10000xf32, #tpu.memory_space<vmem>>
        %parallel_loop3A_492 = tpu.vector_load_idx %parallel_loop3A_491[%parallel_loop3A_464] : memref<10000xf32, #tpu.memory_space<vmem>>[vector<16xi32>], vector<16xf32>,
        %parallel_loop3A_493 = arith.constant 20000 : i32
        %parallel_loop3A_494 = tpu.memref_slice %arg7[%parallel_loop3A_493] : memref<80000xf32, #tpu.memory_space<vmem>> -> memref<10000xf32, #tpu.memory_space<vmem>>
        %parallel_loop3A_495 = tpu.vector_load_idx %parallel_loop3A_494[%parallel_loop3A_466] : memref<10000xf32, #tpu.memory_space<vmem>>[vector<16xi32>], vector<16xf32>,
        %parallel_loop3A_496 = arith.subf %parallel_loop3A_492, %parallel_loop3A_495 : vector<16xf32>
        %parallel_loop3A_497 = arith.constant 30000 : i32
        %parallel_loop3A_498 = tpu.memref_slice %arg7[%parallel_loop3A_497] : memref<80000xf32, #tpu.memory_space<vmem>> -> memref<10000xf32, #tpu.memory_space<vmem>>
        %parallel_loop3A_499 = tpu.vector_load_idx %parallel_loop3A_498[%parallel_loop3A_464] : memref<10000xf32, #tpu.memory_space<vmem>>[vector<16xi32>], vector<16xf32>,
        %parallel_loop3A_500 = arith.constant 30000 : i32
        %parallel_loop3A_501 = tpu.memref_slice %arg7[%parallel_loop3A_500] : memref<80000xf32, #tpu.memory_space<vmem>> -> memref<10000xf32, #tpu.memory_space<vmem>>
        %parallel_loop3A_502 = tpu.vector_load_idx %parallel_loop3A_501[%parallel_loop3A_466] : memref<10000xf32, #tpu.memory_space<vmem>>[vector<16xi32>], vector<16xf32>,
        %parallel_loop3A_503 = arith.subf %parallel_loop3A_499, %parallel_loop3A_502 : vector<16xf32>
        %parallel_loop3A_504 = arith.mulf %parallel_loop3A_496, %parallel_loop3A_496 : vector<16xf32>
        %parallel_loop3A_505 = arith.mulf %parallel_loop3A_503, %parallel_loop3A_503 : vector<16xf32>
        %parallel_loop3A_506 = arith.addf %parallel_loop3A_504, %parallel_loop3A_505 : vector<16xf32>
        %parallel_loop3A_507 = arith.subf %get3A_51, %parallel_loop3A_506 : vector<16xf32>
        %parallel_loop3A_508 = math.exp %parallel_loop3A_507 : vector<16xf32>
        %parallel_loop3A_509 = arith.constant 1 : i32
        %parallel_loop3A_510 = arith.index_cast %parallel_loop3A_509 : i32 to index
        %parallel_loop3A_511 = arith.index_cast %parallel_loop3A_462 : i32 to index
        %parallel_loop3A_512 = tpu.vector_load %arg13[%parallel_loop3A_510, %parallel_loop3A_511] {strides = array<i32>} : memref<4x4096xf32, #tpu.memory_space<vmem>>, vector<16xf32>,
        tpu.vector_store %arg13[%parallel_loop3A_510, %parallel_loop3A_511], %parallel_loop3A_508 {strides = array<i32>} : memref<4x4096xf32, #tpu.memory_space<vmem>>, vector<16xf32>,
        %parallel_loop3A_513 = arith.constant 40000 : i32
        %parallel_loop3A_514 = tpu.memref_slice %arg7[%parallel_loop3A_513] : memref<80000xf32, #tpu.memory_space<vmem>> -> memref<10000xf32, #tpu.memory_space<vmem>>
        %parallel_loop3A_515 = tpu.vector_load_idx %parallel_loop3A_514[%parallel_loop3A_464] : memref<10000xf32, #tpu.memory_space<vmem>>[vector<16xi32>], vector<16xf32>,
        %parallel_loop3A_516 = arith.constant 40000 : i32
        %parallel_loop3A_517 = tpu.memref_slice %arg7[%parallel_loop3A_516] : memref<80000xf32, #tpu.memory_space<vmem>> -> memref<10000xf32, #tpu.memory_space<vmem>>
        %parallel_loop3A_518 = tpu.vector_load_idx %parallel_loop3A_517[%parallel_loop3A_466] : memref<10000xf32, #tpu.memory_space<vmem>>[vector<16xi32>], vector<16xf32>,
        %parallel_loop3A_519 = arith.subf %parallel_loop3A_515, %parallel_loop3A_518 : vector<16xf32>
        %parallel_loop3A_520 = arith.constant 50000 : i32
        %parallel_loop3A_521 = tpu.memref_slice %arg7[%parallel_loop3A_520] : memref<80000xf32, #tpu.memory_space<vmem>> -> memref<10000xf32, #tpu.memory_space<vmem>>
        %parallel_loop3A_522 = tpu.vector_load_idx %parallel_loop3A_521[%parallel_loop3A_464] : memref<10000xf32, #tpu.memory_space<vmem>>[vector<16xi32>], vector<16xf32>,
        %parallel_loop3A_523 = arith.constant 50000 : i32
        %parallel_loop3A_524 = tpu.memref_slice %arg7[%parallel_loop3A_523] : memref<80000xf32, #tpu.memory_space<vmem>> -> memref<10000xf32, #tpu.memory_space<vmem>>
        %parallel_loop3A_525 = tpu.vector_load_idx %parallel_loop3A_524[%parallel_loop3A_466] : memref<10000xf32, #tpu.memory_space<vmem>>[vector<16xi32>], vector<16xf32>,
        %parallel_loop3A_526 = arith.subf %parallel_loop3A_522, %parallel_loop3A_525 : vector<16xf32>
        %parallel_loop3A_527 = arith.mulf %parallel_loop3A_519, %parallel_loop3A_519 : vector<16xf32>
        %parallel_loop3A_528 = arith.mulf %parallel_loop3A_526, %parallel_loop3A_526 : vector<16xf32>
        %parallel_loop3A_529 = arith.addf %parallel_loop3A_527, %parallel_loop3A_528 : vector<16xf32>
        %parallel_loop3A_530 = arith.subf %get3A_51, %parallel_loop3A_529 : vector<16xf32>
        %parallel_loop3A_531 = math.exp %parallel_loop3A_530 : vector<16xf32>
        %parallel_loop3A_532 = arith.constant 2 : i32
        %parallel_loop3A_533 = arith.index_cast %parallel_loop3A_532 : i32 to index
        %parallel_loop3A_534 = arith.index_cast %parallel_loop3A_462 : i32 to index
        %parallel_loop3A_535 = tpu.vector_load %arg13[%parallel_loop3A_533, %parallel_loop3A_534] {strides = array<i32>} : memref<4x4096xf32, #tpu.memory_space<vmem>>, vector<16xf32>,
        tpu.vector_store %arg13[%parallel_loop3A_533, %parallel_loop3A_534], %parallel_loop3A_531 {strides = array<i32>} : memref<4x4096xf32, #tpu.memory_space<vmem>>, vector<16xf32>,
        %parallel_loop3A_536 = arith.constant 60000 : i32
        %parallel_loop3A_537 = tpu.memref_slice %arg7[%parallel_loop3A_536] : memref<80000xf32, #tpu.memory_space<vmem>> -> memref<10000xf32, #tpu.memory_space<vmem>>
        %parallel_loop3A_538 = tpu.vector_load_idx %parallel_loop3A_537[%parallel_loop3A_464] : memref<10000xf32, #tpu.memory_space<vmem>>[vector<16xi32>], vector<16xf32>,
        %parallel_loop3A_539 = arith.constant 60000 : i32
        %parallel_loop3A_540 = tpu.memref_slice %arg7[%parallel_loop3A_539] : memref<80000xf32, #tpu.memory_space<vmem>> -> memref<10000xf32, #tpu.memory_space<vmem>>
        %parallel_loop3A_541 = tpu.vector_load_idx %parallel_loop3A_540[%parallel_loop3A_466] : memref<10000xf32, #tpu.memory_space<vmem>>[vector<16xi32>], vector<16xf32>,
        %parallel_loop3A_542 = arith.subf %parallel_loop3A_538, %parallel_loop3A_541 : vector<16xf32>
        %parallel_loop3A_543 = arith.constant 70000 : i32
        %parallel_loop3A_544 = tpu.memref_slice %arg7[%parallel_loop3A_543] : memref<80000xf32, #tpu.memory_space<vmem>> -> memref<10000xf32, #tpu.memory_space<vmem>>
        %parallel_loop3A_545 = tpu.vector_load_idx %parallel_loop3A_544[%parallel_loop3A_464] : memref<10000xf32, #tpu.memory_space<vmem>>[vector<16xi32>], vector<16xf32>,
        %parallel_loop3A_546 = arith.constant 70000 : i32
        %parallel_loop3A_547 = tpu.memref_slice %arg7[%parallel_loop3A_546] : memref<80000xf32, #tpu.memory_space<vmem>> -> memref<10000xf32, #tpu.memory_space<vmem>>
        %parallel_loop3A_548 = tpu.vector_load_idx %parallel_loop3A_547[%parallel_loop3A_466] : memref<10000xf32, #tpu.memory_space<vmem>>[vector<16xi32>], vector<16xf32>,
        %parallel_loop3A_549 = arith.subf %parallel_loop3A_545, %parallel_loop3A_548 : vector<16xf32>
        %parallel_loop3A_550 = arith.mulf %parallel_loop3A_542, %parallel_loop3A_542 : vector<16xf32>
        %parallel_loop3A_551 = arith.mulf %parallel_loop3A_549, %parallel_loop3A_549 : vector<16xf32>
        %parallel_loop3A_552 = arith.addf %parallel_loop3A_550, %parallel_loop3A_551 : vector<16xf32>
        %parallel_loop3A_553 = arith.subf %get3A_51, %parallel_loop3A_552 : vector<16xf32>
        %parallel_loop3A_554 = math.exp %parallel_loop3A_553 : vector<16xf32>
        %parallel_loop3A_555 = arith.constant 3 : i32
        %parallel_loop3A_556 = arith.index_cast %parallel_loop3A_555 : i32 to index
        %parallel_loop3A_557 = arith.index_cast %parallel_loop3A_462 : i32 to index
        %parallel_loop3A_558 = tpu.vector_load %arg13[%parallel_loop3A_556, %parallel_loop3A_557] {strides = array<i32>} : memref<4x4096xf32, #tpu.memory_space<vmem>>, vector<16xf32>,
        tpu.vector_store %arg13[%parallel_loop3A_556, %parallel_loop3A_557], %parallel_loop3A_554 {strides = array<i32>} : memref<4x4096xf32, #tpu.memory_space<vmem>>, vector<16xf32>,
      } {sc.loop_unroll_factor = 8 : i64, sc.parallel_access}
      %add3A_408 = arith.constant 0 : i32
      %add3A_409 = arith.addi %mul3A_2, %add3A_408 : i32
      %dma_start3A_410 = arith.constant 0 : i32
      %dma_start3A_411 = arith.constant 0 : i32
      %dma_start3A_412 = tpu.memref_slice %arg13[%dma_start3A_410, %dma_start3A_411] : memref<4x4096xf32, #tpu.memory_space<vmem>> -> memref<1x4096xf32, #tpu.memory_space<vmem>>
      %dma_start3A_413 = tpu.memref_squeeze %dma_start3A_412 : memref<1x4096xf32, #tpu.memory_space<vmem>> -> memref<4096xf32, #tpu.memory_space<vmem>>
      %dma_start3A_414 = tpu.memref_slice %arg6[%add3A_409, %mul3A_404] : memref<128x100000xf32, #tpu.memory_space<hbm>> -> memref<1x4096xf32, #tpu.memory_space<hbm>>
      %dma_start3A_415 = tpu.memref_squeeze %dma_start3A_414 : memref<1x4096xf32, #tpu.memory_space<hbm>> -> memref<4096xf32, #tpu.memory_space<hbm>>
      %dma_start3A_416 = tpu.memref_slice %arg6[%add3A_409, %mul3A_404] : memref<128x100000xf32, #tpu.memory_space<hbm>> -> memref<1x4096xf32, #tpu.memory_space<hbm>>
      %dma_start3A_417 = tpu.memref_squeeze %dma_start3A_416 : memref<1x4096xf32, #tpu.memory_space<hbm>> -> memref<4096xf32, #tpu.memory_space<hbm>>
      %dma_start3A_418 = arith.constant 0 : i32
      %dma_start3A_419 = tpu.memref_slice %arg13[%dma_start3A_410, %dma_start3A_418] : memref<4x4096xf32, #tpu.memory_space<vmem>> -> memref<1x4096xf32, #tpu.memory_space<vmem>>
      %dma_start3A_420 = tpu.memref_squeeze %dma_start3A_419 : memref<1x4096xf32, #tpu.memory_space<vmem>> -> memref<4096xf32, #tpu.memory_space<vmem>>
      tpu.enqueue_dma source(%dma_start3A_420 : memref<4096xf32, #tpu.memory_space<vmem>>) target(%dma_start3A_417 : memref<4096xf32, #tpu.memory_space<hbm>>) target_semaphore(%arg18 : memref<!tpu.dma_semaphore, #tpu.memory_space<semaphore_mem>>)
      %add3A_421 = arith.constant 1 : i32
      %add3A_422 = arith.addi %mul3A_2, %add3A_421 : i32
      %dma_start3A_423 = arith.constant 1 : i32
      %dma_start3A_424 = arith.constant 0 : i32
      %dma_start3A_425 = tpu.memref_slice %arg13[%dma_start3A_423, %dma_start3A_424] : memref<4x4096xf32, #tpu.memory_space<vmem>> -> memref<1x4096xf32, #tpu.memory_space<vmem>>
      %dma_start3A_426 = tpu.memref_squeeze %dma_start3A_425 : memref<1x4096xf32, #tpu.memory_space<vmem>> -> memref<4096xf32, #tpu.memory_space<vmem>>
      %dma_start3A_427 = tpu.memref_slice %arg6[%add3A_422, %mul3A_404] : memref<128x100000xf32, #tpu.memory_space<hbm>> -> memref<1x4096xf32, #tpu.memory_space<hbm>>
      %dma_start3A_428 = tpu.memref_squeeze %dma_start3A_427 : memref<1x4096xf32, #tpu.memory_space<hbm>> -> memref<4096xf32, #tpu.memory_space<hbm>>
      %dma_start3A_429 = tpu.memref_slice %arg6[%add3A_422, %mul3A_404] : memref<128x100000xf32, #tpu.memory_space<hbm>> -> memref<1x4096xf32, #tpu.memory_space<hbm>>
      %dma_start3A_430 = tpu.memref_squeeze %dma_start3A_429 : memref<1x4096xf32, #tpu.memory_space<hbm>> -> memref<4096xf32, #tpu.memory_space<hbm>>
      %dma_start3A_431 = arith.constant 0 : i32
      %dma_start3A_432 = tpu.memref_slice %arg13[%dma_start3A_423, %dma_start3A_431] : memref<4x4096xf32, #tpu.memory_space<vmem>> -> memref<1x4096xf32, #tpu.memory_space<vmem>>
      %dma_start3A_433 = tpu.memref_squeeze %dma_start3A_432 : memref<1x4096xf32, #tpu.memory_space<vmem>> -> memref<4096xf32, #tpu.memory_space<vmem>>
      tpu.enqueue_dma source(%dma_start3A_433 : memref<4096xf32, #tpu.memory_space<vmem>>) target(%dma_start3A_430 : memref<4096xf32, #tpu.memory_space<hbm>>) target_semaphore(%arg18 : memref<!tpu.dma_semaphore, #tpu.memory_space<semaphore_mem>>)
      %add3A_434 = arith.constant 2 : i32
      %add3A_435 = arith.addi %mul3A_2, %add3A_434 : i32
      %dma_start3A_436 = arith.constant 2 : i32
      %dma_start3A_437 = arith.constant 0 : i32
      %dma_start3A_438 = tpu.memref_slice %arg13[%dma_start3A_436, %dma_start3A_437] : memref<4x4096xf32, #tpu.memory_space<vmem>> -> memref<1x4096xf32, #tpu.memory_space<vmem>>
      %dma_start3A_439 = tpu.memref_squeeze %dma_start3A_438 : memref<1x4096xf32, #tpu.memory_space<vmem>> -> memref<4096xf32, #tpu.memory_space<vmem>>
      %dma_start3A_440 = tpu.memref_slice %arg6[%add3A_435, %mul3A_404] : memref<128x100000xf32, #tpu.memory_space<hbm>> -> memref<1x4096xf32, #tpu.memory_space<hbm>>
      %dma_start3A_441 = tpu.memref_squeeze %dma_start3A_440 : memref<1x4096xf32, #tpu.memory_space<hbm>> -> memref<4096xf32, #tpu.memory_space<hbm>>
      %dma_start3A_442 = tpu.memref_slice %arg6[%add3A_435, %mul3A_404] : memref<128x100000xf32, #tpu.memory_space<hbm>> -> memref<1x4096xf32, #tpu.memory_space<hbm>>
      %dma_start3A_443 = tpu.memref_squeeze %dma_start3A_442 : memref<1x4096xf32, #tpu.memory_space<hbm>> -> memref<4096xf32, #tpu.memory_space<hbm>>
      %dma_start3A_444 = arith.constant 0 : i32
      %dma_start3A_445 = tpu.memref_slice %arg13[%dma_start3A_436, %dma_start3A_444] : memref<4x4096xf32, #tpu.memory_space<vmem>> -> memref<1x4096xf32, #tpu.memory_space<vmem>>
      %dma_start3A_446 = tpu.memref_squeeze %dma_start3A_445 : memref<1x4096xf32, #tpu.memory_space<vmem>> -> memref<4096xf32, #tpu.memory_space<vmem>>
      tpu.enqueue_dma source(%dma_start3A_446 : memref<4096xf32, #tpu.memory_space<vmem>>) target(%dma_start3A_443 : memref<4096xf32, #tpu.memory_space<hbm>>) target_semaphore(%arg18 : memref<!tpu.dma_semaphore, #tpu.memory_space<semaphore_mem>>)
      %add3A_447 = arith.constant 3 : i32
      %add3A_448 = arith.addi %mul3A_2, %add3A_447 : i32
      %dma_start3A_449 = arith.constant 3 : i32
      %dma_start3A_450 = arith.constant 0 : i32
      %dma_start3A_451 = tpu.memref_slice %arg13[%dma_start3A_449, %dma_start3A_450] : memref<4x4096xf32, #tpu.memory_space<vmem>> -> memref<1x4096xf32, #tpu.memory_space<vmem>>
      %dma_start3A_452 = tpu.memref_squeeze %dma_start3A_451 : memref<1x4096xf32, #tpu.memory_space<vmem>> -> memref<4096xf32, #tpu.memory_space<vmem>>
      %dma_start3A_453 = tpu.memref_slice %arg6[%add3A_448, %mul3A_404] : memref<128x100000xf32, #tpu.memory_space<hbm>> -> memref<1x4096xf32, #tpu.memory_space<hbm>>
      %dma_start3A_454 = tpu.memref_squeeze %dma_start3A_453 : memref<1x4096xf32, #tpu.memory_space<hbm>> -> memref<4096xf32, #tpu.memory_space<hbm>>
      %dma_start3A_455 = tpu.memref_slice %arg6[%add3A_448, %mul3A_404] : memref<128x100000xf32, #tpu.memory_space<hbm>> -> memref<1x4096xf32, #tpu.memory_space<hbm>>
      %dma_start3A_456 = tpu.memref_squeeze %dma_start3A_455 : memref<1x4096xf32, #tpu.memory_space<hbm>> -> memref<4096xf32, #tpu.memory_space<hbm>>
      %dma_start3A_457 = arith.constant 0 : i32
      %dma_start3A_458 = tpu.memref_slice %arg13[%dma_start3A_449, %dma_start3A_457] : memref<4x4096xf32, #tpu.memory_space<vmem>> -> memref<1x4096xf32, #tpu.memory_space<vmem>>
      %dma_start3A_459 = tpu.memref_squeeze %dma_start3A_458 : memref<1x4096xf32, #tpu.memory_space<vmem>> -> memref<4096xf32, #tpu.memory_space<vmem>>
      tpu.enqueue_dma source(%dma_start3A_459 : memref<4096xf32, #tpu.memory_space<vmem>>) target(%dma_start3A_456 : memref<4096xf32, #tpu.memory_space<hbm>>) target_semaphore(%arg18 : memref<!tpu.dma_semaphore, #tpu.memory_space<semaphore_mem>>)
    }
    %scan3A_63 = arith.constant 12 : i32
    %dma_wait3A = arith.constant 0 : i32
    %dma_wait3A_64 = tpu.memref_slice %arg3[%dma_wait3A] : memref<100000xi32, #tpu.memory_space<hbm>> -> memref<4096xi32, #tpu.memory_space<hbm>>
    %dma_wait3A_65 = arith.constant 0 : i32
    %dma_wait3A_66 = tpu.memref_slice %arg3[%dma_wait3A_65] : memref<100000xi32, #tpu.memory_space<hbm>> -> memref<4096xi32, #tpu.memory_space<hbm>>
    tpu.wait_dma2 semaphore(%arg15 : memref<!tpu.dma_semaphore, #tpu.memory_space<semaphore_mem>>) src(%dma_wait3A_66 : memref<4096xi32, #tpu.memory_space<hbm>>) dst(%arg8 : memref<4096xi32, #tpu.memory_space<vmem>>)
    %dma_wait3A_67 = arith.constant 0 : i32
    %dma_wait3A_68 = tpu.memref_slice %arg4[%dma_wait3A_67] : memref<100000xi32, #tpu.memory_space<hbm>> -> memref<4096xi32, #tpu.memory_space<hbm>>
    %dma_wait3A_69 = arith.constant 0 : i32
    %dma_wait3A_70 = tpu.memref_slice %arg4[%dma_wait3A_69] : memref<100000xi32, #tpu.memory_space<hbm>> -> memref<4096xi32, #tpu.memory_space<hbm>>
    tpu.wait_dma2 semaphore(%arg15 : memref<!tpu.dma_semaphore, #tpu.memory_space<semaphore_mem>>) src(%dma_wait3A_70 : memref<4096xi32, #tpu.memory_space<hbm>>) dst(%arg10 : memref<4096xi32, #tpu.memory_space<vmem>>)
    %dma_wait3A_71 = arith.constant 0 : i32
    %dma_wait3A_72 = arith.constant 0 : i32
    %dma_wait3A_73 = arith.constant 0 : i32
    %dma_wait3A_74 = tpu.memref_slice %arg12[%dma_wait3A_71, %dma_wait3A_73] : memref<4x4096xf32, #tpu.memory_space<vmem>> -> memref<1x4096xf32, #tpu.memory_space<vmem>>
    %dma_wait3A_75 = tpu.memref_squeeze %dma_wait3A_74 : memref<1x4096xf32, #tpu.memory_space<vmem>> -> memref<4096xf32, #tpu.memory_space<vmem>>
    %dma_wait3A_76 = arith.constant 0 : i32
    %dma_wait3A_77 = tpu.memref_slice %arg6[%dma_wait3A_72, %dma_wait3A_76] : memref<128x100000xf32, #tpu.memory_space<hbm>> -> memref<1x4096xf32, #tpu.memory_space<hbm>>
    %dma_wait3A_78 = tpu.memref_squeeze %dma_wait3A_77 : memref<1x4096xf32, #tpu.memory_space<hbm>> -> memref<4096xf32, #tpu.memory_space<hbm>>
    %dma_wait3A_79 = arith.constant 0 : i32
    %dma_wait3A_80 = tpu.memref_slice %arg6[%dma_wait3A_72, %dma_wait3A_79] : memref<128x100000xf32, #tpu.memory_space<hbm>> -> memref<1x4096xf32, #tpu.memory_space<hbm>>
    %dma_wait3A_81 = tpu.memref_squeeze %dma_wait3A_80 : memref<1x4096xf32, #tpu.memory_space<hbm>> -> memref<4096xf32, #tpu.memory_space<hbm>>
    %dma_wait3A_82 = arith.constant 0 : i32
    %dma_wait3A_83 = tpu.memref_slice %arg12[%dma_wait3A_71, %dma_wait3A_82] : memref<4x4096xf32, #tpu.memory_space<vmem>> -> memref<1x4096xf32, #tpu.memory_space<vmem>>
    %dma_wait3A_84 = tpu.memref_squeeze %dma_wait3A_83 : memref<1x4096xf32, #tpu.memory_space<vmem>> -> memref<4096xf32, #tpu.memory_space<vmem>>
    tpu.wait_dma2 semaphore(%arg17 : memref<!tpu.dma_semaphore, #tpu.memory_space<semaphore_mem>>) src(%dma_wait3A_84 : memref<4096xf32, #tpu.memory_space<vmem>>) dst(%dma_wait3A_81 : memref<4096xf32, #tpu.memory_space<hbm>>)
    %dma_wait3A_85 = arith.constant 1 : i32
    %dma_wait3A_86 = arith.constant 0 : i32
    %dma_wait3A_87 = arith.constant 0 : i32
    %dma_wait3A_88 = tpu.memref_slice %arg12[%dma_wait3A_85, %dma_wait3A_87] : memref<4x4096xf32, #tpu.memory_space<vmem>> -> memref<1x4096xf32, #tpu.memory_space<vmem>>
    %dma_wait3A_89 = tpu.memref_squeeze %dma_wait3A_88 : memref<1x4096xf32, #tpu.memory_space<vmem>> -> memref<4096xf32, #tpu.memory_space<vmem>>
    %dma_wait3A_90 = arith.constant 0 : i32
    %dma_wait3A_91 = tpu.memref_slice %arg6[%dma_wait3A_86, %dma_wait3A_90] : memref<128x100000xf32, #tpu.memory_space<hbm>> -> memref<1x4096xf32, #tpu.memory_space<hbm>>
    %dma_wait3A_92 = tpu.memref_squeeze %dma_wait3A_91 : memref<1x4096xf32, #tpu.memory_space<hbm>> -> memref<4096xf32, #tpu.memory_space<hbm>>
    %dma_wait3A_93 = arith.constant 0 : i32
    %dma_wait3A_94 = tpu.memref_slice %arg6[%dma_wait3A_86, %dma_wait3A_93] : memref<128x100000xf32, #tpu.memory_space<hbm>> -> memref<1x4096xf32, #tpu.memory_space<hbm>>
    %dma_wait3A_95 = tpu.memref_squeeze %dma_wait3A_94 : memref<1x4096xf32, #tpu.memory_space<hbm>> -> memref<4096xf32, #tpu.memory_space<hbm>>
    %dma_wait3A_96 = arith.constant 0 : i32
    %dma_wait3A_97 = tpu.memref_slice %arg12[%dma_wait3A_85, %dma_wait3A_96] : memref<4x4096xf32, #tpu.memory_space<vmem>> -> memref<1x4096xf32, #tpu.memory_space<vmem>>
    %dma_wait3A_98 = tpu.memref_squeeze %dma_wait3A_97 : memref<1x4096xf32, #tpu.memory_space<vmem>> -> memref<4096xf32, #tpu.memory_space<vmem>>
    tpu.wait_dma2 semaphore(%arg17 : memref<!tpu.dma_semaphore, #tpu.memory_space<semaphore_mem>>) src(%dma_wait3A_98 : memref<4096xf32, #tpu.memory_space<vmem>>) dst(%dma_wait3A_95 : memref<4096xf32, #tpu.memory_space<hbm>>)
    %dma_wait3A_99 = arith.constant 2 : i32
    %dma_wait3A_100 = arith.constant 0 : i32
    %dma_wait3A_101 = arith.constant 0 : i32
    %dma_wait3A_102 = tpu.memref_slice %arg12[%dma_wait3A_99, %dma_wait3A_101] : memref<4x4096xf32, #tpu.memory_space<vmem>> -> memref<1x4096xf32, #tpu.memory_space<vmem>>
    %dma_wait3A_103 = tpu.memref_squeeze %dma_wait3A_102 : memref<1x4096xf32, #tpu.memory_space<vmem>> -> memref<4096xf32, #tpu.memory_space<vmem>>
    %dma_wait3A_104 = arith.constant 0 : i32
    %dma_wait3A_105 = tpu.memref_slice %arg6[%dma_wait3A_100, %dma_wait3A_104] : memref<128x100000xf32, #tpu.memory_space<hbm>> -> memref<1x4096xf32, #tpu.memory_space<hbm>>
    %dma_wait3A_106 = tpu.memref_squeeze %dma_wait3A_105 : memref<1x4096xf32, #tpu.memory_space<hbm>> -> memref<4096xf32, #tpu.memory_space<hbm>>
    %dma_wait3A_107 = arith.constant 0 : i32
    %dma_wait3A_108 = tpu.memref_slice %arg6[%dma_wait3A_100, %dma_wait3A_107] : memref<128x100000xf32, #tpu.memory_space<hbm>> -> memref<1x4096xf32, #tpu.memory_space<hbm>>
    %dma_wait3A_109 = tpu.memref_squeeze %dma_wait3A_108 : memref<1x4096xf32, #tpu.memory_space<hbm>> -> memref<4096xf32, #tpu.memory_space<hbm>>
    %dma_wait3A_110 = arith.constant 0 : i32
    %dma_wait3A_111 = tpu.memref_slice %arg12[%dma_wait3A_99, %dma_wait3A_110] : memref<4x4096xf32, #tpu.memory_space<vmem>> -> memref<1x4096xf32, #tpu.memory_space<vmem>>
    %dma_wait3A_112 = tpu.memref_squeeze %dma_wait3A_111 : memref<1x4096xf32, #tpu.memory_space<vmem>> -> memref<4096xf32, #tpu.memory_space<vmem>>
    tpu.wait_dma2 semaphore(%arg17 : memref<!tpu.dma_semaphore, #tpu.memory_space<semaphore_mem>>) src(%dma_wait3A_112 : memref<4096xf32, #tpu.memory_space<vmem>>) dst(%dma_wait3A_109 : memref<4096xf32, #tpu.memory_space<hbm>>)
    %dma_wait3A_113 = arith.constant 3 : i32
    %dma_wait3A_114 = arith.constant 0 : i32
    %dma_wait3A_115 = arith.constant 0 : i32
    %dma_wait3A_116 = tpu.memref_slice %arg12[%dma_wait3A_113, %dma_wait3A_115] : memref<4x4096xf32, #tpu.memory_space<vmem>> -> memref<1x4096xf32, #tpu.memory_space<vmem>>
    %dma_wait3A_117 = tpu.memref_squeeze %dma_wait3A_116 : memref<1x4096xf32, #tpu.memory_space<vmem>> -> memref<4096xf32, #tpu.memory_space<vmem>>
    %dma_wait3A_118 = arith.constant 0 : i32
    %dma_wait3A_119 = tpu.memref_slice %arg6[%dma_wait3A_114, %dma_wait3A_118] : memref<128x100000xf32, #tpu.memory_space<hbm>> -> memref<1x4096xf32, #tpu.memory_space<hbm>>
    %dma_wait3A_120 = tpu.memref_squeeze %dma_wait3A_119 : memref<1x4096xf32, #tpu.memory_space<hbm>> -> memref<4096xf32, #tpu.memory_space<hbm>>
    %dma_wait3A_121 = arith.constant 0 : i32
    %dma_wait3A_122 = tpu.memref_slice %arg6[%dma_wait3A_114, %dma_wait3A_121] : memref<128x100000xf32, #tpu.memory_space<hbm>> -> memref<1x4096xf32, #tpu.memory_space<hbm>>
    %dma_wait3A_123 = tpu.memref_squeeze %dma_wait3A_122 : memref<1x4096xf32, #tpu.memory_space<hbm>> -> memref<4096xf32, #tpu.memory_space<hbm>>
    %dma_wait3A_124 = arith.constant 0 : i32
    %dma_wait3A_125 = tpu.memref_slice %arg12[%dma_wait3A_113, %dma_wait3A_124] : memref<4x4096xf32, #tpu.memory_space<vmem>> -> memref<1x4096xf32, #tpu.memory_space<vmem>>
    %dma_wait3A_126 = tpu.memref_squeeze %dma_wait3A_125 : memref<1x4096xf32, #tpu.memory_space<vmem>> -> memref<4096xf32, #tpu.memory_space<vmem>>
    tpu.wait_dma2 semaphore(%arg17 : memref<!tpu.dma_semaphore, #tpu.memory_space<semaphore_mem>>) src(%dma_wait3A_126 : memref<4096xf32, #tpu.memory_space<vmem>>) dst(%dma_wait3A_123 : memref<4096xf32, #tpu.memory_space<hbm>>)
    %parallel_loop3A = arith.constant 0 : i32
    %parallel_loop3A_127 = arith.constant 256 : i32
    %parallel_loop3A_128 = arith.constant 1 : i32
    scf.for %parallel_loop3A_301 = %parallel_loop3A to %parallel_loop3A_127 step %parallel_loop3A_128  : i32 {
      %parallel_loop3A_302 = arith.constant 16 : i32
      %parallel_loop3A_303 = arith.muli %parallel_loop3A_301, %parallel_loop3A_302 : i32
      %parallel_loop3A_304 = arith.index_cast %parallel_loop3A_303 : i32 to index
      %parallel_loop3A_305 = tpu.vector_load %arg8[%parallel_loop3A_304] {strides = array<i32>} : memref<4096xi32, #tpu.memory_space<vmem>>, vector<16xi32>,
      %parallel_loop3A_306 = arith.index_cast %parallel_loop3A_303 : i32 to index
      %parallel_loop3A_307 = tpu.vector_load %arg10[%parallel_loop3A_306] {strides = array<i32>} : memref<4096xi32, #tpu.memory_space<vmem>>, vector<16xi32>,
      %parallel_loop3A_308 = arith.constant 0 : i32
      %parallel_loop3A_309 = tpu.memref_slice %arg7[%parallel_loop3A_308] : memref<80000xf32, #tpu.memory_space<vmem>> -> memref<10000xf32, #tpu.memory_space<vmem>>
      %parallel_loop3A_310 = tpu.vector_load_idx %parallel_loop3A_309[%parallel_loop3A_305] : memref<10000xf32, #tpu.memory_space<vmem>>[vector<16xi32>], vector<16xf32>,
      %parallel_loop3A_311 = arith.constant 0 : i32
      %parallel_loop3A_312 = tpu.memref_slice %arg7[%parallel_loop3A_311] : memref<80000xf32, #tpu.memory_space<vmem>> -> memref<10000xf32, #tpu.memory_space<vmem>>
      %parallel_loop3A_313 = tpu.vector_load_idx %parallel_loop3A_312[%parallel_loop3A_307] : memref<10000xf32, #tpu.memory_space<vmem>>[vector<16xi32>], vector<16xf32>,
      %parallel_loop3A_314 = arith.subf %parallel_loop3A_310, %parallel_loop3A_313 : vector<16xf32>
      %parallel_loop3A_315 = arith.constant 10000 : i32
      %parallel_loop3A_316 = tpu.memref_slice %arg7[%parallel_loop3A_315] : memref<80000xf32, #tpu.memory_space<vmem>> -> memref<10000xf32, #tpu.memory_space<vmem>>
      %parallel_loop3A_317 = tpu.vector_load_idx %parallel_loop3A_316[%parallel_loop3A_305] : memref<10000xf32, #tpu.memory_space<vmem>>[vector<16xi32>], vector<16xf32>,
      %parallel_loop3A_318 = arith.constant 10000 : i32
      %parallel_loop3A_319 = tpu.memref_slice %arg7[%parallel_loop3A_318] : memref<80000xf32, #tpu.memory_space<vmem>> -> memref<10000xf32, #tpu.memory_space<vmem>>
      %parallel_loop3A_320 = tpu.vector_load_idx %parallel_loop3A_319[%parallel_loop3A_307] : memref<10000xf32, #tpu.memory_space<vmem>>[vector<16xi32>], vector<16xf32>,
      %parallel_loop3A_321 = arith.subf %parallel_loop3A_317, %parallel_loop3A_320 : vector<16xf32>
      %parallel_loop3A_322 = arith.mulf %parallel_loop3A_314, %parallel_loop3A_314 : vector<16xf32>
      %parallel_loop3A_323 = arith.mulf %parallel_loop3A_321, %parallel_loop3A_321 : vector<16xf32>
      %parallel_loop3A_324 = arith.addf %parallel_loop3A_322, %parallel_loop3A_323 : vector<16xf32>
      %parallel_loop3A_325 = arith.subf %get3A_51, %parallel_loop3A_324 : vector<16xf32>
      %parallel_loop3A_326 = math.exp %parallel_loop3A_325 : vector<16xf32>
      %parallel_loop3A_327 = arith.constant 0 : i32
      %parallel_loop3A_328 = arith.index_cast %parallel_loop3A_327 : i32 to index
      %parallel_loop3A_329 = arith.index_cast %parallel_loop3A_303 : i32 to index
      %parallel_loop3A_330 = tpu.vector_load %arg12[%parallel_loop3A_328, %parallel_loop3A_329] {strides = array<i32>} : memref<4x4096xf32, #tpu.memory_space<vmem>>, vector<16xf32>,
      tpu.vector_store %arg12[%parallel_loop3A_328, %parallel_loop3A_329], %parallel_loop3A_326 {strides = array<i32>} : memref<4x4096xf32, #tpu.memory_space<vmem>>, vector<16xf32>,
      %parallel_loop3A_331 = arith.constant 20000 : i32
      %parallel_loop3A_332 = tpu.memref_slice %arg7[%parallel_loop3A_331] : memref<80000xf32, #tpu.memory_space<vmem>> -> memref<10000xf32, #tpu.memory_space<vmem>>
      %parallel_loop3A_333 = tpu.vector_load_idx %parallel_loop3A_332[%parallel_loop3A_305] : memref<10000xf32, #tpu.memory_space<vmem>>[vector<16xi32>], vector<16xf32>,
      %parallel_loop3A_334 = arith.constant 20000 : i32
      %parallel_loop3A_335 = tpu.memref_slice %arg7[%parallel_loop3A_334] : memref<80000xf32, #tpu.memory_space<vmem>> -> memref<10000xf32, #tpu.memory_space<vmem>>
      %parallel_loop3A_336 = tpu.vector_load_idx %parallel_loop3A_335[%parallel_loop3A_307] : memref<10000xf32, #tpu.memory_space<vmem>>[vector<16xi32>], vector<16xf32>,
      %parallel_loop3A_337 = arith.subf %parallel_loop3A_333, %parallel_loop3A_336 : vector<16xf32>
      %parallel_loop3A_338 = arith.constant 30000 : i32
      %parallel_loop3A_339 = tpu.memref_slice %arg7[%parallel_loop3A_338] : memref<80000xf32, #tpu.memory_space<vmem>> -> memref<10000xf32, #tpu.memory_space<vmem>>
      %parallel_loop3A_340 = tpu.vector_load_idx %parallel_loop3A_339[%parallel_loop3A_305] : memref<10000xf32, #tpu.memory_space<vmem>>[vector<16xi32>], vector<16xf32>,
      %parallel_loop3A_341 = arith.constant 30000 : i32
      %parallel_loop3A_342 = tpu.memref_slice %arg7[%parallel_loop3A_341] : memref<80000xf32, #tpu.memory_space<vmem>> -> memref<10000xf32, #tpu.memory_space<vmem>>
      %parallel_loop3A_343 = tpu.vector_load_idx %parallel_loop3A_342[%parallel_loop3A_307] : memref<10000xf32, #tpu.memory_space<vmem>>[vector<16xi32>], vector<16xf32>,
      %parallel_loop3A_344 = arith.subf %parallel_loop3A_340, %parallel_loop3A_343 : vector<16xf32>
      %parallel_loop3A_345 = arith.mulf %parallel_loop3A_337, %parallel_loop3A_337 : vector<16xf32>
      %parallel_loop3A_346 = arith.mulf %parallel_loop3A_344, %parallel_loop3A_344 : vector<16xf32>
      %parallel_loop3A_347 = arith.addf %parallel_loop3A_345, %parallel_loop3A_346 : vector<16xf32>
      %parallel_loop3A_348 = arith.subf %get3A_51, %parallel_loop3A_347 : vector<16xf32>
      %parallel_loop3A_349 = math.exp %parallel_loop3A_348 : vector<16xf32>
      %parallel_loop3A_350 = arith.constant 1 : i32
      %parallel_loop3A_351 = arith.index_cast %parallel_loop3A_350 : i32 to index
      %parallel_loop3A_352 = arith.index_cast %parallel_loop3A_303 : i32 to index
      %parallel_loop3A_353 = tpu.vector_load %arg12[%parallel_loop3A_351, %parallel_loop3A_352] {strides = array<i32>} : memref<4x4096xf32, #tpu.memory_space<vmem>>, vector<16xf32>,
      tpu.vector_store %arg12[%parallel_loop3A_351, %parallel_loop3A_352], %parallel_loop3A_349 {strides = array<i32>} : memref<4x4096xf32, #tpu.memory_space<vmem>>, vector<16xf32>,
      %parallel_loop3A_354 = arith.constant 40000 : i32
      %parallel_loop3A_355 = tpu.memref_slice %arg7[%parallel_loop3A_354] : memref<80000xf32, #tpu.memory_space<vmem>> -> memref<10000xf32, #tpu.memory_space<vmem>>
      %parallel_loop3A_356 = tpu.vector_load_idx %parallel_loop3A_355[%parallel_loop3A_305] : memref<10000xf32, #tpu.memory_space<vmem>>[vector<16xi32>], vector<16xf32>,
      %parallel_loop3A_357 = arith.constant 40000 : i32
      %parallel_loop3A_358 = tpu.memref_slice %arg7[%parallel_loop3A_357] : memref<80000xf32, #tpu.memory_space<vmem>> -> memref<10000xf32, #tpu.memory_space<vmem>>
      %parallel_loop3A_359 = tpu.vector_load_idx %parallel_loop3A_358[%parallel_loop3A_307] : memref<10000xf32, #tpu.memory_space<vmem>>[vector<16xi32>], vector<16xf32>,
      %parallel_loop3A_360 = arith.subf %parallel_loop3A_356, %parallel_loop3A_359 : vector<16xf32>
      %parallel_loop3A_361 = arith.constant 50000 : i32
      %parallel_loop3A_362 = tpu.memref_slice %arg7[%parallel_loop3A_361] : memref<80000xf32, #tpu.memory_space<vmem>> -> memref<10000xf32, #tpu.memory_space<vmem>>
      %parallel_loop3A_363 = tpu.vector_load_idx %parallel_loop3A_362[%parallel_loop3A_305] : memref<10000xf32, #tpu.memory_space<vmem>>[vector<16xi32>], vector<16xf32>,
      %parallel_loop3A_364 = arith.constant 50000 : i32
      %parallel_loop3A_365 = tpu.memref_slice %arg7[%parallel_loop3A_364] : memref<80000xf32, #tpu.memory_space<vmem>> -> memref<10000xf32, #tpu.memory_space<vmem>>
      %parallel_loop3A_366 = tpu.vector_load_idx %parallel_loop3A_365[%parallel_loop3A_307] : memref<10000xf32, #tpu.memory_space<vmem>>[vector<16xi32>], vector<16xf32>,
      %parallel_loop3A_367 = arith.subf %parallel_loop3A_363, %parallel_loop3A_366 : vector<16xf32>
      %parallel_loop3A_368 = arith.mulf %parallel_loop3A_360, %parallel_loop3A_360 : vector<16xf32>
      %parallel_loop3A_369 = arith.mulf %parallel_loop3A_367, %parallel_loop3A_367 : vector<16xf32>
      %parallel_loop3A_370 = arith.addf %parallel_loop3A_368, %parallel_loop3A_369 : vector<16xf32>
      %parallel_loop3A_371 = arith.subf %get3A_51, %parallel_loop3A_370 : vector<16xf32>
      %parallel_loop3A_372 = math.exp %parallel_loop3A_371 : vector<16xf32>
      %parallel_loop3A_373 = arith.constant 2 : i32
      %parallel_loop3A_374 = arith.index_cast %parallel_loop3A_373 : i32 to index
      %parallel_loop3A_375 = arith.index_cast %parallel_loop3A_303 : i32 to index
      %parallel_loop3A_376 = tpu.vector_load %arg12[%parallel_loop3A_374, %parallel_loop3A_375] {strides = array<i32>} : memref<4x4096xf32, #tpu.memory_space<vmem>>, vector<16xf32>,
      tpu.vector_store %arg12[%parallel_loop3A_374, %parallel_loop3A_375], %parallel_loop3A_372 {strides = array<i32>} : memref<4x4096xf32, #tpu.memory_space<vmem>>, vector<16xf32>,
      %parallel_loop3A_377 = arith.constant 60000 : i32
      %parallel_loop3A_378 = tpu.memref_slice %arg7[%parallel_loop3A_377] : memref<80000xf32, #tpu.memory_space<vmem>> -> memref<10000xf32, #tpu.memory_space<vmem>>
      %parallel_loop3A_379 = tpu.vector_load_idx %parallel_loop3A_378[%parallel_loop3A_305] : memref<10000xf32, #tpu.memory_space<vmem>>[vector<16xi32>], vector<16xf32>,
      %parallel_loop3A_380 = arith.constant 60000 : i32
      %parallel_loop3A_381 = tpu.memref_slice %arg7[%parallel_loop3A_380] : memref<80000xf32, #tpu.memory_space<vmem>> -> memref<10000xf32, #tpu.memory_space<vmem>>
      %parallel_loop3A_382 = tpu.vector_load_idx %parallel_loop3A_381[%parallel_loop3A_307] : memref<10000xf32, #tpu.memory_space<vmem>>[vector<16xi32>], vector<16xf32>,
      %parallel_loop3A_383 = arith.subf %parallel_loop3A_379, %parallel_loop3A_382 : vector<16xf32>
      %parallel_loop3A_384 = arith.constant 70000 : i32
      %parallel_loop3A_385 = tpu.memref_slice %arg7[%parallel_loop3A_384] : memref<80000xf32, #tpu.memory_space<vmem>> -> memref<10000xf32, #tpu.memory_space<vmem>>
      %parallel_loop3A_386 = tpu.vector_load_idx %parallel_loop3A_385[%parallel_loop3A_305] : memref<10000xf32, #tpu.memory_space<vmem>>[vector<16xi32>], vector<16xf32>,
      %parallel_loop3A_387 = arith.constant 70000 : i32
      %parallel_loop3A_388 = tpu.memref_slice %arg7[%parallel_loop3A_387] : memref<80000xf32, #tpu.memory_space<vmem>> -> memref<10000xf32, #tpu.memory_space<vmem>>
      %parallel_loop3A_389 = tpu.vector_load_idx %parallel_loop3A_388[%parallel_loop3A_307] : memref<10000xf32, #tpu.memory_space<vmem>>[vector<16xi32>], vector<16xf32>,
      %parallel_loop3A_390 = arith.subf %parallel_loop3A_386, %parallel_loop3A_389 : vector<16xf32>
      %parallel_loop3A_391 = arith.mulf %parallel_loop3A_383, %parallel_loop3A_383 : vector<16xf32>
      %parallel_loop3A_392 = arith.mulf %parallel_loop3A_390, %parallel_loop3A_390 : vector<16xf32>
      %parallel_loop3A_393 = arith.addf %parallel_loop3A_391, %parallel_loop3A_392 : vector<16xf32>
      %parallel_loop3A_394 = arith.subf %get3A_51, %parallel_loop3A_393 : vector<16xf32>
      %parallel_loop3A_395 = math.exp %parallel_loop3A_394 : vector<16xf32>
      %parallel_loop3A_396 = arith.constant 3 : i32
      %parallel_loop3A_397 = arith.index_cast %parallel_loop3A_396 : i32 to index
      %parallel_loop3A_398 = arith.index_cast %parallel_loop3A_303 : i32 to index
      %parallel_loop3A_399 = tpu.vector_load %arg12[%parallel_loop3A_397, %parallel_loop3A_398] {strides = array<i32>} : memref<4x4096xf32, #tpu.memory_space<vmem>>, vector<16xf32>,
      tpu.vector_store %arg12[%parallel_loop3A_397, %parallel_loop3A_398], %parallel_loop3A_395 {strides = array<i32>} : memref<4x4096xf32, #tpu.memory_space<vmem>>, vector<16xf32>,
    } {sc.loop_unroll_factor = 8 : i64, sc.parallel_access}
    %add3A_129 = arith.constant 0 : i32
    %add3A_130 = arith.addi %mul3A_2, %add3A_129 : i32
    %dma_start3A_131 = arith.constant 0 : i32
    %dma_start3A_132 = arith.constant 0 : i32
    %dma_start3A_133 = tpu.memref_slice %arg12[%dma_start3A_131, %dma_start3A_132] : memref<4x4096xf32, #tpu.memory_space<vmem>> -> memref<1x4096xf32, #tpu.memory_space<vmem>>
    %dma_start3A_134 = tpu.memref_squeeze %dma_start3A_133 : memref<1x4096xf32, #tpu.memory_space<vmem>> -> memref<4096xf32, #tpu.memory_space<vmem>>
    %dma_start3A_135 = arith.constant 95904 : i32
    %dma_start3A_136 = tpu.memref_slice %arg6[%add3A_130, %dma_start3A_135] : memref<128x100000xf32, #tpu.memory_space<hbm>> -> memref<1x4096xf32, #tpu.memory_space<hbm>>
    %dma_start3A_137 = tpu.memref_squeeze %dma_start3A_136 : memref<1x4096xf32, #tpu.memory_space<hbm>> -> memref<4096xf32, #tpu.memory_space<hbm>>
    %dma_start3A_138 = arith.constant 95904 : i32
    %dma_start3A_139 = tpu.memref_slice %arg6[%add3A_130, %dma_start3A_138] : memref<128x100000xf32, #tpu.memory_space<hbm>> -> memref<1x4096xf32, #tpu.memory_space<hbm>>
    %dma_start3A_140 = tpu.memref_squeeze %dma_start3A_139 : memref<1x4096xf32, #tpu.memory_space<hbm>> -> memref<4096xf32, #tpu.memory_space<hbm>>
    %dma_start3A_141 = arith.constant 0 : i32
    %dma_start3A_142 = tpu.memref_slice %arg12[%dma_start3A_131, %dma_start3A_141] : memref<4x4096xf32, #tpu.memory_space<vmem>> -> memref<1x4096xf32, #tpu.memory_space<vmem>>
    %dma_start3A_143 = tpu.memref_squeeze %dma_start3A_142 : memref<1x4096xf32, #tpu.memory_space<vmem>> -> memref<4096xf32, #tpu.memory_space<vmem>>
    tpu.enqueue_dma source(%dma_start3A_143 : memref<4096xf32, #tpu.memory_space<vmem>>) target(%dma_start3A_140 : memref<4096xf32, #tpu.memory_space<hbm>>) target_semaphore(%arg17 : memref<!tpu.dma_semaphore, #tpu.memory_space<semaphore_mem>>)
    %add3A_144 = arith.constant 1 : i32
    %add3A_145 = arith.addi %mul3A_2, %add3A_144 : i32
    %dma_start3A_146 = arith.constant 1 : i32
    %dma_start3A_147 = arith.constant 0 : i32
    %dma_start3A_148 = tpu.memref_slice %arg12[%dma_start3A_146, %dma_start3A_147] : memref<4x4096xf32, #tpu.memory_space<vmem>> -> memref<1x4096xf32, #tpu.memory_space<vmem>>
    %dma_start3A_149 = tpu.memref_squeeze %dma_start3A_148 : memref<1x4096xf32, #tpu.memory_space<vmem>> -> memref<4096xf32, #tpu.memory_space<vmem>>
    %dma_start3A_150 = arith.constant 95904 : i32
    %dma_start3A_151 = tpu.memref_slice %arg6[%add3A_145, %dma_start3A_150] : memref<128x100000xf32, #tpu.memory_space<hbm>> -> memref<1x4096xf32, #tpu.memory_space<hbm>>
    %dma_start3A_152 = tpu.memref_squeeze %dma_start3A_151 : memref<1x4096xf32, #tpu.memory_space<hbm>> -> memref<4096xf32, #tpu.memory_space<hbm>>
    %dma_start3A_153 = arith.constant 95904 : i32
    %dma_start3A_154 = tpu.memref_slice %arg6[%add3A_145, %dma_start3A_153] : memref<128x100000xf32, #tpu.memory_space<hbm>> -> memref<1x4096xf32, #tpu.memory_space<hbm>>
    %dma_start3A_155 = tpu.memref_squeeze %dma_start3A_154 : memref<1x4096xf32, #tpu.memory_space<hbm>> -> memref<4096xf32, #tpu.memory_space<hbm>>
    %dma_start3A_156 = arith.constant 0 : i32
    %dma_start3A_157 = tpu.memref_slice %arg12[%dma_start3A_146, %dma_start3A_156] : memref<4x4096xf32, #tpu.memory_space<vmem>> -> memref<1x4096xf32, #tpu.memory_space<vmem>>
    %dma_start3A_158 = tpu.memref_squeeze %dma_start3A_157 : memref<1x4096xf32, #tpu.memory_space<vmem>> -> memref<4096xf32, #tpu.memory_space<vmem>>
    tpu.enqueue_dma source(%dma_start3A_158 : memref<4096xf32, #tpu.memory_space<vmem>>) target(%dma_start3A_155 : memref<4096xf32, #tpu.memory_space<hbm>>) target_semaphore(%arg17 : memref<!tpu.dma_semaphore, #tpu.memory_space<semaphore_mem>>)
    %add3A_159 = arith.constant 2 : i32
    %add3A_160 = arith.addi %mul3A_2, %add3A_159 : i32
    %dma_start3A_161 = arith.constant 2 : i32
    %dma_start3A_162 = arith.constant 0 : i32
    %dma_start3A_163 = tpu.memref_slice %arg12[%dma_start3A_161, %dma_start3A_162] : memref<4x4096xf32, #tpu.memory_space<vmem>> -> memref<1x4096xf32, #tpu.memory_space<vmem>>
    %dma_start3A_164 = tpu.memref_squeeze %dma_start3A_163 : memref<1x4096xf32, #tpu.memory_space<vmem>> -> memref<4096xf32, #tpu.memory_space<vmem>>
    %dma_start3A_165 = arith.constant 95904 : i32
    %dma_start3A_166 = tpu.memref_slice %arg6[%add3A_160, %dma_start3A_165] : memref<128x100000xf32, #tpu.memory_space<hbm>> -> memref<1x4096xf32, #tpu.memory_space<hbm>>
    %dma_start3A_167 = tpu.memref_squeeze %dma_start3A_166 : memref<1x4096xf32, #tpu.memory_space<hbm>> -> memref<4096xf32, #tpu.memory_space<hbm>>
    %dma_start3A_168 = arith.constant 95904 : i32
    %dma_start3A_169 = tpu.memref_slice %arg6[%add3A_160, %dma_start3A_168] : memref<128x100000xf32, #tpu.memory_space<hbm>> -> memref<1x4096xf32, #tpu.memory_space<hbm>>
    %dma_start3A_170 = tpu.memref_squeeze %dma_start3A_169 : memref<1x4096xf32, #tpu.memory_space<hbm>> -> memref<4096xf32, #tpu.memory_space<hbm>>
    %dma_start3A_171 = arith.constant 0 : i32
    %dma_start3A_172 = tpu.memref_slice %arg12[%dma_start3A_161, %dma_start3A_171] : memref<4x4096xf32, #tpu.memory_space<vmem>> -> memref<1x4096xf32, #tpu.memory_space<vmem>>
    %dma_start3A_173 = tpu.memref_squeeze %dma_start3A_172 : memref<1x4096xf32, #tpu.memory_space<vmem>> -> memref<4096xf32, #tpu.memory_space<vmem>>
    tpu.enqueue_dma source(%dma_start3A_173 : memref<4096xf32, #tpu.memory_space<vmem>>) target(%dma_start3A_170 : memref<4096xf32, #tpu.memory_space<hbm>>) target_semaphore(%arg17 : memref<!tpu.dma_semaphore, #tpu.memory_space<semaphore_mem>>)
    %add3A_174 = arith.constant 3 : i32
    %add3A_175 = arith.addi %mul3A_2, %add3A_174 : i32
    %dma_start3A_176 = arith.constant 3 : i32
    %dma_start3A_177 = arith.constant 0 : i32
    %dma_start3A_178 = tpu.memref_slice %arg12[%dma_start3A_176, %dma_start3A_177] : memref<4x4096xf32, #tpu.memory_space<vmem>> -> memref<1x4096xf32, #tpu.memory_space<vmem>>
    %dma_start3A_179 = tpu.memref_squeeze %dma_start3A_178 : memref<1x4096xf32, #tpu.memory_space<vmem>> -> memref<4096xf32, #tpu.memory_space<vmem>>
    %dma_start3A_180 = arith.constant 95904 : i32
    %dma_start3A_181 = tpu.memref_slice %arg6[%add3A_175, %dma_start3A_180] : memref<128x100000xf32, #tpu.memory_space<hbm>> -> memref<1x4096xf32, #tpu.memory_space<hbm>>
    %dma_start3A_182 = tpu.memref_squeeze %dma_start3A_181 : memref<1x4096xf32, #tpu.memory_space<hbm>> -> memref<4096xf32, #tpu.memory_space<hbm>>
    %dma_start3A_183 = arith.constant 95904 : i32
    %dma_start3A_184 = tpu.memref_slice %arg6[%add3A_175, %dma_start3A_183] : memref<128x100000xf32, #tpu.memory_space<hbm>> -> memref<1x4096xf32, #tpu.memory_space<hbm>>
    %dma_start3A_185 = tpu.memref_squeeze %dma_start3A_184 : memref<1x4096xf32, #tpu.memory_space<hbm>> -> memref<4096xf32, #tpu.memory_space<hbm>>
    %dma_start3A_186 = arith.constant 0 : i32
    %dma_start3A_187 = tpu.memref_slice %arg12[%dma_start3A_176, %dma_start3A_186] : memref<4x4096xf32, #tpu.memory_space<vmem>> -> memref<1x4096xf32, #tpu.memory_space<vmem>>
    %dma_start3A_188 = tpu.memref_squeeze %dma_start3A_187 : memref<1x4096xf32, #tpu.memory_space<vmem>> -> memref<4096xf32, #tpu.memory_space<vmem>>
    tpu.enqueue_dma source(%dma_start3A_188 : memref<4096xf32, #tpu.memory_space<vmem>>) target(%dma_start3A_185 : memref<4096xf32, #tpu.memory_space<hbm>>) target_semaphore(%arg17 : memref<!tpu.dma_semaphore, #tpu.memory_space<semaphore_mem>>)
    %dma_wait3A_189 = arith.constant 0 : i32
    %dma_wait3A_190 = arith.constant 0 : i32
    %dma_wait3A_191 = arith.constant 0 : i32
    %dma_wait3A_192 = tpu.memref_slice %arg12[%dma_wait3A_189, %dma_wait3A_191] : memref<4x4096xf32, #tpu.memory_space<vmem>> -> memref<1x4096xf32, #tpu.memory_space<vmem>>
    %dma_wait3A_193 = tpu.memref_squeeze %dma_wait3A_192 : memref<1x4096xf32, #tpu.memory_space<vmem>> -> memref<4096xf32, #tpu.memory_space<vmem>>
    %dma_wait3A_194 = arith.constant 0 : i32
    %dma_wait3A_195 = tpu.memref_slice %arg6[%dma_wait3A_190, %dma_wait3A_194] : memref<128x100000xf32, #tpu.memory_space<hbm>> -> memref<1x4096xf32, #tpu.memory_space<hbm>>
    %dma_wait3A_196 = tpu.memref_squeeze %dma_wait3A_195 : memref<1x4096xf32, #tpu.memory_space<hbm>> -> memref<4096xf32, #tpu.memory_space<hbm>>
    %dma_wait3A_197 = arith.constant 0 : i32
    %dma_wait3A_198 = tpu.memref_slice %arg6[%dma_wait3A_190, %dma_wait3A_197] : memref<128x100000xf32, #tpu.memory_space<hbm>> -> memref<1x4096xf32, #tpu.memory_space<hbm>>
    %dma_wait3A_199 = tpu.memref_squeeze %dma_wait3A_198 : memref<1x4096xf32, #tpu.memory_space<hbm>> -> memref<4096xf32, #tpu.memory_space<hbm>>
    %dma_wait3A_200 = arith.constant 0 : i32
    %dma_wait3A_201 = tpu.memref_slice %arg12[%dma_wait3A_189, %dma_wait3A_200] : memref<4x4096xf32, #tpu.memory_space<vmem>> -> memref<1x4096xf32, #tpu.memory_space<vmem>>
    %dma_wait3A_202 = tpu.memref_squeeze %dma_wait3A_201 : memref<1x4096xf32, #tpu.memory_space<vmem>> -> memref<4096xf32, #tpu.memory_space<vmem>>
    tpu.wait_dma2 semaphore(%arg17 : memref<!tpu.dma_semaphore, #tpu.memory_space<semaphore_mem>>) src(%dma_wait3A_202 : memref<4096xf32, #tpu.memory_space<vmem>>) dst(%dma_wait3A_199 : memref<4096xf32, #tpu.memory_space<hbm>>)
    %dma_wait3A_203 = arith.constant 1 : i32
    %dma_wait3A_204 = arith.constant 0 : i32
    %dma_wait3A_205 = arith.constant 0 : i32
    %dma_wait3A_206 = tpu.memref_slice %arg12[%dma_wait3A_203, %dma_wait3A_205] : memref<4x4096xf32, #tpu.memory_space<vmem>> -> memref<1x4096xf32, #tpu.memory_space<vmem>>
    %dma_wait3A_207 = tpu.memref_squeeze %dma_wait3A_206 : memref<1x4096xf32, #tpu.memory_space<vmem>> -> memref<4096xf32, #tpu.memory_space<vmem>>
    %dma_wait3A_208 = arith.constant 0 : i32
    %dma_wait3A_209 = tpu.memref_slice %arg6[%dma_wait3A_204, %dma_wait3A_208] : memref<128x100000xf32, #tpu.memory_space<hbm>> -> memref<1x4096xf32, #tpu.memory_space<hbm>>
    %dma_wait3A_210 = tpu.memref_squeeze %dma_wait3A_209 : memref<1x4096xf32, #tpu.memory_space<hbm>> -> memref<4096xf32, #tpu.memory_space<hbm>>
    %dma_wait3A_211 = arith.constant 0 : i32
    %dma_wait3A_212 = tpu.memref_slice %arg6[%dma_wait3A_204, %dma_wait3A_211] : memref<128x100000xf32, #tpu.memory_space<hbm>> -> memref<1x4096xf32, #tpu.memory_space<hbm>>
    %dma_wait3A_213 = tpu.memref_squeeze %dma_wait3A_212 : memref<1x4096xf32, #tpu.memory_space<hbm>> -> memref<4096xf32, #tpu.memory_space<hbm>>
    %dma_wait3A_214 = arith.constant 0 : i32
    %dma_wait3A_215 = tpu.memref_slice %arg12[%dma_wait3A_203, %dma_wait3A_214] : memref<4x4096xf32, #tpu.memory_space<vmem>> -> memref<1x4096xf32, #tpu.memory_space<vmem>>
    %dma_wait3A_216 = tpu.memref_squeeze %dma_wait3A_215 : memref<1x4096xf32, #tpu.memory_space<vmem>> -> memref<4096xf32, #tpu.memory_space<vmem>>
    tpu.wait_dma2 semaphore(%arg17 : memref<!tpu.dma_semaphore, #tpu.memory_space<semaphore_mem>>) src(%dma_wait3A_216 : memref<4096xf32, #tpu.memory_space<vmem>>) dst(%dma_wait3A_213 : memref<4096xf32, #tpu.memory_space<hbm>>)
    %dma_wait3A_217 = arith.constant 2 : i32
    %dma_wait3A_218 = arith.constant 0 : i32
    %dma_wait3A_219 = arith.constant 0 : i32
    %dma_wait3A_220 = tpu.memref_slice %arg12[%dma_wait3A_217, %dma_wait3A_219] : memref<4x4096xf32, #tpu.memory_space<vmem>> -> memref<1x4096xf32, #tpu.memory_space<vmem>>
    %dma_wait3A_221 = tpu.memref_squeeze %dma_wait3A_220 : memref<1x4096xf32, #tpu.memory_space<vmem>> -> memref<4096xf32, #tpu.memory_space<vmem>>
    %dma_wait3A_222 = arith.constant 0 : i32
    %dma_wait3A_223 = tpu.memref_slice %arg6[%dma_wait3A_218, %dma_wait3A_222] : memref<128x100000xf32, #tpu.memory_space<hbm>> -> memref<1x4096xf32, #tpu.memory_space<hbm>>
    %dma_wait3A_224 = tpu.memref_squeeze %dma_wait3A_223 : memref<1x4096xf32, #tpu.memory_space<hbm>> -> memref<4096xf32, #tpu.memory_space<hbm>>
    %dma_wait3A_225 = arith.constant 0 : i32
    %dma_wait3A_226 = tpu.memref_slice %arg6[%dma_wait3A_218, %dma_wait3A_225] : memref<128x100000xf32, #tpu.memory_space<hbm>> -> memref<1x4096xf32, #tpu.memory_space<hbm>>
    %dma_wait3A_227 = tpu.memref_squeeze %dma_wait3A_226 : memref<1x4096xf32, #tpu.memory_space<hbm>> -> memref<4096xf32, #tpu.memory_space<hbm>>
    %dma_wait3A_228 = arith.constant 0 : i32
    %dma_wait3A_229 = tpu.memref_slice %arg12[%dma_wait3A_217, %dma_wait3A_228] : memref<4x4096xf32, #tpu.memory_space<vmem>> -> memref<1x4096xf32, #tpu.memory_space<vmem>>
    %dma_wait3A_230 = tpu.memref_squeeze %dma_wait3A_229 : memref<1x4096xf32, #tpu.memory_space<vmem>> -> memref<4096xf32, #tpu.memory_space<vmem>>
    tpu.wait_dma2 semaphore(%arg17 : memref<!tpu.dma_semaphore, #tpu.memory_space<semaphore_mem>>) src(%dma_wait3A_230 : memref<4096xf32, #tpu.memory_space<vmem>>) dst(%dma_wait3A_227 : memref<4096xf32, #tpu.memory_space<hbm>>)
    %dma_wait3A_231 = arith.constant 3 : i32
    %dma_wait3A_232 = arith.constant 0 : i32
    %dma_wait3A_233 = arith.constant 0 : i32
    %dma_wait3A_234 = tpu.memref_slice %arg12[%dma_wait3A_231, %dma_wait3A_233] : memref<4x4096xf32, #tpu.memory_space<vmem>> -> memref<1x4096xf32, #tpu.memory_space<vmem>>
    %dma_wait3A_235 = tpu.memref_squeeze %dma_wait3A_234 : memref<1x4096xf32, #tpu.memory_space<vmem>> -> memref<4096xf32, #tpu.memory_space<vmem>>
    %dma_wait3A_236 = arith.constant 0 : i32
    %dma_wait3A_237 = tpu.memref_slice %arg6[%dma_wait3A_232, %dma_wait3A_236] : memref<128x100000xf32, #tpu.memory_space<hbm>> -> memref<1x4096xf32, #tpu.memory_space<hbm>>
    %dma_wait3A_238 = tpu.memref_squeeze %dma_wait3A_237 : memref<1x4096xf32, #tpu.memory_space<hbm>> -> memref<4096xf32, #tpu.memory_space<hbm>>
    %dma_wait3A_239 = arith.constant 0 : i32
    %dma_wait3A_240 = tpu.memref_slice %arg6[%dma_wait3A_232, %dma_wait3A_239] : memref<128x100000xf32, #tpu.memory_space<hbm>> -> memref<1x4096xf32, #tpu.memory_space<hbm>>
    %dma_wait3A_241 = tpu.memref_squeeze %dma_wait3A_240 : memref<1x4096xf32, #tpu.memory_space<hbm>> -> memref<4096xf32, #tpu.memory_space<hbm>>
    %dma_wait3A_242 = arith.constant 0 : i32
    %dma_wait3A_243 = tpu.memref_slice %arg12[%dma_wait3A_231, %dma_wait3A_242] : memref<4x4096xf32, #tpu.memory_space<vmem>> -> memref<1x4096xf32, #tpu.memory_space<vmem>>
    %dma_wait3A_244 = tpu.memref_squeeze %dma_wait3A_243 : memref<1x4096xf32, #tpu.memory_space<vmem>> -> memref<4096xf32, #tpu.memory_space<vmem>>
    tpu.wait_dma2 semaphore(%arg17 : memref<!tpu.dma_semaphore, #tpu.memory_space<semaphore_mem>>) src(%dma_wait3A_244 : memref<4096xf32, #tpu.memory_space<vmem>>) dst(%dma_wait3A_241 : memref<4096xf32, #tpu.memory_space<hbm>>)
    %dma_wait3A_245 = arith.constant 0 : i32
    %dma_wait3A_246 = arith.constant 0 : i32
    %dma_wait3A_247 = arith.constant 0 : i32
    %dma_wait3A_248 = tpu.memref_slice %arg13[%dma_wait3A_245, %dma_wait3A_247] : memref<4x4096xf32, #tpu.memory_space<vmem>> -> memref<1x4096xf32, #tpu.memory_space<vmem>>
    %dma_wait3A_249 = tpu.memref_squeeze %dma_wait3A_248 : memref<1x4096xf32, #tpu.memory_space<vmem>> -> memref<4096xf32, #tpu.memory_space<vmem>>
    %dma_wait3A_250 = arith.constant 0 : i32
    %dma_wait3A_251 = tpu.memref_slice %arg6[%dma_wait3A_246, %dma_wait3A_250] : memref<128x100000xf32, #tpu.memory_space<hbm>> -> memref<1x4096xf32, #tpu.memory_space<hbm>>
    %dma_wait3A_252 = tpu.memref_squeeze %dma_wait3A_251 : memref<1x4096xf32, #tpu.memory_space<hbm>> -> memref<4096xf32, #tpu.memory_space<hbm>>
    %dma_wait3A_253 = arith.constant 0 : i32
    %dma_wait3A_254 = tpu.memref_slice %arg6[%dma_wait3A_246, %dma_wait3A_253] : memref<128x100000xf32, #tpu.memory_space<hbm>> -> memref<1x4096xf32, #tpu.memory_space<hbm>>
    %dma_wait3A_255 = tpu.memref_squeeze %dma_wait3A_254 : memref<1x4096xf32, #tpu.memory_space<hbm>> -> memref<4096xf32, #tpu.memory_space<hbm>>
    %dma_wait3A_256 = arith.constant 0 : i32
    %dma_wait3A_257 = tpu.memref_slice %arg13[%dma_wait3A_245, %dma_wait3A_256] : memref<4x4096xf32, #tpu.memory_space<vmem>> -> memref<1x4096xf32, #tpu.memory_space<vmem>>
    %dma_wait3A_258 = tpu.memref_squeeze %dma_wait3A_257 : memref<1x4096xf32, #tpu.memory_space<vmem>> -> memref<4096xf32, #tpu.memory_space<vmem>>
    tpu.wait_dma2 semaphore(%arg18 : memref<!tpu.dma_semaphore, #tpu.memory_space<semaphore_mem>>) src(%dma_wait3A_258 : memref<4096xf32, #tpu.memory_space<vmem>>) dst(%dma_wait3A_255 : memref<4096xf32, #tpu.memory_space<hbm>>)
    %dma_wait3A_259 = arith.constant 1 : i32
    %dma_wait3A_260 = arith.constant 0 : i32
    %dma_wait3A_261 = arith.constant 0 : i32
    %dma_wait3A_262 = tpu.memref_slice %arg13[%dma_wait3A_259, %dma_wait3A_261] : memref<4x4096xf32, #tpu.memory_space<vmem>> -> memref<1x4096xf32, #tpu.memory_space<vmem>>
    %dma_wait3A_263 = tpu.memref_squeeze %dma_wait3A_262 : memref<1x4096xf32, #tpu.memory_space<vmem>> -> memref<4096xf32, #tpu.memory_space<vmem>>
    %dma_wait3A_264 = arith.constant 0 : i32
    %dma_wait3A_265 = tpu.memref_slice %arg6[%dma_wait3A_260, %dma_wait3A_264] : memref<128x100000xf32, #tpu.memory_space<hbm>> -> memref<1x4096xf32, #tpu.memory_space<hbm>>
    %dma_wait3A_266 = tpu.memref_squeeze %dma_wait3A_265 : memref<1x4096xf32, #tpu.memory_space<hbm>> -> memref<4096xf32, #tpu.memory_space<hbm>>
    %dma_wait3A_267 = arith.constant 0 : i32
    %dma_wait3A_268 = tpu.memref_slice %arg6[%dma_wait3A_260, %dma_wait3A_267] : memref<128x100000xf32, #tpu.memory_space<hbm>> -> memref<1x4096xf32, #tpu.memory_space<hbm>>
    %dma_wait3A_269 = tpu.memref_squeeze %dma_wait3A_268 : memref<1x4096xf32, #tpu.memory_space<hbm>> -> memref<4096xf32, #tpu.memory_space<hbm>>
    %dma_wait3A_270 = arith.constant 0 : i32
    %dma_wait3A_271 = tpu.memref_slice %arg13[%dma_wait3A_259, %dma_wait3A_270] : memref<4x4096xf32, #tpu.memory_space<vmem>> -> memref<1x4096xf32, #tpu.memory_space<vmem>>
    %dma_wait3A_272 = tpu.memref_squeeze %dma_wait3A_271 : memref<1x4096xf32, #tpu.memory_space<vmem>> -> memref<4096xf32, #tpu.memory_space<vmem>>
    tpu.wait_dma2 semaphore(%arg18 : memref<!tpu.dma_semaphore, #tpu.memory_space<semaphore_mem>>) src(%dma_wait3A_272 : memref<4096xf32, #tpu.memory_space<vmem>>) dst(%dma_wait3A_269 : memref<4096xf32, #tpu.memory_space<hbm>>)
    %dma_wait3A_273 = arith.constant 2 : i32
    %dma_wait3A_274 = arith.constant 0 : i32
    %dma_wait3A_275 = arith.constant 0 : i32
    %dma_wait3A_276 = tpu.memref_slice %arg13[%dma_wait3A_273, %dma_wait3A_275] : memref<4x4096xf32, #tpu.memory_space<vmem>> -> memref<1x4096xf32, #tpu.memory_space<vmem>>
    %dma_wait3A_277 = tpu.memref_squeeze %dma_wait3A_276 : memref<1x4096xf32, #tpu.memory_space<vmem>> -> memref<4096xf32, #tpu.memory_space<vmem>>
    %dma_wait3A_278 = arith.constant 0 : i32
    %dma_wait3A_279 = tpu.memref_slice %arg6[%dma_wait3A_274, %dma_wait3A_278] : memref<128x100000xf32, #tpu.memory_space<hbm>> -> memref<1x4096xf32, #tpu.memory_space<hbm>>
    %dma_wait3A_280 = tpu.memref_squeeze %dma_wait3A_279 : memref<1x4096xf32, #tpu.memory_space<hbm>> -> memref<4096xf32, #tpu.memory_space<hbm>>
    %dma_wait3A_281 = arith.constant 0 : i32
    %dma_wait3A_282 = tpu.memref_slice %arg6[%dma_wait3A_274, %dma_wait3A_281] : memref<128x100000xf32, #tpu.memory_space<hbm>> -> memref<1x4096xf32, #tpu.memory_space<hbm>>
    %dma_wait3A_283 = tpu.memref_squeeze %dma_wait3A_282 : memref<1x4096xf32, #tpu.memory_space<hbm>> -> memref<4096xf32, #tpu.memory_space<hbm>>
    %dma_wait3A_284 = arith.constant 0 : i32
    %dma_wait3A_285 = tpu.memref_slice %arg13[%dma_wait3A_273, %dma_wait3A_284] : memref<4x4096xf32, #tpu.memory_space<vmem>> -> memref<1x4096xf32, #tpu.memory_space<vmem>>
    %dma_wait3A_286 = tpu.memref_squeeze %dma_wait3A_285 : memref<1x4096xf32, #tpu.memory_space<vmem>> -> memref<4096xf32, #tpu.memory_space<vmem>>
    tpu.wait_dma2 semaphore(%arg18 : memref<!tpu.dma_semaphore, #tpu.memory_space<semaphore_mem>>) src(%dma_wait3A_286 : memref<4096xf32, #tpu.memory_space<vmem>>) dst(%dma_wait3A_283 : memref<4096xf32, #tpu.memory_space<hbm>>)
    %dma_wait3A_287 = arith.constant 3 : i32
    %dma_wait3A_288 = arith.constant 0 : i32
    %dma_wait3A_289 = arith.constant 0 : i32
    %dma_wait3A_290 = tpu.memref_slice %arg13[%dma_wait3A_287, %dma_wait3A_289] : memref<4x4096xf32, #tpu.memory_space<vmem>> -> memref<1x4096xf32, #tpu.memory_space<vmem>>
    %dma_wait3A_291 = tpu.memref_squeeze %dma_wait3A_290 : memref<1x4096xf32, #tpu.memory_space<vmem>> -> memref<4096xf32, #tpu.memory_space<vmem>>
    %dma_wait3A_292 = arith.constant 0 : i32
    %dma_wait3A_293 = tpu.memref_slice %arg6[%dma_wait3A_288, %dma_wait3A_292] : memref<128x100000xf32, #tpu.memory_space<hbm>> -> memref<1x4096xf32, #tpu.memory_space<hbm>>
    %dma_wait3A_294 = tpu.memref_squeeze %dma_wait3A_293 : memref<1x4096xf32, #tpu.memory_space<hbm>> -> memref<4096xf32, #tpu.memory_space<hbm>>
    %dma_wait3A_295 = arith.constant 0 : i32
    %dma_wait3A_296 = tpu.memref_slice %arg6[%dma_wait3A_288, %dma_wait3A_295] : memref<128x100000xf32, #tpu.memory_space<hbm>> -> memref<1x4096xf32, #tpu.memory_space<hbm>>
    %dma_wait3A_297 = tpu.memref_squeeze %dma_wait3A_296 : memref<1x4096xf32, #tpu.memory_space<hbm>> -> memref<4096xf32, #tpu.memory_space<hbm>>
    %dma_wait3A_298 = arith.constant 0 : i32
    %dma_wait3A_299 = tpu.memref_slice %arg13[%dma_wait3A_287, %dma_wait3A_298] : memref<4x4096xf32, #tpu.memory_space<vmem>> -> memref<1x4096xf32, #tpu.memory_space<vmem>>
    %dma_wait3A_300 = tpu.memref_squeeze %dma_wait3A_299 : memref<1x4096xf32, #tpu.memory_space<vmem>> -> memref<4096xf32, #tpu.memory_space<vmem>>
    tpu.wait_dma2 semaphore(%arg18 : memref<!tpu.dma_semaphore, #tpu.memory_space<semaphore_mem>>) src(%dma_wait3A_300 : memref<4096xf32, #tpu.memory_space<vmem>>) dst(%dma_wait3A_297 : memref<4096xf32, #tpu.memory_space<hbm>>)
    return
  }
}

module attributes {stable_mosaic.version = 14 : i64} {
  func.func @_tc_body(%arg0: memref<128x1xf32, #tpu.memory_space<vmem>>, %arg1: memref<32x20096xf32, #tpu.memory_space<vmem>>, %arg2: memref<1x20096xf32, #tpu.memory_space<vmem>>, %arg3: memref<2572288xf32, #tpu.memory_space<vmem>>) attributes {dimension_semantics = [], scalar_prefetch = 0 : i64, scratch_operands = 0 : i64, tpu.core_type = #tpu.core_type<tc>} {
    %get3A = arith.constant 0 : index
    %get3A_0 = arith.constant 0 : index
    %get3A_1 = vector.load %arg0[%get3A, %get3A_0] : memref<128x1xf32, #tpu.memory_space<vmem>>, vector<128x1xf32>
    %iota3A = tpu.iota {dimensions = array<i32: 1>} : vector<128x32xi32>
    %convert_element_type3A = arith.sitofp %iota3A : vector<128x32xi32> to vector<128x32xf32>
    %mul3A = arith.constant 3.125000e-02 : f32
    %mul3A_2 = vector.broadcast %mul3A : f32 to vector<128x32xf32>
    %mul3A_3 = arith.mulf %convert_element_type3A, %mul3A_2 : vector<128x32xf32>
    %sub3A = vector.broadcast %get3A_1 : vector<128x1xf32> to vector<128x32xf32>
    %sub3A_4 = arith.subf %sub3A, %mul3A_3 : vector<128x32xf32>
    %jit3A = arith.constant 0.000000e+00 : f32
    %jit3A_5 = arith.constant 3.125000e-02 : f32
    %max3A = vector.broadcast %jit3A : f32 to vector<128x32xf32>
    %max3A_6 = arith.maximumf %max3A, %sub3A_4 : vector<128x32xf32>
    %min3A = vector.broadcast %jit3A_5 : f32 to vector<128x32xf32>
    %min3A_7 = arith.minimumf %min3A, %max3A_6 : vector<128x32xf32>
    %get3A_8 = arith.constant 0 : index
    %get3A_9 = arith.constant 0 : index
    %get3A_10 = vector.load %arg1[%get3A_8, %get3A_9] : memref<32x20096xf32, #tpu.memory_space<vmem>>, vector<32x20096xf32>
    %dot_general3A = arith.constant dense<0.000000e+00> : vector<128x20096xf32>
    %dot_general3A_11 = tpu.matmul %min3A_7, %get3A_10, %dot_general3A {dimension_numbers = #tpu.dot_dimension_numbers<[1], [0], [0], [1], [0, 0, 1, 1], [], []>, precision = #tpu.contract_precision<fp32>, transpose_lhs_hint = false} : vector<128x32xf32>, vector<32x20096xf32>, vector<128x20096xf32> -> vector<128x20096xf32>
    %get3A_12 = arith.constant 0 : index
    %get3A_13 = arith.constant 0 : index
    %get3A_14 = vector.load %arg2[%get3A_12, %get3A_13] : memref<1x20096xf32, #tpu.memory_space<vmem>>, vector<1x20096xf32>
    %add3A = vector.broadcast %get3A_14 : vector<1x20096xf32> to vector<128x20096xf32>
    %add3A_15 = arith.addf %dot_general3A_11, %add3A : vector<128x20096xf32>
    %slice3A = vector.extract_strided_slice %add3A_15 {offsets = [0, 0], sizes = [1, 20096], strides = [1, 1]} : vector<128x20096xf32> to vector<1x20096xf32>
    %squeeze3A = vector.shape_cast %slice3A : vector<1x20096xf32> to vector<20096xf32>
    %swap3A = arith.constant 0 : index
    %swap3A_16 = vector.load %arg3[%swap3A] : memref<2572288xf32, #tpu.memory_space<vmem>>, vector<20096xf32>
    tpu.vector_store %arg3[%swap3A], %squeeze3A {strides = array<i32>} : memref<2572288xf32, #tpu.memory_space<vmem>>, vector<20096xf32>,
    %slice3A_17 = vector.extract_strided_slice %add3A_15 {offsets = [1, 0], sizes = [1, 20096], strides = [1, 1]} : vector<128x20096xf32> to vector<1x20096xf32>
    %squeeze3A_18 = vector.shape_cast %slice3A_17 : vector<1x20096xf32> to vector<20096xf32>
    %swap3A_19 = arith.constant 20096 : index
    %swap3A_20 = vector.load %arg3[%swap3A_19] : memref<2572288xf32, #tpu.memory_space<vmem>>, vector<20096xf32>
    tpu.vector_store %arg3[%swap3A_19], %squeeze3A_18 {strides = array<i32>} : memref<2572288xf32, #tpu.memory_space<vmem>>, vector<20096xf32>,
    %slice3A_21 = vector.extract_strided_slice %add3A_15 {offsets = [2, 0], sizes = [1, 20096], strides = [1, 1]} : vector<128x20096xf32> to vector<1x20096xf32>
    %squeeze3A_22 = vector.shape_cast %slice3A_21 : vector<1x20096xf32> to vector<20096xf32>
    %swap3A_23 = arith.constant 40192 : index
    %swap3A_24 = vector.load %arg3[%swap3A_23] : memref<2572288xf32, #tpu.memory_space<vmem>>, vector<20096xf32>
    tpu.vector_store %arg3[%swap3A_23], %squeeze3A_22 {strides = array<i32>} : memref<2572288xf32, #tpu.memory_space<vmem>>, vector<20096xf32>,
    %slice3A_25 = vector.extract_strided_slice %add3A_15 {offsets = [3, 0], sizes = [1, 20096], strides = [1, 1]} : vector<128x20096xf32> to vector<1x20096xf32>
    %squeeze3A_26 = vector.shape_cast %slice3A_25 : vector<1x20096xf32> to vector<20096xf32>
    %swap3A_27 = arith.constant 60288 : index
    %swap3A_28 = vector.load %arg3[%swap3A_27] : memref<2572288xf32, #tpu.memory_space<vmem>>, vector<20096xf32>
    tpu.vector_store %arg3[%swap3A_27], %squeeze3A_26 {strides = array<i32>} : memref<2572288xf32, #tpu.memory_space<vmem>>, vector<20096xf32>,
    %slice3A_29 = vector.extract_strided_slice %add3A_15 {offsets = [4, 0], sizes = [1, 20096], strides = [1, 1]} : vector<128x20096xf32> to vector<1x20096xf32>
    %squeeze3A_30 = vector.shape_cast %slice3A_29 : vector<1x20096xf32> to vector<20096xf32>
    %swap3A_31 = arith.constant 80384 : index
    %swap3A_32 = vector.load %arg3[%swap3A_31] : memref<2572288xf32, #tpu.memory_space<vmem>>, vector<20096xf32>
    tpu.vector_store %arg3[%swap3A_31], %squeeze3A_30 {strides = array<i32>} : memref<2572288xf32, #tpu.memory_space<vmem>>, vector<20096xf32>,
    %slice3A_33 = vector.extract_strided_slice %add3A_15 {offsets = [5, 0], sizes = [1, 20096], strides = [1, 1]} : vector<128x20096xf32> to vector<1x20096xf32>
    %squeeze3A_34 = vector.shape_cast %slice3A_33 : vector<1x20096xf32> to vector<20096xf32>
    %swap3A_35 = arith.constant 100480 : index
    %swap3A_36 = vector.load %arg3[%swap3A_35] : memref<2572288xf32, #tpu.memory_space<vmem>>, vector<20096xf32>
    tpu.vector_store %arg3[%swap3A_35], %squeeze3A_34 {strides = array<i32>} : memref<2572288xf32, #tpu.memory_space<vmem>>, vector<20096xf32>,
    %slice3A_37 = vector.extract_strided_slice %add3A_15 {offsets = [6, 0], sizes = [1, 20096], strides = [1, 1]} : vector<128x20096xf32> to vector<1x20096xf32>
    %squeeze3A_38 = vector.shape_cast %slice3A_37 : vector<1x20096xf32> to vector<20096xf32>
    %swap3A_39 = arith.constant 120576 : index
    %swap3A_40 = vector.load %arg3[%swap3A_39] : memref<2572288xf32, #tpu.memory_space<vmem>>, vector<20096xf32>
    tpu.vector_store %arg3[%swap3A_39], %squeeze3A_38 {strides = array<i32>} : memref<2572288xf32, #tpu.memory_space<vmem>>, vector<20096xf32>,
    %slice3A_41 = vector.extract_strided_slice %add3A_15 {offsets = [7, 0], sizes = [1, 20096], strides = [1, 1]} : vector<128x20096xf32> to vector<1x20096xf32>
    %squeeze3A_42 = vector.shape_cast %slice3A_41 : vector<1x20096xf32> to vector<20096xf32>
    %swap3A_43 = arith.constant 140672 : index
    %swap3A_44 = vector.load %arg3[%swap3A_43] : memref<2572288xf32, #tpu.memory_space<vmem>>, vector<20096xf32>
    tpu.vector_store %arg3[%swap3A_43], %squeeze3A_42 {strides = array<i32>} : memref<2572288xf32, #tpu.memory_space<vmem>>, vector<20096xf32>,
    %slice3A_45 = vector.extract_strided_slice %add3A_15 {offsets = [8, 0], sizes = [1, 20096], strides = [1, 1]} : vector<128x20096xf32> to vector<1x20096xf32>
    %squeeze3A_46 = vector.shape_cast %slice3A_45 : vector<1x20096xf32> to vector<20096xf32>
    %swap3A_47 = arith.constant 160768 : index
    %swap3A_48 = vector.load %arg3[%swap3A_47] : memref<2572288xf32, #tpu.memory_space<vmem>>, vector<20096xf32>
    tpu.vector_store %arg3[%swap3A_47], %squeeze3A_46 {strides = array<i32>} : memref<2572288xf32, #tpu.memory_space<vmem>>, vector<20096xf32>,
    %slice3A_49 = vector.extract_strided_slice %add3A_15 {offsets = [9, 0], sizes = [1, 20096], strides = [1, 1]} : vector<128x20096xf32> to vector<1x20096xf32>
    %squeeze3A_50 = vector.shape_cast %slice3A_49 : vector<1x20096xf32> to vector<20096xf32>
    %swap3A_51 = arith.constant 180864 : index
    %swap3A_52 = vector.load %arg3[%swap3A_51] : memref<2572288xf32, #tpu.memory_space<vmem>>, vector<20096xf32>
    tpu.vector_store %arg3[%swap3A_51], %squeeze3A_50 {strides = array<i32>} : memref<2572288xf32, #tpu.memory_space<vmem>>, vector<20096xf32>,
    %slice3A_53 = vector.extract_strided_slice %add3A_15 {offsets = [10, 0], sizes = [1, 20096], strides = [1, 1]} : vector<128x20096xf32> to vector<1x20096xf32>
    %squeeze3A_54 = vector.shape_cast %slice3A_53 : vector<1x20096xf32> to vector<20096xf32>
    %swap3A_55 = arith.constant 200960 : index
    %swap3A_56 = vector.load %arg3[%swap3A_55] : memref<2572288xf32, #tpu.memory_space<vmem>>, vector<20096xf32>
    tpu.vector_store %arg3[%swap3A_55], %squeeze3A_54 {strides = array<i32>} : memref<2572288xf32, #tpu.memory_space<vmem>>, vector<20096xf32>,
    %slice3A_57 = vector.extract_strided_slice %add3A_15 {offsets = [11, 0], sizes = [1, 20096], strides = [1, 1]} : vector<128x20096xf32> to vector<1x20096xf32>
    %squeeze3A_58 = vector.shape_cast %slice3A_57 : vector<1x20096xf32> to vector<20096xf32>
    %swap3A_59 = arith.constant 221056 : index
    %swap3A_60 = vector.load %arg3[%swap3A_59] : memref<2572288xf32, #tpu.memory_space<vmem>>, vector<20096xf32>
    tpu.vector_store %arg3[%swap3A_59], %squeeze3A_58 {strides = array<i32>} : memref<2572288xf32, #tpu.memory_space<vmem>>, vector<20096xf32>,
    %slice3A_61 = vector.extract_strided_slice %add3A_15 {offsets = [12, 0], sizes = [1, 20096], strides = [1, 1]} : vector<128x20096xf32> to vector<1x20096xf32>
    %squeeze3A_62 = vector.shape_cast %slice3A_61 : vector<1x20096xf32> to vector<20096xf32>
    %swap3A_63 = arith.constant 241152 : index
    %swap3A_64 = vector.load %arg3[%swap3A_63] : memref<2572288xf32, #tpu.memory_space<vmem>>, vector<20096xf32>
    tpu.vector_store %arg3[%swap3A_63], %squeeze3A_62 {strides = array<i32>} : memref<2572288xf32, #tpu.memory_space<vmem>>, vector<20096xf32>,
    %slice3A_65 = vector.extract_strided_slice %add3A_15 {offsets = [13, 0], sizes = [1, 20096], strides = [1, 1]} : vector<128x20096xf32> to vector<1x20096xf32>
    %squeeze3A_66 = vector.shape_cast %slice3A_65 : vector<1x20096xf32> to vector<20096xf32>
    %swap3A_67 = arith.constant 261248 : index
    %swap3A_68 = vector.load %arg3[%swap3A_67] : memref<2572288xf32, #tpu.memory_space<vmem>>, vector<20096xf32>
    tpu.vector_store %arg3[%swap3A_67], %squeeze3A_66 {strides = array<i32>} : memref<2572288xf32, #tpu.memory_space<vmem>>, vector<20096xf32>,
    %slice3A_69 = vector.extract_strided_slice %add3A_15 {offsets = [14, 0], sizes = [1, 20096], strides = [1, 1]} : vector<128x20096xf32> to vector<1x20096xf32>
    %squeeze3A_70 = vector.shape_cast %slice3A_69 : vector<1x20096xf32> to vector<20096xf32>
    %swap3A_71 = arith.constant 281344 : index
    %swap3A_72 = vector.load %arg3[%swap3A_71] : memref<2572288xf32, #tpu.memory_space<vmem>>, vector<20096xf32>
    tpu.vector_store %arg3[%swap3A_71], %squeeze3A_70 {strides = array<i32>} : memref<2572288xf32, #tpu.memory_space<vmem>>, vector<20096xf32>,
    %slice3A_73 = vector.extract_strided_slice %add3A_15 {offsets = [15, 0], sizes = [1, 20096], strides = [1, 1]} : vector<128x20096xf32> to vector<1x20096xf32>
    %squeeze3A_74 = vector.shape_cast %slice3A_73 : vector<1x20096xf32> to vector<20096xf32>
    %swap3A_75 = arith.constant 301440 : index
    %swap3A_76 = vector.load %arg3[%swap3A_75] : memref<2572288xf32, #tpu.memory_space<vmem>>, vector<20096xf32>
    tpu.vector_store %arg3[%swap3A_75], %squeeze3A_74 {strides = array<i32>} : memref<2572288xf32, #tpu.memory_space<vmem>>, vector<20096xf32>,
    %slice3A_77 = vector.extract_strided_slice %add3A_15 {offsets = [16, 0], sizes = [1, 20096], strides = [1, 1]} : vector<128x20096xf32> to vector<1x20096xf32>
    %squeeze3A_78 = vector.shape_cast %slice3A_77 : vector<1x20096xf32> to vector<20096xf32>
    %swap3A_79 = arith.constant 321536 : index
    %swap3A_80 = vector.load %arg3[%swap3A_79] : memref<2572288xf32, #tpu.memory_space<vmem>>, vector<20096xf32>
    tpu.vector_store %arg3[%swap3A_79], %squeeze3A_78 {strides = array<i32>} : memref<2572288xf32, #tpu.memory_space<vmem>>, vector<20096xf32>,
    %slice3A_81 = vector.extract_strided_slice %add3A_15 {offsets = [17, 0], sizes = [1, 20096], strides = [1, 1]} : vector<128x20096xf32> to vector<1x20096xf32>
    %squeeze3A_82 = vector.shape_cast %slice3A_81 : vector<1x20096xf32> to vector<20096xf32>
    %swap3A_83 = arith.constant 341632 : index
    %swap3A_84 = vector.load %arg3[%swap3A_83] : memref<2572288xf32, #tpu.memory_space<vmem>>, vector<20096xf32>
    tpu.vector_store %arg3[%swap3A_83], %squeeze3A_82 {strides = array<i32>} : memref<2572288xf32, #tpu.memory_space<vmem>>, vector<20096xf32>,
    %slice3A_85 = vector.extract_strided_slice %add3A_15 {offsets = [18, 0], sizes = [1, 20096], strides = [1, 1]} : vector<128x20096xf32> to vector<1x20096xf32>
    %squeeze3A_86 = vector.shape_cast %slice3A_85 : vector<1x20096xf32> to vector<20096xf32>
    %swap3A_87 = arith.constant 361728 : index
    %swap3A_88 = vector.load %arg3[%swap3A_87] : memref<2572288xf32, #tpu.memory_space<vmem>>, vector<20096xf32>
    tpu.vector_store %arg3[%swap3A_87], %squeeze3A_86 {strides = array<i32>} : memref<2572288xf32, #tpu.memory_space<vmem>>, vector<20096xf32>,
    %slice3A_89 = vector.extract_strided_slice %add3A_15 {offsets = [19, 0], sizes = [1, 20096], strides = [1, 1]} : vector<128x20096xf32> to vector<1x20096xf32>
    %squeeze3A_90 = vector.shape_cast %slice3A_89 : vector<1x20096xf32> to vector<20096xf32>
    %swap3A_91 = arith.constant 381824 : index
    %swap3A_92 = vector.load %arg3[%swap3A_91] : memref<2572288xf32, #tpu.memory_space<vmem>>, vector<20096xf32>
    tpu.vector_store %arg3[%swap3A_91], %squeeze3A_90 {strides = array<i32>} : memref<2572288xf32, #tpu.memory_space<vmem>>, vector<20096xf32>,
    %slice3A_93 = vector.extract_strided_slice %add3A_15 {offsets = [20, 0], sizes = [1, 20096], strides = [1, 1]} : vector<128x20096xf32> to vector<1x20096xf32>
    %squeeze3A_94 = vector.shape_cast %slice3A_93 : vector<1x20096xf32> to vector<20096xf32>
    %swap3A_95 = arith.constant 401920 : index
    %swap3A_96 = vector.load %arg3[%swap3A_95] : memref<2572288xf32, #tpu.memory_space<vmem>>, vector<20096xf32>
    tpu.vector_store %arg3[%swap3A_95], %squeeze3A_94 {strides = array<i32>} : memref<2572288xf32, #tpu.memory_space<vmem>>, vector<20096xf32>,
    %slice3A_97 = vector.extract_strided_slice %add3A_15 {offsets = [21, 0], sizes = [1, 20096], strides = [1, 1]} : vector<128x20096xf32> to vector<1x20096xf32>
    %squeeze3A_98 = vector.shape_cast %slice3A_97 : vector<1x20096xf32> to vector<20096xf32>
    %swap3A_99 = arith.constant 422016 : index
    %swap3A_100 = vector.load %arg3[%swap3A_99] : memref<2572288xf32, #tpu.memory_space<vmem>>, vector<20096xf32>
    tpu.vector_store %arg3[%swap3A_99], %squeeze3A_98 {strides = array<i32>} : memref<2572288xf32, #tpu.memory_space<vmem>>, vector<20096xf32>,
    %slice3A_101 = vector.extract_strided_slice %add3A_15 {offsets = [22, 0], sizes = [1, 20096], strides = [1, 1]} : vector<128x20096xf32> to vector<1x20096xf32>
    %squeeze3A_102 = vector.shape_cast %slice3A_101 : vector<1x20096xf32> to vector<20096xf32>
    %swap3A_103 = arith.constant 442112 : index
    %swap3A_104 = vector.load %arg3[%swap3A_103] : memref<2572288xf32, #tpu.memory_space<vmem>>, vector<20096xf32>
    tpu.vector_store %arg3[%swap3A_103], %squeeze3A_102 {strides = array<i32>} : memref<2572288xf32, #tpu.memory_space<vmem>>, vector<20096xf32>,
    %slice3A_105 = vector.extract_strided_slice %add3A_15 {offsets = [23, 0], sizes = [1, 20096], strides = [1, 1]} : vector<128x20096xf32> to vector<1x20096xf32>
    %squeeze3A_106 = vector.shape_cast %slice3A_105 : vector<1x20096xf32> to vector<20096xf32>
    %swap3A_107 = arith.constant 462208 : index
    %swap3A_108 = vector.load %arg3[%swap3A_107] : memref<2572288xf32, #tpu.memory_space<vmem>>, vector<20096xf32>
    tpu.vector_store %arg3[%swap3A_107], %squeeze3A_106 {strides = array<i32>} : memref<2572288xf32, #tpu.memory_space<vmem>>, vector<20096xf32>,
    %slice3A_109 = vector.extract_strided_slice %add3A_15 {offsets = [24, 0], sizes = [1, 20096], strides = [1, 1]} : vector<128x20096xf32> to vector<1x20096xf32>
    %squeeze3A_110 = vector.shape_cast %slice3A_109 : vector<1x20096xf32> to vector<20096xf32>
    %swap3A_111 = arith.constant 482304 : index
    %swap3A_112 = vector.load %arg3[%swap3A_111] : memref<2572288xf32, #tpu.memory_space<vmem>>, vector<20096xf32>
    tpu.vector_store %arg3[%swap3A_111], %squeeze3A_110 {strides = array<i32>} : memref<2572288xf32, #tpu.memory_space<vmem>>, vector<20096xf32>,
    %slice3A_113 = vector.extract_strided_slice %add3A_15 {offsets = [25, 0], sizes = [1, 20096], strides = [1, 1]} : vector<128x20096xf32> to vector<1x20096xf32>
    %squeeze3A_114 = vector.shape_cast %slice3A_113 : vector<1x20096xf32> to vector<20096xf32>
    %swap3A_115 = arith.constant 502400 : index
    %swap3A_116 = vector.load %arg3[%swap3A_115] : memref<2572288xf32, #tpu.memory_space<vmem>>, vector<20096xf32>
    tpu.vector_store %arg3[%swap3A_115], %squeeze3A_114 {strides = array<i32>} : memref<2572288xf32, #tpu.memory_space<vmem>>, vector<20096xf32>,
    %slice3A_117 = vector.extract_strided_slice %add3A_15 {offsets = [26, 0], sizes = [1, 20096], strides = [1, 1]} : vector<128x20096xf32> to vector<1x20096xf32>
    %squeeze3A_118 = vector.shape_cast %slice3A_117 : vector<1x20096xf32> to vector<20096xf32>
    %swap3A_119 = arith.constant 522496 : index
    %swap3A_120 = vector.load %arg3[%swap3A_119] : memref<2572288xf32, #tpu.memory_space<vmem>>, vector<20096xf32>
    tpu.vector_store %arg3[%swap3A_119], %squeeze3A_118 {strides = array<i32>} : memref<2572288xf32, #tpu.memory_space<vmem>>, vector<20096xf32>,
    %slice3A_121 = vector.extract_strided_slice %add3A_15 {offsets = [27, 0], sizes = [1, 20096], strides = [1, 1]} : vector<128x20096xf32> to vector<1x20096xf32>
    %squeeze3A_122 = vector.shape_cast %slice3A_121 : vector<1x20096xf32> to vector<20096xf32>
    %swap3A_123 = arith.constant 542592 : index
    %swap3A_124 = vector.load %arg3[%swap3A_123] : memref<2572288xf32, #tpu.memory_space<vmem>>, vector<20096xf32>
    tpu.vector_store %arg3[%swap3A_123], %squeeze3A_122 {strides = array<i32>} : memref<2572288xf32, #tpu.memory_space<vmem>>, vector<20096xf32>,
    %slice3A_125 = vector.extract_strided_slice %add3A_15 {offsets = [28, 0], sizes = [1, 20096], strides = [1, 1]} : vector<128x20096xf32> to vector<1x20096xf32>
    %squeeze3A_126 = vector.shape_cast %slice3A_125 : vector<1x20096xf32> to vector<20096xf32>
    %swap3A_127 = arith.constant 562688 : index
    %swap3A_128 = vector.load %arg3[%swap3A_127] : memref<2572288xf32, #tpu.memory_space<vmem>>, vector<20096xf32>
    tpu.vector_store %arg3[%swap3A_127], %squeeze3A_126 {strides = array<i32>} : memref<2572288xf32, #tpu.memory_space<vmem>>, vector<20096xf32>,
    %slice3A_129 = vector.extract_strided_slice %add3A_15 {offsets = [29, 0], sizes = [1, 20096], strides = [1, 1]} : vector<128x20096xf32> to vector<1x20096xf32>
    %squeeze3A_130 = vector.shape_cast %slice3A_129 : vector<1x20096xf32> to vector<20096xf32>
    %swap3A_131 = arith.constant 582784 : index
    %swap3A_132 = vector.load %arg3[%swap3A_131] : memref<2572288xf32, #tpu.memory_space<vmem>>, vector<20096xf32>
    tpu.vector_store %arg3[%swap3A_131], %squeeze3A_130 {strides = array<i32>} : memref<2572288xf32, #tpu.memory_space<vmem>>, vector<20096xf32>,
    %slice3A_133 = vector.extract_strided_slice %add3A_15 {offsets = [30, 0], sizes = [1, 20096], strides = [1, 1]} : vector<128x20096xf32> to vector<1x20096xf32>
    %squeeze3A_134 = vector.shape_cast %slice3A_133 : vector<1x20096xf32> to vector<20096xf32>
    %swap3A_135 = arith.constant 602880 : index
    %swap3A_136 = vector.load %arg3[%swap3A_135] : memref<2572288xf32, #tpu.memory_space<vmem>>, vector<20096xf32>
    tpu.vector_store %arg3[%swap3A_135], %squeeze3A_134 {strides = array<i32>} : memref<2572288xf32, #tpu.memory_space<vmem>>, vector<20096xf32>,
    %slice3A_137 = vector.extract_strided_slice %add3A_15 {offsets = [31, 0], sizes = [1, 20096], strides = [1, 1]} : vector<128x20096xf32> to vector<1x20096xf32>
    %squeeze3A_138 = vector.shape_cast %slice3A_137 : vector<1x20096xf32> to vector<20096xf32>
    %swap3A_139 = arith.constant 622976 : index
    %swap3A_140 = vector.load %arg3[%swap3A_139] : memref<2572288xf32, #tpu.memory_space<vmem>>, vector<20096xf32>
    tpu.vector_store %arg3[%swap3A_139], %squeeze3A_138 {strides = array<i32>} : memref<2572288xf32, #tpu.memory_space<vmem>>, vector<20096xf32>,
    %slice3A_141 = vector.extract_strided_slice %add3A_15 {offsets = [32, 0], sizes = [1, 20096], strides = [1, 1]} : vector<128x20096xf32> to vector<1x20096xf32>
    %squeeze3A_142 = vector.shape_cast %slice3A_141 : vector<1x20096xf32> to vector<20096xf32>
    %swap3A_143 = arith.constant 643072 : index
    %swap3A_144 = vector.load %arg3[%swap3A_143] : memref<2572288xf32, #tpu.memory_space<vmem>>, vector<20096xf32>
    tpu.vector_store %arg3[%swap3A_143], %squeeze3A_142 {strides = array<i32>} : memref<2572288xf32, #tpu.memory_space<vmem>>, vector<20096xf32>,
    %slice3A_145 = vector.extract_strided_slice %add3A_15 {offsets = [33, 0], sizes = [1, 20096], strides = [1, 1]} : vector<128x20096xf32> to vector<1x20096xf32>
    %squeeze3A_146 = vector.shape_cast %slice3A_145 : vector<1x20096xf32> to vector<20096xf32>
    %swap3A_147 = arith.constant 663168 : index
    %swap3A_148 = vector.load %arg3[%swap3A_147] : memref<2572288xf32, #tpu.memory_space<vmem>>, vector<20096xf32>
    tpu.vector_store %arg3[%swap3A_147], %squeeze3A_146 {strides = array<i32>} : memref<2572288xf32, #tpu.memory_space<vmem>>, vector<20096xf32>,
    %slice3A_149 = vector.extract_strided_slice %add3A_15 {offsets = [34, 0], sizes = [1, 20096], strides = [1, 1]} : vector<128x20096xf32> to vector<1x20096xf32>
    %squeeze3A_150 = vector.shape_cast %slice3A_149 : vector<1x20096xf32> to vector<20096xf32>
    %swap3A_151 = arith.constant 683264 : index
    %swap3A_152 = vector.load %arg3[%swap3A_151] : memref<2572288xf32, #tpu.memory_space<vmem>>, vector<20096xf32>
    tpu.vector_store %arg3[%swap3A_151], %squeeze3A_150 {strides = array<i32>} : memref<2572288xf32, #tpu.memory_space<vmem>>, vector<20096xf32>,
    %slice3A_153 = vector.extract_strided_slice %add3A_15 {offsets = [35, 0], sizes = [1, 20096], strides = [1, 1]} : vector<128x20096xf32> to vector<1x20096xf32>
    %squeeze3A_154 = vector.shape_cast %slice3A_153 : vector<1x20096xf32> to vector<20096xf32>
    %swap3A_155 = arith.constant 703360 : index
    %swap3A_156 = vector.load %arg3[%swap3A_155] : memref<2572288xf32, #tpu.memory_space<vmem>>, vector<20096xf32>
    tpu.vector_store %arg3[%swap3A_155], %squeeze3A_154 {strides = array<i32>} : memref<2572288xf32, #tpu.memory_space<vmem>>, vector<20096xf32>,
    %slice3A_157 = vector.extract_strided_slice %add3A_15 {offsets = [36, 0], sizes = [1, 20096], strides = [1, 1]} : vector<128x20096xf32> to vector<1x20096xf32>
    %squeeze3A_158 = vector.shape_cast %slice3A_157 : vector<1x20096xf32> to vector<20096xf32>
    %swap3A_159 = arith.constant 723456 : index
    %swap3A_160 = vector.load %arg3[%swap3A_159] : memref<2572288xf32, #tpu.memory_space<vmem>>, vector<20096xf32>
    tpu.vector_store %arg3[%swap3A_159], %squeeze3A_158 {strides = array<i32>} : memref<2572288xf32, #tpu.memory_space<vmem>>, vector<20096xf32>,
    %slice3A_161 = vector.extract_strided_slice %add3A_15 {offsets = [37, 0], sizes = [1, 20096], strides = [1, 1]} : vector<128x20096xf32> to vector<1x20096xf32>
    %squeeze3A_162 = vector.shape_cast %slice3A_161 : vector<1x20096xf32> to vector<20096xf32>
    %swap3A_163 = arith.constant 743552 : index
    %swap3A_164 = vector.load %arg3[%swap3A_163] : memref<2572288xf32, #tpu.memory_space<vmem>>, vector<20096xf32>
    tpu.vector_store %arg3[%swap3A_163], %squeeze3A_162 {strides = array<i32>} : memref<2572288xf32, #tpu.memory_space<vmem>>, vector<20096xf32>,
    %slice3A_165 = vector.extract_strided_slice %add3A_15 {offsets = [38, 0], sizes = [1, 20096], strides = [1, 1]} : vector<128x20096xf32> to vector<1x20096xf32>
    %squeeze3A_166 = vector.shape_cast %slice3A_165 : vector<1x20096xf32> to vector<20096xf32>
    %swap3A_167 = arith.constant 763648 : index
    %swap3A_168 = vector.load %arg3[%swap3A_167] : memref<2572288xf32, #tpu.memory_space<vmem>>, vector<20096xf32>
    tpu.vector_store %arg3[%swap3A_167], %squeeze3A_166 {strides = array<i32>} : memref<2572288xf32, #tpu.memory_space<vmem>>, vector<20096xf32>,
    %slice3A_169 = vector.extract_strided_slice %add3A_15 {offsets = [39, 0], sizes = [1, 20096], strides = [1, 1]} : vector<128x20096xf32> to vector<1x20096xf32>
    %squeeze3A_170 = vector.shape_cast %slice3A_169 : vector<1x20096xf32> to vector<20096xf32>
    %swap3A_171 = arith.constant 783744 : index
    %swap3A_172 = vector.load %arg3[%swap3A_171] : memref<2572288xf32, #tpu.memory_space<vmem>>, vector<20096xf32>
    tpu.vector_store %arg3[%swap3A_171], %squeeze3A_170 {strides = array<i32>} : memref<2572288xf32, #tpu.memory_space<vmem>>, vector<20096xf32>,
    %slice3A_173 = vector.extract_strided_slice %add3A_15 {offsets = [40, 0], sizes = [1, 20096], strides = [1, 1]} : vector<128x20096xf32> to vector<1x20096xf32>
    %squeeze3A_174 = vector.shape_cast %slice3A_173 : vector<1x20096xf32> to vector<20096xf32>
    %swap3A_175 = arith.constant 803840 : index
    %swap3A_176 = vector.load %arg3[%swap3A_175] : memref<2572288xf32, #tpu.memory_space<vmem>>, vector<20096xf32>
    tpu.vector_store %arg3[%swap3A_175], %squeeze3A_174 {strides = array<i32>} : memref<2572288xf32, #tpu.memory_space<vmem>>, vector<20096xf32>,
    %slice3A_177 = vector.extract_strided_slice %add3A_15 {offsets = [41, 0], sizes = [1, 20096], strides = [1, 1]} : vector<128x20096xf32> to vector<1x20096xf32>
    %squeeze3A_178 = vector.shape_cast %slice3A_177 : vector<1x20096xf32> to vector<20096xf32>
    %swap3A_179 = arith.constant 823936 : index
    %swap3A_180 = vector.load %arg3[%swap3A_179] : memref<2572288xf32, #tpu.memory_space<vmem>>, vector<20096xf32>
    tpu.vector_store %arg3[%swap3A_179], %squeeze3A_178 {strides = array<i32>} : memref<2572288xf32, #tpu.memory_space<vmem>>, vector<20096xf32>,
    %slice3A_181 = vector.extract_strided_slice %add3A_15 {offsets = [42, 0], sizes = [1, 20096], strides = [1, 1]} : vector<128x20096xf32> to vector<1x20096xf32>
    %squeeze3A_182 = vector.shape_cast %slice3A_181 : vector<1x20096xf32> to vector<20096xf32>
    %swap3A_183 = arith.constant 844032 : index
    %swap3A_184 = vector.load %arg3[%swap3A_183] : memref<2572288xf32, #tpu.memory_space<vmem>>, vector<20096xf32>
    tpu.vector_store %arg3[%swap3A_183], %squeeze3A_182 {strides = array<i32>} : memref<2572288xf32, #tpu.memory_space<vmem>>, vector<20096xf32>,
    %slice3A_185 = vector.extract_strided_slice %add3A_15 {offsets = [43, 0], sizes = [1, 20096], strides = [1, 1]} : vector<128x20096xf32> to vector<1x20096xf32>
    %squeeze3A_186 = vector.shape_cast %slice3A_185 : vector<1x20096xf32> to vector<20096xf32>
    %swap3A_187 = arith.constant 864128 : index
    %swap3A_188 = vector.load %arg3[%swap3A_187] : memref<2572288xf32, #tpu.memory_space<vmem>>, vector<20096xf32>
    tpu.vector_store %arg3[%swap3A_187], %squeeze3A_186 {strides = array<i32>} : memref<2572288xf32, #tpu.memory_space<vmem>>, vector<20096xf32>,
    %slice3A_189 = vector.extract_strided_slice %add3A_15 {offsets = [44, 0], sizes = [1, 20096], strides = [1, 1]} : vector<128x20096xf32> to vector<1x20096xf32>
    %squeeze3A_190 = vector.shape_cast %slice3A_189 : vector<1x20096xf32> to vector<20096xf32>
    %swap3A_191 = arith.constant 884224 : index
    %swap3A_192 = vector.load %arg3[%swap3A_191] : memref<2572288xf32, #tpu.memory_space<vmem>>, vector<20096xf32>
    tpu.vector_store %arg3[%swap3A_191], %squeeze3A_190 {strides = array<i32>} : memref<2572288xf32, #tpu.memory_space<vmem>>, vector<20096xf32>,
    %slice3A_193 = vector.extract_strided_slice %add3A_15 {offsets = [45, 0], sizes = [1, 20096], strides = [1, 1]} : vector<128x20096xf32> to vector<1x20096xf32>
    %squeeze3A_194 = vector.shape_cast %slice3A_193 : vector<1x20096xf32> to vector<20096xf32>
    %swap3A_195 = arith.constant 904320 : index
    %swap3A_196 = vector.load %arg3[%swap3A_195] : memref<2572288xf32, #tpu.memory_space<vmem>>, vector<20096xf32>
    tpu.vector_store %arg3[%swap3A_195], %squeeze3A_194 {strides = array<i32>} : memref<2572288xf32, #tpu.memory_space<vmem>>, vector<20096xf32>,
    %slice3A_197 = vector.extract_strided_slice %add3A_15 {offsets = [46, 0], sizes = [1, 20096], strides = [1, 1]} : vector<128x20096xf32> to vector<1x20096xf32>
    %squeeze3A_198 = vector.shape_cast %slice3A_197 : vector<1x20096xf32> to vector<20096xf32>
    %swap3A_199 = arith.constant 924416 : index
    %swap3A_200 = vector.load %arg3[%swap3A_199] : memref<2572288xf32, #tpu.memory_space<vmem>>, vector<20096xf32>
    tpu.vector_store %arg3[%swap3A_199], %squeeze3A_198 {strides = array<i32>} : memref<2572288xf32, #tpu.memory_space<vmem>>, vector<20096xf32>,
    %slice3A_201 = vector.extract_strided_slice %add3A_15 {offsets = [47, 0], sizes = [1, 20096], strides = [1, 1]} : vector<128x20096xf32> to vector<1x20096xf32>
    %squeeze3A_202 = vector.shape_cast %slice3A_201 : vector<1x20096xf32> to vector<20096xf32>
    %swap3A_203 = arith.constant 944512 : index
    %swap3A_204 = vector.load %arg3[%swap3A_203] : memref<2572288xf32, #tpu.memory_space<vmem>>, vector<20096xf32>
    tpu.vector_store %arg3[%swap3A_203], %squeeze3A_202 {strides = array<i32>} : memref<2572288xf32, #tpu.memory_space<vmem>>, vector<20096xf32>,
    %slice3A_205 = vector.extract_strided_slice %add3A_15 {offsets = [48, 0], sizes = [1, 20096], strides = [1, 1]} : vector<128x20096xf32> to vector<1x20096xf32>
    %squeeze3A_206 = vector.shape_cast %slice3A_205 : vector<1x20096xf32> to vector<20096xf32>
    %swap3A_207 = arith.constant 964608 : index
    %swap3A_208 = vector.load %arg3[%swap3A_207] : memref<2572288xf32, #tpu.memory_space<vmem>>, vector<20096xf32>
    tpu.vector_store %arg3[%swap3A_207], %squeeze3A_206 {strides = array<i32>} : memref<2572288xf32, #tpu.memory_space<vmem>>, vector<20096xf32>,
    %slice3A_209 = vector.extract_strided_slice %add3A_15 {offsets = [49, 0], sizes = [1, 20096], strides = [1, 1]} : vector<128x20096xf32> to vector<1x20096xf32>
    %squeeze3A_210 = vector.shape_cast %slice3A_209 : vector<1x20096xf32> to vector<20096xf32>
    %swap3A_211 = arith.constant 984704 : index
    %swap3A_212 = vector.load %arg3[%swap3A_211] : memref<2572288xf32, #tpu.memory_space<vmem>>, vector<20096xf32>
    tpu.vector_store %arg3[%swap3A_211], %squeeze3A_210 {strides = array<i32>} : memref<2572288xf32, #tpu.memory_space<vmem>>, vector<20096xf32>,
    %slice3A_213 = vector.extract_strided_slice %add3A_15 {offsets = [50, 0], sizes = [1, 20096], strides = [1, 1]} : vector<128x20096xf32> to vector<1x20096xf32>
    %squeeze3A_214 = vector.shape_cast %slice3A_213 : vector<1x20096xf32> to vector<20096xf32>
    %swap3A_215 = arith.constant 1004800 : index
    %swap3A_216 = vector.load %arg3[%swap3A_215] : memref<2572288xf32, #tpu.memory_space<vmem>>, vector<20096xf32>
    tpu.vector_store %arg3[%swap3A_215], %squeeze3A_214 {strides = array<i32>} : memref<2572288xf32, #tpu.memory_space<vmem>>, vector<20096xf32>,
    %slice3A_217 = vector.extract_strided_slice %add3A_15 {offsets = [51, 0], sizes = [1, 20096], strides = [1, 1]} : vector<128x20096xf32> to vector<1x20096xf32>
    %squeeze3A_218 = vector.shape_cast %slice3A_217 : vector<1x20096xf32> to vector<20096xf32>
    %swap3A_219 = arith.constant 1024896 : index
    %swap3A_220 = vector.load %arg3[%swap3A_219] : memref<2572288xf32, #tpu.memory_space<vmem>>, vector<20096xf32>
    tpu.vector_store %arg3[%swap3A_219], %squeeze3A_218 {strides = array<i32>} : memref<2572288xf32, #tpu.memory_space<vmem>>, vector<20096xf32>,
    %slice3A_221 = vector.extract_strided_slice %add3A_15 {offsets = [52, 0], sizes = [1, 20096], strides = [1, 1]} : vector<128x20096xf32> to vector<1x20096xf32>
    %squeeze3A_222 = vector.shape_cast %slice3A_221 : vector<1x20096xf32> to vector<20096xf32>
    %swap3A_223 = arith.constant 1044992 : index
    %swap3A_224 = vector.load %arg3[%swap3A_223] : memref<2572288xf32, #tpu.memory_space<vmem>>, vector<20096xf32>
    tpu.vector_store %arg3[%swap3A_223], %squeeze3A_222 {strides = array<i32>} : memref<2572288xf32, #tpu.memory_space<vmem>>, vector<20096xf32>,
    %slice3A_225 = vector.extract_strided_slice %add3A_15 {offsets = [53, 0], sizes = [1, 20096], strides = [1, 1]} : vector<128x20096xf32> to vector<1x20096xf32>
    %squeeze3A_226 = vector.shape_cast %slice3A_225 : vector<1x20096xf32> to vector<20096xf32>
    %swap3A_227 = arith.constant 1065088 : index
    %swap3A_228 = vector.load %arg3[%swap3A_227] : memref<2572288xf32, #tpu.memory_space<vmem>>, vector<20096xf32>
    tpu.vector_store %arg3[%swap3A_227], %squeeze3A_226 {strides = array<i32>} : memref<2572288xf32, #tpu.memory_space<vmem>>, vector<20096xf32>,
    %slice3A_229 = vector.extract_strided_slice %add3A_15 {offsets = [54, 0], sizes = [1, 20096], strides = [1, 1]} : vector<128x20096xf32> to vector<1x20096xf32>
    %squeeze3A_230 = vector.shape_cast %slice3A_229 : vector<1x20096xf32> to vector<20096xf32>
    %swap3A_231 = arith.constant 1085184 : index
    %swap3A_232 = vector.load %arg3[%swap3A_231] : memref<2572288xf32, #tpu.memory_space<vmem>>, vector<20096xf32>
    tpu.vector_store %arg3[%swap3A_231], %squeeze3A_230 {strides = array<i32>} : memref<2572288xf32, #tpu.memory_space<vmem>>, vector<20096xf32>,
    %slice3A_233 = vector.extract_strided_slice %add3A_15 {offsets = [55, 0], sizes = [1, 20096], strides = [1, 1]} : vector<128x20096xf32> to vector<1x20096xf32>
    %squeeze3A_234 = vector.shape_cast %slice3A_233 : vector<1x20096xf32> to vector<20096xf32>
    %swap3A_235 = arith.constant 1105280 : index
    %swap3A_236 = vector.load %arg3[%swap3A_235] : memref<2572288xf32, #tpu.memory_space<vmem>>, vector<20096xf32>
    tpu.vector_store %arg3[%swap3A_235], %squeeze3A_234 {strides = array<i32>} : memref<2572288xf32, #tpu.memory_space<vmem>>, vector<20096xf32>,
    %slice3A_237 = vector.extract_strided_slice %add3A_15 {offsets = [56, 0], sizes = [1, 20096], strides = [1, 1]} : vector<128x20096xf32> to vector<1x20096xf32>
    %squeeze3A_238 = vector.shape_cast %slice3A_237 : vector<1x20096xf32> to vector<20096xf32>
    %swap3A_239 = arith.constant 1125376 : index
    %swap3A_240 = vector.load %arg3[%swap3A_239] : memref<2572288xf32, #tpu.memory_space<vmem>>, vector<20096xf32>
    tpu.vector_store %arg3[%swap3A_239], %squeeze3A_238 {strides = array<i32>} : memref<2572288xf32, #tpu.memory_space<vmem>>, vector<20096xf32>,
    %slice3A_241 = vector.extract_strided_slice %add3A_15 {offsets = [57, 0], sizes = [1, 20096], strides = [1, 1]} : vector<128x20096xf32> to vector<1x20096xf32>
    %squeeze3A_242 = vector.shape_cast %slice3A_241 : vector<1x20096xf32> to vector<20096xf32>
    %swap3A_243 = arith.constant 1145472 : index
    %swap3A_244 = vector.load %arg3[%swap3A_243] : memref<2572288xf32, #tpu.memory_space<vmem>>, vector<20096xf32>
    tpu.vector_store %arg3[%swap3A_243], %squeeze3A_242 {strides = array<i32>} : memref<2572288xf32, #tpu.memory_space<vmem>>, vector<20096xf32>,
    %slice3A_245 = vector.extract_strided_slice %add3A_15 {offsets = [58, 0], sizes = [1, 20096], strides = [1, 1]} : vector<128x20096xf32> to vector<1x20096xf32>
    %squeeze3A_246 = vector.shape_cast %slice3A_245 : vector<1x20096xf32> to vector<20096xf32>
    %swap3A_247 = arith.constant 1165568 : index
    %swap3A_248 = vector.load %arg3[%swap3A_247] : memref<2572288xf32, #tpu.memory_space<vmem>>, vector<20096xf32>
    tpu.vector_store %arg3[%swap3A_247], %squeeze3A_246 {strides = array<i32>} : memref<2572288xf32, #tpu.memory_space<vmem>>, vector<20096xf32>,
    %slice3A_249 = vector.extract_strided_slice %add3A_15 {offsets = [59, 0], sizes = [1, 20096], strides = [1, 1]} : vector<128x20096xf32> to vector<1x20096xf32>
    %squeeze3A_250 = vector.shape_cast %slice3A_249 : vector<1x20096xf32> to vector<20096xf32>
    %swap3A_251 = arith.constant 1185664 : index
    %swap3A_252 = vector.load %arg3[%swap3A_251] : memref<2572288xf32, #tpu.memory_space<vmem>>, vector<20096xf32>
    tpu.vector_store %arg3[%swap3A_251], %squeeze3A_250 {strides = array<i32>} : memref<2572288xf32, #tpu.memory_space<vmem>>, vector<20096xf32>,
    %slice3A_253 = vector.extract_strided_slice %add3A_15 {offsets = [60, 0], sizes = [1, 20096], strides = [1, 1]} : vector<128x20096xf32> to vector<1x20096xf32>
    %squeeze3A_254 = vector.shape_cast %slice3A_253 : vector<1x20096xf32> to vector<20096xf32>
    %swap3A_255 = arith.constant 1205760 : index
    %swap3A_256 = vector.load %arg3[%swap3A_255] : memref<2572288xf32, #tpu.memory_space<vmem>>, vector<20096xf32>
    tpu.vector_store %arg3[%swap3A_255], %squeeze3A_254 {strides = array<i32>} : memref<2572288xf32, #tpu.memory_space<vmem>>, vector<20096xf32>,
    %slice3A_257 = vector.extract_strided_slice %add3A_15 {offsets = [61, 0], sizes = [1, 20096], strides = [1, 1]} : vector<128x20096xf32> to vector<1x20096xf32>
    %squeeze3A_258 = vector.shape_cast %slice3A_257 : vector<1x20096xf32> to vector<20096xf32>
    %swap3A_259 = arith.constant 1225856 : index
    %swap3A_260 = vector.load %arg3[%swap3A_259] : memref<2572288xf32, #tpu.memory_space<vmem>>, vector<20096xf32>
    tpu.vector_store %arg3[%swap3A_259], %squeeze3A_258 {strides = array<i32>} : memref<2572288xf32, #tpu.memory_space<vmem>>, vector<20096xf32>,
    %slice3A_261 = vector.extract_strided_slice %add3A_15 {offsets = [62, 0], sizes = [1, 20096], strides = [1, 1]} : vector<128x20096xf32> to vector<1x20096xf32>
    %squeeze3A_262 = vector.shape_cast %slice3A_261 : vector<1x20096xf32> to vector<20096xf32>
    %swap3A_263 = arith.constant 1245952 : index
    %swap3A_264 = vector.load %arg3[%swap3A_263] : memref<2572288xf32, #tpu.memory_space<vmem>>, vector<20096xf32>
    tpu.vector_store %arg3[%swap3A_263], %squeeze3A_262 {strides = array<i32>} : memref<2572288xf32, #tpu.memory_space<vmem>>, vector<20096xf32>,
    %slice3A_265 = vector.extract_strided_slice %add3A_15 {offsets = [63, 0], sizes = [1, 20096], strides = [1, 1]} : vector<128x20096xf32> to vector<1x20096xf32>
    %squeeze3A_266 = vector.shape_cast %slice3A_265 : vector<1x20096xf32> to vector<20096xf32>
    %swap3A_267 = arith.constant 1266048 : index
    %swap3A_268 = vector.load %arg3[%swap3A_267] : memref<2572288xf32, #tpu.memory_space<vmem>>, vector<20096xf32>
    tpu.vector_store %arg3[%swap3A_267], %squeeze3A_266 {strides = array<i32>} : memref<2572288xf32, #tpu.memory_space<vmem>>, vector<20096xf32>,
    %slice3A_269 = vector.extract_strided_slice %add3A_15 {offsets = [64, 0], sizes = [1, 20096], strides = [1, 1]} : vector<128x20096xf32> to vector<1x20096xf32>
    %squeeze3A_270 = vector.shape_cast %slice3A_269 : vector<1x20096xf32> to vector<20096xf32>
    %swap3A_271 = arith.constant 1286144 : index
    %swap3A_272 = vector.load %arg3[%swap3A_271] : memref<2572288xf32, #tpu.memory_space<vmem>>, vector<20096xf32>
    tpu.vector_store %arg3[%swap3A_271], %squeeze3A_270 {strides = array<i32>} : memref<2572288xf32, #tpu.memory_space<vmem>>, vector<20096xf32>,
    %slice3A_273 = vector.extract_strided_slice %add3A_15 {offsets = [65, 0], sizes = [1, 20096], strides = [1, 1]} : vector<128x20096xf32> to vector<1x20096xf32>
    %squeeze3A_274 = vector.shape_cast %slice3A_273 : vector<1x20096xf32> to vector<20096xf32>
    %swap3A_275 = arith.constant 1306240 : index
    %swap3A_276 = vector.load %arg3[%swap3A_275] : memref<2572288xf32, #tpu.memory_space<vmem>>, vector<20096xf32>
    tpu.vector_store %arg3[%swap3A_275], %squeeze3A_274 {strides = array<i32>} : memref<2572288xf32, #tpu.memory_space<vmem>>, vector<20096xf32>,
    %slice3A_277 = vector.extract_strided_slice %add3A_15 {offsets = [66, 0], sizes = [1, 20096], strides = [1, 1]} : vector<128x20096xf32> to vector<1x20096xf32>
    %squeeze3A_278 = vector.shape_cast %slice3A_277 : vector<1x20096xf32> to vector<20096xf32>
    %swap3A_279 = arith.constant 1326336 : index
    %swap3A_280 = vector.load %arg3[%swap3A_279] : memref<2572288xf32, #tpu.memory_space<vmem>>, vector<20096xf32>
    tpu.vector_store %arg3[%swap3A_279], %squeeze3A_278 {strides = array<i32>} : memref<2572288xf32, #tpu.memory_space<vmem>>, vector<20096xf32>,
    %slice3A_281 = vector.extract_strided_slice %add3A_15 {offsets = [67, 0], sizes = [1, 20096], strides = [1, 1]} : vector<128x20096xf32> to vector<1x20096xf32>
    %squeeze3A_282 = vector.shape_cast %slice3A_281 : vector<1x20096xf32> to vector<20096xf32>
    %swap3A_283 = arith.constant 1346432 : index
    %swap3A_284 = vector.load %arg3[%swap3A_283] : memref<2572288xf32, #tpu.memory_space<vmem>>, vector<20096xf32>
    tpu.vector_store %arg3[%swap3A_283], %squeeze3A_282 {strides = array<i32>} : memref<2572288xf32, #tpu.memory_space<vmem>>, vector<20096xf32>,
    %slice3A_285 = vector.extract_strided_slice %add3A_15 {offsets = [68, 0], sizes = [1, 20096], strides = [1, 1]} : vector<128x20096xf32> to vector<1x20096xf32>
    %squeeze3A_286 = vector.shape_cast %slice3A_285 : vector<1x20096xf32> to vector<20096xf32>
    %swap3A_287 = arith.constant 1366528 : index
    %swap3A_288 = vector.load %arg3[%swap3A_287] : memref<2572288xf32, #tpu.memory_space<vmem>>, vector<20096xf32>
    tpu.vector_store %arg3[%swap3A_287], %squeeze3A_286 {strides = array<i32>} : memref<2572288xf32, #tpu.memory_space<vmem>>, vector<20096xf32>,
    %slice3A_289 = vector.extract_strided_slice %add3A_15 {offsets = [69, 0], sizes = [1, 20096], strides = [1, 1]} : vector<128x20096xf32> to vector<1x20096xf32>
    %squeeze3A_290 = vector.shape_cast %slice3A_289 : vector<1x20096xf32> to vector<20096xf32>
    %swap3A_291 = arith.constant 1386624 : index
    %swap3A_292 = vector.load %arg3[%swap3A_291] : memref<2572288xf32, #tpu.memory_space<vmem>>, vector<20096xf32>
    tpu.vector_store %arg3[%swap3A_291], %squeeze3A_290 {strides = array<i32>} : memref<2572288xf32, #tpu.memory_space<vmem>>, vector<20096xf32>,
    %slice3A_293 = vector.extract_strided_slice %add3A_15 {offsets = [70, 0], sizes = [1, 20096], strides = [1, 1]} : vector<128x20096xf32> to vector<1x20096xf32>
    %squeeze3A_294 = vector.shape_cast %slice3A_293 : vector<1x20096xf32> to vector<20096xf32>
    %swap3A_295 = arith.constant 1406720 : index
    %swap3A_296 = vector.load %arg3[%swap3A_295] : memref<2572288xf32, #tpu.memory_space<vmem>>, vector<20096xf32>
    tpu.vector_store %arg3[%swap3A_295], %squeeze3A_294 {strides = array<i32>} : memref<2572288xf32, #tpu.memory_space<vmem>>, vector<20096xf32>,
    %slice3A_297 = vector.extract_strided_slice %add3A_15 {offsets = [71, 0], sizes = [1, 20096], strides = [1, 1]} : vector<128x20096xf32> to vector<1x20096xf32>
    %squeeze3A_298 = vector.shape_cast %slice3A_297 : vector<1x20096xf32> to vector<20096xf32>
    %swap3A_299 = arith.constant 1426816 : index
    %swap3A_300 = vector.load %arg3[%swap3A_299] : memref<2572288xf32, #tpu.memory_space<vmem>>, vector<20096xf32>
    tpu.vector_store %arg3[%swap3A_299], %squeeze3A_298 {strides = array<i32>} : memref<2572288xf32, #tpu.memory_space<vmem>>, vector<20096xf32>,
    %slice3A_301 = vector.extract_strided_slice %add3A_15 {offsets = [72, 0], sizes = [1, 20096], strides = [1, 1]} : vector<128x20096xf32> to vector<1x20096xf32>
    %squeeze3A_302 = vector.shape_cast %slice3A_301 : vector<1x20096xf32> to vector<20096xf32>
    %swap3A_303 = arith.constant 1446912 : index
    %swap3A_304 = vector.load %arg3[%swap3A_303] : memref<2572288xf32, #tpu.memory_space<vmem>>, vector<20096xf32>
    tpu.vector_store %arg3[%swap3A_303], %squeeze3A_302 {strides = array<i32>} : memref<2572288xf32, #tpu.memory_space<vmem>>, vector<20096xf32>,
    %slice3A_305 = vector.extract_strided_slice %add3A_15 {offsets = [73, 0], sizes = [1, 20096], strides = [1, 1]} : vector<128x20096xf32> to vector<1x20096xf32>
    %squeeze3A_306 = vector.shape_cast %slice3A_305 : vector<1x20096xf32> to vector<20096xf32>
    %swap3A_307 = arith.constant 1467008 : index
    %swap3A_308 = vector.load %arg3[%swap3A_307] : memref<2572288xf32, #tpu.memory_space<vmem>>, vector<20096xf32>
    tpu.vector_store %arg3[%swap3A_307], %squeeze3A_306 {strides = array<i32>} : memref<2572288xf32, #tpu.memory_space<vmem>>, vector<20096xf32>,
    %slice3A_309 = vector.extract_strided_slice %add3A_15 {offsets = [74, 0], sizes = [1, 20096], strides = [1, 1]} : vector<128x20096xf32> to vector<1x20096xf32>
    %squeeze3A_310 = vector.shape_cast %slice3A_309 : vector<1x20096xf32> to vector<20096xf32>
    %swap3A_311 = arith.constant 1487104 : index
    %swap3A_312 = vector.load %arg3[%swap3A_311] : memref<2572288xf32, #tpu.memory_space<vmem>>, vector<20096xf32>
    tpu.vector_store %arg3[%swap3A_311], %squeeze3A_310 {strides = array<i32>} : memref<2572288xf32, #tpu.memory_space<vmem>>, vector<20096xf32>,
    %slice3A_313 = vector.extract_strided_slice %add3A_15 {offsets = [75, 0], sizes = [1, 20096], strides = [1, 1]} : vector<128x20096xf32> to vector<1x20096xf32>
    %squeeze3A_314 = vector.shape_cast %slice3A_313 : vector<1x20096xf32> to vector<20096xf32>
    %swap3A_315 = arith.constant 1507200 : index
    %swap3A_316 = vector.load %arg3[%swap3A_315] : memref<2572288xf32, #tpu.memory_space<vmem>>, vector<20096xf32>
    tpu.vector_store %arg3[%swap3A_315], %squeeze3A_314 {strides = array<i32>} : memref<2572288xf32, #tpu.memory_space<vmem>>, vector<20096xf32>,
    %slice3A_317 = vector.extract_strided_slice %add3A_15 {offsets = [76, 0], sizes = [1, 20096], strides = [1, 1]} : vector<128x20096xf32> to vector<1x20096xf32>
    %squeeze3A_318 = vector.shape_cast %slice3A_317 : vector<1x20096xf32> to vector<20096xf32>
    %swap3A_319 = arith.constant 1527296 : index
    %swap3A_320 = vector.load %arg3[%swap3A_319] : memref<2572288xf32, #tpu.memory_space<vmem>>, vector<20096xf32>
    tpu.vector_store %arg3[%swap3A_319], %squeeze3A_318 {strides = array<i32>} : memref<2572288xf32, #tpu.memory_space<vmem>>, vector<20096xf32>,
    %slice3A_321 = vector.extract_strided_slice %add3A_15 {offsets = [77, 0], sizes = [1, 20096], strides = [1, 1]} : vector<128x20096xf32> to vector<1x20096xf32>
    %squeeze3A_322 = vector.shape_cast %slice3A_321 : vector<1x20096xf32> to vector<20096xf32>
    %swap3A_323 = arith.constant 1547392 : index
    %swap3A_324 = vector.load %arg3[%swap3A_323] : memref<2572288xf32, #tpu.memory_space<vmem>>, vector<20096xf32>
    tpu.vector_store %arg3[%swap3A_323], %squeeze3A_322 {strides = array<i32>} : memref<2572288xf32, #tpu.memory_space<vmem>>, vector<20096xf32>,
    %slice3A_325 = vector.extract_strided_slice %add3A_15 {offsets = [78, 0], sizes = [1, 20096], strides = [1, 1]} : vector<128x20096xf32> to vector<1x20096xf32>
    %squeeze3A_326 = vector.shape_cast %slice3A_325 : vector<1x20096xf32> to vector<20096xf32>
    %swap3A_327 = arith.constant 1567488 : index
    %swap3A_328 = vector.load %arg3[%swap3A_327] : memref<2572288xf32, #tpu.memory_space<vmem>>, vector<20096xf32>
    tpu.vector_store %arg3[%swap3A_327], %squeeze3A_326 {strides = array<i32>} : memref<2572288xf32, #tpu.memory_space<vmem>>, vector<20096xf32>,
    %slice3A_329 = vector.extract_strided_slice %add3A_15 {offsets = [79, 0], sizes = [1, 20096], strides = [1, 1]} : vector<128x20096xf32> to vector<1x20096xf32>
    %squeeze3A_330 = vector.shape_cast %slice3A_329 : vector<1x20096xf32> to vector<20096xf32>
    %swap3A_331 = arith.constant 1587584 : index
    %swap3A_332 = vector.load %arg3[%swap3A_331] : memref<2572288xf32, #tpu.memory_space<vmem>>, vector<20096xf32>
    tpu.vector_store %arg3[%swap3A_331], %squeeze3A_330 {strides = array<i32>} : memref<2572288xf32, #tpu.memory_space<vmem>>, vector<20096xf32>,
    %slice3A_333 = vector.extract_strided_slice %add3A_15 {offsets = [80, 0], sizes = [1, 20096], strides = [1, 1]} : vector<128x20096xf32> to vector<1x20096xf32>
    %squeeze3A_334 = vector.shape_cast %slice3A_333 : vector<1x20096xf32> to vector<20096xf32>
    %swap3A_335 = arith.constant 1607680 : index
    %swap3A_336 = vector.load %arg3[%swap3A_335] : memref<2572288xf32, #tpu.memory_space<vmem>>, vector<20096xf32>
    tpu.vector_store %arg3[%swap3A_335], %squeeze3A_334 {strides = array<i32>} : memref<2572288xf32, #tpu.memory_space<vmem>>, vector<20096xf32>,
    %slice3A_337 = vector.extract_strided_slice %add3A_15 {offsets = [81, 0], sizes = [1, 20096], strides = [1, 1]} : vector<128x20096xf32> to vector<1x20096xf32>
    %squeeze3A_338 = vector.shape_cast %slice3A_337 : vector<1x20096xf32> to vector<20096xf32>
    %swap3A_339 = arith.constant 1627776 : index
    %swap3A_340 = vector.load %arg3[%swap3A_339] : memref<2572288xf32, #tpu.memory_space<vmem>>, vector<20096xf32>
    tpu.vector_store %arg3[%swap3A_339], %squeeze3A_338 {strides = array<i32>} : memref<2572288xf32, #tpu.memory_space<vmem>>, vector<20096xf32>,
    %slice3A_341 = vector.extract_strided_slice %add3A_15 {offsets = [82, 0], sizes = [1, 20096], strides = [1, 1]} : vector<128x20096xf32> to vector<1x20096xf32>
    %squeeze3A_342 = vector.shape_cast %slice3A_341 : vector<1x20096xf32> to vector<20096xf32>
    %swap3A_343 = arith.constant 1647872 : index
    %swap3A_344 = vector.load %arg3[%swap3A_343] : memref<2572288xf32, #tpu.memory_space<vmem>>, vector<20096xf32>
    tpu.vector_store %arg3[%swap3A_343], %squeeze3A_342 {strides = array<i32>} : memref<2572288xf32, #tpu.memory_space<vmem>>, vector<20096xf32>,
    %slice3A_345 = vector.extract_strided_slice %add3A_15 {offsets = [83, 0], sizes = [1, 20096], strides = [1, 1]} : vector<128x20096xf32> to vector<1x20096xf32>
    %squeeze3A_346 = vector.shape_cast %slice3A_345 : vector<1x20096xf32> to vector<20096xf32>
    %swap3A_347 = arith.constant 1667968 : index
    %swap3A_348 = vector.load %arg3[%swap3A_347] : memref<2572288xf32, #tpu.memory_space<vmem>>, vector<20096xf32>
    tpu.vector_store %arg3[%swap3A_347], %squeeze3A_346 {strides = array<i32>} : memref<2572288xf32, #tpu.memory_space<vmem>>, vector<20096xf32>,
    %slice3A_349 = vector.extract_strided_slice %add3A_15 {offsets = [84, 0], sizes = [1, 20096], strides = [1, 1]} : vector<128x20096xf32> to vector<1x20096xf32>
    %squeeze3A_350 = vector.shape_cast %slice3A_349 : vector<1x20096xf32> to vector<20096xf32>
    %swap3A_351 = arith.constant 1688064 : index
    %swap3A_352 = vector.load %arg3[%swap3A_351] : memref<2572288xf32, #tpu.memory_space<vmem>>, vector<20096xf32>
    tpu.vector_store %arg3[%swap3A_351], %squeeze3A_350 {strides = array<i32>} : memref<2572288xf32, #tpu.memory_space<vmem>>, vector<20096xf32>,
    %slice3A_353 = vector.extract_strided_slice %add3A_15 {offsets = [85, 0], sizes = [1, 20096], strides = [1, 1]} : vector<128x20096xf32> to vector<1x20096xf32>
    %squeeze3A_354 = vector.shape_cast %slice3A_353 : vector<1x20096xf32> to vector<20096xf32>
    %swap3A_355 = arith.constant 1708160 : index
    %swap3A_356 = vector.load %arg3[%swap3A_355] : memref<2572288xf32, #tpu.memory_space<vmem>>, vector<20096xf32>
    tpu.vector_store %arg3[%swap3A_355], %squeeze3A_354 {strides = array<i32>} : memref<2572288xf32, #tpu.memory_space<vmem>>, vector<20096xf32>,
    %slice3A_357 = vector.extract_strided_slice %add3A_15 {offsets = [86, 0], sizes = [1, 20096], strides = [1, 1]} : vector<128x20096xf32> to vector<1x20096xf32>
    %squeeze3A_358 = vector.shape_cast %slice3A_357 : vector<1x20096xf32> to vector<20096xf32>
    %swap3A_359 = arith.constant 1728256 : index
    %swap3A_360 = vector.load %arg3[%swap3A_359] : memref<2572288xf32, #tpu.memory_space<vmem>>, vector<20096xf32>
    tpu.vector_store %arg3[%swap3A_359], %squeeze3A_358 {strides = array<i32>} : memref<2572288xf32, #tpu.memory_space<vmem>>, vector<20096xf32>,
    %slice3A_361 = vector.extract_strided_slice %add3A_15 {offsets = [87, 0], sizes = [1, 20096], strides = [1, 1]} : vector<128x20096xf32> to vector<1x20096xf32>
    %squeeze3A_362 = vector.shape_cast %slice3A_361 : vector<1x20096xf32> to vector<20096xf32>
    %swap3A_363 = arith.constant 1748352 : index
    %swap3A_364 = vector.load %arg3[%swap3A_363] : memref<2572288xf32, #tpu.memory_space<vmem>>, vector<20096xf32>
    tpu.vector_store %arg3[%swap3A_363], %squeeze3A_362 {strides = array<i32>} : memref<2572288xf32, #tpu.memory_space<vmem>>, vector<20096xf32>,
    %slice3A_365 = vector.extract_strided_slice %add3A_15 {offsets = [88, 0], sizes = [1, 20096], strides = [1, 1]} : vector<128x20096xf32> to vector<1x20096xf32>
    %squeeze3A_366 = vector.shape_cast %slice3A_365 : vector<1x20096xf32> to vector<20096xf32>
    %swap3A_367 = arith.constant 1768448 : index
    %swap3A_368 = vector.load %arg3[%swap3A_367] : memref<2572288xf32, #tpu.memory_space<vmem>>, vector<20096xf32>
    tpu.vector_store %arg3[%swap3A_367], %squeeze3A_366 {strides = array<i32>} : memref<2572288xf32, #tpu.memory_space<vmem>>, vector<20096xf32>,
    %slice3A_369 = vector.extract_strided_slice %add3A_15 {offsets = [89, 0], sizes = [1, 20096], strides = [1, 1]} : vector<128x20096xf32> to vector<1x20096xf32>
    %squeeze3A_370 = vector.shape_cast %slice3A_369 : vector<1x20096xf32> to vector<20096xf32>
    %swap3A_371 = arith.constant 1788544 : index
    %swap3A_372 = vector.load %arg3[%swap3A_371] : memref<2572288xf32, #tpu.memory_space<vmem>>, vector<20096xf32>
    tpu.vector_store %arg3[%swap3A_371], %squeeze3A_370 {strides = array<i32>} : memref<2572288xf32, #tpu.memory_space<vmem>>, vector<20096xf32>,
    %slice3A_373 = vector.extract_strided_slice %add3A_15 {offsets = [90, 0], sizes = [1, 20096], strides = [1, 1]} : vector<128x20096xf32> to vector<1x20096xf32>
    %squeeze3A_374 = vector.shape_cast %slice3A_373 : vector<1x20096xf32> to vector<20096xf32>
    %swap3A_375 = arith.constant 1808640 : index
    %swap3A_376 = vector.load %arg3[%swap3A_375] : memref<2572288xf32, #tpu.memory_space<vmem>>, vector<20096xf32>
    tpu.vector_store %arg3[%swap3A_375], %squeeze3A_374 {strides = array<i32>} : memref<2572288xf32, #tpu.memory_space<vmem>>, vector<20096xf32>,
    %slice3A_377 = vector.extract_strided_slice %add3A_15 {offsets = [91, 0], sizes = [1, 20096], strides = [1, 1]} : vector<128x20096xf32> to vector<1x20096xf32>
    %squeeze3A_378 = vector.shape_cast %slice3A_377 : vector<1x20096xf32> to vector<20096xf32>
    %swap3A_379 = arith.constant 1828736 : index
    %swap3A_380 = vector.load %arg3[%swap3A_379] : memref<2572288xf32, #tpu.memory_space<vmem>>, vector<20096xf32>
    tpu.vector_store %arg3[%swap3A_379], %squeeze3A_378 {strides = array<i32>} : memref<2572288xf32, #tpu.memory_space<vmem>>, vector<20096xf32>,
    %slice3A_381 = vector.extract_strided_slice %add3A_15 {offsets = [92, 0], sizes = [1, 20096], strides = [1, 1]} : vector<128x20096xf32> to vector<1x20096xf32>
    %squeeze3A_382 = vector.shape_cast %slice3A_381 : vector<1x20096xf32> to vector<20096xf32>
    %swap3A_383 = arith.constant 1848832 : index
    %swap3A_384 = vector.load %arg3[%swap3A_383] : memref<2572288xf32, #tpu.memory_space<vmem>>, vector<20096xf32>
    tpu.vector_store %arg3[%swap3A_383], %squeeze3A_382 {strides = array<i32>} : memref<2572288xf32, #tpu.memory_space<vmem>>, vector<20096xf32>,
    %slice3A_385 = vector.extract_strided_slice %add3A_15 {offsets = [93, 0], sizes = [1, 20096], strides = [1, 1]} : vector<128x20096xf32> to vector<1x20096xf32>
    %squeeze3A_386 = vector.shape_cast %slice3A_385 : vector<1x20096xf32> to vector<20096xf32>
    %swap3A_387 = arith.constant 1868928 : index
    %swap3A_388 = vector.load %arg3[%swap3A_387] : memref<2572288xf32, #tpu.memory_space<vmem>>, vector<20096xf32>
    tpu.vector_store %arg3[%swap3A_387], %squeeze3A_386 {strides = array<i32>} : memref<2572288xf32, #tpu.memory_space<vmem>>, vector<20096xf32>,
    %slice3A_389 = vector.extract_strided_slice %add3A_15 {offsets = [94, 0], sizes = [1, 20096], strides = [1, 1]} : vector<128x20096xf32> to vector<1x20096xf32>
    %squeeze3A_390 = vector.shape_cast %slice3A_389 : vector<1x20096xf32> to vector<20096xf32>
    %swap3A_391 = arith.constant 1889024 : index
    %swap3A_392 = vector.load %arg3[%swap3A_391] : memref<2572288xf32, #tpu.memory_space<vmem>>, vector<20096xf32>
    tpu.vector_store %arg3[%swap3A_391], %squeeze3A_390 {strides = array<i32>} : memref<2572288xf32, #tpu.memory_space<vmem>>, vector<20096xf32>,
    %slice3A_393 = vector.extract_strided_slice %add3A_15 {offsets = [95, 0], sizes = [1, 20096], strides = [1, 1]} : vector<128x20096xf32> to vector<1x20096xf32>
    %squeeze3A_394 = vector.shape_cast %slice3A_393 : vector<1x20096xf32> to vector<20096xf32>
    %swap3A_395 = arith.constant 1909120 : index
    %swap3A_396 = vector.load %arg3[%swap3A_395] : memref<2572288xf32, #tpu.memory_space<vmem>>, vector<20096xf32>
    tpu.vector_store %arg3[%swap3A_395], %squeeze3A_394 {strides = array<i32>} : memref<2572288xf32, #tpu.memory_space<vmem>>, vector<20096xf32>,
    %slice3A_397 = vector.extract_strided_slice %add3A_15 {offsets = [96, 0], sizes = [1, 20096], strides = [1, 1]} : vector<128x20096xf32> to vector<1x20096xf32>
    %squeeze3A_398 = vector.shape_cast %slice3A_397 : vector<1x20096xf32> to vector<20096xf32>
    %swap3A_399 = arith.constant 1929216 : index
    %swap3A_400 = vector.load %arg3[%swap3A_399] : memref<2572288xf32, #tpu.memory_space<vmem>>, vector<20096xf32>
    tpu.vector_store %arg3[%swap3A_399], %squeeze3A_398 {strides = array<i32>} : memref<2572288xf32, #tpu.memory_space<vmem>>, vector<20096xf32>,
    %slice3A_401 = vector.extract_strided_slice %add3A_15 {offsets = [97, 0], sizes = [1, 20096], strides = [1, 1]} : vector<128x20096xf32> to vector<1x20096xf32>
    %squeeze3A_402 = vector.shape_cast %slice3A_401 : vector<1x20096xf32> to vector<20096xf32>
    %swap3A_403 = arith.constant 1949312 : index
    %swap3A_404 = vector.load %arg3[%swap3A_403] : memref<2572288xf32, #tpu.memory_space<vmem>>, vector<20096xf32>
    tpu.vector_store %arg3[%swap3A_403], %squeeze3A_402 {strides = array<i32>} : memref<2572288xf32, #tpu.memory_space<vmem>>, vector<20096xf32>,
    %slice3A_405 = vector.extract_strided_slice %add3A_15 {offsets = [98, 0], sizes = [1, 20096], strides = [1, 1]} : vector<128x20096xf32> to vector<1x20096xf32>
    %squeeze3A_406 = vector.shape_cast %slice3A_405 : vector<1x20096xf32> to vector<20096xf32>
    %swap3A_407 = arith.constant 1969408 : index
    %swap3A_408 = vector.load %arg3[%swap3A_407] : memref<2572288xf32, #tpu.memory_space<vmem>>, vector<20096xf32>
    tpu.vector_store %arg3[%swap3A_407], %squeeze3A_406 {strides = array<i32>} : memref<2572288xf32, #tpu.memory_space<vmem>>, vector<20096xf32>,
    %slice3A_409 = vector.extract_strided_slice %add3A_15 {offsets = [99, 0], sizes = [1, 20096], strides = [1, 1]} : vector<128x20096xf32> to vector<1x20096xf32>
    %squeeze3A_410 = vector.shape_cast %slice3A_409 : vector<1x20096xf32> to vector<20096xf32>
    %swap3A_411 = arith.constant 1989504 : index
    %swap3A_412 = vector.load %arg3[%swap3A_411] : memref<2572288xf32, #tpu.memory_space<vmem>>, vector<20096xf32>
    tpu.vector_store %arg3[%swap3A_411], %squeeze3A_410 {strides = array<i32>} : memref<2572288xf32, #tpu.memory_space<vmem>>, vector<20096xf32>,
    %slice3A_413 = vector.extract_strided_slice %add3A_15 {offsets = [100, 0], sizes = [1, 20096], strides = [1, 1]} : vector<128x20096xf32> to vector<1x20096xf32>
    %squeeze3A_414 = vector.shape_cast %slice3A_413 : vector<1x20096xf32> to vector<20096xf32>
    %swap3A_415 = arith.constant 2009600 : index
    %swap3A_416 = vector.load %arg3[%swap3A_415] : memref<2572288xf32, #tpu.memory_space<vmem>>, vector<20096xf32>
    tpu.vector_store %arg3[%swap3A_415], %squeeze3A_414 {strides = array<i32>} : memref<2572288xf32, #tpu.memory_space<vmem>>, vector<20096xf32>,
    %slice3A_417 = vector.extract_strided_slice %add3A_15 {offsets = [101, 0], sizes = [1, 20096], strides = [1, 1]} : vector<128x20096xf32> to vector<1x20096xf32>
    %squeeze3A_418 = vector.shape_cast %slice3A_417 : vector<1x20096xf32> to vector<20096xf32>
    %swap3A_419 = arith.constant 2029696 : index
    %swap3A_420 = vector.load %arg3[%swap3A_419] : memref<2572288xf32, #tpu.memory_space<vmem>>, vector<20096xf32>
    tpu.vector_store %arg3[%swap3A_419], %squeeze3A_418 {strides = array<i32>} : memref<2572288xf32, #tpu.memory_space<vmem>>, vector<20096xf32>,
    %slice3A_421 = vector.extract_strided_slice %add3A_15 {offsets = [102, 0], sizes = [1, 20096], strides = [1, 1]} : vector<128x20096xf32> to vector<1x20096xf32>
    %squeeze3A_422 = vector.shape_cast %slice3A_421 : vector<1x20096xf32> to vector<20096xf32>
    %swap3A_423 = arith.constant 2049792 : index
    %swap3A_424 = vector.load %arg3[%swap3A_423] : memref<2572288xf32, #tpu.memory_space<vmem>>, vector<20096xf32>
    tpu.vector_store %arg3[%swap3A_423], %squeeze3A_422 {strides = array<i32>} : memref<2572288xf32, #tpu.memory_space<vmem>>, vector<20096xf32>,
    %slice3A_425 = vector.extract_strided_slice %add3A_15 {offsets = [103, 0], sizes = [1, 20096], strides = [1, 1]} : vector<128x20096xf32> to vector<1x20096xf32>
    %squeeze3A_426 = vector.shape_cast %slice3A_425 : vector<1x20096xf32> to vector<20096xf32>
    %swap3A_427 = arith.constant 2069888 : index
    %swap3A_428 = vector.load %arg3[%swap3A_427] : memref<2572288xf32, #tpu.memory_space<vmem>>, vector<20096xf32>
    tpu.vector_store %arg3[%swap3A_427], %squeeze3A_426 {strides = array<i32>} : memref<2572288xf32, #tpu.memory_space<vmem>>, vector<20096xf32>,
    %slice3A_429 = vector.extract_strided_slice %add3A_15 {offsets = [104, 0], sizes = [1, 20096], strides = [1, 1]} : vector<128x20096xf32> to vector<1x20096xf32>
    %squeeze3A_430 = vector.shape_cast %slice3A_429 : vector<1x20096xf32> to vector<20096xf32>
    %swap3A_431 = arith.constant 2089984 : index
    %swap3A_432 = vector.load %arg3[%swap3A_431] : memref<2572288xf32, #tpu.memory_space<vmem>>, vector<20096xf32>
    tpu.vector_store %arg3[%swap3A_431], %squeeze3A_430 {strides = array<i32>} : memref<2572288xf32, #tpu.memory_space<vmem>>, vector<20096xf32>,
    %slice3A_433 = vector.extract_strided_slice %add3A_15 {offsets = [105, 0], sizes = [1, 20096], strides = [1, 1]} : vector<128x20096xf32> to vector<1x20096xf32>
    %squeeze3A_434 = vector.shape_cast %slice3A_433 : vector<1x20096xf32> to vector<20096xf32>
    %swap3A_435 = arith.constant 2110080 : index
    %swap3A_436 = vector.load %arg3[%swap3A_435] : memref<2572288xf32, #tpu.memory_space<vmem>>, vector<20096xf32>
    tpu.vector_store %arg3[%swap3A_435], %squeeze3A_434 {strides = array<i32>} : memref<2572288xf32, #tpu.memory_space<vmem>>, vector<20096xf32>,
    %slice3A_437 = vector.extract_strided_slice %add3A_15 {offsets = [106, 0], sizes = [1, 20096], strides = [1, 1]} : vector<128x20096xf32> to vector<1x20096xf32>
    %squeeze3A_438 = vector.shape_cast %slice3A_437 : vector<1x20096xf32> to vector<20096xf32>
    %swap3A_439 = arith.constant 2130176 : index
    %swap3A_440 = vector.load %arg3[%swap3A_439] : memref<2572288xf32, #tpu.memory_space<vmem>>, vector<20096xf32>
    tpu.vector_store %arg3[%swap3A_439], %squeeze3A_438 {strides = array<i32>} : memref<2572288xf32, #tpu.memory_space<vmem>>, vector<20096xf32>,
    %slice3A_441 = vector.extract_strided_slice %add3A_15 {offsets = [107, 0], sizes = [1, 20096], strides = [1, 1]} : vector<128x20096xf32> to vector<1x20096xf32>
    %squeeze3A_442 = vector.shape_cast %slice3A_441 : vector<1x20096xf32> to vector<20096xf32>
    %swap3A_443 = arith.constant 2150272 : index
    %swap3A_444 = vector.load %arg3[%swap3A_443] : memref<2572288xf32, #tpu.memory_space<vmem>>, vector<20096xf32>
    tpu.vector_store %arg3[%swap3A_443], %squeeze3A_442 {strides = array<i32>} : memref<2572288xf32, #tpu.memory_space<vmem>>, vector<20096xf32>,
    %slice3A_445 = vector.extract_strided_slice %add3A_15 {offsets = [108, 0], sizes = [1, 20096], strides = [1, 1]} : vector<128x20096xf32> to vector<1x20096xf32>
    %squeeze3A_446 = vector.shape_cast %slice3A_445 : vector<1x20096xf32> to vector<20096xf32>
    %swap3A_447 = arith.constant 2170368 : index
    %swap3A_448 = vector.load %arg3[%swap3A_447] : memref<2572288xf32, #tpu.memory_space<vmem>>, vector<20096xf32>
    tpu.vector_store %arg3[%swap3A_447], %squeeze3A_446 {strides = array<i32>} : memref<2572288xf32, #tpu.memory_space<vmem>>, vector<20096xf32>,
    %slice3A_449 = vector.extract_strided_slice %add3A_15 {offsets = [109, 0], sizes = [1, 20096], strides = [1, 1]} : vector<128x20096xf32> to vector<1x20096xf32>
    %squeeze3A_450 = vector.shape_cast %slice3A_449 : vector<1x20096xf32> to vector<20096xf32>
    %swap3A_451 = arith.constant 2190464 : index
    %swap3A_452 = vector.load %arg3[%swap3A_451] : memref<2572288xf32, #tpu.memory_space<vmem>>, vector<20096xf32>
    tpu.vector_store %arg3[%swap3A_451], %squeeze3A_450 {strides = array<i32>} : memref<2572288xf32, #tpu.memory_space<vmem>>, vector<20096xf32>,
    %slice3A_453 = vector.extract_strided_slice %add3A_15 {offsets = [110, 0], sizes = [1, 20096], strides = [1, 1]} : vector<128x20096xf32> to vector<1x20096xf32>
    %squeeze3A_454 = vector.shape_cast %slice3A_453 : vector<1x20096xf32> to vector<20096xf32>
    %swap3A_455 = arith.constant 2210560 : index
    %swap3A_456 = vector.load %arg3[%swap3A_455] : memref<2572288xf32, #tpu.memory_space<vmem>>, vector<20096xf32>
    tpu.vector_store %arg3[%swap3A_455], %squeeze3A_454 {strides = array<i32>} : memref<2572288xf32, #tpu.memory_space<vmem>>, vector<20096xf32>,
    %slice3A_457 = vector.extract_strided_slice %add3A_15 {offsets = [111, 0], sizes = [1, 20096], strides = [1, 1]} : vector<128x20096xf32> to vector<1x20096xf32>
    %squeeze3A_458 = vector.shape_cast %slice3A_457 : vector<1x20096xf32> to vector<20096xf32>
    %swap3A_459 = arith.constant 2230656 : index
    %swap3A_460 = vector.load %arg3[%swap3A_459] : memref<2572288xf32, #tpu.memory_space<vmem>>, vector<20096xf32>
    tpu.vector_store %arg3[%swap3A_459], %squeeze3A_458 {strides = array<i32>} : memref<2572288xf32, #tpu.memory_space<vmem>>, vector<20096xf32>,
    %slice3A_461 = vector.extract_strided_slice %add3A_15 {offsets = [112, 0], sizes = [1, 20096], strides = [1, 1]} : vector<128x20096xf32> to vector<1x20096xf32>
    %squeeze3A_462 = vector.shape_cast %slice3A_461 : vector<1x20096xf32> to vector<20096xf32>
    %swap3A_463 = arith.constant 2250752 : index
    %swap3A_464 = vector.load %arg3[%swap3A_463] : memref<2572288xf32, #tpu.memory_space<vmem>>, vector<20096xf32>
    tpu.vector_store %arg3[%swap3A_463], %squeeze3A_462 {strides = array<i32>} : memref<2572288xf32, #tpu.memory_space<vmem>>, vector<20096xf32>,
    %slice3A_465 = vector.extract_strided_slice %add3A_15 {offsets = [113, 0], sizes = [1, 20096], strides = [1, 1]} : vector<128x20096xf32> to vector<1x20096xf32>
    %squeeze3A_466 = vector.shape_cast %slice3A_465 : vector<1x20096xf32> to vector<20096xf32>
    %swap3A_467 = arith.constant 2270848 : index
    %swap3A_468 = vector.load %arg3[%swap3A_467] : memref<2572288xf32, #tpu.memory_space<vmem>>, vector<20096xf32>
    tpu.vector_store %arg3[%swap3A_467], %squeeze3A_466 {strides = array<i32>} : memref<2572288xf32, #tpu.memory_space<vmem>>, vector<20096xf32>,
    %slice3A_469 = vector.extract_strided_slice %add3A_15 {offsets = [114, 0], sizes = [1, 20096], strides = [1, 1]} : vector<128x20096xf32> to vector<1x20096xf32>
    %squeeze3A_470 = vector.shape_cast %slice3A_469 : vector<1x20096xf32> to vector<20096xf32>
    %swap3A_471 = arith.constant 2290944 : index
    %swap3A_472 = vector.load %arg3[%swap3A_471] : memref<2572288xf32, #tpu.memory_space<vmem>>, vector<20096xf32>
    tpu.vector_store %arg3[%swap3A_471], %squeeze3A_470 {strides = array<i32>} : memref<2572288xf32, #tpu.memory_space<vmem>>, vector<20096xf32>,
    %slice3A_473 = vector.extract_strided_slice %add3A_15 {offsets = [115, 0], sizes = [1, 20096], strides = [1, 1]} : vector<128x20096xf32> to vector<1x20096xf32>
    %squeeze3A_474 = vector.shape_cast %slice3A_473 : vector<1x20096xf32> to vector<20096xf32>
    %swap3A_475 = arith.constant 2311040 : index
    %swap3A_476 = vector.load %arg3[%swap3A_475] : memref<2572288xf32, #tpu.memory_space<vmem>>, vector<20096xf32>
    tpu.vector_store %arg3[%swap3A_475], %squeeze3A_474 {strides = array<i32>} : memref<2572288xf32, #tpu.memory_space<vmem>>, vector<20096xf32>,
    %slice3A_477 = vector.extract_strided_slice %add3A_15 {offsets = [116, 0], sizes = [1, 20096], strides = [1, 1]} : vector<128x20096xf32> to vector<1x20096xf32>
    %squeeze3A_478 = vector.shape_cast %slice3A_477 : vector<1x20096xf32> to vector<20096xf32>
    %swap3A_479 = arith.constant 2331136 : index
    %swap3A_480 = vector.load %arg3[%swap3A_479] : memref<2572288xf32, #tpu.memory_space<vmem>>, vector<20096xf32>
    tpu.vector_store %arg3[%swap3A_479], %squeeze3A_478 {strides = array<i32>} : memref<2572288xf32, #tpu.memory_space<vmem>>, vector<20096xf32>,
    %slice3A_481 = vector.extract_strided_slice %add3A_15 {offsets = [117, 0], sizes = [1, 20096], strides = [1, 1]} : vector<128x20096xf32> to vector<1x20096xf32>
    %squeeze3A_482 = vector.shape_cast %slice3A_481 : vector<1x20096xf32> to vector<20096xf32>
    %swap3A_483 = arith.constant 2351232 : index
    %swap3A_484 = vector.load %arg3[%swap3A_483] : memref<2572288xf32, #tpu.memory_space<vmem>>, vector<20096xf32>
    tpu.vector_store %arg3[%swap3A_483], %squeeze3A_482 {strides = array<i32>} : memref<2572288xf32, #tpu.memory_space<vmem>>, vector<20096xf32>,
    %slice3A_485 = vector.extract_strided_slice %add3A_15 {offsets = [118, 0], sizes = [1, 20096], strides = [1, 1]} : vector<128x20096xf32> to vector<1x20096xf32>
    %squeeze3A_486 = vector.shape_cast %slice3A_485 : vector<1x20096xf32> to vector<20096xf32>
    %swap3A_487 = arith.constant 2371328 : index
    %swap3A_488 = vector.load %arg3[%swap3A_487] : memref<2572288xf32, #tpu.memory_space<vmem>>, vector<20096xf32>
    tpu.vector_store %arg3[%swap3A_487], %squeeze3A_486 {strides = array<i32>} : memref<2572288xf32, #tpu.memory_space<vmem>>, vector<20096xf32>,
    %slice3A_489 = vector.extract_strided_slice %add3A_15 {offsets = [119, 0], sizes = [1, 20096], strides = [1, 1]} : vector<128x20096xf32> to vector<1x20096xf32>
    %squeeze3A_490 = vector.shape_cast %slice3A_489 : vector<1x20096xf32> to vector<20096xf32>
    %swap3A_491 = arith.constant 2391424 : index
    %swap3A_492 = vector.load %arg3[%swap3A_491] : memref<2572288xf32, #tpu.memory_space<vmem>>, vector<20096xf32>
    tpu.vector_store %arg3[%swap3A_491], %squeeze3A_490 {strides = array<i32>} : memref<2572288xf32, #tpu.memory_space<vmem>>, vector<20096xf32>,
    %slice3A_493 = vector.extract_strided_slice %add3A_15 {offsets = [120, 0], sizes = [1, 20096], strides = [1, 1]} : vector<128x20096xf32> to vector<1x20096xf32>
    %squeeze3A_494 = vector.shape_cast %slice3A_493 : vector<1x20096xf32> to vector<20096xf32>
    %swap3A_495 = arith.constant 2411520 : index
    %swap3A_496 = vector.load %arg3[%swap3A_495] : memref<2572288xf32, #tpu.memory_space<vmem>>, vector<20096xf32>
    tpu.vector_store %arg3[%swap3A_495], %squeeze3A_494 {strides = array<i32>} : memref<2572288xf32, #tpu.memory_space<vmem>>, vector<20096xf32>,
    %slice3A_497 = vector.extract_strided_slice %add3A_15 {offsets = [121, 0], sizes = [1, 20096], strides = [1, 1]} : vector<128x20096xf32> to vector<1x20096xf32>
    %squeeze3A_498 = vector.shape_cast %slice3A_497 : vector<1x20096xf32> to vector<20096xf32>
    %swap3A_499 = arith.constant 2431616 : index
    %swap3A_500 = vector.load %arg3[%swap3A_499] : memref<2572288xf32, #tpu.memory_space<vmem>>, vector<20096xf32>
    tpu.vector_store %arg3[%swap3A_499], %squeeze3A_498 {strides = array<i32>} : memref<2572288xf32, #tpu.memory_space<vmem>>, vector<20096xf32>,
    %slice3A_501 = vector.extract_strided_slice %add3A_15 {offsets = [122, 0], sizes = [1, 20096], strides = [1, 1]} : vector<128x20096xf32> to vector<1x20096xf32>
    %squeeze3A_502 = vector.shape_cast %slice3A_501 : vector<1x20096xf32> to vector<20096xf32>
    %swap3A_503 = arith.constant 2451712 : index
    %swap3A_504 = vector.load %arg3[%swap3A_503] : memref<2572288xf32, #tpu.memory_space<vmem>>, vector<20096xf32>
    tpu.vector_store %arg3[%swap3A_503], %squeeze3A_502 {strides = array<i32>} : memref<2572288xf32, #tpu.memory_space<vmem>>, vector<20096xf32>,
    %slice3A_505 = vector.extract_strided_slice %add3A_15 {offsets = [123, 0], sizes = [1, 20096], strides = [1, 1]} : vector<128x20096xf32> to vector<1x20096xf32>
    %squeeze3A_506 = vector.shape_cast %slice3A_505 : vector<1x20096xf32> to vector<20096xf32>
    %swap3A_507 = arith.constant 2471808 : index
    %swap3A_508 = vector.load %arg3[%swap3A_507] : memref<2572288xf32, #tpu.memory_space<vmem>>, vector<20096xf32>
    tpu.vector_store %arg3[%swap3A_507], %squeeze3A_506 {strides = array<i32>} : memref<2572288xf32, #tpu.memory_space<vmem>>, vector<20096xf32>,
    %slice3A_509 = vector.extract_strided_slice %add3A_15 {offsets = [124, 0], sizes = [1, 20096], strides = [1, 1]} : vector<128x20096xf32> to vector<1x20096xf32>
    %squeeze3A_510 = vector.shape_cast %slice3A_509 : vector<1x20096xf32> to vector<20096xf32>
    %swap3A_511 = arith.constant 2491904 : index
    %swap3A_512 = vector.load %arg3[%swap3A_511] : memref<2572288xf32, #tpu.memory_space<vmem>>, vector<20096xf32>
    tpu.vector_store %arg3[%swap3A_511], %squeeze3A_510 {strides = array<i32>} : memref<2572288xf32, #tpu.memory_space<vmem>>, vector<20096xf32>,
    %slice3A_513 = vector.extract_strided_slice %add3A_15 {offsets = [125, 0], sizes = [1, 20096], strides = [1, 1]} : vector<128x20096xf32> to vector<1x20096xf32>
    %squeeze3A_514 = vector.shape_cast %slice3A_513 : vector<1x20096xf32> to vector<20096xf32>
    %swap3A_515 = arith.constant 2512000 : index
    %swap3A_516 = vector.load %arg3[%swap3A_515] : memref<2572288xf32, #tpu.memory_space<vmem>>, vector<20096xf32>
    tpu.vector_store %arg3[%swap3A_515], %squeeze3A_514 {strides = array<i32>} : memref<2572288xf32, #tpu.memory_space<vmem>>, vector<20096xf32>,
    %slice3A_517 = vector.extract_strided_slice %add3A_15 {offsets = [126, 0], sizes = [1, 20096], strides = [1, 1]} : vector<128x20096xf32> to vector<1x20096xf32>
    %squeeze3A_518 = vector.shape_cast %slice3A_517 : vector<1x20096xf32> to vector<20096xf32>
    %swap3A_519 = arith.constant 2532096 : index
    %swap3A_520 = vector.load %arg3[%swap3A_519] : memref<2572288xf32, #tpu.memory_space<vmem>>, vector<20096xf32>
    tpu.vector_store %arg3[%swap3A_519], %squeeze3A_518 {strides = array<i32>} : memref<2572288xf32, #tpu.memory_space<vmem>>, vector<20096xf32>,
    %slice3A_521 = vector.extract_strided_slice %add3A_15 {offsets = [127, 0], sizes = [1, 20096], strides = [1, 1]} : vector<128x20096xf32> to vector<1x20096xf32>
    %squeeze3A_522 = vector.shape_cast %slice3A_521 : vector<1x20096xf32> to vector<20096xf32>
    %swap3A_523 = arith.constant 2552192 : index
    %swap3A_524 = vector.load %arg3[%swap3A_523] : memref<2572288xf32, #tpu.memory_space<vmem>>, vector<20096xf32>
    tpu.vector_store %arg3[%swap3A_523], %squeeze3A_522 {strides = array<i32>} : memref<2572288xf32, #tpu.memory_space<vmem>>, vector<20096xf32>,
    return
  }
}

</mosaic_0001>

<sc_bundles>
// kernel: kernel.4.cloned.1.call-start
scs
__scs_entry_jumppad:
0x0: {  	(pc) =	sbr.rel $0x88, $3  }
0x1: {  	(tag) =	ssettag $0x0;
	lr =	simm.s32 $0x1  }
0x2: {  	[smem:$0x3F9C] =	sst lr;
	_ =	strace $0xD0000000  }
0x3: {  	_ = 	snop  }
0x4: {  	_ = 	snop  }
0x5: {  	_ = 	snop  }
0x6: {  	_ = 	snop  }
0x7: {  	_ = 	snop  }
__scs_overlays_trampoline_lowered:
0x8: {  	[smem:$0x3FAB] =	sst s0  }
0x9: {  	[smem:$0x3FAC] =	sst s1  }
0xa: {  	[smem:$0x3FAD] =	sst s2  }
0xb: {  	[smem:$0x3FAE] =	sst s3  }
0xc: {  	[smem:$0x3FAF] =	sst s4  }
0xd: {  	[smem:$0x3FB0] =	sst s5  }
0xe: {  	[smem:$0x3FB1] =	sst s6  }
0xf: {  	[smem:$0x3FB2] =	sst s7  }
0x10: {  	[smem:$0x3FB3] =	sst s8  }
0x11: {  	[smem:$0x3FB4] =	sst s9;
	s0 =	simm.s32 @!p0 $0x0  }
0x12: {  	s1 =	sld [smem:$0x3F9A];
	s0 =	simm.s32 @p0 $0x1  }
0x13: {  	[smem:$0x3FB5] =	sst s0;
	s0 =	simm.s32 @!p1 $0x0  }
0x14: {  	s2 =	sld [smem:$0x3F99];
	s0 =	simm.s32 @p1 $0x1  }
0x15: {  	[smem:$0x3FB6] =	sst s0;
	s0 =	simm.s32 @!p2 $0x0  }
0x16: {  	s3 =	sld [smem:$0x3FDB];
	s0 =	simm.s32 @p2 $0x1  }
0x17: {  	s4 =	simm.s32 $0x1BF5;
	[smem:$0x3FB8] =	sst s0  }
0x18: {  	s0 =	sld [smem:$0x3F9B];
	_ =	swait.ge [sflag:s4], $0x0  }
0x19: {  	s7 =	sld [smem:$0x3F9C]  }
0x1a: {  	s8 =	sadd.s32 $0xFFFFE003, lr  }
0x1b: {  	s9 =	sadd.s32 $0xFFFFFEF7, lr;
	s5 =	simm.s32 $0xFFFFFFFF;
	p2 =	slt.u32 s8, $0xFFFFF086  }
0x1c: {  	p1 =	slt.u32 s9, $0xF7A;
	s5 =	simm.s32 @!p2 $0x0  }
0x1d: {  	s5 =	simm.s32 @p1 $0x1;
	p0 =	seq.s32 s7, s2  }
0x1e: {  	s7 =	smul.u32 @!p0 $0xF7A, s2;
	p2 =	seq.s32 @!p0 s5, $0x0  }
0x1f: {  	s9 =	smul.u32 $0xF7A, s1;
	s8 =	simm.s32 @!p0 $0x1BF5;
	p2 =	por !p2, p0  }
0x20: {  	[sflag:s8] =	ssyncset.s32 @!p0 $0xFFFFF086;
	s6 =	sadd.s32 @!p0 s3, s7;
	s7 =	simm.s32 @!p0 $0x108  }
0x21: {  	s3 =	sadd.s32 s3, s9;
	s6 =	sadd.s32 @!p0 $0x88, s6;
	s7 =	simm.s32 @p2 $0x1082  }
0x22: {  	[simem:s7], [sflag:s8] =	dma.local @!p0 [hbm:s6], $0xF7A  }
0x23: {  	s9 =	sor.u32 $0xD0000000, s2;
	s6 =	simm.s32 $0x108;
	_ =	swait.ge @!p0 [sflag:s8], $0x0  }
0x24: {  	s3 =	sadd.s32 $0x88, s3;
	s6 =	simm.s32 @!p1 $0x1082;
	[sflag:s4] =	ssyncset.s32 $0xFFFFF086  }
0x25: {  	[simem:s6], [sflag:s4] =	dma.local [hbm:s3], $0xF7A  }
0x26: {  	[smem:$0x3F9C] =	sst s1;
	(tag) =	ssettag s2;
	_ =	strace s9  }
0x27: {  	s1 =	sld [smem:$0x3FAC]  }
0x28: {  	s2 =	sld [smem:$0x3FAD]  }
0x29: {  	s4 =	sld [smem:$0x3FAF]  }
0x2a: {  	p0 =	seq.s32 s5, $0x0;
	s5 =	sld [smem:$0x3FB0]  }
0x2b: {  	s6 =	sld [smem:$0x3FB1]  }
0x2c: {  	s7 =	sld [smem:$0x3FB2]  }
0x2d: {  	s3 =	simm.s32 $0x108;
	s8 =	sld [smem:$0x3FB3]  }
0x2e: {  	s3 =	simm.s32 @!p0 $0x1082;
	s9 =	sld [smem:$0x3FB4]  }
0x2f: {  	lr =	sadd.s32 s0, s3;
	s0 =	sld [smem:$0x3FAB]  }
0x30: {  	s3 =	sld [smem:$0x3FAE]  }
0x31: {  	[smem:$0x3FB7] =	sst s10  }
0x32: {  	s10 =	sld [smem:$0x3FB5];
	_ =	sdelay $0x3  }
0x33: {  	p0 =	seq.s32 s10, $0x1;
	s10 =	sld [smem:$0x3FB7];
	_ =	sdelay $0x3  }
0x34: {  	[smem:$0x3FB7] =	sst s10  }
0x35: {  	s10 =	sld [smem:$0x3FB6];
	_ =	sdelay $0x3  }
0x36: {  	p1 =	seq.s32 s10, $0x1;
	s10 =	sld [smem:$0x3FB7];
	_ =	sdelay $0x3  }
0x37: {  	[smem:$0x3FB7] =	sst s10  }
0x38: {  	s10 =	sld [smem:$0x3FB8]  }
0x39: {  	_ = 	snop;
	(pc) =	sbr.ind lr, $3  }
0x3a: {  	_ = 	snop  }
0x3b: {  	_ = 	snop  }
0x3c: {  	p2 =	seq.s32 s10, $0x1;
	s10 =	sld [smem:$0x3FB7]  }
0x3d: {  	_ =	shalt  }
0x3e: {  	_ =	shalt  }
0x3f: {  	_ =	shalt  }
0x40: {  	_ =	shalt  }
0x41: {  	_ =	shalt  }
0x42: {  	_ =	shalt  }
0x43: {  	_ =	shalt  }
0x44: {  	_ =	shalt  }
0x45: {  	_ =	shalt  }
0x46: {  	_ =	shalt  }
0x47: {  	_ =	shalt  }
0x48: {  	_ =	shalt  }
0x49: {  	_ =	shalt  }
0x4a: {  	_ =	shalt  }
0x4b: {  	_ =	shalt  }
0x4c: {  	_ =	shalt  }
0x4d: {  	_ =	shalt  }
0x4e: {  	_ =	shalt  }
0x4f: {  	_ =	shalt  }
0x50: {  	_ =	shalt  }
0x51: {  	_ =	shalt  }
0x52: {  	_ =	shalt  }
0x53: {  	_ =	shalt  }
0x54: {  	_ =	shalt  }
0x55: {  	_ =	shalt  }
0x56: {  	_ =	shalt  }
0x57: {  	_ =	shalt  }
0x58: {  	_ =	shalt  }
0x59: {  	_ =	shalt  }
0x5a: {  	_ =	shalt  }
0x5b: {  	_ =	shalt  }
0x5c: {  	_ =	shalt  }
0x5d: {  	_ =	shalt  }
0x5e: {  	_ =	shalt  }
0x5f: {  	_ =	shalt  }
0x60: {  	_ =	shalt  }
0x61: {  	_ =	shalt  }
0x62: {  	_ =	shalt  }
0x63: {  	_ =	shalt  }
0x64: {  	_ =	shalt  }
0x65: {  	_ =	shalt  }
0x66: {  	_ =	shalt  }
0x67: {  	_ =	shalt  }
0x68: {  	_ =	shalt  }
0x69: {  	_ =	shalt  }
0x6a: {  	_ =	shalt  }
0x6b: {  	_ =	shalt  }
0x6c: {  	_ =	shalt  }
0x6d: {  	_ =	shalt  }
0x6e: {  	_ =	shalt  }
0x6f: {  	_ =	shalt  }
0x70: {  	_ =	shalt  }
0x71: {  	_ =	shalt  }
0x72: {  	_ =	shalt  }
0x73: {  	_ =	shalt  }
0x74: {  	_ =	shalt  }
0x75: {  	_ =	shalt  }
0x76: {  	_ =	shalt  }
0x77: {  	_ =	shalt  }
0x78: {  	_ =	shalt  }
0x79: {  	_ =	shalt  }
0x7a: {  	_ =	shalt  }
0x7b: {  	_ =	shalt  }
0x7c: {  	_ =	shalt  }
0x7d: {  	_ =	shalt  }
0x7e: {  	_ =	shalt  }
0x7f: {  	_ =	shalt  }
0x80: {  	_ =	shalt  }
0x81: {  	_ =	shalt  }
0x82: {  	_ =	shalt  }
0x83: {  	_ =	shalt  }
0x84: {  	_ =	shalt  }
0x85: {  	_ =	shalt  }
0x86: {  	_ =	shalt  }
0x87: {  	_ =	shalt  }
.Lfunc_end0:
.L_simem_size_0:
called_computation.1_lowered:
.L_overlay_start_0:
0x88: {  	s2 =	sld [smem:$0x3FD9]  }
0x89: {  	s3 =	sld [smem:$0x3FFE];
	_ =	sdelay $0x1  }
0x8a: {  	s1 =	srdreg.scid  }
0x8b: {  	s0 =	sand.u32 $0x1, s1  }
0x8c: {  	s17 =	sshll.u32 s0, $0xA;
	s2 =	sadd.s32 s3, s2  }
0x8d: {  	s2 =	sadd.s32 s2, s17  }
0x8e: {  	[smem:$0x3FC3] =	sst s2  }
0x8f: {  	_ = 	snop  }
0x90: {  	s2 =	sld [smem:$0x3FD0];
	(tm) =	ssettm $0x1  }
0x91: {  	s18 =	sld [smem:$0x3FFB];
	_ =	sdelay $0x3  }
0x92: {  	_ =	strace s18  }
0x93: {  	s3 =	sld [smem:$0x3FFC];
	_ =	sdelay $0x3  }
0x94: {  	_ =	strace s3  }
0x95: {  	s3 =	sld [smem:$0x3FFD];
	_ =	sdelay $0x3  }
0x96: {  	_ =	strace s3  }
0x97: {  	_ =	strace $0x8FFFFFFF  }
0x98: {  	s19 =	sld [smem:$0x3FDB];
	_ =	sdelay $0x1  }
0x99: {  	s4 =	simm.s32 $_scs_section_size  }
0x9a: {  	s5 =	simm.s32 $_size__tile_overlayer_lowered;
	s6 =	simm.s32 $_tile_overlayer_lowered  }
0x9b: {  	s22 =	simm.s32 $0x1BFF;
	s21 =	sshll.u32 s6, $0x1;
	s3 =	sadd.s32 s4, s19  }
0x9c: {  	s7 =	simm.s32 $0x0;
	s20 =	sshll.u32 s5, $0x1;
	s5 =	sadd.s32 s21, s3  }
0x9d: {  	[timem:s7], [sflag:s22] =	dma.local [hbm:s5], s20  }
0x9e: {  	_ =	swait.ge [sflag:s22], s20  }
0x9f: {  	s4 =	ssub.s32 $0x0, s20;
	[sflag:s22] =	ssyncset.done $0x0  }
0xa0: {  	[sflag:s22] =	ssyncadd.s32 s4;
	_ =	sdelay $0x1  }
0xa1: {  	s23 =	simm.s32 $0x1B8B  }
0xa2: {  	_ =	swait.ge [sflag:s23], $0x1  }
0xa3: {  	[sflag:s23] =	ssyncset.done $0x0  }
0xa4: {  	s25 =	simm.s32 $0x1B8E;
	s24 =	sld [smem:$0x3FFE];
	[sflag:s23] =	ssyncadd.s32 $0xFFFFFFFF  }
0xa5: {  	s26 =	simm.s32 $execute0_lowered;
	[smem:$0x3FD2] =	sst s25  }
0xa6: {  	s5 =	sshll.u32 s26, $0x1;
	_ =	strace $0x80000046;
	[dreg:$0x1] =	wrdreg $0xFFFFFFFF  }
0xa7: {  	s28 =	simm.s32 $_size_execute0_lowered;
	s3 =	sadd.s32 s3, s5;
	[dreg:$0x0] =	wrdreg $0x0  }
0xa8: {  	s5 =	sshll.u32 s28, $0x1;
	[dreg:$0x2] =	wrdreg s3  }
0xa9: {  	[dreg:$0x3] =	wrdreg s5  }
0xaa: {  	[dreg:$0x4] =	wrdreg $0xC0  }
0xab: {  	_ =	task [dreg:s7], $0x5FFFF  }
0xac: {  	[dreg:$0x1] =	wrdreg $0xFFFFFFFF  }
0xad: {  	[dreg:$0x0] =	wrdreg $0x60  }
0xae: {  	[dreg:$0x2] =	wrdreg s24  }
0xaf: {  	[dreg:$0x3] =	wrdreg s2  }
0xb0: {  	[dreg:$0x4] =	wrdreg $0x9  }
0xb1: {  	_ =	task.clear_ibuf [dreg:s7], $0x5FFFF;
	_ =	strace $0x90000046  }
0xb2: {  	s29 =	simm.s32 $0x9;
	_ =	strace $0x80000048  }
0xb3: {  	_ =	swait.ge [sflag:s29], $0x1  }
0xb4: {  	[sflag:s29] =	ssyncadd.s32 $0xFFFFFFFF  }
0xb5: {  	_ =	strace $0x90000048  }
0xb6: {  	_ =	sfence  }
0xb7: {  	s30 =	sld [smem:$0x0];
	_ =	sdelay $0x2  }
0xb8: {  	s31 =	sshll.u32 s1, $0xD;
	s1 =	sshrl.u32 s1, $0x2  }
0xb9: {  	s3 =	sand.u32 $0x4000, s31;
	s1 =	sadd.s32 s1, s30  }
0xba: {  	s0 =	sor.u32 s3, s0;
	s1 =	sshll.u32 s1, $0x11  }
0xbb: {  	s0 =	sor.u32 s1, s0  }
0xbc: {  	s0 =	sadd.s32 $0x8F2B, s0  }
0xbd: {  	[sflag:s0] =	ssyncadd.remote.s32 $0x1  }
0xbe: {  	_ =	sfence.sel $0xFFFF  }
0xbf: {  	[dreg:$0x0] =	wrdreg $0xFFFFFFFF;
	(pc) =	sbr.abs _section_cstart, $3  }
0xc0: {  	[dreg:$0x1] =	wrdreg $0xFFFFFFFF  }
0xc1: {  	_ =	task.clear_ibuf [dreg:s7], $0x2FFFF;
	_ =	strace $0x9FFFFFFF  }
0xc2: {  	(tm) =	ssettm $0x7FFFFFFF  }
0xc3: {  	_ =	shalt  }
tec
execute0_lowered:
.L_overlay_start_1:
0x0: {  	(tag) =	ssettag $0x1  }
0x1: {  	s0 =	rddreg [dreg:$0x0]  }
0x2: {  	s1 =	rddreg [dreg:$0x1];
	s2 =	simm.s32 $0x0  }
0x3: {  	s5 =	srdreg.scid;
	s7 =	stileid.u32;
	s28 =	simm.s32 $0x7530  }
0x4: {  	s29 =	simm.s32 $0x9C40;
	s30 =	simm.s32 $0xC350;
	s31 =	simm.s32 $0xEA60  }
0x5: {  	[smem:$0x7FF] =	sst s2;
	s3 =	sadd.s32 $0x6600, s0;
	s4 =	sadd.s32 $0x3400, s0  }
0x6: {  	s6 =	sand.u32 $0x1, s5;
	s7 =	sshll.u32 s7, $0x1;
	s5 =	sadd.s32 $0x200, s0  }
0x7: {  	s0 =	sadd.s32 $0x54E00, s0;
	_ =	strace $0x80000047;
	s8 =	ssub.s32 $0x2, s6  }
0x8: {  	s6 =	sor.u32 s6, s7;
	[dreg:$0x3] =	wrdreg s0;
	s25 =	sshrl.u32 s8, $0x1  }
0x9: {  	s9 =	sshll.u32 s6, $0x2;
	s10 =	smul.u32 $0x13A00, s6;
	s11 =	sshllo.u32 s6, $0x2  }
0xa: {  	s0 =	ssub.s32 s8, s25;
	s26 =	sor.u32 $0x1, s9;
	s16 =	smul.u32 $0x4E80, s11  }
0xb: {  	s9 =	sor.u32 $0x2, s9;
	s13 =	sshrl.u32 s10, $0x3;
	s14 =	smul.u32 $0x4E80, s26  }
0xc: {  	s15 =	smul.u32 $0x4E80, s9;
	s0 =	smax.u32 s0, $0x1;
	s12 =	sadd.s32 s3, s13  }
0xd: {  	s18 =	sshrl.u32 s16, $0x3;
	s16 =	smul.u32 $0x186A0, s11;
	[dreg:$0x10] =	wrdreg s0  }
0xe: {  	s0 =	simm.s32 $0x11170;
	s11 =	simm.s32 $0x0;
	[dreg:$0x4] =	wrdreg s12  }
0xf: {  	s12 =	sadd.s32 $0x4E2, s12;
	s10 =	sshrl.u32 s14, $0x3;
	s8 =	sshrl.u32 s15, $0x3  }
0x10: {  	s14 =	smul.u32 $0x186A0, s9;
	[dreg:$0x5] =	wrdreg s12;
	s13 =	sadd.s32 s3, s10  }
0x11: {  	s10 =	smul.u32 $0x61A80, s6;
	s8 =	sadd.s32 s3, s8;
	s6 =	sadd.s32 s3, s18  }
0x12: {  	s24 =	sshrl.u32 s16, $0x3;
	s18 =	simm.s32 $0x17880;
	[dreg:$0x6] =	wrdreg s13  }
0x13: {  	s17 =	sadd.s32 $0x4E2, s13;
	s13 =	smul.u32 $0x186A0, s26;
	[dreg:$0x8] =	wrdreg s8  }
0x14: {  	s21 =	sadd.s32 $0x4E2, s8;
	[dreg:$0x9] =	wrdreg s6;
	s6 =	sadd.s32 $0x4E2, s6  }
0x15: {  	s23 =	sshrl.u32 s14, $0x3;
	s7 =	sadd.s32 s1, s24;
	[dreg:$0x7] =	wrdreg s17  }
0x16: {  	s8 =	simm.s32 $0x1;
	s19 =	sshrl.u32 s10, $0x3;
	[dreg:$0xa] =	wrdreg s21  }
0x17: {  	[dreg:$0xb] =	wrdreg s6;
	s6 =	sadd.s32 s1, s23;
	s26 =	sadd.s32 $0x2ED4, s7  }
0x18: {  	s21 =	simm.s32 $0x1A880;
	s20 =	sadd.s32 s1, s19;
	s22 =	sshrl.u32 s13, $0x3  }
0x19: {  	s25 =	sadd.s32 $0x2ED4, s6;
	[dreg:$0xf] =	wrdreg s26;
	s26 =	simm.s32 $0x4E20  }
0x1a: {  	s6 =	simm.s32 $0x15880;
	s3 =	sadd.s32 $0x2ED4, s20;
	[dreg:$0xe] =	wrdreg s25  }
0x1b: {  	s19 =	simm.s32 $0x18880;
	[dreg:$0xc] =	wrdreg s3;
	s3 =	sadd.s32 s1, s22  }
0x1c: {  	s25 =	simm.s32 $0x2710;
	s20 =	simm.s32 $0x19880;
	s3 =	sadd.s32 $0x2ED4, s3  }
0x1d: {  	s22 =	simm.s32 $0x2;
	[dreg:$0xd] =	wrdreg s3;
	s3 =	simm.s32 $0x13880  }
.LBB2_1:
0x1e: {  	[dreg:$0x11] =	wrdreg s11  }
0x1f: {  	s7 =	rddreg [dreg:$0x4];
	s9 =	simm.s32 $0x5  }
0x20: {  	[tilespmem:s2], [sflag:$0x5] =	stream.linear.gather [hbm4b:s7+s2], $0x2710, $0x38;
	[tilespmem:$0x1F890] =	vst v63  }
0x21: {  	_ =	swait.ge [sflag:s9], $0x2710  }
0x22: {  	[sflag:s9] =	ssyncset.done $0x0  }
0x23: {  	s17 =	rddreg [dreg:$0x5];
	[sflag:s9] =	ssyncadd.s32 $0xFFFFD8F0  }
0x24: {  	[tilespmem:s25], [sflag:$0x5] =	stream.linear.gather [hbm4b:s17+s2], $0x2710, $0x38;
	[tilespmem:$0x1F890] =	vst v63  }
0x25: {  	_ =	swait.ge [sflag:s9], $0x2710  }
0x26: {  	[sflag:s9] =	ssyncset.done $0x0  }
0x27: {  	s23 =	rddreg [dreg:$0x6];
	[sflag:s9] =	ssyncadd.s32 $0xFFFFD8F0  }
0x28: {  	[tilespmem:s26], [sflag:$0x5] =	stream.linear.gather [hbm4b:s23+s2], $0x2710, $0x38;
	[tilespmem:$0x1F890] =	vst v63  }
0x29: {  	_ =	swait.ge [sflag:s9], $0x2710  }
0x2a: {  	[sflag:s9] =	ssyncset.done $0x0  }
0x2b: {  	s24 =	rddreg [dreg:$0x7];
	[sflag:s9] =	ssyncadd.s32 $0xFFFFD8F0  }
0x2c: {  	[tilespmem:s28], [sflag:$0x5] =	stream.linear.gather [hbm4b:s24+s2], $0x2710, $0x38;
	[tilespmem:$0x1F890] =	vst v63  }
0x2d: {  	_ =	swait.ge [sflag:s9], $0x2710  }
0x2e: {  	[sflag:s9] =	ssyncset.done $0x0  }
0x2f: {  	s11 =	rddreg [dreg:$0x8];
	[sflag:s9] =	ssyncadd.s32 $0xFFFFD8F0  }
0x30: {  	[tilespmem:s29], [sflag:$0x5] =	stream.linear.gather [hbm4b:s11+s2], $0x2710, $0x38;
	[tilespmem:$0x1F890] =	vst v63  }
0x31: {  	_ =	swait.ge [sflag:s9], $0x2710  }
0x32: {  	[sflag:s9] =	ssyncset.done $0x0  }
0x33: {  	s12 =	rddreg [dreg:$0xa];
	[sflag:s9] =	ssyncadd.s32 $0xFFFFD8F0  }
0x34: {  	[tilespmem:s30], [sflag:$0x5] =	stream.linear.gather [hbm4b:s12+s2], $0x2710, $0x38;
	[tilespmem:$0x1F890] =	vst v63  }
0x35: {  	_ =	swait.ge [sflag:s9], $0x2710  }
0x36: {  	[sflag:s9] =	ssyncset.done $0x0  }
0x37: {  	s15 =	rddreg [dreg:$0x9];
	[sflag:s9] =	ssyncadd.s32 $0xFFFFD8F0  }
0x38: {  	[tilespmem:s31], [sflag:$0x5] =	stream.linear.gather [hbm4b:s15+s2], $0x2710, $0x38;
	[tilespmem:$0x1F890] =	vst v63  }
0x39: {  	_ =	swait.ge [sflag:s9], $0x2710  }
0x3a: {  	[sflag:s9] =	ssyncset.done $0x0  }
0x3b: {  	s17 =	rddreg [dreg:$0xb];
	[sflag:s9] =	ssyncadd.s32 $0xFFFFD8F0  }
0x3c: {  	[tilespmem:s0], [sflag:$0x5] =	stream.linear.gather [hbm4b:s17+s2], $0x2710, $0x38;
	[tilespmem:$0x1F890] =	vst v63  }
0x3d: {  	_ =	swait.ge [sflag:s9], $0x2710  }
0x3e: {  	[sflag:s9] =	ssyncset.done $0x0  }
0x3f: {  	s24 =	simm.s32 $0x1F880;
	s23 =	rddreg [dreg:$0x3];
	[sflag:s9] =	ssyncadd.s32 $0xFFFFD8F0  }
0x40: {  	[tilespmem:s24], [sflag:$0x5] =	stream.linear.gather [hbm4b:s23+s2], $0x10, $0x38;
	[tilespmem:$0x1F890] =	vst v63  }
0x41: {  	_ =	swait.ge [sflag:s9], $0x10  }
0x42: {  	[sflag:s9] =	ssyncset.done $0x0  }
0x43: {  	[sflag:s9] =	ssyncadd.s32 $0xFFFFFFF0  }
0x44: {  	v0 =	vld [tilespmem:$0x1F880];
	[tilespmem:s3], [sflag:$0x1] =	stream.linear.gather [hbm4b:s4+s2], $0x1000, $0x38  }
0x45: {  	s15 =	simm.s32 $0x0  }
0x46: {  	[tilespmem:s6], [sflag:$0x1] =	stream.linear.gather [hbm4b:s5+s2], $0x1000, $0x38;
	[tilespmem:$0x1F890] =	vst v63  }
.LBB2_2:
0x47: {  	_ =	swait.ge [sflag:s8], $0x1000  }
0x48: {  	[sflag:s8] =	ssyncset.done $0x0  }
0x49: {  	s11 =	sshll.u32 s15, $0xD;
	[sflag:s8] =	ssyncadd.s32 $0xFFFFF000  }
0x4a: {  	s24 =	sor.u32 $0x1000, s11;
	_ =	swait.ge [sflag:s8], $0x1000  }
0x4b: {  	s7 =	sshrl.u32 s24, $0x3;
	[sflag:s8] =	ssyncset.done $0x0  }
0x4c: {  	s12 =	simm.s32 $0x14880;
	s9 =	sadd.s32 s4, s7;
	[sflag:s8] =	ssyncadd.s32 $0xFFFFF000  }
0x4d: {  	[tilespmem:s12], [sflag:$0x2] =	stream.linear.gather [hbm4b:s9+s2], $0x1000, $0x38;
	[tilespmem:$0x1F890] =	vst v63  }
0x4e: {  	p0 =	seq.s32 s15, $0x0;
	s7 =	sadd.s32 s5, s7;
	s12 =	simm.s32 $0x16880  }
0x4f: {  	[tilespmem:s12], [sflag:$0x2] =	stream.linear.gather [hbm4b:s7+s2], $0x1000, $0x38;
	[tilespmem:$0x1F890] =	vst v63  }
0x50: {  	s7 =	simm.s32 @!p0 $0x3  }
0x51: {  	_ =	swait.ge @!p0 [sflag:s7], $0x1000  }
0x52: {  	[sflag:s7] =	ssyncset.done @!p0 $0x0  }
0x53: {  	[sflag:s7] =	ssyncadd.s32 @!p0 $0xFFFFF000  }
0x54: {  	_ =	swait.ge @!p0 [sflag:s7], $0x1000  }
0x55: {  	[sflag:s7] =	ssyncset.done @!p0 $0x0  }
0x56: {  	[sflag:s7] =	ssyncadd.s32 @!p0 $0xFFFFF000  }
0x57: {  	_ =	swait.ge @!p0 [sflag:s7], $0x1000  }
0x58: {  	[sflag:s7] =	ssyncset.done @!p0 $0x0  }
0x59: {  	[sflag:s7] =	ssyncadd.s32 @!p0 $0xFFFFF000  }
0x5a: {  	_ =	swait.ge @!p0 [sflag:s7], $0x1000  }
0x5b: {  	[sflag:s7] =	ssyncset.done @!p0 $0x0  }
0x5c: {  	s17 =	simm.s32 $0x138C0;
	[sflag:s7] =	ssyncadd.s32 @!p0 $0xFFFFF000  }
0x5d: {  	s23 =	simm.s32 $0x158C0;
	v16 =	vld [tilespmem:s17+$0x30]  }
0x5e: {  	v15 =	vld [tilespmem:s23+$0x30]  }
0x5f: {  	v5 =	vld [tilespmem:s23+$0xFFFFFFC0]  }
0x60: {  	v13 =	vld [tilespmem:s17+$0xFFFFFFD0]  }
0x61: {  	v12 =	vld [tilespmem:s23+$0xFFFFFFD0]  }
0x62: {  	v11 =	vld [tilespmem:s17+$0xFFFFFFE0]  }
0x63: {  	v9 =	vld [tilespmem:s23+$0xFFFFFFE0]  }
0x64: {  	v8 =	vld [tilespmem:s17+$0xFFFFFFF0]  }
0x65: {  	v10 =	vld [tilespmem:s23+$0xFFFFFFF0]  }
0x66: {  	v7 =	vld [tilespmem:s17+$0x0]  }
0x67: {  	v3 =	vld.idx.msk [tilespmem:v16+s2+$0x0], $0xffff  }
0x68: {  	v4 =	vld.idx.msk [tilespmem:v15+s2+$0x0], $0xffff  }
0x69: {  	v14 =	vld.idx.msk [tilespmem:v16+s25+$0x0], $0xffff  }
0x6a: {  	v17 =	vld.idx.msk [tilespmem:v15+s25+$0x0], $0xffff  }
0x6b: {  	v6 =	vld [tilespmem:s23+$0x0]  }
0x6c: {  	v1 =	vld [tilespmem:s17+$0x10]  }
0x6d: {  	v2 =	vld [tilespmem:s23+$0x10]  }
0x6e: {  	v19 =	vld.idx.msk [tilespmem:v5+s2+$0x0], $0xffff  }
0x6f: {  	v34 =	vld.idx.msk [tilespmem:v5+s25+$0x0], $0xffff;
	v18 =	vsub.f32 v3, v4;
	v14 =	vsub.f32 v14, v17  }
0x70: {  	v20 =	vld.idx.msk [tilespmem:v13+s2+$0x0], $0xffff  }
0x71: {  	v32 =	vmul.f32 v18, v18;
	v33 =	vmul.f32 v14, v14;
	v14 =	vld [tilespmem:s17+$0xFFFFFFC0]  }
0x72: {  	v21 =	vld.idx.msk [tilespmem:v12+s2+$0x0], $0xffff  }
0x73: {  	v22 =	vld.idx.msk [tilespmem:v13+s25+$0x0], $0xffff;
	v17 =	vadd.f32 v33, v32  }
0x74: {  	v23 =	vld.idx.msk [tilespmem:v12+s25+$0x0], $0xffff  }
0x75: {  	v24 =	vld.idx.msk [tilespmem:v11+s2+$0x0], $0xffff;
	v17 =	vsub.f32 v0, v17  }
0x76: {  	v26 =	vld.idx.msk [tilespmem:v9+s2+$0x0], $0xffff  }
0x77: {  	v36 =	vld.idx.msk [tilespmem:v11+s25+$0x0], $0xffff;
	v17 =	vmul.f32 $1.442695020e+00, v17  }
0x78: {  	v37 =	vld.idx.msk [tilespmem:v9+s25+$0x0], $0xffff  }
0x79: {  	(erf) = vpow2.f32 v17;
	v35 =	vld.idx.msk [tilespmem:v14+s2+$0x0], $0xffff  }
0x7a: {  	v25 =	vld.idx.msk [tilespmem:v14+s25+$0x0], $0xffff  }
0x7b: {  	v27 =	vld.idx.msk [tilespmem:v8+s2+$0x0], $0xffff  }
0x7c: {  	v39 =	vld.idx.msk [tilespmem:v10+s2+$0x0], $0xffff;
	v20 =	vsub.f32 v20, v21;
	v22 =	vsub.f32 v22, v23  }
0x7d: {  	v40 =	vld.idx.msk [tilespmem:v8+s25+$0x0], $0xffff  }
0x7e: {  	v41 =	vld.idx.msk [tilespmem:v10+s25+$0x0], $0xffff;
	v20 =	vmul.f32 v20, v20;
	v38 =	vmul.f32 v22, v22  }
0x7f: {  	v29 =	vld.idx.msk [tilespmem:v7+s2+$0x0], $0xffff;
	v17 =	vsub.f32 v35, v19;
	v18 =	vsub.f32 v25, v34  }
0x80: {  	v30 =	vld.idx.msk [tilespmem:v6+s2+$0x0], $0xffff;
	v19 =	vadd.f32 v38, v20  }
0x81: {  	v47 =	vld.idx.msk [tilespmem:v7+s25+$0x0], $0xffff;
	v17 =	vmul.f32 v17, v17;
	v18 =	vmul.f32 v18, v18  }
0x82: {  	v4 =	vld [tilespmem:s17+$0x20];
	v24 =	vsub.f32 v24, v26;
	s17 =	simm.s32 $0x19880;
	v42 =	vsub.f32 v0, v19;
	v28 =	vpop (erf)  }
0x83: {  	v3 =	vld [tilespmem:s23+$0x20];
	v21 =	vsub.f32 v36, v37;
	v17 =	vadd.f32 v18, v17;
	[tilespmem:s17+$0xFFFFE070] =	vst v28  }
0x84: {  	v18 =	vmul.f32 $1.442695020e+00, v42;
	v43 =	vld.idx.msk [tilespmem:v16+s26+$0x0], $0xffff  }
0x85: {  	v24 =	vmul.f32 v24, v24;
	v21 =	vmul.f32 v21, v21;
	v44 =	vld.idx.msk [tilespmem:v15+s26+$0x0], $0xffff;
	v17 =	vsub.f32 v0, v17  }
0x86: {  	v46 =	vsub.f32 v27, v39;
	v45 =	vld.idx.msk [tilespmem:v16+s28+$0x0], $0xffff;
	(erf) = vpow2.f32 v18  }
0x87: {  	v21 =	vadd.f32 v21, v24;
	v20 =	vsub.f32 v40, v41;
	v28 =	vld.idx.msk [tilespmem:v15+s28+$0x0], $0xffff;
	v17 =	vmul.f32 $1.442695020e+00, v17  }
0x88: {  	v48 =	vld.idx.msk [tilespmem:v6+s25+$0x0], $0xffff;
	v49 =	vmul.f32 v46, v46  }
0x89: {  	v51 =	vld.idx.msk [tilespmem:v1+s2+$0x0], $0xffff;
	v50 =	vsub.f32 v0, v21;
	v20 =	vmul.f32 v20, v20;
	(erf) = vpow2.f32 v17  }
0x8a: {  	v52 =	vld.idx.msk [tilespmem:v2+s2+$0x0], $0xffff  }
0x8b: {  	v54 =	vld.idx.msk [tilespmem:v1+s25+$0x0], $0xffff;
	v18 =	vmul.f32 $1.442695020e+00, v50;
	v17 =	vadd.f32 v20, v49  }
0x8c: {  	v55 =	vld.idx.msk [tilespmem:v2+s25+$0x0], $0xffff;
	v19 =	vsub.f32 v43, v44;
	v53 =	vsub.f32 v45, v28  }
0x8d: {  	v56 =	vld.idx.msk [tilespmem:v4+s2+$0x0], $0xffff;
	(erf) = vpow2.f32 v18  }
0x8e: {  	v57 =	vld.idx.msk [tilespmem:v3+s2+$0x0], $0xffff;
	v17 =	vsub.f32 v0, v17;
	v19 =	vmul.f32 v19, v19;
	v23 =	vmul.f32 v53, v53  }
0x8f: {  	v22 =	vsub.f32 v47, v48;
	v59 =	vld.idx.msk [tilespmem:v4+s25+$0x0], $0xffff;
	v60 =	vpop (erf)  }
0x90: {  	v58 =	vsub.f32 v29, v30;
	v61 =	vld.idx.msk [tilespmem:v3+s25+$0x0], $0xffff;
	v17 =	vmul.f32 $1.442695020e+00, v17;
	v19 =	vadd.f32 v23, v19;
	[tilespmem:s17+$0xFFFFE010] =	vst v60  }
0x91: {  	v22 =	vmul.f32 v22, v22;
	v28 =	vld.idx.msk [tilespmem:v13+s26+$0x0], $0xffff  }
0x92: {  	v23 =	vmul.f32 v58, v58;
	(erf) = vpow2.f32 v17;
	v19 =	vsub.f32 v0, v19;
	v63 =	vld.idx.msk [tilespmem:v12+s26+$0x0], $0xffff;
	v62 =	vpop (erf)  }
0x93: {  	v21 =	vsub.f32 v51, v52;
	v20 =	vsub.f32 v54, v55;
	v38 =	vld.idx.msk [tilespmem:v13+s28+$0x0], $0xffff;
	[tilespmem:s17+$0xFFFFE000] =	vst v62  }
0x94: {  	v22 =	vadd.f32 v22, v23;
	v19 =	vmul.f32 $1.442695020e+00, v19;
	v33 =	vld.idx.msk [tilespmem:v14+s26+$0x0], $0xffff  }
0x95: {  	v21 =	vmul.f32 v21, v21;
	v20 =	vmul.f32 v20, v20;
	v34 =	vld.idx.msk [tilespmem:v5+s26+$0x0], $0xffff  }
0x96: {  	v24 =	vsub.f32 v59, v61;
	v22 =	vsub.f32 v0, v22;
	(erf) = vpow2.f32 v19;
	v35 =	vld.idx.msk [tilespmem:v14+s28+$0x0], $0xffff  }
0x97: {  	v18 =	vsub.f32 v56, v57;
	v20 =	vadd.f32 v20, v21;
	v37 =	vpop (erf);
	v36 =	vld.idx.msk [tilespmem:v5+s28+$0x0], $0xffff  }
0x98: {  	v39 =	vld.idx.msk [tilespmem:v12+s28+$0x0], $0xffff;
	[tilespmem:s17+$0xFFFFE020] =	vst v37;
	v22 =	vmul.f32 $1.442695020e+00, v22  }
0x99: {  	v24 =	vmul.f32 v24, v24;
	v18 =	vmul.f32 v18, v18;
	v20 =	vsub.f32 v0, v20;
	v27 =	vld.idx.msk [tilespmem:v11+s26+$0x0], $0xffff  }
0x9a: {  	v40 =	vld.idx.msk [tilespmem:v9+s26+$0x0], $0xffff;
	(erf) = vpow2.f32 v22  }
0x9b: {  	v18 =	vadd.f32 v24, v18;
	v20 =	vmul.f32 $1.442695020e+00, v20;
	v42 =	vld.idx.msk [tilespmem:v11+s28+$0x0], $0xffff;
	v41 =	vpop (erf)  }
0x9c: {  	v43 =	vld.idx.msk [tilespmem:v9+s28+$0x0], $0xffff;
	v23 =	vsub.f32 v33, v34;
	[tilespmem:s17+$0xFFFFE030] =	vst v41;
	v19 =	vsub.f32 v35, v36  }
0x9d: {  	(erf) = vpow2.f32 v20;
	v44 =	vld.idx.msk [tilespmem:v8+s26+$0x0], $0xffff  }
0x9e: {  	v18 =	vsub.f32 v0, v18;
	v46 =	vld.idx.msk [tilespmem:v10+s26+$0x0], $0xffff;
	v23 =	vmul.f32 v23, v23;
	v19 =	vmul.f32 v19, v19  }
0x9f: {  	v17 =	vsub.f32 v28, v63;
	v51 =	vld.idx.msk [tilespmem:v8+s28+$0x0], $0xffff;
	v45 =	vpop (erf)  }
0xa0: {  	v18 =	vmul.f32 $1.442695020e+00, v18;
	v21 =	vsub.f32 v38, v39;
	v53 =	vld.idx.msk [tilespmem:v10+s28+$0x0], $0xffff;
	v19 =	vadd.f32 v19, v23;
	[tilespmem:s17+$0xFFFFF070] =	vst v45  }
0xa1: {  	v17 =	vmul.f32 v17, v17;
	v47 =	vld.idx.msk [tilespmem:v16+s29+$0x0], $0xffff  }
0xa2: {  	v49 =	vmul.f32 v21, v21;
	(erf) = vpow2.f32 v18;
	v48 =	vld.idx.msk [tilespmem:v15+s29+$0x0], $0xffff;
	v19 =	vsub.f32 v0, v19  }
0xa3: {  	v22 =	vsub.f32 v27, v40;
	v24 =	vsub.f32 v42, v43;
	v29 =	vld.idx.msk [tilespmem:v16+s30+$0x0], $0xffff;
	v52 =	vpop (erf)  }
0xa4: {  	v17 =	vadd.f32 v49, v17;
	v50 =	vld.idx.msk [tilespmem:v15+s30+$0x0], $0xffff;
	[tilespmem:s17+$0xFFFFE040] =	vst v52;
	v19 =	vmul.f32 $1.442695020e+00, v19  }
0xa5: {  	v22 =	vmul.f32 v22, v22;
	v24 =	vmul.f32 v24, v24;
	v54 =	vld.idx.msk [tilespmem:v7+s26+$0x0], $0xffff  }
0xa6: {  	v17 =	vsub.f32 v0, v17;
	v27 =	vld.idx.msk [tilespmem:v6+s26+$0x0], $0xffff;
	(erf) = vpow2.f32 v19  }
0xa7: {  	v22 =	vadd.f32 v24, v22;
	v55 =	vpop (erf);
	v31 =	vld.idx.msk [tilespmem:v7+s28+$0x0], $0xffff  }
0xa8: {  	v17 =	vmul.f32 $1.442695020e+00, v17;
	[tilespmem:s17+$0xFFFFE050] =	vst v55;
	v56 =	vld.idx.msk [tilespmem:v6+s28+$0x0], $0xffff  }
0xa9: {  	v22 =	vsub.f32 v0, v22;
	v57 =	vld.idx.msk [tilespmem:v1+s26+$0x0], $0xffff  }
0xaa: {  	v58 =	vld.idx.msk [tilespmem:v2+s26+$0x0], $0xffff;
	v23 =	vsub.f32 v47, v48;
	v21 =	vsub.f32 v29, v50;
	(erf) = vpow2.f32 v17  }
0xab: {  	v59 =	vpop (erf);
	v60 =	vld.idx.msk [tilespmem:v1+s28+$0x0], $0xffff;
	v22 =	vmul.f32 $1.442695020e+00, v22  }
0xac: {  	[tilespmem:s17+$0xFFFFE060] =	vst v59;
	v61 =	vld.idx.msk [tilespmem:v2+s28+$0x0], $0xffff;
	v23 =	vmul.f32 v23, v23;
	v21 =	vmul.f32 v21, v21  }
0xad: {  	v20 =	vsub.f32 v44, v46;
	v18 =	vsub.f32 v51, v53;
	v26 =	vld.idx.msk [tilespmem:v4+s26+$0x0], $0xffff  }
0xae: {  	v62 =	vld.idx.msk [tilespmem:v3+s26+$0x0], $0xffff;
	(erf) = vpow2.f32 v22;
	v21 =	vadd.f32 v21, v23  }
0xaf: {  	v20 =	vmul.f32 v20, v20;
	v18 =	vmul.f32 v18, v18;
	v63 =	vld.idx.msk [tilespmem:v4+s28+$0x0], $0xffff;
	v25 =	vsub.f32 v54, v27;
	v33 =	vpop (erf)  }
0xb0: {  	v34 =	vld.idx.msk [tilespmem:v3+s28+$0x0], $0xffff;
	v19 =	vsub.f32 v31, v56;
	v21 =	vsub.f32 v0, v21;
	[tilespmem:s17+$0xFFFFF000] =	vst v33  }
0xb1: {  	v35 =	vmul.f32 v25, v25;
	v29 =	vld.idx.msk [tilespmem:v14+s29+$0x0], $0xffff  }
0xb2: {  	v18 =	vadd.f32 v18, v20;
	v19 =	vmul.f32 v19, v19;
	v21 =	vmul.f32 $1.442695020e+00, v21;
	v36 =	vld.idx.msk [tilespmem:v5+s29+$0x0], $0xffff  }
0xb3: {  	v17 =	vsub.f32 v57, v58;
	v39 =	vsub.f32 v60, v61;
	v37 =	vpop (erf);
	v38 =	vld.idx.msk [tilespmem:v14+s30+$0x0], $0xffff  }
0xb4: {  	v18 =	vsub.f32 v0, v18;
	v19 =	vadd.f32 v19, v35;
	(erf) = vpow2.f32 v21;
	[tilespmem:s17+$0xFFFFF010] =	vst v37;
	v40 =	vld.idx.msk [tilespmem:v5+s30+$0x0], $0xffff  }
0xb5: {  	v17 =	vmul.f32 v17, v17;
	v21 =	vmul.f32 v39, v39;
	v24 =	vld.idx.msk [tilespmem:v13+s29+$0x0], $0xffff  }
0xb6: {  	v18 =	vmul.f32 $1.442695020e+00, v18;
	v19 =	vsub.f32 v0, v19;
	v41 =	vld.idx.msk [tilespmem:v12+s29+$0x0], $0xffff  }
0xb7: {  	v42 =	vpop (erf);
	v43 =	vld.idx.msk [tilespmem:v13+s30+$0x0], $0xffff;
	v17 =	vadd.f32 v21, v17  }
0xb8: {  	v19 =	vmul.f32 $1.442695020e+00, v19;
	(erf) = vpow2.f32 v18;
	[tilespmem:s17+$0xFFFFF020] =	vst v42;
	v44 =	vld.idx.msk [tilespmem:v12+s30+$0x0], $0xffff  }
0xb9: {  	v22 =	vsub.f32 v26, v62;
	v26 =	vld.idx.msk [tilespmem:v11+s29+$0x0], $0xffff;
	v17 =	vsub.f32 v0, v17  }
0xba: {  	(erf) = vpow2.f32 v19;
	v45 =	vld.idx.msk [tilespmem:v9+s29+$0x0], $0xffff;
	v25 =	vsub.f32 v29, v36;
	v48 =	vsub.f32 v38, v40  }
0xbb: {  	v47 =	vld.idx.msk [tilespmem:v11+s30+$0x0], $0xffff;
	v17 =	vmul.f32 $1.442695020e+00, v17  }
0xbc: {  	s12 =	simm.s32 $0x13940;
	v20 =	vsub.f32 v63, v34;
	v52 =	vld.idx.msk [tilespmem:v9+s30+$0x0], $0xffff;
	v25 =	vmul.f32 v25, v25;
	v50 =	vmul.f32 v48, v48  }
0xbd: {  	s23 =	simm.s32 $0x15940;
	v22 =	vmul.f32 v22, v22;
	v18 =	vsub.f32 v24, v41;
	v24 =	vld [tilespmem:s12+$0x30];
	v46 =	vpop (erf)  }
0xbe: {  	v20 =	vmul.f32 v20, v20;
	(erf) = vpow2.f32 v17;
	v17 =	vadd.f32 v50, v25;
	v25 =	vld [tilespmem:s23+$0x30];
	[tilespmem:s17+$0x70] =	vst v46  }
0xbf: {  	v49 =	vld.idx.msk [tilespmem:v16+s31+$0x0], $0xffff  }
0xc0: {  	v20 =	vadd.f32 v20, v22;
	v27 =	vld.idx.msk [tilespmem:v15+s31+$0x0], $0xffff  }
0xc1: {  	v51 =	vpop (erf);
	v16 =	vld.idx.msk [tilespmem:v16+s0+$0x0], $0xffff  }
0xc2: {  	v20 =	vsub.f32 v0, v20;
	v15 =	vld.idx.msk [tilespmem:v15+s0+$0x0], $0xffff;
	[tilespmem:s17+$0xFFFFF030] =	vst v51  }
0xc3: {  	v21 =	vsub.f32 v43, v44;
	v55 =	vpop (erf);
	v53 =	vld.idx.msk [tilespmem:v8+s29+$0x0], $0xffff  }
0xc4: {  	v20 =	vmul.f32 $1.442695020e+00, v20;
	v54 =	vld.idx.msk [tilespmem:v10+s29+$0x0], $0xffff;
	[tilespmem:s17+$0xFFFFF040] =	vst v55  }
0xc5: {  	v18 =	vmul.f32 v18, v18;
	v21 =	vmul.f32 v21, v21;
	v17 =	vsub.f32 v0, v17;
	v60 =	vld.idx.msk [tilespmem:v7+s29+$0x0], $0xffff  }
0xc6: {  	v61 =	vld.idx.msk [tilespmem:v6+s29+$0x0], $0xffff  }
0xc7: {  	(erf) = vpow2.f32 v20;
	v18 =	vadd.f32 v21, v18;
	v56 =	vld.idx.msk [tilespmem:v8+s30+$0x0], $0xffff;
	v58 =	vmul.f32 $1.442695020e+00, v17  }
0xc8: {  	v57 =	vld.idx.msk [tilespmem:v10+s30+$0x0], $0xffff  }
0xc9: {  	v19 =	vsub.f32 v26, v45;
	v18 =	vsub.f32 v0, v18;
	v63 =	vld.idx.msk [tilespmem:v7+s30+$0x0], $0xffff;
	(erf) = vpow2.f32 v58  }
0xca: {  	v32 =	vld.idx.msk [tilespmem:v6+s30+$0x0], $0xffff  }
0xcb: {  	v59 =	vmul.f32 v19, v19;
	v30 =	vmul.f32 $1.442695020e+00, v18;
	v62 =	vpop (erf);
	v19 =	vsub.f32 v60, v61;
	v60 =	vld.idx.msk [tilespmem:v24+s2+$0x0], $0xffff  }
0xcc: {  	v23 =	vsub.f32 v49, v27;
	v15 =	vsub.f32 v16, v15;
	[tilespmem:s17+$0xFFFFF050] =	vst v62;
	v62 =	vld.idx.msk [tilespmem:v25+s2+$0x0], $0xffff  }
0xcd: {  	v22 =	vsub.f32 v47, v52;
	(erf) = vpow2.f32 v30;
	v33 =	vld.idx.msk [tilespmem:v1+s29+$0x0], $0xffff  }
0xce: {  	v23 =	vmul.f32 v23, v23;
	v15 =	vmul.f32 v15, v15;
	v34 =	vld.idx.msk [tilespmem:v2+s29+$0x0], $0xffff  }
0xcf: {  	v22 =	vmul.f32 v22, v22;
	v31 =	vsub.f32 v53, v54;
	v35 =	vld.idx.msk [tilespmem:v1+s30+$0x0], $0xffff  }
0xd0: {  	v20 =	vsub.f32 v56, v57;
	v36 =	vpop (erf);
	v37 =	vld.idx.msk [tilespmem:v2+s30+$0x0], $0xffff;
	v15 =	vadd.f32 v15, v23  }
0xd1: {  	v17 =	vadd.f32 v22, v59;
	v38 =	vsub.f32 v63, v32;
	v63 =	vld.idx.msk [tilespmem:v24+s25+$0x0], $0xffff;
	[tilespmem:s17+$0xFFFFF060] =	vst v36  }
0xd2: {  	v18 =	vmul.f32 v31, v31;
	v20 =	vmul.f32 v20, v20;
	v22 =	vld.idx.msk [tilespmem:v4+s29+$0x0], $0xffff;
	v15 =	vsub.f32 v0, v15;
	v39 =	vpop (erf)  }
0xd3: {  	v17 =	vsub.f32 v0, v17;
	v19 =	vmul.f32 v19, v19;
	v40 =	vld.idx.msk [tilespmem:v4+s30+$0x0], $0xffff;
	[tilespmem:s17+$0x0] =	vst v39  }
0xd4: {  	v18 =	vadd.f32 v20, v18;
	v20 =	vmul.f32 v38, v38;
	v15 =	vmul.f32 $1.442695020e+00, v15;
	v43 =	vld.idx.msk [tilespmem:v14+s31+$0x0], $0xffff  }
0xd5: {  	v16 =	vsub.f32 v33, v34;
	v42 =	vsub.f32 v35, v37;
	v44 =	vld.idx.msk [tilespmem:v5+s31+$0x0], $0xffff  }
0xd6: {  	v17 =	vmul.f32 $1.442695020e+00, v17;
	v19 =	vadd.f32 v20, v19;
	v45 =	vpop (erf);
	(erf) = vpow2.f32 v15;
	v14 =	vld.idx.msk [tilespmem:v14+s0+$0x0], $0xffff  }
0xd7: {  	v16 =	vmul.f32 v16, v16;
	v20 =	vmul.f32 v42, v42;
	[tilespmem:s17+$0x10] =	vst v45;
	v46 =	vld.idx.msk [tilespmem:v5+s0+$0x0], $0xffff  }
0xd8: {  	(erf) = vpow2.f32 v17;
	v48 =	vld.idx.msk [tilespmem:v13+s31+$0x0], $0xffff  }
0xd9: {  	v18 =	vsub.f32 v0, v18;
	v49 =	vld.idx.msk [tilespmem:v12+s31+$0x0], $0xffff;
	v5 =	vadd.f32 v20, v16  }
0xda: {  	v19 =	vsub.f32 v0, v19;
	v16 =	vld [tilespmem:s23+$0xFFFFFFC0]  }
0xdb: {  	v18 =	vmul.f32 $1.442695020e+00, v18;
	v13 =	vld.idx.msk [tilespmem:v13+s0+$0x0], $0xffff;
	v50 =	vsub.f32 v0, v5  }
0xdc: {  	v47 =	vmul.f32 $1.442695020e+00, v19;
	v52 =	vld.idx.msk [tilespmem:v12+s0+$0x0], $0xffff  }
0xdd: {  	v41 =	vld.idx.msk [tilespmem:v3+s30+$0x0], $0xffff;
	(erf) = vpow2.f32 v18;
	v12 =	vmul.f32 $1.442695020e+00, v50  }
0xde: {  	v38 =	vld.idx.msk [tilespmem:v25+s25+$0x0], $0xffff;
	(erf) = vpow2.f32 v47  }
0xdf: {  	v15 =	vld.idx.msk [tilespmem:v3+s29+$0x0], $0xffff;
	(erf) = vpow2.f32 v12;
	v12 =	vsub.f32 v43, v44  }
0xe0: {  	v57 =	vsub.f32 v14, v46;
	v14 =	vld [tilespmem:s23+$0xFFFFFFD0];
	v5 =	vpop (erf)  }
0xe1: {  	v19 =	vsub.f32 v48, v49;
	v13 =	vsub.f32 v13, v52;
	v51 =	vpop (erf);
	v58 =	vmul.f32 v12, v12;
	v12 =	vld [tilespmem:s12+$0xFFFFFFE0]  }
0xe2: {  	[tilespmem:s17+$0x20] =	vst v51;
	v51 =	vld.idx.msk [tilespmem:v16+s2+$0x0], $0xffff  }
0xe3: {  	v19 =	vmul.f32 v19, v19;
	v13 =	vmul.f32 v13, v13;
	v53 =	vld.idx.msk [tilespmem:v11+s31+$0x0], $0xffff  }
0xe4: {  	v54 =	vld.idx.msk [tilespmem:v9+s31+$0x0], $0xffff  }
0xe5: {  	v13 =	vadd.f32 v13, v19;
	v55 =	vld.idx.msk [tilespmem:v11+s0+$0x0], $0xffff  }
0xe6: {  	v11 =	vpop (erf);
	v9 =	vld.idx.msk [tilespmem:v9+s0+$0x0], $0xffff  }
0xe7: {  	v39 =	vsub.f32 v0, v13;
	v13 =	vld [tilespmem:s23+$0xFFFFFFF0];
	[tilespmem:s17+$0x30] =	vst v11  }
0xe8: {  	v56 =	vld.idx.msk [tilespmem:v8+s31+$0x0], $0xffff  }
0xe9: {  	v32 =	vld.idx.msk [tilespmem:v10+s31+$0x0], $0xffff  }
0xea: {  	v33 =	vld.idx.msk [tilespmem:v8+s0+$0x0], $0xffff;
	v8 =	vpop (erf)  }
0xeb: {  	v10 =	vld.idx.msk [tilespmem:v10+s0+$0x0], $0xffff;
	[tilespmem:s17+$0x40] =	vst v8  }
0xec: {  	v34 =	vld.idx.msk [tilespmem:v7+s31+$0x0], $0xffff  }
0xed: {  	v35 =	vld.idx.msk [tilespmem:v6+s31+$0x0], $0xffff  }
0xee: {  	v7 =	vld.idx.msk [tilespmem:v7+s0+$0x0], $0xffff  }
0xef: {  	v6 =	vld.idx.msk [tilespmem:v6+s0+$0x0], $0xffff  }
0xf0: {  	v17 =	vmul.f32 v57, v57;
	v8 =	vpop (erf);
	v61 =	vsub.f32 v53, v54;
	v53 =	vld.idx.msk [tilespmem:v16+s25+$0x0], $0xffff  }
0xf1: {  	v11 =	vsub.f32 v40, v41;
	[tilespmem:s17+$0x50] =	vst v8;
	v8 =	vsub.f32 v22, v15;
	v15 =	vld [tilespmem:s12+$0xFFFFFFD0]  }
0xf2: {  	v18 =	vsub.f32 v60, v62;
	v17 =	vadd.f32 v17, v58;
	v36 =	vld.idx.msk [tilespmem:v1+s31+$0x0], $0xffff  }
0xf3: {  	v11 =	vmul.f32 v11, v11;
	v9 =	vsub.f32 v55, v9;
	v37 =	vld.idx.msk [tilespmem:v2+s31+$0x0], $0xffff;
	v8 =	vmul.f32 v8, v8  }
0xf4: {  	v19 =	vsub.f32 v63, v38;
	v17 =	vsub.f32 v0, v17;
	v1 =	vld.idx.msk [tilespmem:v1+s0+$0x0], $0xffff  }
0xf5: {  	v2 =	vld.idx.msk [tilespmem:v2+s0+$0x0], $0xffff;
	v21 =	vmul.f32 v61, v61;
	v9 =	vmul.f32 v9, v9;
	v8 =	vadd.f32 v11, v8  }
0xf6: {  	v18 =	vmul.f32 v18, v18;
	v60 =	vld.idx.msk [tilespmem:v12+s2+$0x0], $0xffff;
	v40 =	vsub.f32 v56, v32;
	v42 =	vsub.f32 v33, v10  }
0xf7: {  	v17 =	vmul.f32 $1.442695020e+00, v17;
	v10 =	vld [tilespmem:s23+$0x0];
	v41 =	vadd.f32 v9, v21;
	v59 =	vsub.f32 v0, v8  }
0xf8: {  	v56 =	vld.idx.msk [tilespmem:v14+s2+$0x0], $0xffff;
	v43 =	vmul.f32 v40, v40;
	v44 =	vsub.f32 v34, v35;
	v47 =	vsub.f32 v7, v6  }
0xf9: {  	v38 =	vld.idx.msk [tilespmem:v13+s25+$0x0], $0xffff;
	v46 =	vmul.f32 v42, v42;
	v48 =	vsub.f32 v36, v37;
	v20 =	vmul.f32 $1.442695020e+00, v59  }
0xfa: {  	v9 =	vld [tilespmem:s12+$0x0];
	v27 =	vmul.f32 v44, v44;
	v21 =	vmul.f32 v47, v47;
	v2 =	vsub.f32 v1, v2  }
0xfb: {  	v7 =	vld [tilespmem:s12+$0x10];
	v49 =	vmul.f32 v48, v48;
	(erf) = vpow2.f32 v20  }
0xfc: {  	v6 =	vld [tilespmem:s23+$0x10];
	v50 =	vmul.f32 v2, v2;
	(erf) = vpow2.f32 v17;
	v17 =	vadd.f32 v46, v43  }
0xfd: {  	v19 =	vmul.f32 v19, v19;
	v11 =	vld [tilespmem:s23+$0xFFFFFFE0];
	v45 =	vsub.f32 v0, v41;
	v21 =	vadd.f32 v21, v27  }
0xfe: {  	v26 =	vmul.f32 $1.442695020e+00, v39;
	v20 =	vld [tilespmem:s12+$0xFFFFFFC0];
	v22 =	vadd.f32 v50, v49;
	v17 =	vsub.f32 v0, v17  }
0xff: {  	v18 =	vadd.f32 v19, v18;
	v44 =	vld.idx.msk [tilespmem:v12+s25+$0x0], $0xffff;
	v52 =	vmul.f32 $1.442695020e+00, v45;
	v21 =	vsub.f32 v0, v21  }
0x100: {  	v8 =	vld [tilespmem:s12+$0xFFFFFFF0];
	(erf) = vpow2.f32 v26;
	v54 =	vsub.f32 v0, v22;
	v17 =	vmul.f32 $1.442695020e+00, v17  }
0x101: {  	v18 =	vsub.f32 v0, v18;
	v1 =	vld [tilespmem:s12+$0x20];
	v21 =	vmul.f32 $1.442695020e+00, v21;
	(erf) = vpow2.f32 v52  }
0x102: {  	v55 =	vld.idx.msk [tilespmem:v15+s2+$0x0], $0xffff;
	v57 =	vmul.f32 $1.442695020e+00, v54;
	(erf) = vpow2.f32 v17  }
0x103: {  	v18 =	vmul.f32 $1.442695020e+00, v18;
	v58 =	vld.idx.msk [tilespmem:v15+s25+$0x0], $0xffff;
	(erf) = vpow2.f32 v21  }
0x104: {  	v59 =	vld.idx.msk [tilespmem:v14+s25+$0x0], $0xffff;
	(erf) = vpow2.f32 v57  }
0x105: {  	v2 =	vld [tilespmem:s23+$0x20];
	(erf) = vpow2.f32 v18  }
0x106: {  	v61 =	vld.idx.msk [tilespmem:v20+s2+$0x0], $0xffff  }
0x107: {  	v62 =	vld.idx.msk [tilespmem:v20+s25+$0x0], $0xffff;
	v33 =	vpop (erf)  }
0x108: {  	v40 =	vld.idx.msk [tilespmem:v10+s2+$0x0], $0xffff;
	v23 =	vpop (erf)  }
0x109: {  	v50 =	vld.idx.msk [tilespmem:v13+s2+$0x0], $0xffff;
	v45 =	vsub.f32 v55, v56;
	v47 =	vsub.f32 v58, v59;
	v22 =	vpop (erf)  }
0x10a: {  	v41 =	vld.idx.msk [tilespmem:v9+s25+$0x0], $0xffff;
	v21 =	vpop (erf)  }
0x10b: {  	v63 =	vld.idx.msk [tilespmem:v11+s2+$0x0], $0xffff;
	v49 =	vmul.f32 v45, v45;
	v29 =	vmul.f32 v47, v47;
	v19 =	vpop (erf)  }
0x10c: {  	v46 =	vld.idx.msk [tilespmem:v11+s25+$0x0], $0xffff;
	v27 =	vsub.f32 v61, v51;
	v28 =	vsub.f32 v62, v53;
	v18 =	vpop (erf)  }
0x10d: {  	v52 =	vld.idx.msk [tilespmem:v9+s2+$0x0], $0xffff;
	v29 =	vadd.f32 v29, v49;
	v17 =	vpop (erf)  }
0x10e: {  	s7 =	simm.s32 $0x19900;
	v48 =	vld.idx.msk [tilespmem:v8+s2+$0x0], $0xffff;
	v27 =	vmul.f32 v27, v27;
	v28 =	vmul.f32 v28, v28;
	v39 =	vpop (erf)  }
0x10f: {  	v51 =	vld.idx.msk [tilespmem:v8+s25+$0x0], $0xffff;
	v53 =	vsub.f32 v0, v29;
	[tilespmem:s7+$0xFFFFE070] =	vst v39  }
0x110: {  	v31 =	vsub.f32 v60, v63;
	v27 =	vadd.f32 v28, v27;
	v54 =	vld.idx.msk [tilespmem:v24+s26+$0x0], $0xffff  }
0x111: {  	v26 =	vsub.f32 v44, v46;
	v28 =	vmul.f32 $1.442695020e+00, v53;
	v55 =	vld.idx.msk [tilespmem:v25+s26+$0x0], $0xffff  }
0x112: {  	v31 =	vmul.f32 v31, v31;
	v27 =	vsub.f32 v0, v27;
	v56 =	vld.idx.msk [tilespmem:v24+s28+$0x0], $0xffff  }
0x113: {  	v26 =	vmul.f32 v26, v26;
	(erf) = vpow2.f32 v28;
	v39 =	vld.idx.msk [tilespmem:v25+s28+$0x0], $0xffff  }
0x114: {  	v58 =	vld.idx.msk [tilespmem:v10+s25+$0x0], $0xffff;
	v57 =	vsub.f32 v48, v50;
	v27 =	vmul.f32 $1.442695020e+00, v27  }
0x115: {  	v45 =	vld.idx.msk [tilespmem:v1+s2+$0x0], $0xffff;
	v26 =	vadd.f32 v26, v31;
	v59 =	vsub.f32 v51, v38  }
0x116: {  	v60 =	vld.idx.msk [tilespmem:v7+s2+$0x0], $0xffff;
	(erf) = vpow2.f32 v27  }
0x117: {  	v63 =	vld.idx.msk [tilespmem:v6+s25+$0x0], $0xffff;
	v26 =	vsub.f32 v0, v26;
	v28 =	vmul.f32 v57, v57;
	v31 =	vmul.f32 v59, v59  }
0x118: {  	v46 =	vld.idx.msk [tilespmem:v2+s2+$0x0], $0xffff;
	v29 =	vsub.f32 v54, v55;
	v44 =	vsub.f32 v56, v39  }
0x119: {  	v48 =	vld.idx.msk [tilespmem:v1+s25+$0x0], $0xffff;
	v26 =	vmul.f32 $1.442695020e+00, v26;
	v28 =	vadd.f32 v31, v28  }
0x11a: {  	v62 =	vld.idx.msk [tilespmem:v7+s25+$0x0], $0xffff;
	v29 =	vmul.f32 v29, v29;
	v34 =	vmul.f32 v44, v44  }
0x11b: {  	v61 =	vld.idx.msk [tilespmem:v6+s2+$0x0], $0xffff;
	(erf) = vpow2.f32 v26;
	v47 =	vsub.f32 v0, v28  }
0x11c: {  	v49 =	vsub.f32 v52, v40;
	v50 =	vld.idx.msk [tilespmem:v2+s25+$0x0], $0xffff;
	[tilespmem:s17+$0x60] =	vst v33;
	v51 =	vpop (erf);
	v29 =	vadd.f32 v34, v29  }
0x11d: {  	v30 =	vsub.f32 v41, v58;
	v26 =	vld.idx.msk [tilespmem:v4+s31+$0x0], $0xffff;
	v52 =	vmul.f32 $1.442695020e+00, v47;
	[tilespmem:s7+$0xFFFFE010] =	vst v51  }
0x11e: {  	v33 =	vmul.f32 v49, v49;
	v34 =	vld.idx.msk [tilespmem:v15+s26+$0x0], $0xffff;
	v29 =	vsub.f32 v0, v29  }
0x11f: {  	v30 =	vmul.f32 v30, v30;
	v37 =	vsub.f32 v62, v63;
	v54 =	vld.idx.msk [tilespmem:v14+s26+$0x0], $0xffff;
	v53 =	vpop (erf);
	(erf) = vpow2.f32 v52  }
0x120: {  	v27 =	vsub.f32 v60, v61;
	v61 =	vld.idx.msk [tilespmem:v15+s28+$0x0], $0xffff;
	[tilespmem:s7+$0xFFFFE000] =	vst v53;
	v29 =	vmul.f32 $1.442695020e+00, v29  }
0x121: {  	v30 =	vadd.f32 v30, v33;
	v58 =	vmul.f32 v37, v37;
	v55 =	vld.idx.msk [tilespmem:v20+s26+$0x0], $0xffff  }
0x122: {  	v27 =	vmul.f32 v27, v27;
	v56 =	vld.idx.msk [tilespmem:v16+s26+$0x0], $0xffff;
	(erf) = vpow2.f32 v29  }
0x123: {  	v30 =	vsub.f32 v0, v30;
	v31 =	vsub.f32 v45, v46;
	v57 =	vld.idx.msk [tilespmem:v20+s28+$0x0], $0xffff  }
0x124: {  	v28 =	vsub.f32 v48, v50;
	v27 =	vadd.f32 v58, v27;
	v60 =	vpop (erf);
	v59 =	vld.idx.msk [tilespmem:v16+s28+$0x0], $0xffff  }
0x125: {  	v30 =	vmul.f32 $1.442695020e+00, v30;
	v62 =	vld.idx.msk [tilespmem:v14+s28+$0x0], $0xffff;
	[tilespmem:s7+$0xFFFFE020] =	vst v60  }
0x126: {  	v31 =	vmul.f32 v31, v31;
	v28 =	vmul.f32 v28, v28;
	v27 =	vsub.f32 v0, v27;
	v35 =	vld.idx.msk [tilespmem:v12+s26+$0x0], $0xffff  }
0x127: {  	v63 =	vld.idx.msk [tilespmem:v11+s26+$0x0], $0xffff;
	(erf) = vpow2.f32 v30  }
0x128: {  	v28 =	vadd.f32 v28, v31;
	v27 =	vmul.f32 $1.442695020e+00, v27;
	v45 =	vld.idx.msk [tilespmem:v12+s28+$0x0], $0xffff;
	v44 =	vpop (erf)  }
0x129: {  	v46 =	vld.idx.msk [tilespmem:v11+s28+$0x0], $0xffff;
	v32 =	vsub.f32 v55, v56;
	v47 =	vsub.f32 v57, v59;
	[tilespmem:s7+$0xFFFFE030] =	vst v44  }
0x12a: {  	v28 =	vsub.f32 v0, v28;
	(erf) = vpow2.f32 v27;
	v36 =	vld.idx.msk [tilespmem:v8+s26+$0x0], $0xffff  }
0x12b: {  	v32 =	vmul.f32 v32, v32;
	v33 =	vmul.f32 v47, v47;
	v48 =	vld.idx.msk [tilespmem:v13+s26+$0x0], $0xffff;
	v49 =	vpop (erf)  }
0x12c: {  	v28 =	vmul.f32 $1.442695020e+00, v28;
	v34 =	vsub.f32 v34, v54;
	v50 =	vld.idx.msk [tilespmem:v8+s28+$0x0], $0xffff;
	[tilespmem:s7+$0xFFFFF070] =	vst v49  }
0x12d: {  	v29 =	vsub.f32 v61, v62;
	v32 =	vadd.f32 v33, v32;
	v37 =	vld.idx.msk [tilespmem:v24+s29+$0x0], $0xffff  }
0x12e: {  	(erf) = vpow2.f32 v28;
	v51 =	vld.idx.msk [tilespmem:v25+s29+$0x0], $0xffff  }
0x12f: {  	v34 =	vmul.f32 v34, v34;
	v29 =	vmul.f32 v29, v29;
	v32 =	vsub.f32 v0, v32;
	v52 =	vld.idx.msk [tilespmem:v24+s30+$0x0], $0xffff  }
0x130: {  	v30 =	vsub.f32 v35, v63;
	v53 =	vpop (erf);
	v54 =	vld.idx.msk [tilespmem:v25+s30+$0x0], $0xffff  }
0x131: {  	v31 =	vsub.f32 v45, v46;
	v29 =	vadd.f32 v29, v34;
	v55 =	vld.idx.msk [tilespmem:v13+s28+$0x0], $0xffff;
	[tilespmem:s7+$0xFFFFE040] =	vst v53;
	v32 =	vmul.f32 $1.442695020e+00, v32  }
0x132: {  	v30 =	vmul.f32 v30, v30;
	v56 =	vld.idx.msk [tilespmem:v9+s26+$0x0], $0xffff  }
0x133: {  	v31 =	vmul.f32 v31, v31;
	v29 =	vsub.f32 v0, v29;
	v39 =	vld.idx.msk [tilespmem:v10+s26+$0x0], $0xffff;
	v57 =	vpop (erf);
	(erf) = vpow2.f32 v32  }
0x134: {  	v58 =	vld.idx.msk [tilespmem:v9+s28+$0x0], $0xffff;
	v33 =	vsub.f32 v37, v51  }
0x135: {  	v30 =	vadd.f32 v31, v30;
	v29 =	vmul.f32 $1.442695020e+00, v29;
	v59 =	vld.idx.msk [tilespmem:v10+s28+$0x0], $0xffff;
	[tilespmem:s7+$0xFFFFE050] =	vst v57;
	v28 =	vsub.f32 v52, v54  }
0x136: {  	v60 =	vld.idx.msk [tilespmem:v7+s26+$0x0], $0xffff;
	v33 =	vmul.f32 v33, v33  }
0x137: {  	v30 =	vsub.f32 v0, v30;
	v61 =	vld.idx.msk [tilespmem:v6+s26+$0x0], $0xffff;
	v28 =	vmul.f32 v28, v28;
	v62 =	vpop (erf);
	(erf) = vpow2.f32 v29  }
0x138: {  	v63 =	vld.idx.msk [tilespmem:v7+s28+$0x0], $0xffff  }
0x139: {  	v30 =	vmul.f32 $1.442695020e+00, v30;
	v44 =	vld.idx.msk [tilespmem:v6+s28+$0x0], $0xffff;
	[tilespmem:s7+$0xFFFFE060] =	vst v62;
	v28 =	vadd.f32 v28, v33  }
0x13a: {  	v27 =	vsub.f32 v36, v48;
	v45 =	vsub.f32 v50, v55;
	v46 =	vld.idx.msk [tilespmem:v1+s26+$0x0], $0xffff  }
0x13b: {  	(erf) = vpow2.f32 v30;
	v47 =	vld.idx.msk [tilespmem:v2+s26+$0x0], $0xffff;
	v28 =	vsub.f32 v0, v28  }
0x13c: {  	v27 =	vmul.f32 v27, v27;
	v33 =	vmul.f32 v45, v45;
	v48 =	vld.idx.msk [tilespmem:v1+s28+$0x0], $0xffff;
	v50 =	vpop (erf)  }
0x13d: {  	v34 =	vsub.f32 v56, v39;
	v49 =	vld.idx.msk [tilespmem:v2+s28+$0x0], $0xffff;
	v28 =	vmul.f32 $1.442695020e+00, v28;
	[tilespmem:s7+$0xFFFFF000] =	vst v50  }
0x13e: {  	v32 =	vsub.f32 v58, v59;
	v33 =	vadd.f32 v33, v27;
	v40 =	vld.idx.msk [tilespmem:v20+s29+$0x0], $0xffff  }
0x13f: {  	v52 =	vld.idx.msk [tilespmem:v16+s29+$0x0], $0xffff;
	(erf) = vpow2.f32 v28  }
0x140: {  	v51 =	vmul.f32 v34, v34;
	v32 =	vmul.f32 v32, v32;
	v33 =	vsub.f32 v0, v33;
	v54 =	vld.idx.msk [tilespmem:v20+s30+$0x0], $0xffff;
	v53 =	vpop (erf)  }
0x141: {  	v31 =	vsub.f32 v60, v61;
	v56 =	vld.idx.msk [tilespmem:v16+s30+$0x0], $0xffff;
	[tilespmem:s7+$0xFFFFF010] =	vst v53  }
0x142: {  	v29 =	vsub.f32 v63, v44;
	v28 =	vadd.f32 v32, v51;
	v55 =	vmul.f32 $1.442695020e+00, v33;
	v36 =	vld.idx.msk [tilespmem:v15+s29+$0x0], $0xffff  }
0x143: {  	v31 =	vmul.f32 v31, v31;
	v57 =	vld.idx.msk [tilespmem:v14+s29+$0x0], $0xffff  }
0x144: {  	v29 =	vmul.f32 v29, v29;
	v28 =	vsub.f32 v0, v28;
	(erf) = vpow2.f32 v55;
	v58 =	vpop (erf);
	v59 =	vld.idx.msk [tilespmem:v15+s30+$0x0], $0xffff  }
0x145: {  	v35 =	vsub.f32 v46, v47;
	[tilespmem:s7+$0xFFFFF020] =	vst v58;
	v60 =	vld.idx.msk [tilespmem:v14+s30+$0x0], $0xffff  }
0x146: {  	v29 =	vadd.f32 v29, v31;
	v30 =	vsub.f32 v48, v49;
	v28 =	vmul.f32 $1.442695020e+00, v28;
	v61 =	vld.idx.msk [tilespmem:v12+s29+$0x0], $0xffff  }
0x147: {  	v35 =	vmul.f32 v35, v35;
	v62 =	vld.idx.msk [tilespmem:v11+s29+$0x0], $0xffff  }
0x148: {  	v29 =	vsub.f32 v0, v29;
	v30 =	vmul.f32 v30, v30;
	v41 =	vld.idx.msk [tilespmem:v12+s30+$0x0], $0xffff;
	(erf) = vpow2.f32 v28;
	v63 =	vpop (erf)  }
0x149: {  	v46 =	vld.idx.msk [tilespmem:v11+s30+$0x0], $0xffff;
	[tilespmem:s7+$0x70] =	vst v63  }
0x14a: {  	v30 =	vadd.f32 v30, v35;
	v29 =	vmul.f32 $1.442695020e+00, v29;
	v42 =	vld.idx.msk [tilespmem:v24+s31+$0x0], $0xffff  }
0x14b: {  	v34 =	vsub.f32 v40, v52;
	v33 =	vsub.f32 v54, v56;
	v44 =	vld.idx.msk [tilespmem:v25+s31+$0x0], $0xffff  }
0x14c: {  	v30 =	vsub.f32 v0, v30;
	(erf) = vpow2.f32 v29;
	v24 =	vld.idx.msk [tilespmem:v24+s0+$0x0], $0xffff  }
0x14d: {  	v34 =	vmul.f32 v34, v34;
	v43 =	vmul.f32 v33, v33;
	v45 =	vpop (erf);
	v25 =	vld.idx.msk [tilespmem:v25+s0+$0x0], $0xffff  }
0x14e: {  	v4 =	vld.idx.msk [tilespmem:v4+s0+$0x0], $0xffff;
	v30 =	vmul.f32 $1.442695020e+00, v30;
	v32 =	vsub.f32 v36, v57;
	[tilespmem:s7+$0xFFFFF030] =	vst v45  }
0x14f: {  	v31 =	vsub.f32 v59, v60;
	v29 =	vadd.f32 v43, v34;
	v36 =	vld.idx.msk [tilespmem:v8+s29+$0x0], $0xffff  }
0x150: {  	v28 =	vsub.f32 v61, v62;
	v34 =	vsub.f32 v41, v46;
	(erf) = vpow2.f32 v30;
	v48 =	vld.idx.msk [tilespmem:v13+s29+$0x0], $0xffff  }
0x151: {  	v32 =	vmul.f32 v32, v32;
	v31 =	vmul.f32 v31, v31;
	v29 =	vsub.f32 v0, v29;
	v50 =	vld.idx.msk [tilespmem:v8+s30+$0x0], $0xffff;
	v49 =	vpop (erf)  }
0x152: {  	v51 =	vld.idx.msk [tilespmem:v13+s30+$0x0], $0xffff;
	[tilespmem:s7+$0xFFFFF040] =	vst v49;
	v33 =	vsub.f32 v42, v44;
	v24 =	vsub.f32 v24, v25  }
0x153: {  	v28 =	vmul.f32 v28, v28;
	v47 =	vadd.f32 v31, v32;
	v29 =	vmul.f32 $1.442695020e+00, v29;
	v52 =	vld.idx.msk [tilespmem:v9+s29+$0x0], $0xffff  }
0x154: {  	v54 =	vld.idx.msk [tilespmem:v10+s29+$0x0], $0xffff;
	v33 =	vmul.f32 v33, v33;
	v24 =	vmul.f32 v24, v24  }
0x155: {  	v34 =	vmul.f32 v34, v34;
	v30 =	vsub.f32 v0, v47;
	(erf) = vpow2.f32 v29;
	v55 =	vld.idx.msk [tilespmem:v9+s30+$0x0], $0xffff;
	v53 =	vpop (erf)  }
0x156: {  	v56 =	vld.idx.msk [tilespmem:v10+s30+$0x0], $0xffff;
	[tilespmem:s7+$0xFFFFF050] =	vst v53;
	v24 =	vadd.f32 v24, v33  }
0x157: {  	v28 =	vadd.f32 v34, v28;
	v30 =	vmul.f32 $1.442695020e+00, v30;
	v31 =	vsub.f32 v36, v48;
	v57 =	vld.idx.msk [tilespmem:v7+s29+$0x0], $0xffff  }
0x158: {  	v32 =	vsub.f32 v50, v51;
	v58 =	vld.idx.msk [tilespmem:v6+s29+$0x0], $0xffff;
	v24 =	vsub.f32 v0, v24  }
0x159: {  	(erf) = vpow2.f32 v30;
	v59 =	vpop (erf);
	v31 =	vmul.f32 v31, v31;
	v60 =	vld.idx.msk [tilespmem:v7+s30+$0x0], $0xffff  }
0x15a: {  	v28 =	vsub.f32 v0, v28;
	v32 =	vmul.f32 v32, v32;
	v61 =	vld.idx.msk [tilespmem:v6+s30+$0x0], $0xffff;
	[tilespmem:s7+$0xFFFFF060] =	vst v59;
	v24 =	vmul.f32 $1.442695020e+00, v24  }
0x15b: {  	v25 =	vsub.f32 v52, v54;
	v62 =	vld.idx.msk [tilespmem:v1+s29+$0x0], $0xffff;
	v29 =	vsub.f32 v55, v56  }
0x15c: {  	v28 =	vmul.f32 $1.442695020e+00, v28;
	v31 =	vadd.f32 v32, v31;
	v63 =	vld.idx.msk [tilespmem:v2+s29+$0x0], $0xffff;
	(erf) = vpow2.f32 v24  }
0x15d: {  	v41 =	vld.idx.msk [tilespmem:v1+s30+$0x0], $0xffff;
	v25 =	vmul.f32 v25, v25;
	v29 =	vmul.f32 v29, v29  }
0x15e: {  	v42 =	vld.idx.msk [tilespmem:v2+s30+$0x0], $0xffff;
	v40 =	vpop (erf);
	v31 =	vsub.f32 v0, v31;
	(erf) = vpow2.f32 v28  }
0x15f: {  	v27 =	vld.idx.msk [tilespmem:v3+s31+$0x0], $0xffff;
	[tilespmem:s7+$0x0] =	vst v40;
	v30 =	vsub.f32 v57, v58;
	v25 =	vadd.f32 v29, v25  }
0x160: {  	v34 =	vsub.f32 v60, v61;
	v43 =	vld.idx.msk [tilespmem:v20+s31+$0x0], $0xffff;
	v31 =	vmul.f32 $1.442695020e+00, v31  }
0x161: {  	v36 =	vld.idx.msk [tilespmem:v16+s31+$0x0], $0xffff;
	v45 =	vmul.f32 v30, v30;
	v25 =	vsub.f32 v0, v25  }
0x162: {  	v20 =	vld.idx.msk [tilespmem:v20+s0+$0x0], $0xffff;
	v44 =	vpop (erf);
	v46 =	vmul.f32 v34, v34;
	v47 =	vsub.f32 v62, v63;
	(erf) = vpow2.f32 v31  }
0x163: {  	v16 =	vld.idx.msk [tilespmem:v16+s0+$0x0], $0xffff;
	v24 =	vsub.f32 v41, v42;
	[tilespmem:s7+$0x10] =	vst v44;
	v25 =	vmul.f32 $1.442695020e+00, v25  }
0x164: {  	v48 =	vld.idx.msk [tilespmem:v15+s31+$0x0], $0xffff;
	v49 =	vadd.f32 v46, v45;
	v51 =	vmul.f32 v47, v47  }
0x165: {  	v50 =	vld.idx.msk [tilespmem:v14+s31+$0x0], $0xffff;
	v24 =	vmul.f32 v24, v24;
	v52 =	vpop (erf);
	(erf) = vpow2.f32 v25  }
0x166: {  	v15 =	vld.idx.msk [tilespmem:v15+s0+$0x0], $0xffff;
	v28 =	vsub.f32 v0, v49  }
0x167: {  	[tilespmem:s17+$0x1070] =	vst v5;
	v14 =	vld.idx.msk [tilespmem:v14+s0+$0x0], $0xffff;
	v5 =	vadd.f32 v24, v51;
	v53 =	vpop (erf)  }
0x168: {  	v3 =	vld.idx.msk [tilespmem:v3+s0+$0x0], $0xffff;
	v56 =	vsub.f32 v43, v36;
	v54 =	vmul.f32 $1.442695020e+00, v28;
	[tilespmem:s7+$0x20] =	vst v53  }
0x169: {  	v16 =	vsub.f32 v20, v16;
	v5 =	vsub.f32 v0, v5;
	v55 =	vld.idx.msk [tilespmem:v12+s31+$0x0], $0xffff  }
0x16a: {  	[tilespmem:s17+$0x1010] =	vst v22;
	v22 =	vmul.f32 v56, v56;
	(erf) = vpow2.f32 v54;
	v57 =	vld.idx.msk [tilespmem:v11+s31+$0x0], $0xffff  }
0x16b: {  	v16 =	vmul.f32 v16, v16;
	v5 =	vmul.f32 $1.442695020e+00, v5;
	v58 =	vpop (erf);
	v12 =	vld.idx.msk [tilespmem:v12+s0+$0x0], $0xffff  }
0x16c: {  	v59 =	vsub.f32 v48, v50;
	v14 =	vsub.f32 v15, v14;
	v11 =	vld.idx.msk [tilespmem:v11+s0+$0x0], $0xffff;
	[tilespmem:s7+$0x30] =	vst v58  }
0x16d: {  	[tilespmem:s17+$0x1030] =	vst v19;
	v3 =	vsub.f32 v4, v3;
	v16 =	vadd.f32 v16, v22;
	(erf) = vpow2.f32 v5;
	v15 =	vld.idx.msk [tilespmem:v8+s31+$0x0], $0xffff  }
0x16e: {  	v19 =	vmul.f32 v59, v59;
	v14 =	vmul.f32 v14, v14;
	v5 =	vsub.f32 v26, v27;
	v4 =	vld.idx.msk [tilespmem:v8+s0+$0x0], $0xffff;
	v8 =	vpop (erf)  }
0x16f: {  	v16 =	vsub.f32 v0, v16;
	v60 =	vld.idx.msk [tilespmem:v13+s31+$0x0], $0xffff;
	[tilespmem:s7+$0x40] =	vst v8;
	v8 =	vsub.f32 v55, v57  }
0x170: {  	[tilespmem:s17+$0x1000] =	vst v23;
	v3 =	vmul.f32 v3, v3;
	v14 =	vadd.f32 v14, v19;
	v13 =	vld.idx.msk [tilespmem:v13+s0+$0x0], $0xffff  }
0x171: {  	[tilespmem:s17+$0x1020] =	vst v21;
	v5 =	vmul.f32 v5, v5;
	v16 =	vmul.f32 $1.442695020e+00, v16;
	v61 =	vld.idx.msk [tilespmem:v9+s31+$0x0], $0xffff  }
0x172: {  	v14 =	vsub.f32 v0, v14;
	v11 =	vsub.f32 v12, v11;
	v62 =	vld.idx.msk [tilespmem:v10+s31+$0x0], $0xffff;
	v12 =	vmul.f32 v8, v8  }
0x173: {  	[tilespmem:s17+$0x1040] =	vst v18;
	v3 =	vadd.f32 v3, v5;
	(erf) = vpow2.f32 v16;
	v5 =	vld.idx.msk [tilespmem:v9+s0+$0x0], $0xffff;
	v8 =	vpop (erf)  }
0x174: {  	v14 =	vmul.f32 $1.442695020e+00, v14;
	v11 =	vmul.f32 v11, v11;
	v9 =	vld.idx.msk [tilespmem:v10+s0+$0x0], $0xffff;
	[tilespmem:s7+$0x50] =	vst v8  }
0x175: {  	[tilespmem:s17+$0x1050] =	vst v17;
	v3 =	vsub.f32 v0, v3;
	v13 =	vsub.f32 v4, v13;
	v8 =	vld.idx.msk [tilespmem:v7+s31+$0x0], $0xffff  }
0x176: {  	[tilespmem:s7+$0x1070] =	vst v52;
	v15 =	vsub.f32 v15, v60;
	(erf) = vpow2.f32 v14;
	v63 =	vadd.f32 v11, v12;
	v10 =	vld.idx.msk [tilespmem:v6+s31+$0x0], $0xffff;
	v12 =	vpop (erf)  }
0x177: {  	v13 =	vmul.f32 v13, v13;
	v4 =	vld.idx.msk [tilespmem:v7+s0+$0x0], $0xffff;
	[tilespmem:s7+$0x60] =	vst v12;
	v12 =	vmul.f32 $1.442695020e+00, v3  }
0x178: {  	s9 =	simm.s32 $0x8;
	s12 =	simm.s32 $0x139C0;
	v11 =	vmul.f32 v15, v15;
	v7 =	vsub.f32 v0, v63;
	v14 =	vsub.f32 v61, v62;
	v3 =	vld.idx.msk [tilespmem:v6+s0+$0x0], $0xffff  }
.LBB2_3:
0x179: {  	v17 =	vld [tilespmem:s12+$0x30];
	s23 =	sadd.s32 $0x80, s23;
	(erf) = vpow2.f32 v12  }
0x17a: {  	v5 =	vsub.f32 v5, v9;
	v18 =	vld [tilespmem:s23+$0x30];
	v6 =	vadd.f32 v13, v11;
	v14 =	vmul.f32 v14, v14  }
0x17b: {  	v7 =	vmul.f32 $1.442695020e+00, v7;
	v13 =	vld [tilespmem:s23+$0xFFFFFFC0]  }
0x17c: {  	v5 =	vmul.f32 v5, v5;
	v8 =	vsub.f32 v8, v10;
	v11 =	vld [tilespmem:s12+$0xFFFFFFD0];
	v6 =	vsub.f32 v0, v6;
	v9 =	vpop (erf)  }
0x17d: {  	v12 =	vld [tilespmem:s23+$0xFFFFFFD0];
	[tilespmem:s7+$0x1000] =	vst v9;
	(erf) = vpow2.f32 v7  }
0x17e: {  	v7 =	vadd.f32 v5, v14;
	v3 =	vsub.f32 v4, v3;
	v4 =	vmul.f32 v8, v8;
	v9 =	vld [tilespmem:s12+$0xFFFFFFE0]  }
0x17f: {  	v6 =	vmul.f32 $1.442695020e+00, v6;
	v8 =	vld [tilespmem:s23+$0xFFFFFFE0]  }
0x180: {  	v7 =	vsub.f32 v0, v7;
	v3 =	vmul.f32 v3, v3;
	v5 =	vld [tilespmem:s12+$0xFFFFFFF0];
	v10 =	vpop (erf)  }
0x181: {  	v14 =	vld.idx.msk [tilespmem:v17+s2+$0x0], $0xffff;
	[tilespmem:s7+$0x1010] =	vst v10;
	(erf) = vpow2.f32 v6  }
0x182: {  	v6 =	vmul.f32 $1.442695020e+00, v7;
	v3 =	vadd.f32 v3, v4;
	v16 =	vld.idx.msk [tilespmem:v18+s2+$0x0], $0xffff;
	v4 =	vpop (erf)  }
0x183: {  	v19 =	vld.idx.msk [tilespmem:v17+s25+$0x0], $0xffff;
	[tilespmem:s17+$0x1060] =	vst v4;
	s17 =	smov.u32 s7  }
0x184: {  	v3 =	vsub.f32 v0, v3;
	v20 =	vld.idx.msk [tilespmem:v18+s25+$0x0], $0xffff;
	(erf) = vpow2.f32 v6  }
0x185: {  	s9 =	sadd.s32 $0x8, s9;
	v10 =	vld [tilespmem:s23+$0xFFFFFFF0]  }
0x186: {  	p1 =	slt.u32 s9, $0xF8;
	v3 =	vmul.f32 $1.442695020e+00, v3;
	v7 =	vld [tilespmem:s12+$0x0];
	v4 =	vpop (erf)  }
0x187: {  	v6 =	vld [tilespmem:s23+$0x0];
	[tilespmem:s7+$0x1020] =	vst v4  }
0x188: {  	v4 =	vld [tilespmem:s12+$0x10];
	(erf) = vpow2.f32 v3  }
0x189: {  	v3 =	vld [tilespmem:s23+$0x10]  }
0x18a: {  	v21 =	vsub.f32 v14, v16;
	v19 =	vsub.f32 v19, v20;
	v15 =	vld [tilespmem:s12+$0x20];
	v16 =	vpop (erf)  }
0x18b: {  	v14 =	vld [tilespmem:s23+$0x20];
	[tilespmem:s7+$0x1030] =	vst v16  }
0x18c: {  	v20 =	vmul.f32 v21, v21;
	v19 =	vmul.f32 v19, v19;
	v16 =	vld [tilespmem:s12+$0xFFFFFFC0]  }
0x18d: {  	v21 =	vld.idx.msk [tilespmem:v13+s2+$0x0], $0xffff;
	v22 =	vpop (erf)  }
0x18e: {  	v19 =	vadd.f32 v19, v20;
	v23 =	vld.idx.msk [tilespmem:v13+s25+$0x0], $0xffff;
	[tilespmem:s7+$0x1040] =	vst v22  }
0x18f: {  	v20 =	vld.idx.msk [tilespmem:v11+s2+$0x0], $0xffff  }
0x190: {  	v19 =	vsub.f32 v0, v19;
	v22 =	vld.idx.msk [tilespmem:v12+s2+$0x0], $0xffff  }
0x191: {  	v24 =	vld.idx.msk [tilespmem:v11+s25+$0x0], $0xffff;
	v25 =	vpop (erf)  }
0x192: {  	v19 =	vmul.f32 $1.442695020e+00, v19;
	v26 =	vld.idx.msk [tilespmem:v12+s25+$0x0], $0xffff;
	[tilespmem:s7+$0x1050] =	vst v25  }
0x193: {  	v25 =	vld.idx.msk [tilespmem:v9+s2+$0x0], $0xffff  }
0x194: {  	v27 =	vld.idx.msk [tilespmem:v16+s2+$0x0], $0xffff;
	(erf) = vpow2.f32 v19  }
0x195: {  	v19 =	vld.idx.msk [tilespmem:v16+s25+$0x0], $0xffff  }
0x196: {  	v20 =	vsub.f32 v20, v22;
	v22 =	vld.idx.msk [tilespmem:v8+s2+$0x0], $0xffff  }
0x197: {  	v28 =	vld.idx.msk [tilespmem:v9+s25+$0x0], $0xffff  }
0x198: {  	v24 =	vsub.f32 v24, v26;
	v20 =	vmul.f32 v20, v20;
	v26 =	vld.idx.msk [tilespmem:v8+s25+$0x0], $0xffff  }
0x199: {  	v29 =	vld.idx.msk [tilespmem:v5+s2+$0x0], $0xffff  }
0x19a: {  	v21 =	vsub.f32 v27, v21;
	v24 =	vmul.f32 v24, v24;
	v27 =	vld.idx.msk [tilespmem:v10+s2+$0x0], $0xffff  }
0x19b: {  	v19 =	vsub.f32 v19, v23;
	v23 =	vld.idx.msk [tilespmem:v5+s25+$0x0], $0xffff  }
0x19c: {  	v21 =	vmul.f32 v21, v21;
	v20 =	vadd.f32 v24, v20;
	v22 =	vsub.f32 v25, v22;
	v24 =	vld.idx.msk [tilespmem:v10+s25+$0x0], $0xffff  }
0x19d: {  	s7 =	sadd.s32 $0x80, s7;
	v19 =	vmul.f32 v19, v19;
	v25 =	vld.idx.msk [tilespmem:v7+s2+$0x0], $0xffff;
	v30 =	vpop (erf)  }
0x19e: {  	v26 =	vsub.f32 v28, v26;
	v22 =	vmul.f32 v22, v22;
	v28 =	vld.idx.msk [tilespmem:v6+s2+$0x0], $0xffff;
	[tilespmem:s7+$0xFFFFE070] =	vst v30  }
0x19f: {  	v20 =	vsub.f32 v0, v20;
	v19 =	vadd.f32 v19, v21;
	v21 =	vld.idx.msk [tilespmem:v17+s26+$0x0], $0xffff  }
0x1a0: {  	v26 =	vmul.f32 v26, v26;
	v27 =	vsub.f32 v29, v27;
	v29 =	vld.idx.msk [tilespmem:v18+s26+$0x0], $0xffff  }
0x1a1: {  	v20 =	vmul.f32 $1.442695020e+00, v20;
	v19 =	vsub.f32 v0, v19;
	v30 =	vld.idx.msk [tilespmem:v17+s28+$0x0], $0xffff  }
0x1a2: {  	v22 =	vadd.f32 v26, v22;
	v23 =	vsub.f32 v23, v24;
	v24 =	vmul.f32 v27, v27;
	v26 =	vld.idx.msk [tilespmem:v18+s28+$0x0], $0xffff  }
0x1a3: {  	v19 =	vmul.f32 $1.442695020e+00, v19;
	v27 =	vld.idx.msk [tilespmem:v7+s25+$0x0], $0xffff;
	(erf) = vpow2.f32 v20  }
0x1a4: {  	v20 =	vsub.f32 v0, v22;
	v22 =	vmul.f32 v23, v23;
	v23 =	vsub.f32 v25, v28;
	v25 =	vld.idx.msk [tilespmem:v6+s25+$0x0], $0xffff  }
0x1a5: {  	v28 =	vld.idx.msk [tilespmem:v4+s2+$0x0], $0xffff;
	(erf) = vpow2.f32 v19  }
0x1a6: {  	v19 =	vmul.f32 $1.442695020e+00, v20;
	v20 =	vadd.f32 v22, v24;
	v22 =	vmul.f32 v23, v23;
	v23 =	vld.idx.msk [tilespmem:v3+s2+$0x0], $0xffff  }
0x1a7: {  	v24 =	vld.idx.msk [tilespmem:v4+s25+$0x0], $0xffff  }
0x1a8: {  	v21 =	vsub.f32 v21, v29;
	v26 =	vsub.f32 v30, v26;
	v31 =	vld.idx.msk [tilespmem:v3+s25+$0x0], $0xffff;
	(erf) = vpow2.f32 v19  }
0x1a9: {  	v19 =	vsub.f32 v0, v20;
	v20 =	vld.idx.msk [tilespmem:v15+s2+$0x0], $0xffff  }
0x1aa: {  	v21 =	vmul.f32 v21, v21;
	v25 =	vsub.f32 v27, v25;
	v30 =	vmul.f32 v26, v26;
	v27 =	vld.idx.msk [tilespmem:v14+s2+$0x0], $0xffff  }
0x1ab: {  	v19 =	vmul.f32 $1.442695020e+00, v19;
	v29 =	vld.idx.msk [tilespmem:v15+s25+$0x0], $0xffff  }
0x1ac: {  	v25 =	vmul.f32 v25, v25;
	v23 =	vsub.f32 v28, v23;
	v21 =	vadd.f32 v30, v21;
	v28 =	vld.idx.msk [tilespmem:v14+s25+$0x0], $0xffff;
	v26 =	vpop (erf)  }
0x1ad: {  	[tilespmem:s7+$0xFFFFE010] =	vst v26;
	(erf) = vpow2.f32 v19;
	v19 =	vld.idx.msk [tilespmem:v1+s31+$0x0], $0xffff  }
0x1ae: {  	v24 =	vsub.f32 v24, v31;
	v23 =	vmul.f32 v23, v23;
	v21 =	vsub.f32 v0, v21;
	v26 =	vld.idx.msk [tilespmem:v11+s26+$0x0], $0xffff;
	v30 =	vpop (erf)  }
0x1af: {  	v22 =	vadd.f32 v25, v22;
	[tilespmem:s7+$0xFFFFE000] =	vst v30;
	v30 =	vld.idx.msk [tilespmem:v12+s26+$0x0], $0xffff  }
0x1b0: {  	v24 =	vmul.f32 v24, v24;
	v20 =	vsub.f32 v20, v27;
	v21 =	vmul.f32 $1.442695020e+00, v21;
	v25 =	vld.idx.msk [tilespmem:v16+s26+$0x0], $0xffff  }
0x1b1: {  	v22 =	vsub.f32 v0, v22;
	v27 =	vld.idx.msk [tilespmem:v13+s26+$0x0], $0xffff;
	v31 =	vpop (erf)  }
0x1b2: {  	v28 =	vsub.f32 v29, v28;
	v20 =	vmul.f32 v20, v20;
	v32 =	vld.idx.msk [tilespmem:v16+s28+$0x0], $0xffff;
	[tilespmem:s7+$0xFFFFE020] =	vst v31;
	(erf) = vpow2.f32 v21  }
0x1b3: {  	v22 =	vmul.f32 $1.442695020e+00, v22;
	v23 =	vadd.f32 v24, v23;
	v21 =	vld.idx.msk [tilespmem:v13+s28+$0x0], $0xffff  }
0x1b4: {  	v31 =	vmul.f32 v28, v28;
	v24 =	vld.idx.msk [tilespmem:v11+s28+$0x0], $0xffff  }
0x1b5: {  	v23 =	vsub.f32 v0, v23;
	v26 =	vsub.f32 v26, v30;
	v29 =	vld.idx.msk [tilespmem:v12+s28+$0x0], $0xffff;
	(erf) = vpow2.f32 v22  }
0x1b6: {  	v20 =	vadd.f32 v31, v20;
	v22 =	vld.idx.msk [tilespmem:v9+s26+$0x0], $0xffff;
	v28 =	vpop (erf)  }
0x1b7: {  	v23 =	vmul.f32 $1.442695020e+00, v23;
	v25 =	vsub.f32 v25, v27;
	v26 =	vmul.f32 v26, v26;
	v27 =	vld.idx.msk [tilespmem:v8+s26+$0x0], $0xffff;
	[tilespmem:s7+$0xFFFFE030] =	vst v28  }
0x1b8: {  	v20 =	vsub.f32 v0, v20;
	v28 =	vld.idx.msk [tilespmem:v9+s28+$0x0], $0xffff  }
0x1b9: {  	v21 =	vsub.f32 v32, v21;
	v25 =	vmul.f32 v25, v25;
	v30 =	vld.idx.msk [tilespmem:v8+s28+$0x0], $0xffff;
	(erf) = vpow2.f32 v23  }
0x1ba: {  	v20 =	vmul.f32 $1.442695020e+00, v20;
	v23 =	vld.idx.msk [tilespmem:v5+s26+$0x0], $0xffff  }
0x1bb: {  	v21 =	vmul.f32 v21, v21;
	v24 =	vsub.f32 v24, v29;
	v29 =	vld.idx.msk [tilespmem:v10+s26+$0x0], $0xffff;
	v31 =	vpop (erf)  }
0x1bc: {  	v32 =	vld.idx.msk [tilespmem:v5+s28+$0x0], $0xffff;
	[tilespmem:s7+$0xFFFFF070] =	vst v31;
	(erf) = vpow2.f32 v20  }
0x1bd: {  	v20 =	vadd.f32 v21, v25;
	v21 =	vmul.f32 v24, v24;
	v22 =	vsub.f32 v22, v27;
	v24 =	vld.idx.msk [tilespmem:v17+s29+$0x0], $0xffff  }
0x1be: {  	v25 =	vld.idx.msk [tilespmem:v18+s29+$0x0], $0xffff;
	v27 =	vpop (erf)  }
0x1bf: {  	v28 =	vsub.f32 v28, v30;
	v22 =	vmul.f32 v22, v22;
	[tilespmem:s7+$0xFFFFE040] =	vst v27;
	v27 =	vld.idx.msk [tilespmem:v17+s30+$0x0], $0xffff  }
0x1c0: {  	v20 =	vsub.f32 v0, v20;
	v21 =	vadd.f32 v21, v26;
	v26 =	vld.idx.msk [tilespmem:v18+s30+$0x0], $0xffff  }
0x1c1: {  	v28 =	vmul.f32 v28, v28;
	v23 =	vsub.f32 v23, v29;
	v29 =	vld.idx.msk [tilespmem:v10+s28+$0x0], $0xffff  }
0x1c2: {  	v20 =	vmul.f32 $1.442695020e+00, v20;
	v21 =	vsub.f32 v0, v21;
	v30 =	vld.idx.msk [tilespmem:v7+s26+$0x0], $0xffff;
	v31 =	vpop (erf)  }
0x1c3: {  	v22 =	vadd.f32 v28, v22;
	v23 =	vmul.f32 v23, v23;
	v28 =	vld.idx.msk [tilespmem:v6+s26+$0x0], $0xffff;
	[tilespmem:s7+$0xFFFFE050] =	vst v31  }
0x1c4: {  	v21 =	vmul.f32 $1.442695020e+00, v21;
	v31 =	vld.idx.msk [tilespmem:v7+s28+$0x0], $0xffff;
	(erf) = vpow2.f32 v20  }
0x1c5: {  	v20 =	vsub.f32 v0, v22;
	v22 =	vld.idx.msk [tilespmem:v6+s28+$0x0], $0xffff;
	v33 =	vpop (erf)  }
0x1c6: {  	v24 =	vsub.f32 v24, v25;
	v25 =	vsub.f32 v27, v26;
	v34 =	vld.idx.msk [tilespmem:v4+s26+$0x0], $0xffff;
	[tilespmem:s7+$0xFFFFE060] =	vst v33;
	(erf) = vpow2.f32 v21  }
0x1c7: {  	v20 =	vmul.f32 $1.442695020e+00, v20;
	v21 =	vsub.f32 v32, v29;
	v26 =	vld.idx.msk [tilespmem:v3+s26+$0x0], $0xffff  }
0x1c8: {  	v24 =	vmul.f32 v24, v24;
	v25 =	vmul.f32 v25, v25;
	v27 =	vld.idx.msk [tilespmem:v4+s28+$0x0], $0xffff  }
0x1c9: {  	v21 =	vmul.f32 v21, v21;
	v28 =	vsub.f32 v30, v28;
	v29 =	vld.idx.msk [tilespmem:v3+s28+$0x0], $0xffff;
	(erf) = vpow2.f32 v20  }
0x1ca: {  	v24 =	vadd.f32 v25, v24;
	v20 =	vld.idx.msk [tilespmem:v15+s26+$0x0], $0xffff  }
0x1cb: {  	v21 =	vadd.f32 v21, v23;
	v22 =	vsub.f32 v31, v22;
	v23 =	vmul.f32 v28, v28;
	v25 =	vld.idx.msk [tilespmem:v14+s26+$0x0], $0xffff  }
0x1cc: {  	v24 =	vsub.f32 v0, v24;
	v28 =	vld.idx.msk [tilespmem:v15+s28+$0x0], $0xffff  }
0x1cd: {  	v21 =	vsub.f32 v0, v21;
	v22 =	vmul.f32 v22, v22;
	v26 =	vsub.f32 v34, v26;
	v30 =	vld.idx.msk [tilespmem:v14+s28+$0x0], $0xffff;
	v31 =	vpop (erf)  }
0x1ce: {  	v24 =	vmul.f32 $1.442695020e+00, v24;
	[tilespmem:s7+$0xFFFFF000] =	vst v31;
	v31 =	vld.idx.msk [tilespmem:v2+s31+$0x0], $0xffff  }
0x1cf: {  	v22 =	vadd.f32 v22, v23;
	v23 =	vsub.f32 v27, v29;
	v26 =	vmul.f32 v26, v26;
	v32 =	vld.idx.msk [tilespmem:v16+s29+$0x0], $0xffff;
	v27 =	vpop (erf)  }
0x1d0: {  	v21 =	vmul.f32 $1.442695020e+00, v21;
	v29 =	vld.idx.msk [tilespmem:v13+s29+$0x0], $0xffff;
	[tilespmem:s7+$0xFFFFF010] =	vst v27;
	(erf) = vpow2.f32 v24  }
0x1d1: {  	v22 =	vsub.f32 v0, v22;
	v23 =	vmul.f32 v23, v23;
	v20 =	vsub.f32 v20, v25;
	v24 =	vld.idx.msk [tilespmem:v16+s30+$0x0], $0xffff  }
0x1d2: {  	v25 =	vld.idx.msk [tilespmem:v13+s30+$0x0], $0xffff;
	v27 =	vpop (erf);
	(erf) = vpow2.f32 v21  }
0x1d3: {  	v21 =	vadd.f32 v23, v26;
	v23 =	vsub.f32 v28, v30;
	v20 =	vmul.f32 v20, v20;
	[tilespmem:s7+$0xFFFFF020] =	vst v27  }
0x1d4: {  	v22 =	vmul.f32 $1.442695020e+00, v22;
	v19 =	vsub.f32 v19, v31;
	v26 =	vld.idx.msk [tilespmem:v11+s29+$0x0], $0xffff  }
0x1d5: {  	v21 =	vsub.f32 v0, v21;
	v23 =	vmul.f32 v23, v23;
	v27 =	vld.idx.msk [tilespmem:v12+s29+$0x0], $0xffff  }
0x1d6: {  	v28 =	vsub.f32 v32, v29;
	v19 =	vmul.f32 v19, v19;
	v29 =	vld.idx.msk [tilespmem:v11+s30+$0x0], $0xffff;
	(erf) = vpow2.f32 v22  }
0x1d7: {  	v30 =	vmul.f32 $1.442695020e+00, v21;
	v20 =	vadd.f32 v23, v20;
	v22 =	vld.idx.msk [tilespmem:v12+s30+$0x0], $0xffff  }
0x1d8: {  	v23 =	vsub.f32 v24, v25;
	v24 =	vmul.f32 v28, v28;
	v25 =	vld.idx.msk [tilespmem:v9+s29+$0x0], $0xffff  }
0x1d9: {  	v20 =	vsub.f32 v0, v20;
	v28 =	vld.idx.msk [tilespmem:v8+s29+$0x0], $0xffff;
	(erf) = vpow2.f32 v30;
	v21 =	vpop (erf)  }
0x1da: {  	v23 =	vmul.f32 v23, v23;
	v30 =	vld.idx.msk [tilespmem:v9+s30+$0x0], $0xffff;
	[tilespmem:s7+$0x70] =	vst v21  }
0x1db: {  	v21 =	vsub.f32 v26, v27;
	v20 =	vmul.f32 $1.442695020e+00, v20;
	v26 =	vld.idx.msk [tilespmem:v17+s31+$0x0], $0xffff;
	v27 =	vpop (erf)  }
0x1dc: {  	v23 =	vadd.f32 v23, v24;
	[tilespmem:s7+$0xFFFFF030] =	vst v27;
	v24 =	vld.idx.msk [tilespmem:v18+s31+$0x0], $0xffff  }
0x1dd: {  	v22 =	vsub.f32 v29, v22;
	v21 =	vmul.f32 v21, v21;
	v17 =	vld.idx.msk [tilespmem:v17+s0+$0x0], $0xffff;
	(erf) = vpow2.f32 v20  }
0x1de: {  	v20 =	vsub.f32 v0, v23;
	v18 =	vld.idx.msk [tilespmem:v18+s0+$0x0], $0xffff  }
0x1df: {  	v22 =	vmul.f32 v22, v22;
	v23 =	vsub.f32 v25, v28;
	v25 =	vld.idx.msk [tilespmem:v8+s30+$0x0], $0xffff;
	v27 =	vpop (erf)  }
0x1e0: {  	v29 =	vmul.f32 $1.442695020e+00, v20;
	v28 =	vld.idx.msk [tilespmem:v5+s29+$0x0], $0xffff;
	[tilespmem:s7+$0xFFFFF040] =	vst v27  }
0x1e1: {  	v21 =	vadd.f32 v22, v21;
	v22 =	vmul.f32 v23, v23;
	v23 =	vld.idx.msk [tilespmem:v10+s29+$0x0], $0xffff  }
0x1e2: {  	v27 =	vld.idx.msk [tilespmem:v5+s30+$0x0], $0xffff;
	(erf) = vpow2.f32 v29;
	v20 =	vpop (erf)  }
0x1e3: {  	v21 =	vsub.f32 v0, v21;
	v29 =	vld.idx.msk [tilespmem:v10+s30+$0x0], $0xffff;
	[tilespmem:s7+$0xFFFFF050] =	vst v20  }
0x1e4: {  	v24 =	vsub.f32 v26, v24;
	v17 =	vsub.f32 v17, v18;
	v20 =	vld.idx.msk [tilespmem:v7+s29+$0x0], $0xffff  }
0x1e5: {  	v18 =	vmul.f32 $1.442695020e+00, v21;
	v21 =	vsub.f32 v30, v25;
	v25 =	vld.idx.msk [tilespmem:v6+s29+$0x0], $0xffff  }
0x1e6: {  	v24 =	vmul.f32 v24, v24;
	v17 =	vmul.f32 v17, v17;
	v26 =	vld.idx.msk [tilespmem:v7+s30+$0x0], $0xffff;
	v30 =	vpop (erf)  }
0x1e7: {  	v21 =	vmul.f32 v21, v21;
	v23 =	vsub.f32 v28, v23;
	v28 =	vld.idx.msk [tilespmem:v6+s30+$0x0], $0xffff;
	[tilespmem:s7+$0xFFFFF060] =	vst v30;
	(erf) = vpow2.f32 v18  }
0x1e8: {  	v17 =	vadd.f32 v17, v24;
	v18 =	vld.idx.msk [tilespmem:v4+s29+$0x0], $0xffff  }
0x1e9: {  	v21 =	vadd.f32 v21, v22;
	v22 =	vsub.f32 v27, v29;
	v23 =	vmul.f32 v23, v23;
	v24 =	vld.idx.msk [tilespmem:v3+s29+$0x0], $0xffff  }
0x1ea: {  	v17 =	vsub.f32 v0, v17;
	v27 =	vld.idx.msk [tilespmem:v4+s30+$0x0], $0xffff  }
0x1eb: {  	v21 =	vsub.f32 v0, v21;
	v22 =	vmul.f32 v22, v22;
	v20 =	vsub.f32 v20, v25;
	v25 =	vld.idx.msk [tilespmem:v3+s30+$0x0], $0xffff;
	v29 =	vpop (erf)  }
0x1ec: {  	v17 =	vmul.f32 $1.442695020e+00, v17;
	[tilespmem:s7+$0x0] =	vst v29;
	v29 =	vld.idx.msk [tilespmem:v15+s29+$0x0], $0xffff  }
0x1ed: {  	v22 =	vadd.f32 v22, v23;
	v23 =	vsub.f32 v26, v28;
	v20 =	vmul.f32 v20, v20;
	v26 =	vld.idx.msk [tilespmem:v14+s29+$0x0], $0xffff  }
0x1ee: {  	v21 =	vmul.f32 $1.442695020e+00, v21;
	v28 =	vld.idx.msk [tilespmem:v15+s30+$0x0], $0xffff;
	(erf) = vpow2.f32 v17  }
0x1ef: {  	v17 =	vsub.f32 v0, v22;
	v22 =	vmul.f32 v23, v23;
	v18 =	vsub.f32 v18, v24;
	v23 =	vld.idx.msk [tilespmem:v14+s30+$0x0], $0xffff  }
0x1f0: {  	v24 =	vld.idx.msk [tilespmem:v16+s31+$0x0], $0xffff;
	v30 =	vpop (erf);
	(erf) = vpow2.f32 v21  }
0x1f1: {  	v20 =	vadd.f32 v22, v20;
	v21 =	vsub.f32 v27, v25;
	v18 =	vmul.f32 v18, v18;
	[tilespmem:s7+$0x10] =	vst v30  }
0x1f2: {  	v17 =	vmul.f32 $1.442695020e+00, v17;
	v22 =	vld.idx.msk [tilespmem:v13+s31+$0x0], $0xffff  }
0x1f3: {  	v20 =	vsub.f32 v0, v20;
	v21 =	vmul.f32 v21, v21;
	v25 =	vsub.f32 v29, v26;
	v16 =	vld.idx.msk [tilespmem:v16+s0+$0x0], $0xffff  }
0x1f4: {  	v13 =	vld.idx.msk [tilespmem:v13+s0+$0x0], $0xffff;
	(erf) = vpow2.f32 v17  }
0x1f5: {  	v18 =	vadd.f32 v21, v18;
	v21 =	vsub.f32 v28, v23;
	v23 =	vmul.f32 v25, v25;
	v17 =	vld.idx.msk [tilespmem:v11+s31+$0x0], $0xffff  }
0x1f6: {  	v20 =	vmul.f32 $1.442695020e+00, v20;
	v25 =	vld.idx.msk [tilespmem:v12+s31+$0x0], $0xffff  }
0x1f7: {  	v18 =	vsub.f32 v0, v18;
	v27 =	vmul.f32 v21, v21;
	v11 =	vld.idx.msk [tilespmem:v11+s0+$0x0], $0xffff;
	v26 =	vpop (erf)  }
0x1f8: {  	v22 =	vsub.f32 v24, v22;
	v12 =	vld.idx.msk [tilespmem:v12+s0+$0x0], $0xffff;
	[tilespmem:s7+$0x1070] =	vst v26;
	(erf) = vpow2.f32 v20  }
0x1f9: {  	v18 =	vmul.f32 $1.442695020e+00, v18;
	v20 =	vadd.f32 v27, v23;
	v21 =	vpop (erf);
	v23 =	vld.idx.msk [tilespmem:v1+s0+$0x0], $0xffff;
	v1 =	vmov v15  }
0x1fa: {  	v13 =	vsub.f32 v16, v13;
	v15 =	vmul.f32 v22, v22;
	[tilespmem:s7+$0x20] =	vst v21;
	v16 =	vld.idx.msk [tilespmem:v2+s0+$0x0], $0xffff;
	v2 =	vmov v14  }
0x1fb: {  	v20 =	vsub.f32 v0, v20;
	v14 =	vld.idx.msk [tilespmem:v9+s31+$0x0], $0xffff;
	(erf) = vpow2.f32 v18  }
0x1fc: {  	v13 =	vmul.f32 v13, v13;
	v17 =	vsub.f32 v17, v25;
	v18 =	vld.idx.msk [tilespmem:v8+s31+$0x0], $0xffff  }
0x1fd: {  	v20 =	vmul.f32 $1.442695020e+00, v20;
	v9 =	vld.idx.msk [tilespmem:v9+s0+$0x0], $0xffff;
	v21 =	vpop (erf)  }
0x1fe: {  	v11 =	vsub.f32 v11, v12;
	v12 =	vmul.f32 v17, v17;
	v8 =	vld.idx.msk [tilespmem:v8+s0+$0x0], $0xffff;
	[tilespmem:s7+$0x30] =	vst v21  }
0x1ff: {  	v13 =	vadd.f32 v13, v15;
	v15 =	vld.idx.msk [tilespmem:v5+s31+$0x0], $0xffff;
	(erf) = vpow2.f32 v20  }
0x200: {  	v11 =	vmul.f32 v11, v11;
	v16 =	vsub.f32 v23, v16;
	v17 =	vld.idx.msk [tilespmem:v10+s31+$0x0], $0xffff  }
0x201: {  	v13 =	vsub.f32 v0, v13;
	v20 =	vld.idx.msk [tilespmem:v5+s0+$0x0], $0xffff;
	v5 =	vpop (erf)  }
0x202: {  	v14 =	vsub.f32 v14, v18;
	v10 =	vld.idx.msk [tilespmem:v10+s0+$0x0], $0xffff;
	[tilespmem:s7+$0x40] =	vst v5;
	v5 =	vmul.f32 v16, v16  }
0x203: {  	v13 =	vmul.f32 $1.442695020e+00, v13;
	v11 =	vadd.f32 v11, v12;
	v16 =	vld.idx.msk [tilespmem:v7+s31+$0x0], $0xffff  }
0x204: {  	v8 =	vsub.f32 v9, v8;
	v12 =	vmul.f32 v14, v14;
	v14 =	vld.idx.msk [tilespmem:v6+s31+$0x0], $0xffff;
	v9 =	vpop (erf);
	v18 =	vadd.f32 v5, v19  }
0x205: {  	v11 =	vsub.f32 v0, v11;
	v5 =	vld.idx.msk [tilespmem:v7+s0+$0x0], $0xffff;
	[tilespmem:s7+$0x50] =	vst v9;
	(erf) = vpow2.f32 v13  }
.Ltmp0:
0x206: {  	v7 =	vmul.f32 v8, v8;
	v13 =	vsub.f32 v15, v17;
	v9 =	vld.idx.msk [tilespmem:v6+s0+$0x0], $0xffff;
	v6 =	vsub.f32 v0, v18;
	(pc) =	sbr.rel @p1 .LBB2_3-.Ltmp0, $4  }
0x207: {  	v15 =	vmul.f32 $1.442695020e+00, v11;
	v8 =	vld.idx.msk [tilespmem:v4+s31+$0x0], $0xffff  }
0x208: {  	v7 =	vadd.f32 v7, v12;
	v17 =	vsub.f32 v20, v10;
	v11 =	vmul.f32 v13, v13;
	v10 =	vld.idx.msk [tilespmem:v3+s31+$0x0], $0xffff;
	v12 =	vpop (erf)  }
0x209: {  	v4 =	vld.idx.msk [tilespmem:v4+s0+$0x0], $0xffff;
	[tilespmem:s7+$0x60] =	vst v12;
	(erf) = vpow2.f32 v15;
	v12 =	vmul.f32 $1.442695020e+00, v6  }
0x20a: {  	s12 =	sadd.s32 $0x80, s12;
	v7 =	vsub.f32 v0, v7;
	v13 =	vmul.f32 v17, v17;
	v14 =	vsub.f32 v16, v14;
	v3 =	vld.idx.msk [tilespmem:v3+s0+$0x0], $0xffff  }
0x20b: {  	_ =	sdelay $0x3  }
0x20c: {  	v6 =	vld.idx.msk [tilespmem:v1+s31+$0x0], $0xffff  }
0x20d: {  	v15 =	vld.idx.msk [tilespmem:v2+s31+$0x0], $0xffff  }
0x20e: {  	v1 =	vld.idx.msk [tilespmem:v1+s0+$0x0], $0xffff  }
0x20f: {  	v2 =	vld.idx.msk [tilespmem:v2+s0+$0x0], $0xffff;
	_ =	sdelay $0x2  }
0x210: {  	v5 =	vsub.f32 v5, v9  }
0x211: {  	v9 =	vmul.f32 v14, v14;
	v8 =	vsub.f32 v8, v10;
	v3 =	vsub.f32 v4, v3  }
0x212: {  	v4 =	vmul.f32 v5, v5;
	v5 =	vsub.f32 v6, v15;
	v1 =	vsub.f32 v1, v2  }
0x213: {  	v2 =	vadd.f32 v13, v11;
	v6 =	vmul.f32 v8, v8;
	v3 =	vmul.f32 v3, v3  }
0x214: {  	v4 =	vadd.f32 v4, v9;
	v5 =	vmul.f32 v5, v5;
	v1 =	vmul.f32 v1, v1  }
0x215: {  	v2 =	vsub.f32 v0, v2;
	v3 =	vadd.f32 v3, v6  }
0x216: {  	v6 =	vmul.f32 $1.442695020e+00, v7;
	v4 =	vsub.f32 v0, v4;
	v1 =	vadd.f32 v1, v5  }
0x217: {  	(erf) = vpow2.f32 v12;
	v2 =	vmul.f32 $1.442695020e+00, v2;
	v3 =	vsub.f32 v0, v3  }
0x218: {  	(erf) = vpow2.f32 v6;
	v4 =	vmul.f32 $1.442695020e+00, v4;
	v1 =	vsub.f32 v0, v1  }
0x219: {  	(erf) = vpow2.f32 v2;
	v2 =	vmul.f32 $1.442695020e+00, v3  }
0x21a: {  	(erf) = vpow2.f32 v4;
	v1 =	vmul.f32 $1.442695020e+00, v1  }
0x21b: {  	(erf) = vpow2.f32 v2  }
0x21c: {  	(erf) = vpow2.f32 v1;
	_ =	sdelay $0x1  }
0x21d: {  	v1 =	vpop (erf)  }
0x21e: {  	[tilespmem:s7+$0x1000] =	vst v1;
	v1 =	vpop (erf)  }
0x21f: {  	[tilespmem:s7+$0x1010] =	vst v1;
	v1 =	vpop (erf)  }
0x220: {  	[tilespmem:s17+$0x1060] =	vst v1;
	v1 =	vpop (erf)  }
0x221: {  	[tilespmem:s7+$0x1020] =	vst v1;
	v1 =	vpop (erf)  }
0x222: {  	[tilespmem:s7+$0x1030] =	vst v1;
	v1 =	vpop (erf)  }
0x223: {  	s9 =	sadd.s32 s10, s11;
	[tilespmem:s7+$0x1040] =	vst v1;
	v1 =	vpop (erf)  }
0x224: {  	s12 =	sadd.s32 s13, s11;
	s9 =	sshrl.u32 s9, $0x3;
	[tilespmem:s7+$0x1050] =	vst v1;
	v1 =	vpop (erf)  }
0x225: {  	s9 =	sadd.s32 s1, s9;
	[tilespmem:s7+$0x1060] =	vst v1;
	s7 =	sshrl.u32 s12, $0x3  }
0x226: {  	[hbm4b:s9+s2] =	stream.linear.scatter [tilespmem:s18], [sflag:$0x3], $0x1000, $0x38;
	[tilespmem:$0x1F890] =	vst v63  }
0x227: {  	s17 =	sadd.s32 s14, s11;
	s7 =	sadd.s32 s1, s7  }
0x228: {  	[hbm4b:s7+s2] =	stream.linear.scatter [tilespmem:s19], [sflag:$0x3], $0x1000, $0x38;
	[tilespmem:$0x1F890] =	vst v63  }
0x229: {  	s7 =	sshrl.u32 s17, $0x3  }
0x22a: {  	s23 =	sadd.s32 s16, s11;
	s7 =	sadd.s32 s1, s7  }
0x22b: {  	[hbm4b:s7+s2] =	stream.linear.scatter [tilespmem:s20], [sflag:$0x3], $0x1000, $0x38;
	[tilespmem:$0x1F890] =	vst v63  }
0x22c: {  	s7 =	sshrl.u32 s23, $0x3  }
0x22d: {  	s7 =	sadd.s32 s1, s7  }
0x22e: {  	[hbm4b:s7+s2] =	stream.linear.scatter [tilespmem:s21], [sflag:$0x3], $0x1000, $0x38;
	[tilespmem:$0x1F890] =	vst v63  }
0x22f: {  	_ =	swait.ge [sflag:s22], $0x1000  }
0x230: {  	[sflag:s22] =	ssyncset.done $0x0  }
0x231: {  	s9 =	smin.u32 s11, $0x156A0;
	[sflag:s22] =	ssyncadd.s32 $0xFFFFF000  }
0x232: {  	s7 =	sshrl.u32 s9, $0x3;
	_ =	swait.ge [sflag:s22], $0x1000  }
0x233: {  	s7 =	sadd.s32 $0x400, s7;
	[sflag:s22] =	ssyncset.done $0x0  }
0x234: {  	s11 =	sadd.s32 s4, s7;
	[sflag:s22] =	ssyncadd.s32 $0xFFFFF000  }
0x235: {  	[tilespmem:s3], [sflag:$0x1] =	stream.linear.gather [hbm4b:s11+s2], $0x1000, $0x38;
	[tilespmem:$0x1F890] =	vst v63  }
0x236: {  	s7 =	sadd.s32 s5, s7  }
0x237: {  	[tilespmem:s6], [sflag:$0x1] =	stream.linear.gather [hbm4b:s7+s2], $0x1000, $0x38;
	[tilespmem:$0x1F890] =	vst v63  }
0x238: {  	s7 =	simm.s32 @!p0 $0x4  }
0x239: {  	_ =	swait.ge @!p0 [sflag:s7], $0x1000  }
0x23a: {  	[sflag:s7] =	ssyncset.done @!p0 $0x0  }
0x23b: {  	[sflag:s7] =	ssyncadd.s32 @!p0 $0xFFFFF000  }
0x23c: {  	_ =	swait.ge @!p0 [sflag:s7], $0x1000  }
0x23d: {  	[sflag:s7] =	ssyncset.done @!p0 $0x0  }
0x23e: {  	[sflag:s7] =	ssyncadd.s32 @!p0 $0xFFFFF000  }
0x23f: {  	_ =	swait.ge @!p0 [sflag:s7], $0x1000  }
0x240: {  	[sflag:s7] =	ssyncset.done @!p0 $0x0  }
0x241: {  	[sflag:s7] =	ssyncadd.s32 @!p0 $0xFFFFF000  }
0x242: {  	_ =	swait.ge @!p0 [sflag:s7], $0x1000  }
0x243: {  	[sflag:s7] =	ssyncset.done @!p0 $0x0  }
0x244: {  	s12 =	simm.s32 $0x148C0;
	[sflag:s7] =	ssyncadd.s32 @!p0 $0xFFFFF000  }
0x245: {  	s17 =	simm.s32 $0x168C0;
	v16 =	vld [tilespmem:s12+$0x30]  }
0x246: {  	v15 =	vld [tilespmem:s17+$0x30]  }
0x247: {  	v5 =	vld [tilespmem:s17+$0xFFFFFFC0]  }
0x248: {  	v13 =	vld [tilespmem:s12+$0xFFFFFFD0]  }
0x249: {  	v12 =	vld [tilespmem:s17+$0xFFFFFFD0]  }
0x24a: {  	v11 =	vld [tilespmem:s12+$0xFFFFFFE0]  }
0x24b: {  	v9 =	vld [tilespmem:s17+$0xFFFFFFE0]  }
0x24c: {  	v8 =	vld [tilespmem:s12+$0xFFFFFFF0]  }
0x24d: {  	v10 =	vld [tilespmem:s17+$0xFFFFFFF0]  }
0x24e: {  	v7 =	vld [tilespmem:s12+$0x0]  }
0x24f: {  	v3 =	vld.idx.msk [tilespmem:v16+s2+$0x0], $0xffff  }
0x250: {  	v4 =	vld.idx.msk [tilespmem:v15+s2+$0x0], $0xffff  }
0x251: {  	v14 =	vld.idx.msk [tilespmem:v16+s25+$0x0], $0xffff  }
0x252: {  	v17 =	vld.idx.msk [tilespmem:v15+s25+$0x0], $0xffff  }
0x253: {  	v6 =	vld [tilespmem:s17+$0x0]  }
0x254: {  	v1 =	vld [tilespmem:s12+$0x10]  }
0x255: {  	v2 =	vld [tilespmem:s17+$0x10]  }
0x256: {  	v19 =	vld.idx.msk [tilespmem:v5+s2+$0x0], $0xffff  }
0x257: {  	v34 =	vld.idx.msk [tilespmem:v5+s25+$0x0], $0xffff;
	v18 =	vsub.f32 v3, v4;
	v14 =	vsub.f32 v14, v17  }
0x258: {  	v20 =	vld.idx.msk [tilespmem:v13+s2+$0x0], $0xffff  }
0x259: {  	v32 =	vmul.f32 v18, v18;
	v33 =	vmul.f32 v14, v14;
	v14 =	vld [tilespmem:s12+$0xFFFFFFC0]  }
0x25a: {  	v21 =	vld.idx.msk [tilespmem:v12+s2+$0x0], $0xffff  }
0x25b: {  	v22 =	vld.idx.msk [tilespmem:v13+s25+$0x0], $0xffff;
	v17 =	vadd.f32 v33, v32  }
0x25c: {  	v23 =	vld.idx.msk [tilespmem:v12+s25+$0x0], $0xffff  }
0x25d: {  	v24 =	vld.idx.msk [tilespmem:v11+s2+$0x0], $0xffff;
	v17 =	vsub.f32 v0, v17  }
0x25e: {  	v26 =	vld.idx.msk [tilespmem:v9+s2+$0x0], $0xffff  }
0x25f: {  	v36 =	vld.idx.msk [tilespmem:v11+s25+$0x0], $0xffff;
	v17 =	vmul.f32 $1.442695020e+00, v17  }
0x260: {  	v37 =	vld.idx.msk [tilespmem:v9+s25+$0x0], $0xffff  }
0x261: {  	(erf) = vpow2.f32 v17;
	v35 =	vld.idx.msk [tilespmem:v14+s2+$0x0], $0xffff  }
0x262: {  	v25 =	vld.idx.msk [tilespmem:v14+s25+$0x0], $0xffff  }
0x263: {  	v27 =	vld.idx.msk [tilespmem:v8+s2+$0x0], $0xffff  }
0x264: {  	v39 =	vld.idx.msk [tilespmem:v10+s2+$0x0], $0xffff;
	v20 =	vsub.f32 v20, v21;
	v22 =	vsub.f32 v22, v23  }
0x265: {  	v40 =	vld.idx.msk [tilespmem:v8+s25+$0x0], $0xffff  }
0x266: {  	v41 =	vld.idx.msk [tilespmem:v10+s25+$0x0], $0xffff;
	v20 =	vmul.f32 v20, v20;
	v38 =	vmul.f32 v22, v22  }
0x267: {  	v29 =	vld.idx.msk [tilespmem:v7+s2+$0x0], $0xffff;
	v17 =	vsub.f32 v35, v19;
	v18 =	vsub.f32 v25, v34  }
0x268: {  	v30 =	vld.idx.msk [tilespmem:v6+s2+$0x0], $0xffff;
	v19 =	vadd.f32 v38, v20  }
0x269: {  	v47 =	vld.idx.msk [tilespmem:v7+s25+$0x0], $0xffff;
	v17 =	vmul.f32 v17, v17;
	v18 =	vmul.f32 v18, v18  }
0x26a: {  	s11 =	simm.s32 $0x1D880;
	v4 =	vld [tilespmem:s12+$0x20];
	v24 =	vsub.f32 v24, v26;
	v42 =	vsub.f32 v0, v19;
	v28 =	vpop (erf)  }
0x26b: {  	v3 =	vld [tilespmem:s17+$0x20];
	v21 =	vsub.f32 v36, v37;
	v17 =	vadd.f32 v18, v17;
	[tilespmem:s11+$0xFFFFE070] =	vst v28  }
0x26c: {  	v18 =	vmul.f32 $1.442695020e+00, v42;
	v43 =	vld.idx.msk [tilespmem:v16+s26+$0x0], $0xffff  }
0x26d: {  	v24 =	vmul.f32 v24, v24;
	v21 =	vmul.f32 v21, v21;
	v44 =	vld.idx.msk [tilespmem:v15+s26+$0x0], $0xffff;
	v17 =	vsub.f32 v0, v17  }
0x26e: {  	v46 =	vsub.f32 v27, v39;
	v45 =	vld.idx.msk [tilespmem:v16+s28+$0x0], $0xffff;
	(erf) = vpow2.f32 v18  }
0x26f: {  	v21 =	vadd.f32 v21, v24;
	v20 =	vsub.f32 v40, v41;
	v28 =	vld.idx.msk [tilespmem:v15+s28+$0x0], $0xffff;
	v17 =	vmul.f32 $1.442695020e+00, v17  }
0x270: {  	v48 =	vld.idx.msk [tilespmem:v6+s25+$0x0], $0xffff;
	v49 =	vmul.f32 v46, v46  }
0x271: {  	v51 =	vld.idx.msk [tilespmem:v1+s2+$0x0], $0xffff;
	v50 =	vsub.f32 v0, v21;
	v20 =	vmul.f32 v20, v20;
	(erf) = vpow2.f32 v17  }
0x272: {  	v52 =	vld.idx.msk [tilespmem:v2+s2+$0x0], $0xffff  }
0x273: {  	v54 =	vld.idx.msk [tilespmem:v1+s25+$0x0], $0xffff;
	v18 =	vmul.f32 $1.442695020e+00, v50;
	v17 =	vadd.f32 v20, v49  }
0x274: {  	v55 =	vld.idx.msk [tilespmem:v2+s25+$0x0], $0xffff;
	v19 =	vsub.f32 v43, v44;
	v53 =	vsub.f32 v45, v28  }
0x275: {  	v56 =	vld.idx.msk [tilespmem:v4+s2+$0x0], $0xffff;
	(erf) = vpow2.f32 v18  }
0x276: {  	v57 =	vld.idx.msk [tilespmem:v3+s2+$0x0], $0xffff;
	v17 =	vsub.f32 v0, v17;
	v19 =	vmul.f32 v19, v19;
	v23 =	vmul.f32 v53, v53  }
0x277: {  	v22 =	vsub.f32 v47, v48;
	v59 =	vld.idx.msk [tilespmem:v4+s25+$0x0], $0xffff;
	v60 =	vpop (erf)  }
0x278: {  	v58 =	vsub.f32 v29, v30;
	v61 =	vld.idx.msk [tilespmem:v3+s25+$0x0], $0xffff;
	v17 =	vmul.f32 $1.442695020e+00, v17;
	v19 =	vadd.f32 v23, v19;
	[tilespmem:s11+$0xFFFFE010] =	vst v60  }
0x279: {  	v22 =	vmul.f32 v22, v22;
	v28 =	vld.idx.msk [tilespmem:v13+s26+$0x0], $0xffff  }
0x27a: {  	v23 =	vmul.f32 v58, v58;
	(erf) = vpow2.f32 v17;
	v19 =	vsub.f32 v0, v19;
	v63 =	vld.idx.msk [tilespmem:v12+s26+$0x0], $0xffff;
	v62 =	vpop (erf)  }
0x27b: {  	v21 =	vsub.f32 v51, v52;
	v20 =	vsub.f32 v54, v55;
	v38 =	vld.idx.msk [tilespmem:v13+s28+$0x0], $0xffff;
	[tilespmem:s11+$0xFFFFE000] =	vst v62  }
0x27c: {  	v22 =	vadd.f32 v22, v23;
	v19 =	vmul.f32 $1.442695020e+00, v19;
	v33 =	vld.idx.msk [tilespmem:v14+s26+$0x0], $0xffff  }
0x27d: {  	v21 =	vmul.f32 v21, v21;
	v20 =	vmul.f32 v20, v20;
	v34 =	vld.idx.msk [tilespmem:v5+s26+$0x0], $0xffff  }
0x27e: {  	v24 =	vsub.f32 v59, v61;
	v22 =	vsub.f32 v0, v22;
	(erf) = vpow2.f32 v19;
	v35 =	vld.idx.msk [tilespmem:v14+s28+$0x0], $0xffff  }
0x27f: {  	v18 =	vsub.f32 v56, v57;
	v20 =	vadd.f32 v20, v21;
	v37 =	vpop (erf);
	v36 =	vld.idx.msk [tilespmem:v5+s28+$0x0], $0xffff  }
0x280: {  	v39 =	vld.idx.msk [tilespmem:v12+s28+$0x0], $0xffff;
	[tilespmem:s11+$0xFFFFE020] =	vst v37;
	v22 =	vmul.f32 $1.442695020e+00, v22  }
0x281: {  	v24 =	vmul.f32 v24, v24;
	v18 =	vmul.f32 v18, v18;
	v20 =	vsub.f32 v0, v20;
	v27 =	vld.idx.msk [tilespmem:v11+s26+$0x0], $0xffff  }
0x282: {  	v40 =	vld.idx.msk [tilespmem:v9+s26+$0x0], $0xffff;
	(erf) = vpow2.f32 v22  }
0x283: {  	v18 =	vadd.f32 v24, v18;
	v20 =	vmul.f32 $1.442695020e+00, v20;
	v42 =	vld.idx.msk [tilespmem:v11+s28+$0x0], $0xffff;
	v41 =	vpop (erf)  }
0x284: {  	v43 =	vld.idx.msk [tilespmem:v9+s28+$0x0], $0xffff;
	v23 =	vsub.f32 v33, v34;
	[tilespmem:s11+$0xFFFFE030] =	vst v41;
	v19 =	vsub.f32 v35, v36  }
0x285: {  	(erf) = vpow2.f32 v20;
	v44 =	vld.idx.msk [tilespmem:v8+s26+$0x0], $0xffff  }
0x286: {  	v18 =	vsub.f32 v0, v18;
	v46 =	vld.idx.msk [tilespmem:v10+s26+$0x0], $0xffff;
	v23 =	vmul.f32 v23, v23;
	v19 =	vmul.f32 v19, v19  }
0x287: {  	v17 =	vsub.f32 v28, v63;
	v51 =	vld.idx.msk [tilespmem:v8+s28+$0x0], $0xffff;
	v45 =	vpop (erf)  }
0x288: {  	v18 =	vmul.f32 $1.442695020e+00, v18;
	v21 =	vsub.f32 v38, v39;
	v53 =	vld.idx.msk [tilespmem:v10+s28+$0x0], $0xffff;
	v19 =	vadd.f32 v19, v23;
	[tilespmem:s11+$0xFFFFF070] =	vst v45  }
0x289: {  	v17 =	vmul.f32 v17, v17;
	v47 =	vld.idx.msk [tilespmem:v16+s29+$0x0], $0xffff  }
0x28a: {  	v49 =	vmul.f32 v21, v21;
	(erf) = vpow2.f32 v18;
	v48 =	vld.idx.msk [tilespmem:v15+s29+$0x0], $0xffff;
	v19 =	vsub.f32 v0, v19  }
0x28b: {  	v22 =	vsub.f32 v27, v40;
	v24 =	vsub.f32 v42, v43;
	v29 =	vld.idx.msk [tilespmem:v16+s30+$0x0], $0xffff;
	v52 =	vpop (erf)  }
0x28c: {  	v17 =	vadd.f32 v49, v17;
	v50 =	vld.idx.msk [tilespmem:v15+s30+$0x0], $0xffff;
	[tilespmem:s11+$0xFFFFE040] =	vst v52;
	v19 =	vmul.f32 $1.442695020e+00, v19  }
0x28d: {  	v22 =	vmul.f32 v22, v22;
	v24 =	vmul.f32 v24, v24;
	v54 =	vld.idx.msk [tilespmem:v7+s26+$0x0], $0xffff  }
0x28e: {  	v17 =	vsub.f32 v0, v17;
	v27 =	vld.idx.msk [tilespmem:v6+s26+$0x0], $0xffff;
	(erf) = vpow2.f32 v19  }
0x28f: {  	v22 =	vadd.f32 v24, v22;
	v55 =	vpop (erf);
	v31 =	vld.idx.msk [tilespmem:v7+s28+$0x0], $0xffff  }
0x290: {  	v17 =	vmul.f32 $1.442695020e+00, v17;
	[tilespmem:s11+$0xFFFFE050] =	vst v55;
	v56 =	vld.idx.msk [tilespmem:v6+s28+$0x0], $0xffff  }
0x291: {  	v22 =	vsub.f32 v0, v22;
	v57 =	vld.idx.msk [tilespmem:v1+s26+$0x0], $0xffff  }
0x292: {  	v58 =	vld.idx.msk [tilespmem:v2+s26+$0x0], $0xffff;
	v23 =	vsub.f32 v47, v48;
	v21 =	vsub.f32 v29, v50;
	(erf) = vpow2.f32 v17  }
0x293: {  	v59 =	vpop (erf);
	v60 =	vld.idx.msk [tilespmem:v1+s28+$0x0], $0xffff;
	v22 =	vmul.f32 $1.442695020e+00, v22  }
0x294: {  	[tilespmem:s11+$0xFFFFE060] =	vst v59;
	v61 =	vld.idx.msk [tilespmem:v2+s28+$0x0], $0xffff;
	v23 =	vmul.f32 v23, v23;
	v21 =	vmul.f32 v21, v21  }
0x295: {  	v20 =	vsub.f32 v44, v46;
	v18 =	vsub.f32 v51, v53;
	v26 =	vld.idx.msk [tilespmem:v4+s26+$0x0], $0xffff  }
0x296: {  	v62 =	vld.idx.msk [tilespmem:v3+s26+$0x0], $0xffff;
	(erf) = vpow2.f32 v22;
	v21 =	vadd.f32 v21, v23  }
0x297: {  	v20 =	vmul.f32 v20, v20;
	v18 =	vmul.f32 v18, v18;
	v63 =	vld.idx.msk [tilespmem:v4+s28+$0x0], $0xffff;
	v25 =	vsub.f32 v54, v27;
	v33 =	vpop (erf)  }
0x298: {  	v34 =	vld.idx.msk [tilespmem:v3+s28+$0x0], $0xffff;
	v19 =	vsub.f32 v31, v56;
	v21 =	vsub.f32 v0, v21;
	[tilespmem:s11+$0xFFFFF000] =	vst v33  }
0x299: {  	v35 =	vmul.f32 v25, v25;
	v29 =	vld.idx.msk [tilespmem:v14+s29+$0x0], $0xffff  }
0x29a: {  	v18 =	vadd.f32 v18, v20;
	v19 =	vmul.f32 v19, v19;
	v21 =	vmul.f32 $1.442695020e+00, v21;
	v36 =	vld.idx.msk [tilespmem:v5+s29+$0x0], $0xffff  }
0x29b: {  	v17 =	vsub.f32 v57, v58;
	v39 =	vsub.f32 v60, v61;
	v37 =	vpop (erf);
	v38 =	vld.idx.msk [tilespmem:v14+s30+$0x0], $0xffff  }
0x29c: {  	v18 =	vsub.f32 v0, v18;
	v19 =	vadd.f32 v19, v35;
	(erf) = vpow2.f32 v21;
	[tilespmem:s11+$0xFFFFF010] =	vst v37;
	v40 =	vld.idx.msk [tilespmem:v5+s30+$0x0], $0xffff  }
0x29d: {  	v17 =	vmul.f32 v17, v17;
	v21 =	vmul.f32 v39, v39;
	v24 =	vld.idx.msk [tilespmem:v13+s29+$0x0], $0xffff  }
0x29e: {  	v18 =	vmul.f32 $1.442695020e+00, v18;
	v19 =	vsub.f32 v0, v19;
	v41 =	vld.idx.msk [tilespmem:v12+s29+$0x0], $0xffff  }
0x29f: {  	v42 =	vpop (erf);
	v43 =	vld.idx.msk [tilespmem:v13+s30+$0x0], $0xffff;
	v17 =	vadd.f32 v21, v17  }
0x2a0: {  	v19 =	vmul.f32 $1.442695020e+00, v19;
	(erf) = vpow2.f32 v18;
	[tilespmem:s11+$0xFFFFF020] =	vst v42;
	v44 =	vld.idx.msk [tilespmem:v12+s30+$0x0], $0xffff  }
0x2a1: {  	v22 =	vsub.f32 v26, v62;
	v26 =	vld.idx.msk [tilespmem:v11+s29+$0x0], $0xffff;
	v17 =	vsub.f32 v0, v17  }
0x2a2: {  	(erf) = vpow2.f32 v19;
	v45 =	vld.idx.msk [tilespmem:v9+s29+$0x0], $0xffff;
	v25 =	vsub.f32 v29, v36;
	v48 =	vsub.f32 v38, v40  }
0x2a3: {  	v47 =	vld.idx.msk [tilespmem:v11+s30+$0x0], $0xffff;
	v17 =	vmul.f32 $1.442695020e+00, v17  }
0x2a4: {  	s23 =	simm.s32 $0x14940;
	v20 =	vsub.f32 v63, v34;
	v52 =	vld.idx.msk [tilespmem:v9+s30+$0x0], $0xffff;
	v25 =	vmul.f32 v25, v25;
	v50 =	vmul.f32 v48, v48  }
0x2a5: {  	s17 =	simm.s32 $0x16940;
	v22 =	vmul.f32 v22, v22;
	v18 =	vsub.f32 v24, v41;
	v24 =	vld [tilespmem:s23+$0x30];
	v46 =	vpop (erf)  }
0x2a6: {  	v20 =	vmul.f32 v20, v20;
	(erf) = vpow2.f32 v17;
	v17 =	vadd.f32 v50, v25;
	v25 =	vld [tilespmem:s17+$0x30];
	[tilespmem:s11+$0x70] =	vst v46  }
0x2a7: {  	v49 =	vld.idx.msk [tilespmem:v16+s31+$0x0], $0xffff  }
0x2a8: {  	v20 =	vadd.f32 v20, v22;
	v27 =	vld.idx.msk [tilespmem:v15+s31+$0x0], $0xffff  }
0x2a9: {  	v51 =	vpop (erf);
	v16 =	vld.idx.msk [tilespmem:v16+s0+$0x0], $0xffff  }
0x2aa: {  	v20 =	vsub.f32 v0, v20;
	v15 =	vld.idx.msk [tilespmem:v15+s0+$0x0], $0xffff;
	[tilespmem:s11+$0xFFFFF030] =	vst v51  }
0x2ab: {  	v21 =	vsub.f32 v43, v44;
	v55 =	vpop (erf);
	v53 =	vld.idx.msk [tilespmem:v8+s29+$0x0], $0xffff  }
0x2ac: {  	v20 =	vmul.f32 $1.442695020e+00, v20;
	v54 =	vld.idx.msk [tilespmem:v10+s29+$0x0], $0xffff;
	[tilespmem:s11+$0xFFFFF040] =	vst v55  }
0x2ad: {  	v18 =	vmul.f32 v18, v18;
	v21 =	vmul.f32 v21, v21;
	v17 =	vsub.f32 v0, v17;
	v60 =	vld.idx.msk [tilespmem:v7+s29+$0x0], $0xffff  }
0x2ae: {  	v61 =	vld.idx.msk [tilespmem:v6+s29+$0x0], $0xffff  }
0x2af: {  	(erf) = vpow2.f32 v20;
	v18 =	vadd.f32 v21, v18;
	v56 =	vld.idx.msk [tilespmem:v8+s30+$0x0], $0xffff;
	v58 =	vmul.f32 $1.442695020e+00, v17  }
0x2b0: {  	v57 =	vld.idx.msk [tilespmem:v10+s30+$0x0], $0xffff  }
0x2b1: {  	v19 =	vsub.f32 v26, v45;
	v18 =	vsub.f32 v0, v18;
	v63 =	vld.idx.msk [tilespmem:v7+s30+$0x0], $0xffff;
	(erf) = vpow2.f32 v58  }
0x2b2: {  	v32 =	vld.idx.msk [tilespmem:v6+s30+$0x0], $0xffff  }
0x2b3: {  	v59 =	vmul.f32 v19, v19;
	v30 =	vmul.f32 $1.442695020e+00, v18;
	v62 =	vpop (erf);
	v19 =	vsub.f32 v60, v61;
	v60 =	vld.idx.msk [tilespmem:v24+s2+$0x0], $0xffff  }
0x2b4: {  	v23 =	vsub.f32 v49, v27;
	v15 =	vsub.f32 v16, v15;
	[tilespmem:s11+$0xFFFFF050] =	vst v62;
	v62 =	vld.idx.msk [tilespmem:v25+s2+$0x0], $0xffff  }
0x2b5: {  	v22 =	vsub.f32 v47, v52;
	(erf) = vpow2.f32 v30;
	v33 =	vld.idx.msk [tilespmem:v1+s29+$0x0], $0xffff  }
0x2b6: {  	v23 =	vmul.f32 v23, v23;
	v15 =	vmul.f32 v15, v15;
	v34 =	vld.idx.msk [tilespmem:v2+s29+$0x0], $0xffff  }
0x2b7: {  	v22 =	vmul.f32 v22, v22;
	v31 =	vsub.f32 v53, v54;
	v35 =	vld.idx.msk [tilespmem:v1+s30+$0x0], $0xffff  }
0x2b8: {  	v20 =	vsub.f32 v56, v57;
	v36 =	vpop (erf);
	v37 =	vld.idx.msk [tilespmem:v2+s30+$0x0], $0xffff;
	v15 =	vadd.f32 v15, v23  }
0x2b9: {  	v17 =	vadd.f32 v22, v59;
	v38 =	vsub.f32 v63, v32;
	v63 =	vld.idx.msk [tilespmem:v24+s25+$0x0], $0xffff;
	[tilespmem:s11+$0xFFFFF060] =	vst v36  }
0x2ba: {  	v18 =	vmul.f32 v31, v31;
	v20 =	vmul.f32 v20, v20;
	v22 =	vld.idx.msk [tilespmem:v4+s29+$0x0], $0xffff;
	v15 =	vsub.f32 v0, v15;
	v39 =	vpop (erf)  }
0x2bb: {  	v17 =	vsub.f32 v0, v17;
	v19 =	vmul.f32 v19, v19;
	v40 =	vld.idx.msk [tilespmem:v4+s30+$0x0], $0xffff;
	[tilespmem:s11+$0x0] =	vst v39  }
0x2bc: {  	v18 =	vadd.f32 v20, v18;
	v20 =	vmul.f32 v38, v38;
	v15 =	vmul.f32 $1.442695020e+00, v15;
	v43 =	vld.idx.msk [tilespmem:v14+s31+$0x0], $0xffff  }
0x2bd: {  	v16 =	vsub.f32 v33, v34;
	v42 =	vsub.f32 v35, v37;
	v44 =	vld.idx.msk [tilespmem:v5+s31+$0x0], $0xffff  }
0x2be: {  	v17 =	vmul.f32 $1.442695020e+00, v17;
	v19 =	vadd.f32 v20, v19;
	v45 =	vpop (erf);
	(erf) = vpow2.f32 v15;
	v14 =	vld.idx.msk [tilespmem:v14+s0+$0x0], $0xffff  }
0x2bf: {  	v16 =	vmul.f32 v16, v16;
	v20 =	vmul.f32 v42, v42;
	[tilespmem:s11+$0x10] =	vst v45;
	v46 =	vld.idx.msk [tilespmem:v5+s0+$0x0], $0xffff  }
0x2c0: {  	(erf) = vpow2.f32 v17;
	v48 =	vld.idx.msk [tilespmem:v13+s31+$0x0], $0xffff  }
0x2c1: {  	v18 =	vsub.f32 v0, v18;
	v49 =	vld.idx.msk [tilespmem:v12+s31+$0x0], $0xffff;
	v5 =	vadd.f32 v20, v16  }
0x2c2: {  	v19 =	vsub.f32 v0, v19;
	v16 =	vld [tilespmem:s17+$0xFFFFFFC0]  }
0x2c3: {  	v18 =	vmul.f32 $1.442695020e+00, v18;
	v13 =	vld.idx.msk [tilespmem:v13+s0+$0x0], $0xffff;
	v50 =	vsub.f32 v0, v5  }
0x2c4: {  	v47 =	vmul.f32 $1.442695020e+00, v19;
	v52 =	vld.idx.msk [tilespmem:v12+s0+$0x0], $0xffff  }
0x2c5: {  	v41 =	vld.idx.msk [tilespmem:v3+s30+$0x0], $0xffff;
	(erf) = vpow2.f32 v18;
	v12 =	vmul.f32 $1.442695020e+00, v50  }
0x2c6: {  	v38 =	vld.idx.msk [tilespmem:v25+s25+$0x0], $0xffff;
	(erf) = vpow2.f32 v47  }
0x2c7: {  	v15 =	vld.idx.msk [tilespmem:v3+s29+$0x0], $0xffff;
	(erf) = vpow2.f32 v12;
	v12 =	vsub.f32 v43, v44  }
0x2c8: {  	v57 =	vsub.f32 v14, v46;
	v14 =	vld [tilespmem:s17+$0xFFFFFFD0];
	v5 =	vpop (erf)  }
0x2c9: {  	v19 =	vsub.f32 v48, v49;
	v13 =	vsub.f32 v13, v52;
	v51 =	vpop (erf);
	v58 =	vmul.f32 v12, v12;
	v12 =	vld [tilespmem:s23+$0xFFFFFFE0]  }
0x2ca: {  	[tilespmem:s11+$0x20] =	vst v51;
	v51 =	vld.idx.msk [tilespmem:v16+s2+$0x0], $0xffff  }
0x2cb: {  	v19 =	vmul.f32 v19, v19;
	v13 =	vmul.f32 v13, v13;
	v53 =	vld.idx.msk [tilespmem:v11+s31+$0x0], $0xffff  }
0x2cc: {  	v54 =	vld.idx.msk [tilespmem:v9+s31+$0x0], $0xffff  }
0x2cd: {  	v13 =	vadd.f32 v13, v19;
	v55 =	vld.idx.msk [tilespmem:v11+s0+$0x0], $0xffff  }
0x2ce: {  	v11 =	vpop (erf);
	v9 =	vld.idx.msk [tilespmem:v9+s0+$0x0], $0xffff  }
0x2cf: {  	v39 =	vsub.f32 v0, v13;
	v13 =	vld [tilespmem:s17+$0xFFFFFFF0];
	[tilespmem:s11+$0x30] =	vst v11  }
0x2d0: {  	v56 =	vld.idx.msk [tilespmem:v8+s31+$0x0], $0xffff  }
0x2d1: {  	v32 =	vld.idx.msk [tilespmem:v10+s31+$0x0], $0xffff  }
0x2d2: {  	v33 =	vld.idx.msk [tilespmem:v8+s0+$0x0], $0xffff;
	v8 =	vpop (erf)  }
0x2d3: {  	v10 =	vld.idx.msk [tilespmem:v10+s0+$0x0], $0xffff;
	[tilespmem:s11+$0x40] =	vst v8  }
0x2d4: {  	v34 =	vld.idx.msk [tilespmem:v7+s31+$0x0], $0xffff  }
0x2d5: {  	v35 =	vld.idx.msk [tilespmem:v6+s31+$0x0], $0xffff  }
0x2d6: {  	v7 =	vld.idx.msk [tilespmem:v7+s0+$0x0], $0xffff  }
0x2d7: {  	v6 =	vld.idx.msk [tilespmem:v6+s0+$0x0], $0xffff  }
0x2d8: {  	v17 =	vmul.f32 v57, v57;
	v8 =	vpop (erf);
	v61 =	vsub.f32 v53, v54;
	v53 =	vld.idx.msk [tilespmem:v16+s25+$0x0], $0xffff  }
0x2d9: {  	v11 =	vsub.f32 v40, v41;
	[tilespmem:s11+$0x50] =	vst v8;
	v8 =	vsub.f32 v22, v15;
	v15 =	vld [tilespmem:s23+$0xFFFFFFD0]  }
0x2da: {  	v18 =	vsub.f32 v60, v62;
	v17 =	vadd.f32 v17, v58;
	v36 =	vld.idx.msk [tilespmem:v1+s31+$0x0], $0xffff  }
0x2db: {  	v11 =	vmul.f32 v11, v11;
	v9 =	vsub.f32 v55, v9;
	v37 =	vld.idx.msk [tilespmem:v2+s31+$0x0], $0xffff;
	v8 =	vmul.f32 v8, v8  }
0x2dc: {  	v19 =	vsub.f32 v63, v38;
	v17 =	vsub.f32 v0, v17;
	v1 =	vld.idx.msk [tilespmem:v1+s0+$0x0], $0xffff  }
0x2dd: {  	v2 =	vld.idx.msk [tilespmem:v2+s0+$0x0], $0xffff;
	v21 =	vmul.f32 v61, v61;
	v9 =	vmul.f32 v9, v9;
	v8 =	vadd.f32 v11, v8  }
0x2de: {  	v18 =	vmul.f32 v18, v18;
	v60 =	vld.idx.msk [tilespmem:v12+s2+$0x0], $0xffff;
	v40 =	vsub.f32 v56, v32;
	v42 =	vsub.f32 v33, v10  }
0x2df: {  	v17 =	vmul.f32 $1.442695020e+00, v17;
	v10 =	vld [tilespmem:s17+$0x0];
	v41 =	vadd.f32 v9, v21;
	v59 =	vsub.f32 v0, v8  }
0x2e0: {  	v56 =	vld.idx.msk [tilespmem:v14+s2+$0x0], $0xffff;
	v43 =	vmul.f32 v40, v40;
	v44 =	vsub.f32 v34, v35;
	v47 =	vsub.f32 v7, v6  }
0x2e1: {  	v38 =	vld.idx.msk [tilespmem:v13+s25+$0x0], $0xffff;
	v46 =	vmul.f32 v42, v42;
	v48 =	vsub.f32 v36, v37;
	v20 =	vmul.f32 $1.442695020e+00, v59  }
0x2e2: {  	v9 =	vld [tilespmem:s23+$0x0];
	v27 =	vmul.f32 v44, v44;
	v21 =	vmul.f32 v47, v47;
	v2 =	vsub.f32 v1, v2  }
0x2e3: {  	v7 =	vld [tilespmem:s23+$0x10];
	v49 =	vmul.f32 v48, v48;
	(erf) = vpow2.f32 v20  }
0x2e4: {  	v6 =	vld [tilespmem:s17+$0x10];
	v50 =	vmul.f32 v2, v2;
	(erf) = vpow2.f32 v17;
	v17 =	vadd.f32 v46, v43  }
0x2e5: {  	v19 =	vmul.f32 v19, v19;
	v11 =	vld [tilespmem:s17+$0xFFFFFFE0];
	v45 =	vsub.f32 v0, v41;
	v21 =	vadd.f32 v21, v27  }
0x2e6: {  	v26 =	vmul.f32 $1.442695020e+00, v39;
	v20 =	vld [tilespmem:s23+$0xFFFFFFC0];
	v22 =	vadd.f32 v50, v49;
	v17 =	vsub.f32 v0, v17  }
0x2e7: {  	v18 =	vadd.f32 v19, v18;
	v44 =	vld.idx.msk [tilespmem:v12+s25+$0x0], $0xffff;
	v52 =	vmul.f32 $1.442695020e+00, v45;
	v21 =	vsub.f32 v0, v21  }
0x2e8: {  	v8 =	vld [tilespmem:s23+$0xFFFFFFF0];
	(erf) = vpow2.f32 v26;
	v54 =	vsub.f32 v0, v22;
	v17 =	vmul.f32 $1.442695020e+00, v17  }
0x2e9: {  	v18 =	vsub.f32 v0, v18;
	v1 =	vld [tilespmem:s23+$0x20];
	v21 =	vmul.f32 $1.442695020e+00, v21;
	(erf) = vpow2.f32 v52  }
0x2ea: {  	v55 =	vld.idx.msk [tilespmem:v15+s2+$0x0], $0xffff;
	v57 =	vmul.f32 $1.442695020e+00, v54;
	(erf) = vpow2.f32 v17  }
0x2eb: {  	v18 =	vmul.f32 $1.442695020e+00, v18;
	v58 =	vld.idx.msk [tilespmem:v15+s25+$0x0], $0xffff;
	(erf) = vpow2.f32 v21  }
0x2ec: {  	v59 =	vld.idx.msk [tilespmem:v14+s25+$0x0], $0xffff;
	(erf) = vpow2.f32 v57  }
0x2ed: {  	v2 =	vld [tilespmem:s17+$0x20];
	(erf) = vpow2.f32 v18  }
0x2ee: {  	v61 =	vld.idx.msk [tilespmem:v20+s2+$0x0], $0xffff  }
0x2ef: {  	v62 =	vld.idx.msk [tilespmem:v20+s25+$0x0], $0xffff;
	v33 =	vpop (erf)  }
0x2f0: {  	v40 =	vld.idx.msk [tilespmem:v10+s2+$0x0], $0xffff;
	v23 =	vpop (erf)  }
0x2f1: {  	v50 =	vld.idx.msk [tilespmem:v13+s2+$0x0], $0xffff;
	v45 =	vsub.f32 v55, v56;
	v47 =	vsub.f32 v58, v59;
	v22 =	vpop (erf)  }
0x2f2: {  	v41 =	vld.idx.msk [tilespmem:v9+s25+$0x0], $0xffff;
	v21 =	vpop (erf)  }
0x2f3: {  	v63 =	vld.idx.msk [tilespmem:v11+s2+$0x0], $0xffff;
	v49 =	vmul.f32 v45, v45;
	v29 =	vmul.f32 v47, v47;
	v19 =	vpop (erf)  }
0x2f4: {  	v46 =	vld.idx.msk [tilespmem:v11+s25+$0x0], $0xffff;
	v27 =	vsub.f32 v61, v51;
	v28 =	vsub.f32 v62, v53;
	v18 =	vpop (erf)  }
0x2f5: {  	v52 =	vld.idx.msk [tilespmem:v9+s2+$0x0], $0xffff;
	v29 =	vadd.f32 v29, v49;
	v17 =	vpop (erf)  }
0x2f6: {  	s7 =	simm.s32 $0x1D900;
	v48 =	vld.idx.msk [tilespmem:v8+s2+$0x0], $0xffff;
	v27 =	vmul.f32 v27, v27;
	v28 =	vmul.f32 v28, v28;
	v39 =	vpop (erf)  }
0x2f7: {  	v51 =	vld.idx.msk [tilespmem:v8+s25+$0x0], $0xffff;
	v53 =	vsub.f32 v0, v29;
	[tilespmem:s7+$0xFFFFE070] =	vst v39  }
0x2f8: {  	v31 =	vsub.f32 v60, v63;
	v27 =	vadd.f32 v28, v27;
	v54 =	vld.idx.msk [tilespmem:v24+s26+$0x0], $0xffff  }
0x2f9: {  	v26 =	vsub.f32 v44, v46;
	v28 =	vmul.f32 $1.442695020e+00, v53;
	v55 =	vld.idx.msk [tilespmem:v25+s26+$0x0], $0xffff  }
0x2fa: {  	v31 =	vmul.f32 v31, v31;
	v27 =	vsub.f32 v0, v27;
	v56 =	vld.idx.msk [tilespmem:v24+s28+$0x0], $0xffff  }
0x2fb: {  	v26 =	vmul.f32 v26, v26;
	(erf) = vpow2.f32 v28;
	v39 =	vld.idx.msk [tilespmem:v25+s28+$0x0], $0xffff  }
0x2fc: {  	v58 =	vld.idx.msk [tilespmem:v10+s25+$0x0], $0xffff;
	v57 =	vsub.f32 v48, v50;
	v27 =	vmul.f32 $1.442695020e+00, v27  }
0x2fd: {  	v45 =	vld.idx.msk [tilespmem:v1+s2+$0x0], $0xffff;
	v26 =	vadd.f32 v26, v31;
	v59 =	vsub.f32 v51, v38  }
0x2fe: {  	v60 =	vld.idx.msk [tilespmem:v7+s2+$0x0], $0xffff;
	(erf) = vpow2.f32 v27  }
0x2ff: {  	v63 =	vld.idx.msk [tilespmem:v6+s25+$0x0], $0xffff;
	v26 =	vsub.f32 v0, v26;
	v28 =	vmul.f32 v57, v57;
	v31 =	vmul.f32 v59, v59  }
0x300: {  	v46 =	vld.idx.msk [tilespmem:v2+s2+$0x0], $0xffff;
	v29 =	vsub.f32 v54, v55;
	v44 =	vsub.f32 v56, v39  }
0x301: {  	v48 =	vld.idx.msk [tilespmem:v1+s25+$0x0], $0xffff;
	v26 =	vmul.f32 $1.442695020e+00, v26;
	v28 =	vadd.f32 v31, v28  }
0x302: {  	v62 =	vld.idx.msk [tilespmem:v7+s25+$0x0], $0xffff;
	v29 =	vmul.f32 v29, v29;
	v34 =	vmul.f32 v44, v44  }
0x303: {  	v61 =	vld.idx.msk [tilespmem:v6+s2+$0x0], $0xffff;
	(erf) = vpow2.f32 v26;
	v47 =	vsub.f32 v0, v28  }
0x304: {  	v49 =	vsub.f32 v52, v40;
	v50 =	vld.idx.msk [tilespmem:v2+s25+$0x0], $0xffff;
	[tilespmem:s11+$0x60] =	vst v33;
	v51 =	vpop (erf);
	v29 =	vadd.f32 v34, v29  }
0x305: {  	v30 =	vsub.f32 v41, v58;
	v26 =	vld.idx.msk [tilespmem:v4+s31+$0x0], $0xffff;
	v52 =	vmul.f32 $1.442695020e+00, v47;
	[tilespmem:s7+$0xFFFFE010] =	vst v51  }
0x306: {  	v33 =	vmul.f32 v49, v49;
	v34 =	vld.idx.msk [tilespmem:v15+s26+$0x0], $0xffff;
	v29 =	vsub.f32 v0, v29  }
0x307: {  	v30 =	vmul.f32 v30, v30;
	v37 =	vsub.f32 v62, v63;
	v54 =	vld.idx.msk [tilespmem:v14+s26+$0x0], $0xffff;
	v53 =	vpop (erf);
	(erf) = vpow2.f32 v52  }
0x308: {  	v27 =	vsub.f32 v60, v61;
	v61 =	vld.idx.msk [tilespmem:v15+s28+$0x0], $0xffff;
	[tilespmem:s7+$0xFFFFE000] =	vst v53;
	v29 =	vmul.f32 $1.442695020e+00, v29  }
0x309: {  	v30 =	vadd.f32 v30, v33;
	v58 =	vmul.f32 v37, v37;
	v55 =	vld.idx.msk [tilespmem:v20+s26+$0x0], $0xffff  }
0x30a: {  	v27 =	vmul.f32 v27, v27;
	v56 =	vld.idx.msk [tilespmem:v16+s26+$0x0], $0xffff;
	(erf) = vpow2.f32 v29  }
0x30b: {  	v30 =	vsub.f32 v0, v30;
	v31 =	vsub.f32 v45, v46;
	v57 =	vld.idx.msk [tilespmem:v20+s28+$0x0], $0xffff  }
0x30c: {  	v28 =	vsub.f32 v48, v50;
	v27 =	vadd.f32 v58, v27;
	v60 =	vpop (erf);
	v59 =	vld.idx.msk [tilespmem:v16+s28+$0x0], $0xffff  }
0x30d: {  	v30 =	vmul.f32 $1.442695020e+00, v30;
	v62 =	vld.idx.msk [tilespmem:v14+s28+$0x0], $0xffff;
	[tilespmem:s7+$0xFFFFE020] =	vst v60  }
0x30e: {  	v31 =	vmul.f32 v31, v31;
	v28 =	vmul.f32 v28, v28;
	v27 =	vsub.f32 v0, v27;
	v35 =	vld.idx.msk [tilespmem:v12+s26+$0x0], $0xffff  }
0x30f: {  	v63 =	vld.idx.msk [tilespmem:v11+s26+$0x0], $0xffff;
	(erf) = vpow2.f32 v30  }
0x310: {  	v28 =	vadd.f32 v28, v31;
	v27 =	vmul.f32 $1.442695020e+00, v27;
	v45 =	vld.idx.msk [tilespmem:v12+s28+$0x0], $0xffff;
	v44 =	vpop (erf)  }
0x311: {  	v46 =	vld.idx.msk [tilespmem:v11+s28+$0x0], $0xffff;
	v32 =	vsub.f32 v55, v56;
	v47 =	vsub.f32 v57, v59;
	[tilespmem:s7+$0xFFFFE030] =	vst v44  }
0x312: {  	v28 =	vsub.f32 v0, v28;
	(erf) = vpow2.f32 v27;
	v36 =	vld.idx.msk [tilespmem:v8+s26+$0x0], $0xffff  }
0x313: {  	v32 =	vmul.f32 v32, v32;
	v33 =	vmul.f32 v47, v47;
	v48 =	vld.idx.msk [tilespmem:v13+s26+$0x0], $0xffff;
	v49 =	vpop (erf)  }
0x314: {  	v28 =	vmul.f32 $1.442695020e+00, v28;
	v34 =	vsub.f32 v34, v54;
	v50 =	vld.idx.msk [tilespmem:v8+s28+$0x0], $0xffff;
	[tilespmem:s7+$0xFFFFF070] =	vst v49  }
0x315: {  	v29 =	vsub.f32 v61, v62;
	v32 =	vadd.f32 v33, v32;
	v37 =	vld.idx.msk [tilespmem:v24+s29+$0x0], $0xffff  }
0x316: {  	(erf) = vpow2.f32 v28;
	v51 =	vld.idx.msk [tilespmem:v25+s29+$0x0], $0xffff  }
0x317: {  	v34 =	vmul.f32 v34, v34;
	v29 =	vmul.f32 v29, v29;
	v32 =	vsub.f32 v0, v32;
	v52 =	vld.idx.msk [tilespmem:v24+s30+$0x0], $0xffff  }
0x318: {  	v30 =	vsub.f32 v35, v63;
	v53 =	vpop (erf);
	v54 =	vld.idx.msk [tilespmem:v25+s30+$0x0], $0xffff  }
0x319: {  	v31 =	vsub.f32 v45, v46;
	v29 =	vadd.f32 v29, v34;
	v55 =	vld.idx.msk [tilespmem:v13+s28+$0x0], $0xffff;
	[tilespmem:s7+$0xFFFFE040] =	vst v53;
	v32 =	vmul.f32 $1.442695020e+00, v32  }
0x31a: {  	v30 =	vmul.f32 v30, v30;
	v56 =	vld.idx.msk [tilespmem:v9+s26+$0x0], $0xffff  }
0x31b: {  	v31 =	vmul.f32 v31, v31;
	v29 =	vsub.f32 v0, v29;
	v39 =	vld.idx.msk [tilespmem:v10+s26+$0x0], $0xffff;
	v57 =	vpop (erf);
	(erf) = vpow2.f32 v32  }
0x31c: {  	v58 =	vld.idx.msk [tilespmem:v9+s28+$0x0], $0xffff;
	v33 =	vsub.f32 v37, v51  }
0x31d: {  	v30 =	vadd.f32 v31, v30;
	v29 =	vmul.f32 $1.442695020e+00, v29;
	v59 =	vld.idx.msk [tilespmem:v10+s28+$0x0], $0xffff;
	[tilespmem:s7+$0xFFFFE050] =	vst v57;
	v28 =	vsub.f32 v52, v54  }
0x31e: {  	v60 =	vld.idx.msk [tilespmem:v7+s26+$0x0], $0xffff;
	v33 =	vmul.f32 v33, v33  }
0x31f: {  	v30 =	vsub.f32 v0, v30;
	v61 =	vld.idx.msk [tilespmem:v6+s26+$0x0], $0xffff;
	v28 =	vmul.f32 v28, v28;
	v62 =	vpop (erf);
	(erf) = vpow2.f32 v29  }
0x320: {  	v63 =	vld.idx.msk [tilespmem:v7+s28+$0x0], $0xffff  }
0x321: {  	v30 =	vmul.f32 $1.442695020e+00, v30;
	v44 =	vld.idx.msk [tilespmem:v6+s28+$0x0], $0xffff;
	[tilespmem:s7+$0xFFFFE060] =	vst v62;
	v28 =	vadd.f32 v28, v33  }
0x322: {  	v27 =	vsub.f32 v36, v48;
	v45 =	vsub.f32 v50, v55;
	v46 =	vld.idx.msk [tilespmem:v1+s26+$0x0], $0xffff  }
0x323: {  	(erf) = vpow2.f32 v30;
	v47 =	vld.idx.msk [tilespmem:v2+s26+$0x0], $0xffff;
	v28 =	vsub.f32 v0, v28  }
0x324: {  	v27 =	vmul.f32 v27, v27;
	v33 =	vmul.f32 v45, v45;
	v48 =	vld.idx.msk [tilespmem:v1+s28+$0x0], $0xffff;
	v50 =	vpop (erf)  }
0x325: {  	v34 =	vsub.f32 v56, v39;
	v49 =	vld.idx.msk [tilespmem:v2+s28+$0x0], $0xffff;
	v28 =	vmul.f32 $1.442695020e+00, v28;
	[tilespmem:s7+$0xFFFFF000] =	vst v50  }
0x326: {  	v32 =	vsub.f32 v58, v59;
	v33 =	vadd.f32 v33, v27;
	v40 =	vld.idx.msk [tilespmem:v20+s29+$0x0], $0xffff  }
0x327: {  	v52 =	vld.idx.msk [tilespmem:v16+s29+$0x0], $0xffff;
	(erf) = vpow2.f32 v28  }
0x328: {  	v51 =	vmul.f32 v34, v34;
	v32 =	vmul.f32 v32, v32;
	v33 =	vsub.f32 v0, v33;
	v54 =	vld.idx.msk [tilespmem:v20+s30+$0x0], $0xffff;
	v53 =	vpop (erf)  }
0x329: {  	v31 =	vsub.f32 v60, v61;
	v56 =	vld.idx.msk [tilespmem:v16+s30+$0x0], $0xffff;
	[tilespmem:s7+$0xFFFFF010] =	vst v53  }
0x32a: {  	v29 =	vsub.f32 v63, v44;
	v28 =	vadd.f32 v32, v51;
	v55 =	vmul.f32 $1.442695020e+00, v33;
	v36 =	vld.idx.msk [tilespmem:v15+s29+$0x0], $0xffff  }
0x32b: {  	v31 =	vmul.f32 v31, v31;
	v57 =	vld.idx.msk [tilespmem:v14+s29+$0x0], $0xffff  }
0x32c: {  	v29 =	vmul.f32 v29, v29;
	v28 =	vsub.f32 v0, v28;
	(erf) = vpow2.f32 v55;
	v58 =	vpop (erf);
	v59 =	vld.idx.msk [tilespmem:v15+s30+$0x0], $0xffff  }
0x32d: {  	v35 =	vsub.f32 v46, v47;
	[tilespmem:s7+$0xFFFFF020] =	vst v58;
	v60 =	vld.idx.msk [tilespmem:v14+s30+$0x0], $0xffff  }
0x32e: {  	v29 =	vadd.f32 v29, v31;
	v30 =	vsub.f32 v48, v49;
	v28 =	vmul.f32 $1.442695020e+00, v28;
	v61 =	vld.idx.msk [tilespmem:v12+s29+$0x0], $0xffff  }
0x32f: {  	v35 =	vmul.f32 v35, v35;
	v62 =	vld.idx.msk [tilespmem:v11+s29+$0x0], $0xffff  }
0x330: {  	v29 =	vsub.f32 v0, v29;
	v30 =	vmul.f32 v30, v30;
	v41 =	vld.idx.msk [tilespmem:v12+s30+$0x0], $0xffff;
	(erf) = vpow2.f32 v28;
	v63 =	vpop (erf)  }
0x331: {  	v46 =	vld.idx.msk [tilespmem:v11+s30+$0x0], $0xffff;
	[tilespmem:s7+$0x70] =	vst v63  }
0x332: {  	v30 =	vadd.f32 v30, v35;
	v29 =	vmul.f32 $1.442695020e+00, v29;
	v42 =	vld.idx.msk [tilespmem:v24+s31+$0x0], $0xffff  }
0x333: {  	v34 =	vsub.f32 v40, v52;
	v33 =	vsub.f32 v54, v56;
	v44 =	vld.idx.msk [tilespmem:v25+s31+$0x0], $0xffff  }
0x334: {  	v30 =	vsub.f32 v0, v30;
	(erf) = vpow2.f32 v29;
	v24 =	vld.idx.msk [tilespmem:v24+s0+$0x0], $0xffff  }
0x335: {  	v34 =	vmul.f32 v34, v34;
	v43 =	vmul.f32 v33, v33;
	v45 =	vpop (erf);
	v25 =	vld.idx.msk [tilespmem:v25+s0+$0x0], $0xffff  }
0x336: {  	v4 =	vld.idx.msk [tilespmem:v4+s0+$0x0], $0xffff;
	v30 =	vmul.f32 $1.442695020e+00, v30;
	v32 =	vsub.f32 v36, v57;
	[tilespmem:s7+$0xFFFFF030] =	vst v45  }
0x337: {  	v31 =	vsub.f32 v59, v60;
	v29 =	vadd.f32 v43, v34;
	v36 =	vld.idx.msk [tilespmem:v8+s29+$0x0], $0xffff  }
0x338: {  	v28 =	vsub.f32 v61, v62;
	v34 =	vsub.f32 v41, v46;
	(erf) = vpow2.f32 v30;
	v48 =	vld.idx.msk [tilespmem:v13+s29+$0x0], $0xffff  }
0x339: {  	v32 =	vmul.f32 v32, v32;
	v31 =	vmul.f32 v31, v31;
	v29 =	vsub.f32 v0, v29;
	v50 =	vld.idx.msk [tilespmem:v8+s30+$0x0], $0xffff;
	v49 =	vpop (erf)  }
0x33a: {  	v51 =	vld.idx.msk [tilespmem:v13+s30+$0x0], $0xffff;
	[tilespmem:s7+$0xFFFFF040] =	vst v49;
	v33 =	vsub.f32 v42, v44;
	v24 =	vsub.f32 v24, v25  }
0x33b: {  	v28 =	vmul.f32 v28, v28;
	v47 =	vadd.f32 v31, v32;
	v29 =	vmul.f32 $1.442695020e+00, v29;
	v52 =	vld.idx.msk [tilespmem:v9+s29+$0x0], $0xffff  }
0x33c: {  	v54 =	vld.idx.msk [tilespmem:v10+s29+$0x0], $0xffff;
	v33 =	vmul.f32 v33, v33;
	v24 =	vmul.f32 v24, v24  }
0x33d: {  	v34 =	vmul.f32 v34, v34;
	v30 =	vsub.f32 v0, v47;
	(erf) = vpow2.f32 v29;
	v55 =	vld.idx.msk [tilespmem:v9+s30+$0x0], $0xffff;
	v53 =	vpop (erf)  }
0x33e: {  	v56 =	vld.idx.msk [tilespmem:v10+s30+$0x0], $0xffff;
	[tilespmem:s7+$0xFFFFF050] =	vst v53;
	v24 =	vadd.f32 v24, v33  }
0x33f: {  	v28 =	vadd.f32 v34, v28;
	v30 =	vmul.f32 $1.442695020e+00, v30;
	v31 =	vsub.f32 v36, v48;
	v57 =	vld.idx.msk [tilespmem:v7+s29+$0x0], $0xffff  }
0x340: {  	v32 =	vsub.f32 v50, v51;
	v58 =	vld.idx.msk [tilespmem:v6+s29+$0x0], $0xffff;
	v24 =	vsub.f32 v0, v24  }
0x341: {  	(erf) = vpow2.f32 v30;
	v59 =	vpop (erf);
	v31 =	vmul.f32 v31, v31;
	v60 =	vld.idx.msk [tilespmem:v7+s30+$0x0], $0xffff  }
0x342: {  	v28 =	vsub.f32 v0, v28;
	v32 =	vmul.f32 v32, v32;
	v61 =	vld.idx.msk [tilespmem:v6+s30+$0x0], $0xffff;
	[tilespmem:s7+$0xFFFFF060] =	vst v59;
	v24 =	vmul.f32 $1.442695020e+00, v24  }
0x343: {  	v25 =	vsub.f32 v52, v54;
	v62 =	vld.idx.msk [tilespmem:v1+s29+$0x0], $0xffff;
	v29 =	vsub.f32 v55, v56  }
0x344: {  	v28 =	vmul.f32 $1.442695020e+00, v28;
	v31 =	vadd.f32 v32, v31;
	v63 =	vld.idx.msk [tilespmem:v2+s29+$0x0], $0xffff;
	(erf) = vpow2.f32 v24  }
0x345: {  	v41 =	vld.idx.msk [tilespmem:v1+s30+$0x0], $0xffff;
	v25 =	vmul.f32 v25, v25;
	v29 =	vmul.f32 v29, v29  }
0x346: {  	v42 =	vld.idx.msk [tilespmem:v2+s30+$0x0], $0xffff;
	v40 =	vpop (erf);
	v31 =	vsub.f32 v0, v31;
	(erf) = vpow2.f32 v28  }
0x347: {  	v27 =	vld.idx.msk [tilespmem:v3+s31+$0x0], $0xffff;
	[tilespmem:s7+$0x0] =	vst v40;
	v30 =	vsub.f32 v57, v58;
	v25 =	vadd.f32 v29, v25  }
0x348: {  	v34 =	vsub.f32 v60, v61;
	v43 =	vld.idx.msk [tilespmem:v20+s31+$0x0], $0xffff;
	v31 =	vmul.f32 $1.442695020e+00, v31  }
0x349: {  	v36 =	vld.idx.msk [tilespmem:v16+s31+$0x0], $0xffff;
	v45 =	vmul.f32 v30, v30;
	v25 =	vsub.f32 v0, v25  }
0x34a: {  	v20 =	vld.idx.msk [tilespmem:v20+s0+$0x0], $0xffff;
	v44 =	vpop (erf);
	v46 =	vmul.f32 v34, v34;
	v47 =	vsub.f32 v62, v63;
	(erf) = vpow2.f32 v31  }
0x34b: {  	v16 =	vld.idx.msk [tilespmem:v16+s0+$0x0], $0xffff;
	v24 =	vsub.f32 v41, v42;
	[tilespmem:s7+$0x10] =	vst v44;
	v25 =	vmul.f32 $1.442695020e+00, v25  }
0x34c: {  	v48 =	vld.idx.msk [tilespmem:v15+s31+$0x0], $0xffff;
	v49 =	vadd.f32 v46, v45;
	v51 =	vmul.f32 v47, v47  }
0x34d: {  	v50 =	vld.idx.msk [tilespmem:v14+s31+$0x0], $0xffff;
	v24 =	vmul.f32 v24, v24;
	v52 =	vpop (erf);
	(erf) = vpow2.f32 v25  }
0x34e: {  	v15 =	vld.idx.msk [tilespmem:v15+s0+$0x0], $0xffff;
	v28 =	vsub.f32 v0, v49  }
0x34f: {  	[tilespmem:s11+$0x1070] =	vst v5;
	v14 =	vld.idx.msk [tilespmem:v14+s0+$0x0], $0xffff;
	v5 =	vadd.f32 v24, v51;
	v53 =	vpop (erf)  }
0x350: {  	v3 =	vld.idx.msk [tilespmem:v3+s0+$0x0], $0xffff;
	v56 =	vsub.f32 v43, v36;
	v54 =	vmul.f32 $1.442695020e+00, v28;
	[tilespmem:s7+$0x20] =	vst v53  }
0x351: {  	v16 =	vsub.f32 v20, v16;
	v5 =	vsub.f32 v0, v5;
	v55 =	vld.idx.msk [tilespmem:v12+s31+$0x0], $0xffff  }
0x352: {  	[tilespmem:s11+$0x1010] =	vst v22;
	v22 =	vmul.f32 v56, v56;
	(erf) = vpow2.f32 v54;
	v57 =	vld.idx.msk [tilespmem:v11+s31+$0x0], $0xffff  }
0x353: {  	v16 =	vmul.f32 v16, v16;
	v5 =	vmul.f32 $1.442695020e+00, v5;
	v58 =	vpop (erf);
	v12 =	vld.idx.msk [tilespmem:v12+s0+$0x0], $0xffff  }
0x354: {  	v59 =	vsub.f32 v48, v50;
	v14 =	vsub.f32 v15, v14;
	v11 =	vld.idx.msk [tilespmem:v11+s0+$0x0], $0xffff;
	[tilespmem:s7+$0x30] =	vst v58  }
0x355: {  	[tilespmem:s11+$0x1030] =	vst v19;
	v3 =	vsub.f32 v4, v3;
	v16 =	vadd.f32 v16, v22;
	(erf) = vpow2.f32 v5;
	v15 =	vld.idx.msk [tilespmem:v8+s31+$0x0], $0xffff  }
0x356: {  	v19 =	vmul.f32 v59, v59;
	v14 =	vmul.f32 v14, v14;
	v5 =	vsub.f32 v26, v27;
	v4 =	vld.idx.msk [tilespmem:v8+s0+$0x0], $0xffff;
	v8 =	vpop (erf)  }
0x357: {  	v16 =	vsub.f32 v0, v16;
	v60 =	vld.idx.msk [tilespmem:v13+s31+$0x0], $0xffff;
	[tilespmem:s7+$0x40] =	vst v8;
	v8 =	vsub.f32 v55, v57  }
0x358: {  	[tilespmem:s11+$0x1000] =	vst v23;
	v3 =	vmul.f32 v3, v3;
	v14 =	vadd.f32 v14, v19;
	v13 =	vld.idx.msk [tilespmem:v13+s0+$0x0], $0xffff  }
0x359: {  	[tilespmem:s11+$0x1020] =	vst v21;
	v5 =	vmul.f32 v5, v5;
	v16 =	vmul.f32 $1.442695020e+00, v16;
	v61 =	vld.idx.msk [tilespmem:v9+s31+$0x0], $0xffff  }
0x35a: {  	v14 =	vsub.f32 v0, v14;
	v11 =	vsub.f32 v12, v11;
	v62 =	vld.idx.msk [tilespmem:v10+s31+$0x0], $0xffff;
	v12 =	vmul.f32 v8, v8  }
0x35b: {  	[tilespmem:s11+$0x1040] =	vst v18;
	v3 =	vadd.f32 v3, v5;
	(erf) = vpow2.f32 v16;
	v5 =	vld.idx.msk [tilespmem:v9+s0+$0x0], $0xffff;
	v8 =	vpop (erf)  }
0x35c: {  	v14 =	vmul.f32 $1.442695020e+00, v14;
	v11 =	vmul.f32 v11, v11;
	v9 =	vld.idx.msk [tilespmem:v10+s0+$0x0], $0xffff;
	[tilespmem:s7+$0x50] =	vst v8  }
0x35d: {  	[tilespmem:s11+$0x1050] =	vst v17;
	v3 =	vsub.f32 v0, v3;
	v13 =	vsub.f32 v4, v13;
	v8 =	vld.idx.msk [tilespmem:v7+s31+$0x0], $0xffff  }
0x35e: {  	[tilespmem:s7+$0x1070] =	vst v52;
	v15 =	vsub.f32 v15, v60;
	(erf) = vpow2.f32 v14;
	v63 =	vadd.f32 v11, v12;
	v10 =	vld.idx.msk [tilespmem:v6+s31+$0x0], $0xffff;
	v12 =	vpop (erf)  }
0x35f: {  	v13 =	vmul.f32 v13, v13;
	v4 =	vld.idx.msk [tilespmem:v7+s0+$0x0], $0xffff;
	[tilespmem:s7+$0x60] =	vst v12;
	v12 =	vmul.f32 $1.442695020e+00, v3  }
0x360: {  	s9 =	simm.s32 $0x8;
	s12 =	simm.s32 $0x149C0;
	v11 =	vmul.f32 v15, v15;
	v7 =	vsub.f32 v0, v63;
	v14 =	vsub.f32 v61, v62;
	v3 =	vld.idx.msk [tilespmem:v6+s0+$0x0], $0xffff  }
.LBB2_5:
0x361: {  	v17 =	vld [tilespmem:s12+$0x30];
	s17 =	sadd.s32 $0x80, s17;
	(erf) = vpow2.f32 v12  }
0x362: {  	v5 =	vsub.f32 v5, v9;
	v18 =	vld [tilespmem:s17+$0x30];
	v6 =	vadd.f32 v13, v11;
	v14 =	vmul.f32 v14, v14  }
0x363: {  	v7 =	vmul.f32 $1.442695020e+00, v7;
	v13 =	vld [tilespmem:s17+$0xFFFFFFC0]  }
0x364: {  	v5 =	vmul.f32 v5, v5;
	v8 =	vsub.f32 v8, v10;
	v11 =	vld [tilespmem:s12+$0xFFFFFFD0];
	v6 =	vsub.f32 v0, v6;
	v9 =	vpop (erf)  }
0x365: {  	v12 =	vld [tilespmem:s17+$0xFFFFFFD0];
	[tilespmem:s7+$0x1000] =	vst v9;
	(erf) = vpow2.f32 v7  }
0x366: {  	v7 =	vadd.f32 v5, v14;
	v3 =	vsub.f32 v4, v3;
	v4 =	vmul.f32 v8, v8;
	v9 =	vld [tilespmem:s12+$0xFFFFFFE0]  }
0x367: {  	v6 =	vmul.f32 $1.442695020e+00, v6;
	v8 =	vld [tilespmem:s17+$0xFFFFFFE0]  }
0x368: {  	v7 =	vsub.f32 v0, v7;
	v3 =	vmul.f32 v3, v3;
	v5 =	vld [tilespmem:s12+$0xFFFFFFF0];
	v10 =	vpop (erf)  }
0x369: {  	v14 =	vld.idx.msk [tilespmem:v17+s2+$0x0], $0xffff;
	[tilespmem:s7+$0x1010] =	vst v10;
	(erf) = vpow2.f32 v6  }
0x36a: {  	v6 =	vmul.f32 $1.442695020e+00, v7;
	v3 =	vadd.f32 v3, v4;
	v16 =	vld.idx.msk [tilespmem:v18+s2+$0x0], $0xffff;
	v4 =	vpop (erf)  }
0x36b: {  	v19 =	vld.idx.msk [tilespmem:v17+s25+$0x0], $0xffff;
	[tilespmem:s11+$0x1060] =	vst v4;
	s11 =	smov.u32 s7  }
0x36c: {  	v3 =	vsub.f32 v0, v3;
	v20 =	vld.idx.msk [tilespmem:v18+s25+$0x0], $0xffff;
	(erf) = vpow2.f32 v6  }
0x36d: {  	s9 =	sadd.s32 $0x8, s9;
	v10 =	vld [tilespmem:s17+$0xFFFFFFF0]  }
0x36e: {  	p0 =	slt.u32 s9, $0xF8;
	v3 =	vmul.f32 $1.442695020e+00, v3;
	v7 =	vld [tilespmem:s12+$0x0];
	v4 =	vpop (erf)  }
0x36f: {  	v6 =	vld [tilespmem:s17+$0x0];
	[tilespmem:s7+$0x1020] =	vst v4  }
0x370: {  	v4 =	vld [tilespmem:s12+$0x10];
	(erf) = vpow2.f32 v3  }
0x371: {  	v3 =	vld [tilespmem:s17+$0x10]  }
0x372: {  	v21 =	vsub.f32 v14, v16;
	v19 =	vsub.f32 v19, v20;
	v15 =	vld [tilespmem:s12+$0x20];
	v16 =	vpop (erf)  }
0x373: {  	v14 =	vld [tilespmem:s17+$0x20];
	[tilespmem:s7+$0x1030] =	vst v16  }
0x374: {  	v20 =	vmul.f32 v21, v21;
	v19 =	vmul.f32 v19, v19;
	v16 =	vld [tilespmem:s12+$0xFFFFFFC0]  }
0x375: {  	v21 =	vld.idx.msk [tilespmem:v13+s2+$0x0], $0xffff;
	v22 =	vpop (erf)  }
0x376: {  	v19 =	vadd.f32 v19, v20;
	v23 =	vld.idx.msk [tilespmem:v13+s25+$0x0], $0xffff;
	[tilespmem:s7+$0x1040] =	vst v22  }
0x377: {  	v20 =	vld.idx.msk [tilespmem:v11+s2+$0x0], $0xffff  }
0x378: {  	v19 =	vsub.f32 v0, v19;
	v22 =	vld.idx.msk [tilespmem:v12+s2+$0x0], $0xffff  }
0x379: {  	v24 =	vld.idx.msk [tilespmem:v11+s25+$0x0], $0xffff;
	v25 =	vpop (erf)  }
0x37a: {  	v19 =	vmul.f32 $1.442695020e+00, v19;
	v26 =	vld.idx.msk [tilespmem:v12+s25+$0x0], $0xffff;
	[tilespmem:s7+$0x1050] =	vst v25  }
0x37b: {  	v25 =	vld.idx.msk [tilespmem:v9+s2+$0x0], $0xffff  }
0x37c: {  	v27 =	vld.idx.msk [tilespmem:v16+s2+$0x0], $0xffff;
	(erf) = vpow2.f32 v19  }
0x37d: {  	v19 =	vld.idx.msk [tilespmem:v16+s25+$0x0], $0xffff  }
0x37e: {  	v20 =	vsub.f32 v20, v22;
	v22 =	vld.idx.msk [tilespmem:v8+s2+$0x0], $0xffff  }
0x37f: {  	v28 =	vld.idx.msk [tilespmem:v9+s25+$0x0], $0xffff  }
0x380: {  	v24 =	vsub.f32 v24, v26;
	v20 =	vmul.f32 v20, v20;
	v26 =	vld.idx.msk [tilespmem:v8+s25+$0x0], $0xffff  }
0x381: {  	v29 =	vld.idx.msk [tilespmem:v5+s2+$0x0], $0xffff  }
0x382: {  	v21 =	vsub.f32 v27, v21;
	v24 =	vmul.f32 v24, v24;
	v27 =	vld.idx.msk [tilespmem:v10+s2+$0x0], $0xffff  }
0x383: {  	v19 =	vsub.f32 v19, v23;
	v23 =	vld.idx.msk [tilespmem:v5+s25+$0x0], $0xffff  }
0x384: {  	v21 =	vmul.f32 v21, v21;
	v20 =	vadd.f32 v24, v20;
	v22 =	vsub.f32 v25, v22;
	v24 =	vld.idx.msk [tilespmem:v10+s25+$0x0], $0xffff  }
0x385: {  	s7 =	sadd.s32 $0x80, s7;
	v19 =	vmul.f32 v19, v19;
	v25 =	vld.idx.msk [tilespmem:v7+s2+$0x0], $0xffff;
	v30 =	vpop (erf)  }
0x386: {  	v26 =	vsub.f32 v28, v26;
	v22 =	vmul.f32 v22, v22;
	v28 =	vld.idx.msk [tilespmem:v6+s2+$0x0], $0xffff;
	[tilespmem:s7+$0xFFFFE070] =	vst v30  }
0x387: {  	v20 =	vsub.f32 v0, v20;
	v19 =	vadd.f32 v19, v21;
	v21 =	vld.idx.msk [tilespmem:v17+s26+$0x0], $0xffff  }
0x388: {  	v26 =	vmul.f32 v26, v26;
	v27 =	vsub.f32 v29, v27;
	v29 =	vld.idx.msk [tilespmem:v18+s26+$0x0], $0xffff  }
0x389: {  	v20 =	vmul.f32 $1.442695020e+00, v20;
	v19 =	vsub.f32 v0, v19;
	v30 =	vld.idx.msk [tilespmem:v17+s28+$0x0], $0xffff  }
0x38a: {  	v22 =	vadd.f32 v26, v22;
	v23 =	vsub.f32 v23, v24;
	v24 =	vmul.f32 v27, v27;
	v26 =	vld.idx.msk [tilespmem:v18+s28+$0x0], $0xffff  }
0x38b: {  	v19 =	vmul.f32 $1.442695020e+00, v19;
	v27 =	vld.idx.msk [tilespmem:v7+s25+$0x0], $0xffff;
	(erf) = vpow2.f32 v20  }
0x38c: {  	v20 =	vsub.f32 v0, v22;
	v22 =	vmul.f32 v23, v23;
	v23 =	vsub.f32 v25, v28;
	v25 =	vld.idx.msk [tilespmem:v6+s25+$0x0], $0xffff  }
0x38d: {  	v28 =	vld.idx.msk [tilespmem:v4+s2+$0x0], $0xffff;
	(erf) = vpow2.f32 v19  }
0x38e: {  	v19 =	vmul.f32 $1.442695020e+00, v20;
	v20 =	vadd.f32 v22, v24;
	v22 =	vmul.f32 v23, v23;
	v23 =	vld.idx.msk [tilespmem:v3+s2+$0x0], $0xffff  }
0x38f: {  	v24 =	vld.idx.msk [tilespmem:v4+s25+$0x0], $0xffff  }
0x390: {  	v21 =	vsub.f32 v21, v29;
	v26 =	vsub.f32 v30, v26;
	v31 =	vld.idx.msk [tilespmem:v3+s25+$0x0], $0xffff;
	(erf) = vpow2.f32 v19  }
0x391: {  	v19 =	vsub.f32 v0, v20;
	v20 =	vld.idx.msk [tilespmem:v15+s2+$0x0], $0xffff  }
0x392: {  	v21 =	vmul.f32 v21, v21;
	v25 =	vsub.f32 v27, v25;
	v30 =	vmul.f32 v26, v26;
	v27 =	vld.idx.msk [tilespmem:v14+s2+$0x0], $0xffff  }
0x393: {  	v19 =	vmul.f32 $1.442695020e+00, v19;
	v29 =	vld.idx.msk [tilespmem:v15+s25+$0x0], $0xffff  }
0x394: {  	v25 =	vmul.f32 v25, v25;
	v23 =	vsub.f32 v28, v23;
	v21 =	vadd.f32 v30, v21;
	v28 =	vld.idx.msk [tilespmem:v14+s25+$0x0], $0xffff;
	v26 =	vpop (erf)  }
0x395: {  	[tilespmem:s7+$0xFFFFE010] =	vst v26;
	(erf) = vpow2.f32 v19;
	v19 =	vld.idx.msk [tilespmem:v1+s31+$0x0], $0xffff  }
0x396: {  	v24 =	vsub.f32 v24, v31;
	v23 =	vmul.f32 v23, v23;
	v21 =	vsub.f32 v0, v21;
	v26 =	vld.idx.msk [tilespmem:v11+s26+$0x0], $0xffff;
	v30 =	vpop (erf)  }
0x397: {  	v22 =	vadd.f32 v25, v22;
	[tilespmem:s7+$0xFFFFE000] =	vst v30;
	v30 =	vld.idx.msk [tilespmem:v12+s26+$0x0], $0xffff  }
0x398: {  	v24 =	vmul.f32 v24, v24;
	v20 =	vsub.f32 v20, v27;
	v21 =	vmul.f32 $1.442695020e+00, v21;
	v25 =	vld.idx.msk [tilespmem:v16+s26+$0x0], $0xffff  }
0x399: {  	v22 =	vsub.f32 v0, v22;
	v27 =	vld.idx.msk [tilespmem:v13+s26+$0x0], $0xffff;
	v31 =	vpop (erf)  }
0x39a: {  	v28 =	vsub.f32 v29, v28;
	v20 =	vmul.f32 v20, v20;
	v32 =	vld.idx.msk [tilespmem:v16+s28+$0x0], $0xffff;
	[tilespmem:s7+$0xFFFFE020] =	vst v31;
	(erf) = vpow2.f32 v21  }
0x39b: {  	v22 =	vmul.f32 $1.442695020e+00, v22;
	v23 =	vadd.f32 v24, v23;
	v21 =	vld.idx.msk [tilespmem:v13+s28+$0x0], $0xffff  }
0x39c: {  	v31 =	vmul.f32 v28, v28;
	v24 =	vld.idx.msk [tilespmem:v11+s28+$0x0], $0xffff  }
0x39d: {  	v23 =	vsub.f32 v0, v23;
	v26 =	vsub.f32 v26, v30;
	v29 =	vld.idx.msk [tilespmem:v12+s28+$0x0], $0xffff;
	(erf) = vpow2.f32 v22  }
0x39e: {  	v20 =	vadd.f32 v31, v20;
	v22 =	vld.idx.msk [tilespmem:v9+s26+$0x0], $0xffff;
	v28 =	vpop (erf)  }
0x39f: {  	v23 =	vmul.f32 $1.442695020e+00, v23;
	v25 =	vsub.f32 v25, v27;
	v26 =	vmul.f32 v26, v26;
	v27 =	vld.idx.msk [tilespmem:v8+s26+$0x0], $0xffff;
	[tilespmem:s7+$0xFFFFE030] =	vst v28  }
0x3a0: {  	v20 =	vsub.f32 v0, v20;
	v28 =	vld.idx.msk [tilespmem:v9+s28+$0x0], $0xffff  }
0x3a1: {  	v21 =	vsub.f32 v32, v21;
	v25 =	vmul.f32 v25, v25;
	v30 =	vld.idx.msk [tilespmem:v8+s28+$0x0], $0xffff;
	(erf) = vpow2.f32 v23  }
0x3a2: {  	v20 =	vmul.f32 $1.442695020e+00, v20;
	v23 =	vld.idx.msk [tilespmem:v5+s26+$0x0], $0xffff  }
0x3a3: {  	v21 =	vmul.f32 v21, v21;
	v24 =	vsub.f32 v24, v29;
	v29 =	vld.idx.msk [tilespmem:v10+s26+$0x0], $0xffff;
	v31 =	vpop (erf)  }
0x3a4: {  	v32 =	vld.idx.msk [tilespmem:v5+s28+$0x0], $0xffff;
	[tilespmem:s7+$0xFFFFF070] =	vst v31;
	(erf) = vpow2.f32 v20  }
0x3a5: {  	v20 =	vadd.f32 v21, v25;
	v21 =	vmul.f32 v24, v24;
	v22 =	vsub.f32 v22, v27;
	v24 =	vld.idx.msk [tilespmem:v17+s29+$0x0], $0xffff  }
0x3a6: {  	v25 =	vld.idx.msk [tilespmem:v18+s29+$0x0], $0xffff;
	v27 =	vpop (erf)  }
0x3a7: {  	v28 =	vsub.f32 v28, v30;
	v22 =	vmul.f32 v22, v22;
	[tilespmem:s7+$0xFFFFE040] =	vst v27;
	v27 =	vld.idx.msk [tilespmem:v17+s30+$0x0], $0xffff  }
0x3a8: {  	v20 =	vsub.f32 v0, v20;
	v21 =	vadd.f32 v21, v26;
	v26 =	vld.idx.msk [tilespmem:v18+s30+$0x0], $0xffff  }
0x3a9: {  	v28 =	vmul.f32 v28, v28;
	v23 =	vsub.f32 v23, v29;
	v29 =	vld.idx.msk [tilespmem:v10+s28+$0x0], $0xffff  }
0x3aa: {  	v20 =	vmul.f32 $1.442695020e+00, v20;
	v21 =	vsub.f32 v0, v21;
	v30 =	vld.idx.msk [tilespmem:v7+s26+$0x0], $0xffff;
	v31 =	vpop (erf)  }
0x3ab: {  	v22 =	vadd.f32 v28, v22;
	v23 =	vmul.f32 v23, v23;
	v28 =	vld.idx.msk [tilespmem:v6+s26+$0x0], $0xffff;
	[tilespmem:s7+$0xFFFFE050] =	vst v31  }
0x3ac: {  	v21 =	vmul.f32 $1.442695020e+00, v21;
	v31 =	vld.idx.msk [tilespmem:v7+s28+$0x0], $0xffff;
	(erf) = vpow2.f32 v20  }
0x3ad: {  	v20 =	vsub.f32 v0, v22;
	v22 =	vld.idx.msk [tilespmem:v6+s28+$0x0], $0xffff;
	v33 =	vpop (erf)  }
0x3ae: {  	v24 =	vsub.f32 v24, v25;
	v25 =	vsub.f32 v27, v26;
	v34 =	vld.idx.msk [tilespmem:v4+s26+$0x0], $0xffff;
	[tilespmem:s7+$0xFFFFE060] =	vst v33;
	(erf) = vpow2.f32 v21  }
0x3af: {  	v20 =	vmul.f32 $1.442695020e+00, v20;
	v21 =	vsub.f32 v32, v29;
	v26 =	vld.idx.msk [tilespmem:v3+s26+$0x0], $0xffff  }
0x3b0: {  	v24 =	vmul.f32 v24, v24;
	v25 =	vmul.f32 v25, v25;
	v27 =	vld.idx.msk [tilespmem:v4+s28+$0x0], $0xffff  }
0x3b1: {  	v21 =	vmul.f32 v21, v21;
	v28 =	vsub.f32 v30, v28;
	v29 =	vld.idx.msk [tilespmem:v3+s28+$0x0], $0xffff;
	(erf) = vpow2.f32 v20  }
0x3b2: {  	v24 =	vadd.f32 v25, v24;
	v20 =	vld.idx.msk [tilespmem:v15+s26+$0x0], $0xffff  }
0x3b3: {  	v21 =	vadd.f32 v21, v23;
	v22 =	vsub.f32 v31, v22;
	v23 =	vmul.f32 v28, v28;
	v25 =	vld.idx.msk [tilespmem:v14+s26+$0x0], $0xffff  }
0x3b4: {  	v24 =	vsub.f32 v0, v24;
	v28 =	vld.idx.msk [tilespmem:v15+s28+$0x0], $0xffff  }
0x3b5: {  	v21 =	vsub.f32 v0, v21;
	v22 =	vmul.f32 v22, v22;
	v26 =	vsub.f32 v34, v26;
	v30 =	vld.idx.msk [tilespmem:v14+s28+$0x0], $0xffff;
	v31 =	vpop (erf)  }
0x3b6: {  	v24 =	vmul.f32 $1.442695020e+00, v24;
	[tilespmem:s7+$0xFFFFF000] =	vst v31;
	v31 =	vld.idx.msk [tilespmem:v2+s31+$0x0], $0xffff  }
0x3b7: {  	v22 =	vadd.f32 v22, v23;
	v23 =	vsub.f32 v27, v29;
	v26 =	vmul.f32 v26, v26;
	v32 =	vld.idx.msk [tilespmem:v16+s29+$0x0], $0xffff;
	v27 =	vpop (erf)  }
0x3b8: {  	v21 =	vmul.f32 $1.442695020e+00, v21;
	v29 =	vld.idx.msk [tilespmem:v13+s29+$0x0], $0xffff;
	[tilespmem:s7+$0xFFFFF010] =	vst v27;
	(erf) = vpow2.f32 v24  }
0x3b9: {  	v22 =	vsub.f32 v0, v22;
	v23 =	vmul.f32 v23, v23;
	v20 =	vsub.f32 v20, v25;
	v24 =	vld.idx.msk [tilespmem:v16+s30+$0x0], $0xffff  }
0x3ba: {  	v25 =	vld.idx.msk [tilespmem:v13+s30+$0x0], $0xffff;
	v27 =	vpop (erf);
	(erf) = vpow2.f32 v21  }
0x3bb: {  	v21 =	vadd.f32 v23, v26;
	v23 =	vsub.f32 v28, v30;
	v20 =	vmul.f32 v20, v20;
	[tilespmem:s7+$0xFFFFF020] =	vst v27  }
0x3bc: {  	v22 =	vmul.f32 $1.442695020e+00, v22;
	v19 =	vsub.f32 v19, v31;
	v26 =	vld.idx.msk [tilespmem:v11+s29+$0x0], $0xffff  }
0x3bd: {  	v21 =	vsub.f32 v0, v21;
	v23 =	vmul.f32 v23, v23;
	v27 =	vld.idx.msk [tilespmem:v12+s29+$0x0], $0xffff  }
0x3be: {  	v28 =	vsub.f32 v32, v29;
	v19 =	vmul.f32 v19, v19;
	v29 =	vld.idx.msk [tilespmem:v11+s30+$0x0], $0xffff;
	(erf) = vpow2.f32 v22  }
0x3bf: {  	v30 =	vmul.f32 $1.442695020e+00, v21;
	v20 =	vadd.f32 v23, v20;
	v22 =	vld.idx.msk [tilespmem:v12+s30+$0x0], $0xffff  }
0x3c0: {  	v23 =	vsub.f32 v24, v25;
	v24 =	vmul.f32 v28, v28;
	v25 =	vld.idx.msk [tilespmem:v9+s29+$0x0], $0xffff  }
0x3c1: {  	v20 =	vsub.f32 v0, v20;
	v28 =	vld.idx.msk [tilespmem:v8+s29+$0x0], $0xffff;
	(erf) = vpow2.f32 v30;
	v21 =	vpop (erf)  }
0x3c2: {  	v23 =	vmul.f32 v23, v23;
	v30 =	vld.idx.msk [tilespmem:v9+s30+$0x0], $0xffff;
	[tilespmem:s7+$0x70] =	vst v21  }
0x3c3: {  	v21 =	vsub.f32 v26, v27;
	v20 =	vmul.f32 $1.442695020e+00, v20;
	v26 =	vld.idx.msk [tilespmem:v17+s31+$0x0], $0xffff;
	v27 =	vpop (erf)  }
0x3c4: {  	v23 =	vadd.f32 v23, v24;
	[tilespmem:s7+$0xFFFFF030] =	vst v27;
	v24 =	vld.idx.msk [tilespmem:v18+s31+$0x0], $0xffff  }
0x3c5: {  	v22 =	vsub.f32 v29, v22;
	v21 =	vmul.f32 v21, v21;
	v17 =	vld.idx.msk [tilespmem:v17+s0+$0x0], $0xffff;
	(erf) = vpow2.f32 v20  }
0x3c6: {  	v20 =	vsub.f32 v0, v23;
	v18 =	vld.idx.msk [tilespmem:v18+s0+$0x0], $0xffff  }
0x3c7: {  	v22 =	vmul.f32 v22, v22;
	v23 =	vsub.f32 v25, v28;
	v25 =	vld.idx.msk [tilespmem:v8+s30+$0x0], $0xffff;
	v27 =	vpop (erf)  }
0x3c8: {  	v29 =	vmul.f32 $1.442695020e+00, v20;
	v28 =	vld.idx.msk [tilespmem:v5+s29+$0x0], $0xffff;
	[tilespmem:s7+$0xFFFFF040] =	vst v27  }
0x3c9: {  	v21 =	vadd.f32 v22, v21;
	v22 =	vmul.f32 v23, v23;
	v23 =	vld.idx.msk [tilespmem:v10+s29+$0x0], $0xffff  }
0x3ca: {  	v27 =	vld.idx.msk [tilespmem:v5+s30+$0x0], $0xffff;
	(erf) = vpow2.f32 v29;
	v20 =	vpop (erf)  }
0x3cb: {  	v21 =	vsub.f32 v0, v21;
	v29 =	vld.idx.msk [tilespmem:v10+s30+$0x0], $0xffff;
	[tilespmem:s7+$0xFFFFF050] =	vst v20  }
0x3cc: {  	v24 =	vsub.f32 v26, v24;
	v17 =	vsub.f32 v17, v18;
	v20 =	vld.idx.msk [tilespmem:v7+s29+$0x0], $0xffff  }
0x3cd: {  	v18 =	vmul.f32 $1.442695020e+00, v21;
	v21 =	vsub.f32 v30, v25;
	v25 =	vld.idx.msk [tilespmem:v6+s29+$0x0], $0xffff  }
0x3ce: {  	v24 =	vmul.f32 v24, v24;
	v17 =	vmul.f32 v17, v17;
	v26 =	vld.idx.msk [tilespmem:v7+s30+$0x0], $0xffff;
	v30 =	vpop (erf)  }
0x3cf: {  	v21 =	vmul.f32 v21, v21;
	v23 =	vsub.f32 v28, v23;
	v28 =	vld.idx.msk [tilespmem:v6+s30+$0x0], $0xffff;
	[tilespmem:s7+$0xFFFFF060] =	vst v30;
	(erf) = vpow2.f32 v18  }
0x3d0: {  	v17 =	vadd.f32 v17, v24;
	v18 =	vld.idx.msk [tilespmem:v4+s29+$0x0], $0xffff  }
0x3d1: {  	v21 =	vadd.f32 v21, v22;
	v22 =	vsub.f32 v27, v29;
	v23 =	vmul.f32 v23, v23;
	v24 =	vld.idx.msk [tilespmem:v3+s29+$0x0], $0xffff  }
0x3d2: {  	v17 =	vsub.f32 v0, v17;
	v27 =	vld.idx.msk [tilespmem:v4+s30+$0x0], $0xffff  }
0x3d3: {  	v21 =	vsub.f32 v0, v21;
	v22 =	vmul.f32 v22, v22;
	v20 =	vsub.f32 v20, v25;
	v25 =	vld.idx.msk [tilespmem:v3+s30+$0x0], $0xffff;
	v29 =	vpop (erf)  }
0x3d4: {  	v17 =	vmul.f32 $1.442695020e+00, v17;
	[tilespmem:s7+$0x0] =	vst v29;
	v29 =	vld.idx.msk [tilespmem:v15+s29+$0x0], $0xffff  }
0x3d5: {  	v22 =	vadd.f32 v22, v23;
	v23 =	vsub.f32 v26, v28;
	v20 =	vmul.f32 v20, v20;
	v26 =	vld.idx.msk [tilespmem:v14+s29+$0x0], $0xffff  }
0x3d6: {  	v21 =	vmul.f32 $1.442695020e+00, v21;
	v28 =	vld.idx.msk [tilespmem:v15+s30+$0x0], $0xffff;
	(erf) = vpow2.f32 v17  }
0x3d7: {  	v17 =	vsub.f32 v0, v22;
	v22 =	vmul.f32 v23, v23;
	v18 =	vsub.f32 v18, v24;
	v23 =	vld.idx.msk [tilespmem:v14+s30+$0x0], $0xffff  }
0x3d8: {  	v24 =	vld.idx.msk [tilespmem:v16+s31+$0x0], $0xffff;
	v30 =	vpop (erf);
	(erf) = vpow2.f32 v21  }
0x3d9: {  	v20 =	vadd.f32 v22, v20;
	v21 =	vsub.f32 v27, v25;
	v18 =	vmul.f32 v18, v18;
	[tilespmem:s7+$0x10] =	vst v30  }
0x3da: {  	v17 =	vmul.f32 $1.442695020e+00, v17;
	v22 =	vld.idx.msk [tilespmem:v13+s31+$0x0], $0xffff  }
0x3db: {  	v20 =	vsub.f32 v0, v20;
	v21 =	vmul.f32 v21, v21;
	v25 =	vsub.f32 v29, v26;
	v16 =	vld.idx.msk [tilespmem:v16+s0+$0x0], $0xffff  }
0x3dc: {  	v13 =	vld.idx.msk [tilespmem:v13+s0+$0x0], $0xffff;
	(erf) = vpow2.f32 v17  }
0x3dd: {  	v18 =	vadd.f32 v21, v18;
	v21 =	vsub.f32 v28, v23;
	v23 =	vmul.f32 v25, v25;
	v17 =	vld.idx.msk [tilespmem:v11+s31+$0x0], $0xffff  }
0x3de: {  	v20 =	vmul.f32 $1.442695020e+00, v20;
	v25 =	vld.idx.msk [tilespmem:v12+s31+$0x0], $0xffff  }
0x3df: {  	v18 =	vsub.f32 v0, v18;
	v27 =	vmul.f32 v21, v21;
	v11 =	vld.idx.msk [tilespmem:v11+s0+$0x0], $0xffff;
	v26 =	vpop (erf)  }
0x3e0: {  	v22 =	vsub.f32 v24, v22;
	v12 =	vld.idx.msk [tilespmem:v12+s0+$0x0], $0xffff;
	[tilespmem:s7+$0x1070] =	vst v26;
	(erf) = vpow2.f32 v20  }
0x3e1: {  	v18 =	vmul.f32 $1.442695020e+00, v18;
	v20 =	vadd.f32 v27, v23;
	v21 =	vpop (erf);
	v23 =	vld.idx.msk [tilespmem:v1+s0+$0x0], $0xffff;
	v1 =	vmov v15  }
0x3e2: {  	v13 =	vsub.f32 v16, v13;
	v15 =	vmul.f32 v22, v22;
	[tilespmem:s7+$0x20] =	vst v21;
	v16 =	vld.idx.msk [tilespmem:v2+s0+$0x0], $0xffff;
	v2 =	vmov v14  }
0x3e3: {  	v20 =	vsub.f32 v0, v20;
	v14 =	vld.idx.msk [tilespmem:v9+s31+$0x0], $0xffff;
	(erf) = vpow2.f32 v18  }
0x3e4: {  	v13 =	vmul.f32 v13, v13;
	v17 =	vsub.f32 v17, v25;
	v18 =	vld.idx.msk [tilespmem:v8+s31+$0x0], $0xffff  }
0x3e5: {  	v20 =	vmul.f32 $1.442695020e+00, v20;
	v9 =	vld.idx.msk [tilespmem:v9+s0+$0x0], $0xffff;
	v21 =	vpop (erf)  }
0x3e6: {  	v11 =	vsub.f32 v11, v12;
	v12 =	vmul.f32 v17, v17;
	v8 =	vld.idx.msk [tilespmem:v8+s0+$0x0], $0xffff;
	[tilespmem:s7+$0x30] =	vst v21  }
0x3e7: {  	v13 =	vadd.f32 v13, v15;
	v15 =	vld.idx.msk [tilespmem:v5+s31+$0x0], $0xffff;
	(erf) = vpow2.f32 v20  }
0x3e8: {  	v11 =	vmul.f32 v11, v11;
	v16 =	vsub.f32 v23, v16;
	v17 =	vld.idx.msk [tilespmem:v10+s31+$0x0], $0xffff  }
0x3e9: {  	v13 =	vsub.f32 v0, v13;
	v20 =	vld.idx.msk [tilespmem:v5+s0+$0x0], $0xffff;
	v5 =	vpop (erf)  }
0x3ea: {  	v14 =	vsub.f32 v14, v18;
	v10 =	vld.idx.msk [tilespmem:v10+s0+$0x0], $0xffff;
	[tilespmem:s7+$0x40] =	vst v5;
	v5 =	vmul.f32 v16, v16  }
0x3eb: {  	v13 =	vmul.f32 $1.442695020e+00, v13;
	v11 =	vadd.f32 v11, v12;
	v16 =	vld.idx.msk [tilespmem:v7+s31+$0x0], $0xffff  }
0x3ec: {  	v8 =	vsub.f32 v9, v8;
	v12 =	vmul.f32 v14, v14;
	v14 =	vld.idx.msk [tilespmem:v6+s31+$0x0], $0xffff;
	v9 =	vpop (erf);
	v18 =	vadd.f32 v5, v19  }
0x3ed: {  	v11 =	vsub.f32 v0, v11;
	v5 =	vld.idx.msk [tilespmem:v7+s0+$0x0], $0xffff;
	[tilespmem:s7+$0x50] =	vst v9;
	(erf) = vpow2.f32 v13  }
.Ltmp1:
0x3ee: {  	v7 =	vmul.f32 v8, v8;
	v13 =	vsub.f32 v15, v17;
	v9 =	vld.idx.msk [tilespmem:v6+s0+$0x0], $0xffff;
	v6 =	vsub.f32 v0, v18;
	(pc) =	sbr.rel @p0 .LBB2_5-.Ltmp1, $4  }
0x3ef: {  	v15 =	vmul.f32 $1.442695020e+00, v11;
	v8 =	vld.idx.msk [tilespmem:v4+s31+$0x0], $0xffff  }
0x3f0: {  	v7 =	vadd.f32 v7, v12;
	v17 =	vsub.f32 v20, v10;
	v11 =	vmul.f32 v13, v13;
	v10 =	vld.idx.msk [tilespmem:v3+s31+$0x0], $0xffff;
	v12 =	vpop (erf)  }
0x3f1: {  	v4 =	vld.idx.msk [tilespmem:v4+s0+$0x0], $0xffff;
	[tilespmem:s7+$0x60] =	vst v12;
	(erf) = vpow2.f32 v15;
	v12 =	vmul.f32 $1.442695020e+00, v6  }
0x3f2: {  	s12 =	sadd.s32 $0x80, s12;
	v7 =	vsub.f32 v0, v7;
	v13 =	vmul.f32 v17, v17;
	v14 =	vsub.f32 v16, v14;
	v3 =	vld.idx.msk [tilespmem:v3+s0+$0x0], $0xffff  }
0x3f3: {  	_ =	sdelay $0x3  }
0x3f4: {  	v6 =	vld.idx.msk [tilespmem:v1+s31+$0x0], $0xffff  }
0x3f5: {  	v15 =	vld.idx.msk [tilespmem:v2+s31+$0x0], $0xffff  }
0x3f6: {  	v1 =	vld.idx.msk [tilespmem:v1+s0+$0x0], $0xffff  }
0x3f7: {  	v2 =	vld.idx.msk [tilespmem:v2+s0+$0x0], $0xffff;
	_ =	sdelay $0x2  }
0x3f8: {  	v5 =	vsub.f32 v5, v9  }
0x3f9: {  	v59 =	vmul.f32 v14, v14;
	v8 =	vsub.f32 v8, v10;
	v3 =	vsub.f32 v4, v3  }
0x3fa: {  	v60 =	vmul.f32 v5, v5;
	v61 =	vsub.f32 v6, v15;
	v1 =	vsub.f32 v1, v2  }
0x3fb: {  	v62 =	vmul.f32 v8, v8;
	v2 =	vadd.f32 v13, v11;
	v3 =	vmul.f32 v3, v3  }
0x3fc: {  	v4 =	vadd.f32 v60, v59;
	v5 =	vmul.f32 v61, v61;
	v1 =	vmul.f32 v1, v1  }
0x3fd: {  	v2 =	vsub.f32 v0, v2;
	v3 =	vadd.f32 v3, v62  }
0x3fe: {  	v63 =	vmul.f32 $1.442695020e+00, v7;
	v4 =	vsub.f32 v0, v4;
	v1 =	vadd.f32 v1, v5  }
0x3ff: {  	(erf) = vpow2.f32 v12;
	v2 =	vmul.f32 $1.442695020e+00, v2;
	v3 =	vsub.f32 v0, v3  }
0x400: {  	(erf) = vpow2.f32 v63;
	v4 =	vmul.f32 $1.442695020e+00, v4;
	v1 =	vsub.f32 v0, v1  }
0x401: {  	(erf) = vpow2.f32 v2;
	v2 =	vmul.f32 $1.442695020e+00, v3  }
0x402: {  	(erf) = vpow2.f32 v4;
	v1 =	vmul.f32 $1.442695020e+00, v1  }
0x403: {  	(erf) = vpow2.f32 v2  }
0x404: {  	(erf) = vpow2.f32 v1;
	_ =	sdelay $0x1  }
0x405: {  	v1 =	vpop (erf)  }
0x406: {  	v2 =	vpop (erf);
	[tilespmem:s7+$0x1000] =	vst v1  }
0x407: {  	v1 =	vpop (erf);
	[tilespmem:s7+$0x1010] =	vst v2  }
0x408: {  	v2 =	vpop (erf);
	[tilespmem:s11+$0x1060] =	vst v1  }
0x409: {  	v1 =	vpop (erf);
	[tilespmem:s7+$0x1020] =	vst v2  }
0x40a: {  	s9 =	sadd.s32 s10, s24;
	[tilespmem:s7+$0x1030] =	vst v1;
	v1 =	vpop (erf)  }
0x40b: {  	s9 =	sshrl.u32 s9, $0x3;
	[tilespmem:s7+$0x1040] =	vst v1;
	v1 =	vpop (erf)  }
0x40c: {  	s17 =	sadd.s32 s1, s9;
	s9 =	sadd.s32 s13, s24;
	[tilespmem:s7+$0x1050] =	vst v1;
	v1 =	vpop (erf)  }
0x40d: {  	s23 =	simm.s32 $0x1B880;
	s12 =	sadd.s32 s14, s24;
	[tilespmem:s7+$0x1060] =	vst v1;
	s7 =	sshrl.u32 s9, $0x3  }
0x40e: {  	[hbm4b:s17+s2] =	stream.linear.scatter [tilespmem:s23], [sflag:$0x4], $0x1000, $0x38;
	[tilespmem:$0x1F890] =	vst v63  }
0x40f: {  	s15 =	sadd.s32 $0x1, s15;
	s11 =	simm.s32 $0x1C880;
	s7 =	sadd.s32 s1, s7  }
0x410: {  	[hbm4b:s7+s2] =	stream.linear.scatter [tilespmem:s11], [sflag:$0x4], $0x1000, $0x38;
	[tilespmem:$0x1F890] =	vst v63  }
0x411: {  	p0 =	sne.s32 s15, $0xC;
	s17 =	simm.s32 $0x1D880;
	s7 =	sshrl.u32 s12, $0x3  }
.Ltmp2:
0x412: {  	s23 =	sadd.s32 s16, s24;
	s7 =	sadd.s32 s1, s7;
	(pc) =	sbr.rel @p0 .LBB2_2-.Ltmp2, $4  }
0x413: {  	[hbm4b:s7+s2] =	stream.linear.scatter [tilespmem:s17], [sflag:$0x4], $0x1000, $0x38;
	[tilespmem:$0x1F890] =	vst v63  }
0x414: {  	s7 =	sshrl.u32 s23, $0x3  }
0x415: {  	s24 =	simm.s32 $0x1E880;
	s7 =	sadd.s32 s1, s7  }
0x416: {  	[hbm4b:s7+s2] =	stream.linear.scatter [tilespmem:s24], [sflag:$0x4], $0x1000, $0x38;
	[tilespmem:$0x1F890] =	vst v63  }
0x417: {  	_ =	swait.ge [sflag:s8], $0x1000  }
0x418: {  	[sflag:s8] =	ssyncset.done $0x0  }
0x419: {  	[sflag:s8] =	ssyncadd.s32 $0xFFFFF000  }
0x41a: {  	_ =	swait.ge [sflag:s8], $0x1000  }
0x41b: {  	[sflag:s8] =	ssyncset.done $0x0  }
0x41c: {  	s17 =	simm.s32 $0x3;
	[sflag:s8] =	ssyncadd.s32 $0xFFFFF000  }
0x41d: {  	_ =	swait.ge [sflag:s17], $0x1000  }
0x41e: {  	[sflag:s17] =	ssyncset.done $0x0  }
0x41f: {  	[sflag:s17] =	ssyncadd.s32 $0xFFFFF000  }
0x420: {  	_ =	swait.ge [sflag:s17], $0x1000  }
0x421: {  	[sflag:s17] =	ssyncset.done $0x0  }
0x422: {  	[sflag:s17] =	ssyncadd.s32 $0xFFFFF000  }
0x423: {  	_ =	swait.ge [sflag:s17], $0x1000  }
0x424: {  	[sflag:s17] =	ssyncset.done $0x0  }
0x425: {  	[sflag:s17] =	ssyncadd.s32 $0xFFFFF000  }
0x426: {  	_ =	swait.ge [sflag:s17], $0x1000  }
0x427: {  	[sflag:s17] =	ssyncset.done $0x0  }
0x428: {  	s7 =	simm.s32 $0x138C0;
	[sflag:s17] =	ssyncadd.s32 $0xFFFFF000  }
0x429: {  	s9 =	simm.s32 $0x158C0;
	v16 =	vld [tilespmem:s7+$0x30]  }
0x42a: {  	v15 =	vld [tilespmem:s9+$0x30]  }
0x42b: {  	v5 =	vld [tilespmem:s9+$0xFFFFFFC0]  }
0x42c: {  	v13 =	vld [tilespmem:s7+$0xFFFFFFD0]  }
0x42d: {  	v12 =	vld [tilespmem:s9+$0xFFFFFFD0]  }
0x42e: {  	v11 =	vld [tilespmem:s7+$0xFFFFFFE0]  }
0x42f: {  	v9 =	vld [tilespmem:s9+$0xFFFFFFE0]  }
0x430: {  	v8 =	vld [tilespmem:s7+$0xFFFFFFF0]  }
0x431: {  	v10 =	vld [tilespmem:s9+$0xFFFFFFF0]  }
0x432: {  	v7 =	vld [tilespmem:s7+$0x0]  }
0x433: {  	v3 =	vld.idx.msk [tilespmem:v16+s2+$0x0], $0xffff  }
0x434: {  	v4 =	vld.idx.msk [tilespmem:v15+s2+$0x0], $0xffff  }
0x435: {  	v14 =	vld.idx.msk [tilespmem:v16+s25+$0x0], $0xffff  }
0x436: {  	v17 =	vld.idx.msk [tilespmem:v15+s25+$0x0], $0xffff  }
0x437: {  	v6 =	vld [tilespmem:s9+$0x0]  }
0x438: {  	v1 =	vld [tilespmem:s7+$0x10]  }
0x439: {  	v2 =	vld [tilespmem:s9+$0x10]  }
0x43a: {  	v19 =	vld.idx.msk [tilespmem:v5+s2+$0x0], $0xffff  }
0x43b: {  	v34 =	vld.idx.msk [tilespmem:v5+s25+$0x0], $0xffff;
	v18 =	vsub.f32 v3, v4;
	v14 =	vsub.f32 v14, v17  }
0x43c: {  	v20 =	vld.idx.msk [tilespmem:v13+s2+$0x0], $0xffff  }
0x43d: {  	v32 =	vmul.f32 v18, v18;
	v33 =	vmul.f32 v14, v14;
	v14 =	vld [tilespmem:s7+$0xFFFFFFC0]  }
0x43e: {  	v21 =	vld.idx.msk [tilespmem:v12+s2+$0x0], $0xffff  }
0x43f: {  	v22 =	vld.idx.msk [tilespmem:v13+s25+$0x0], $0xffff;
	v17 =	vadd.f32 v33, v32  }
0x440: {  	v23 =	vld.idx.msk [tilespmem:v12+s25+$0x0], $0xffff  }
0x441: {  	v24 =	vld.idx.msk [tilespmem:v11+s2+$0x0], $0xffff;
	v17 =	vsub.f32 v0, v17  }
0x442: {  	v26 =	vld.idx.msk [tilespmem:v9+s2+$0x0], $0xffff  }
0x443: {  	v36 =	vld.idx.msk [tilespmem:v11+s25+$0x0], $0xffff;
	v17 =	vmul.f32 $1.442695020e+00, v17  }
0x444: {  	v37 =	vld.idx.msk [tilespmem:v9+s25+$0x0], $0xffff  }
0x445: {  	(erf) = vpow2.f32 v17;
	v35 =	vld.idx.msk [tilespmem:v14+s2+$0x0], $0xffff  }
0x446: {  	v25 =	vld.idx.msk [tilespmem:v14+s25+$0x0], $0xffff  }
0x447: {  	v27 =	vld.idx.msk [tilespmem:v8+s2+$0x0], $0xffff  }
0x448: {  	v39 =	vld.idx.msk [tilespmem:v10+s2+$0x0], $0xffff;
	v20 =	vsub.f32 v20, v21;
	v22 =	vsub.f32 v22, v23  }
0x449: {  	v40 =	vld.idx.msk [tilespmem:v8+s25+$0x0], $0xffff  }
0x44a: {  	v41 =	vld.idx.msk [tilespmem:v10+s25+$0x0], $0xffff;
	v20 =	vmul.f32 v20, v20;
	v38 =	vmul.f32 v22, v22  }
0x44b: {  	v29 =	vld.idx.msk [tilespmem:v7+s2+$0x0], $0xffff;
	v17 =	vsub.f32 v35, v19;
	v18 =	vsub.f32 v25, v34  }
0x44c: {  	v30 =	vld.idx.msk [tilespmem:v6+s2+$0x0], $0xffff;
	v19 =	vadd.f32 v38, v20  }
0x44d: {  	v47 =	vld.idx.msk [tilespmem:v7+s25+$0x0], $0xffff;
	v17 =	vmul.f32 v17, v17;
	v18 =	vmul.f32 v18, v18  }
0x44e: {  	s11 =	simm.s32 $0x19880;
	v4 =	vld [tilespmem:s7+$0x20];
	v24 =	vsub.f32 v24, v26;
	v42 =	vsub.f32 v0, v19;
	v28 =	vpop (erf)  }
0x44f: {  	v3 =	vld [tilespmem:s9+$0x20];
	v21 =	vsub.f32 v36, v37;
	v17 =	vadd.f32 v18, v17;
	[tilespmem:s11+$0xFFFFE070] =	vst v28  }
0x450: {  	v18 =	vmul.f32 $1.442695020e+00, v42;
	v43 =	vld.idx.msk [tilespmem:v16+s26+$0x0], $0xffff  }
0x451: {  	v24 =	vmul.f32 v24, v24;
	v21 =	vmul.f32 v21, v21;
	v44 =	vld.idx.msk [tilespmem:v15+s26+$0x0], $0xffff;
	v17 =	vsub.f32 v0, v17  }
0x452: {  	v46 =	vsub.f32 v27, v39;
	v45 =	vld.idx.msk [tilespmem:v16+s28+$0x0], $0xffff;
	(erf) = vpow2.f32 v18  }
0x453: {  	v21 =	vadd.f32 v21, v24;
	v20 =	vsub.f32 v40, v41;
	v28 =	vld.idx.msk [tilespmem:v15+s28+$0x0], $0xffff;
	v17 =	vmul.f32 $1.442695020e+00, v17  }
0x454: {  	v48 =	vld.idx.msk [tilespmem:v6+s25+$0x0], $0xffff;
	v49 =	vmul.f32 v46, v46  }
0x455: {  	v51 =	vld.idx.msk [tilespmem:v1+s2+$0x0], $0xffff;
	v50 =	vsub.f32 v0, v21;
	v20 =	vmul.f32 v20, v20;
	(erf) = vpow2.f32 v17  }
0x456: {  	v52 =	vld.idx.msk [tilespmem:v2+s2+$0x0], $0xffff  }
0x457: {  	v54 =	vld.idx.msk [tilespmem:v1+s25+$0x0], $0xffff;
	v18 =	vmul.f32 $1.442695020e+00, v50;
	v17 =	vadd.f32 v20, v49  }
0x458: {  	v55 =	vld.idx.msk [tilespmem:v2+s25+$0x0], $0xffff;
	v19 =	vsub.f32 v43, v44;
	v53 =	vsub.f32 v45, v28  }
0x459: {  	v56 =	vld.idx.msk [tilespmem:v4+s2+$0x0], $0xffff;
	(erf) = vpow2.f32 v18  }
0x45a: {  	v57 =	vld.idx.msk [tilespmem:v3+s2+$0x0], $0xffff;
	v17 =	vsub.f32 v0, v17;
	v19 =	vmul.f32 v19, v19;
	v23 =	vmul.f32 v53, v53  }
0x45b: {  	v22 =	vsub.f32 v47, v48;
	v59 =	vld.idx.msk [tilespmem:v4+s25+$0x0], $0xffff;
	v60 =	vpop (erf)  }
0x45c: {  	v58 =	vsub.f32 v29, v30;
	v61 =	vld.idx.msk [tilespmem:v3+s25+$0x0], $0xffff;
	v17 =	vmul.f32 $1.442695020e+00, v17;
	v19 =	vadd.f32 v23, v19;
	[tilespmem:s11+$0xFFFFE010] =	vst v60  }
0x45d: {  	v22 =	vmul.f32 v22, v22;
	v28 =	vld.idx.msk [tilespmem:v13+s26+$0x0], $0xffff  }
0x45e: {  	v23 =	vmul.f32 v58, v58;
	(erf) = vpow2.f32 v17;
	v19 =	vsub.f32 v0, v19;
	v63 =	vld.idx.msk [tilespmem:v12+s26+$0x0], $0xffff;
	v62 =	vpop (erf)  }
0x45f: {  	v21 =	vsub.f32 v51, v52;
	v20 =	vsub.f32 v54, v55;
	v38 =	vld.idx.msk [tilespmem:v13+s28+$0x0], $0xffff;
	[tilespmem:s11+$0xFFFFE000] =	vst v62  }
0x460: {  	v22 =	vadd.f32 v22, v23;
	v19 =	vmul.f32 $1.442695020e+00, v19;
	v33 =	vld.idx.msk [tilespmem:v14+s26+$0x0], $0xffff  }
0x461: {  	v21 =	vmul.f32 v21, v21;
	v20 =	vmul.f32 v20, v20;
	v34 =	vld.idx.msk [tilespmem:v5+s26+$0x0], $0xffff  }
0x462: {  	v24 =	vsub.f32 v59, v61;
	v22 =	vsub.f32 v0, v22;
	(erf) = vpow2.f32 v19;
	v35 =	vld.idx.msk [tilespmem:v14+s28+$0x0], $0xffff  }
0x463: {  	v18 =	vsub.f32 v56, v57;
	v20 =	vadd.f32 v20, v21;
	v37 =	vpop (erf);
	v36 =	vld.idx.msk [tilespmem:v5+s28+$0x0], $0xffff  }
0x464: {  	v39 =	vld.idx.msk [tilespmem:v12+s28+$0x0], $0xffff;
	[tilespmem:s11+$0xFFFFE020] =	vst v37;
	v22 =	vmul.f32 $1.442695020e+00, v22  }
0x465: {  	v24 =	vmul.f32 v24, v24;
	v18 =	vmul.f32 v18, v18;
	v20 =	vsub.f32 v0, v20;
	v27 =	vld.idx.msk [tilespmem:v11+s26+$0x0], $0xffff  }
0x466: {  	v40 =	vld.idx.msk [tilespmem:v9+s26+$0x0], $0xffff;
	(erf) = vpow2.f32 v22  }
0x467: {  	v18 =	vadd.f32 v24, v18;
	v20 =	vmul.f32 $1.442695020e+00, v20;
	v42 =	vld.idx.msk [tilespmem:v11+s28+$0x0], $0xffff;
	v41 =	vpop (erf)  }
0x468: {  	v43 =	vld.idx.msk [tilespmem:v9+s28+$0x0], $0xffff;
	v23 =	vsub.f32 v33, v34;
	[tilespmem:s11+$0xFFFFE030] =	vst v41;
	v19 =	vsub.f32 v35, v36  }
0x469: {  	(erf) = vpow2.f32 v20;
	v44 =	vld.idx.msk [tilespmem:v8+s26+$0x0], $0xffff  }
0x46a: {  	v18 =	vsub.f32 v0, v18;
	v46 =	vld.idx.msk [tilespmem:v10+s26+$0x0], $0xffff;
	v23 =	vmul.f32 v23, v23;
	v19 =	vmul.f32 v19, v19  }
0x46b: {  	v17 =	vsub.f32 v28, v63;
	v51 =	vld.idx.msk [tilespmem:v8+s28+$0x0], $0xffff;
	v45 =	vpop (erf)  }
0x46c: {  	v18 =	vmul.f32 $1.442695020e+00, v18;
	v21 =	vsub.f32 v38, v39;
	v53 =	vld.idx.msk [tilespmem:v10+s28+$0x0], $0xffff;
	v19 =	vadd.f32 v19, v23;
	[tilespmem:s11+$0xFFFFF070] =	vst v45  }
0x46d: {  	v17 =	vmul.f32 v17, v17;
	v47 =	vld.idx.msk [tilespmem:v16+s29+$0x0], $0xffff  }
0x46e: {  	v49 =	vmul.f32 v21, v21;
	(erf) = vpow2.f32 v18;
	v48 =	vld.idx.msk [tilespmem:v15+s29+$0x0], $0xffff;
	v19 =	vsub.f32 v0, v19  }
0x46f: {  	v22 =	vsub.f32 v27, v40;
	v24 =	vsub.f32 v42, v43;
	v29 =	vld.idx.msk [tilespmem:v16+s30+$0x0], $0xffff;
	v52 =	vpop (erf)  }
0x470: {  	v17 =	vadd.f32 v49, v17;
	v50 =	vld.idx.msk [tilespmem:v15+s30+$0x0], $0xffff;
	[tilespmem:s11+$0xFFFFE040] =	vst v52;
	v19 =	vmul.f32 $1.442695020e+00, v19  }
0x471: {  	v22 =	vmul.f32 v22, v22;
	v24 =	vmul.f32 v24, v24;
	v54 =	vld.idx.msk [tilespmem:v7+s26+$0x0], $0xffff  }
0x472: {  	v17 =	vsub.f32 v0, v17;
	v27 =	vld.idx.msk [tilespmem:v6+s26+$0x0], $0xffff;
	(erf) = vpow2.f32 v19  }
0x473: {  	v22 =	vadd.f32 v24, v22;
	v55 =	vpop (erf);
	v31 =	vld.idx.msk [tilespmem:v7+s28+$0x0], $0xffff  }
0x474: {  	v17 =	vmul.f32 $1.442695020e+00, v17;
	[tilespmem:s11+$0xFFFFE050] =	vst v55;
	v56 =	vld.idx.msk [tilespmem:v6+s28+$0x0], $0xffff  }
0x475: {  	v22 =	vsub.f32 v0, v22;
	v57 =	vld.idx.msk [tilespmem:v1+s26+$0x0], $0xffff  }
0x476: {  	v58 =	vld.idx.msk [tilespmem:v2+s26+$0x0], $0xffff;
	v23 =	vsub.f32 v47, v48;
	v21 =	vsub.f32 v29, v50;
	(erf) = vpow2.f32 v17  }
0x477: {  	v59 =	vpop (erf);
	v60 =	vld.idx.msk [tilespmem:v1+s28+$0x0], $0xffff;
	v22 =	vmul.f32 $1.442695020e+00, v22  }
0x478: {  	[tilespmem:s11+$0xFFFFE060] =	vst v59;
	v61 =	vld.idx.msk [tilespmem:v2+s28+$0x0], $0xffff;
	v23 =	vmul.f32 v23, v23;
	v21 =	vmul.f32 v21, v21  }
0x479: {  	v20 =	vsub.f32 v44, v46;
	v18 =	vsub.f32 v51, v53;
	v26 =	vld.idx.msk [tilespmem:v4+s26+$0x0], $0xffff  }
0x47a: {  	v62 =	vld.idx.msk [tilespmem:v3+s26+$0x0], $0xffff;
	(erf) = vpow2.f32 v22;
	v21 =	vadd.f32 v21, v23  }
0x47b: {  	v20 =	vmul.f32 v20, v20;
	v18 =	vmul.f32 v18, v18;
	v63 =	vld.idx.msk [tilespmem:v4+s28+$0x0], $0xffff;
	v25 =	vsub.f32 v54, v27;
	v33 =	vpop (erf)  }
0x47c: {  	v34 =	vld.idx.msk [tilespmem:v3+s28+$0x0], $0xffff;
	v19 =	vsub.f32 v31, v56;
	v21 =	vsub.f32 v0, v21;
	[tilespmem:s11+$0xFFFFF000] =	vst v33  }
0x47d: {  	v35 =	vmul.f32 v25, v25;
	v29 =	vld.idx.msk [tilespmem:v14+s29+$0x0], $0xffff  }
0x47e: {  	v18 =	vadd.f32 v18, v20;
	v19 =	vmul.f32 v19, v19;
	v21 =	vmul.f32 $1.442695020e+00, v21;
	v36 =	vld.idx.msk [tilespmem:v5+s29+$0x0], $0xffff  }
0x47f: {  	v17 =	vsub.f32 v57, v58;
	v39 =	vsub.f32 v60, v61;
	v37 =	vpop (erf);
	v38 =	vld.idx.msk [tilespmem:v14+s30+$0x0], $0xffff  }
0x480: {  	v18 =	vsub.f32 v0, v18;
	v19 =	vadd.f32 v19, v35;
	(erf) = vpow2.f32 v21;
	[tilespmem:s11+$0xFFFFF010] =	vst v37;
	v40 =	vld.idx.msk [tilespmem:v5+s30+$0x0], $0xffff  }
0x481: {  	v17 =	vmul.f32 v17, v17;
	v21 =	vmul.f32 v39, v39;
	v24 =	vld.idx.msk [tilespmem:v13+s29+$0x0], $0xffff  }
0x482: {  	v18 =	vmul.f32 $1.442695020e+00, v18;
	v19 =	vsub.f32 v0, v19;
	v41 =	vld.idx.msk [tilespmem:v12+s29+$0x0], $0xffff  }
0x483: {  	v42 =	vpop (erf);
	v43 =	vld.idx.msk [tilespmem:v13+s30+$0x0], $0xffff;
	v17 =	vadd.f32 v21, v17  }
0x484: {  	v19 =	vmul.f32 $1.442695020e+00, v19;
	(erf) = vpow2.f32 v18;
	[tilespmem:s11+$0xFFFFF020] =	vst v42;
	v44 =	vld.idx.msk [tilespmem:v12+s30+$0x0], $0xffff  }
0x485: {  	v22 =	vsub.f32 v26, v62;
	v26 =	vld.idx.msk [tilespmem:v11+s29+$0x0], $0xffff;
	v17 =	vsub.f32 v0, v17  }
0x486: {  	(erf) = vpow2.f32 v19;
	v45 =	vld.idx.msk [tilespmem:v9+s29+$0x0], $0xffff;
	v25 =	vsub.f32 v29, v36;
	v48 =	vsub.f32 v38, v40  }
0x487: {  	v47 =	vld.idx.msk [tilespmem:v11+s30+$0x0], $0xffff;
	v17 =	vmul.f32 $1.442695020e+00, v17  }
0x488: {  	s24 =	simm.s32 $0x13940;
	v20 =	vsub.f32 v63, v34;
	v52 =	vld.idx.msk [tilespmem:v9+s30+$0x0], $0xffff;
	v25 =	vmul.f32 v25, v25;
	v50 =	vmul.f32 v48, v48  }
0x489: {  	s15 =	simm.s32 $0x15940;
	v22 =	vmul.f32 v22, v22;
	v18 =	vsub.f32 v24, v41;
	v24 =	vld [tilespmem:s24+$0x30];
	v46 =	vpop (erf)  }
0x48a: {  	v20 =	vmul.f32 v20, v20;
	(erf) = vpow2.f32 v17;
	v17 =	vadd.f32 v50, v25;
	v25 =	vld [tilespmem:s15+$0x30];
	[tilespmem:s11+$0x70] =	vst v46  }
0x48b: {  	v49 =	vld.idx.msk [tilespmem:v16+s31+$0x0], $0xffff  }
0x48c: {  	v20 =	vadd.f32 v20, v22;
	v27 =	vld.idx.msk [tilespmem:v15+s31+$0x0], $0xffff  }
0x48d: {  	v51 =	vpop (erf);
	v16 =	vld.idx.msk [tilespmem:v16+s0+$0x0], $0xffff  }
0x48e: {  	v20 =	vsub.f32 v0, v20;
	v15 =	vld.idx.msk [tilespmem:v15+s0+$0x0], $0xffff;
	[tilespmem:s11+$0xFFFFF030] =	vst v51  }
0x48f: {  	v21 =	vsub.f32 v43, v44;
	v55 =	vpop (erf);
	v53 =	vld.idx.msk [tilespmem:v8+s29+$0x0], $0xffff  }
0x490: {  	v20 =	vmul.f32 $1.442695020e+00, v20;
	v54 =	vld.idx.msk [tilespmem:v10+s29+$0x0], $0xffff;
	[tilespmem:s11+$0xFFFFF040] =	vst v55  }
0x491: {  	v18 =	vmul.f32 v18, v18;
	v21 =	vmul.f32 v21, v21;
	v17 =	vsub.f32 v0, v17;
	v60 =	vld.idx.msk [tilespmem:v7+s29+$0x0], $0xffff  }
0x492: {  	v61 =	vld.idx.msk [tilespmem:v6+s29+$0x0], $0xffff  }
0x493: {  	(erf) = vpow2.f32 v20;
	v18 =	vadd.f32 v21, v18;
	v56 =	vld.idx.msk [tilespmem:v8+s30+$0x0], $0xffff;
	v58 =	vmul.f32 $1.442695020e+00, v17  }
0x494: {  	v57 =	vld.idx.msk [tilespmem:v10+s30+$0x0], $0xffff  }
0x495: {  	v19 =	vsub.f32 v26, v45;
	v18 =	vsub.f32 v0, v18;
	v63 =	vld.idx.msk [tilespmem:v7+s30+$0x0], $0xffff;
	(erf) = vpow2.f32 v58  }
0x496: {  	v32 =	vld.idx.msk [tilespmem:v6+s30+$0x0], $0xffff  }
0x497: {  	v59 =	vmul.f32 v19, v19;
	v30 =	vmul.f32 $1.442695020e+00, v18;
	v62 =	vpop (erf);
	v19 =	vsub.f32 v60, v61;
	v60 =	vld.idx.msk [tilespmem:v24+s2+$0x0], $0xffff  }
0x498: {  	v23 =	vsub.f32 v49, v27;
	v15 =	vsub.f32 v16, v15;
	[tilespmem:s11+$0xFFFFF050] =	vst v62;
	v62 =	vld.idx.msk [tilespmem:v25+s2+$0x0], $0xffff  }
0x499: {  	v22 =	vsub.f32 v47, v52;
	(erf) = vpow2.f32 v30;
	v33 =	vld.idx.msk [tilespmem:v1+s29+$0x0], $0xffff  }
0x49a: {  	v23 =	vmul.f32 v23, v23;
	v15 =	vmul.f32 v15, v15;
	v34 =	vld.idx.msk [tilespmem:v2+s29+$0x0], $0xffff  }
0x49b: {  	v22 =	vmul.f32 v22, v22;
	v31 =	vsub.f32 v53, v54;
	v35 =	vld.idx.msk [tilespmem:v1+s30+$0x0], $0xffff  }
0x49c: {  	v20 =	vsub.f32 v56, v57;
	v36 =	vpop (erf);
	v37 =	vld.idx.msk [tilespmem:v2+s30+$0x0], $0xffff;
	v15 =	vadd.f32 v15, v23  }
0x49d: {  	v17 =	vadd.f32 v22, v59;
	v38 =	vsub.f32 v63, v32;
	v63 =	vld.idx.msk [tilespmem:v24+s25+$0x0], $0xffff;
	[tilespmem:s11+$0xFFFFF060] =	vst v36  }
0x49e: {  	v18 =	vmul.f32 v31, v31;
	v20 =	vmul.f32 v20, v20;
	v22 =	vld.idx.msk [tilespmem:v4+s29+$0x0], $0xffff;
	v15 =	vsub.f32 v0, v15;
	v39 =	vpop (erf)  }
0x49f: {  	v17 =	vsub.f32 v0, v17;
	v19 =	vmul.f32 v19, v19;
	v40 =	vld.idx.msk [tilespmem:v4+s30+$0x0], $0xffff;
	[tilespmem:s11+$0x0] =	vst v39  }
0x4a0: {  	v18 =	vadd.f32 v20, v18;
	v20 =	vmul.f32 v38, v38;
	v15 =	vmul.f32 $1.442695020e+00, v15;
	v43 =	vld.idx.msk [tilespmem:v14+s31+$0x0], $0xffff  }
0x4a1: {  	v16 =	vsub.f32 v33, v34;
	v42 =	vsub.f32 v35, v37;
	v44 =	vld.idx.msk [tilespmem:v5+s31+$0x0], $0xffff  }
0x4a2: {  	v17 =	vmul.f32 $1.442695020e+00, v17;
	v19 =	vadd.f32 v20, v19;
	v45 =	vpop (erf);
	(erf) = vpow2.f32 v15;
	v14 =	vld.idx.msk [tilespmem:v14+s0+$0x0], $0xffff  }
0x4a3: {  	v16 =	vmul.f32 v16, v16;
	v20 =	vmul.f32 v42, v42;
	[tilespmem:s11+$0x10] =	vst v45;
	v46 =	vld.idx.msk [tilespmem:v5+s0+$0x0], $0xffff  }
0x4a4: {  	(erf) = vpow2.f32 v17;
	v48 =	vld.idx.msk [tilespmem:v13+s31+$0x0], $0xffff  }
0x4a5: {  	v18 =	vsub.f32 v0, v18;
	v49 =	vld.idx.msk [tilespmem:v12+s31+$0x0], $0xffff;
	v5 =	vadd.f32 v20, v16  }
0x4a6: {  	v19 =	vsub.f32 v0, v19;
	v16 =	vld [tilespmem:s15+$0xFFFFFFC0]  }
0x4a7: {  	v18 =	vmul.f32 $1.442695020e+00, v18;
	v13 =	vld.idx.msk [tilespmem:v13+s0+$0x0], $0xffff;
	v50 =	vsub.f32 v0, v5  }
0x4a8: {  	v47 =	vmul.f32 $1.442695020e+00, v19;
	v52 =	vld.idx.msk [tilespmem:v12+s0+$0x0], $0xffff  }
0x4a9: {  	v41 =	vld.idx.msk [tilespmem:v3+s30+$0x0], $0xffff;
	(erf) = vpow2.f32 v18;
	v12 =	vmul.f32 $1.442695020e+00, v50  }
0x4aa: {  	v38 =	vld.idx.msk [tilespmem:v25+s25+$0x0], $0xffff;
	(erf) = vpow2.f32 v47  }
0x4ab: {  	v15 =	vld.idx.msk [tilespmem:v3+s29+$0x0], $0xffff;
	(erf) = vpow2.f32 v12;
	v12 =	vsub.f32 v43, v44  }
0x4ac: {  	v57 =	vsub.f32 v14, v46;
	v14 =	vld [tilespmem:s15+$0xFFFFFFD0];
	v5 =	vpop (erf)  }
0x4ad: {  	v19 =	vsub.f32 v48, v49;
	v13 =	vsub.f32 v13, v52;
	v51 =	vpop (erf);
	v58 =	vmul.f32 v12, v12;
	v12 =	vld [tilespmem:s24+$0xFFFFFFE0]  }
0x4ae: {  	[tilespmem:s11+$0x20] =	vst v51;
	v51 =	vld.idx.msk [tilespmem:v16+s2+$0x0], $0xffff  }
0x4af: {  	v19 =	vmul.f32 v19, v19;
	v13 =	vmul.f32 v13, v13;
	v53 =	vld.idx.msk [tilespmem:v11+s31+$0x0], $0xffff  }
0x4b0: {  	v54 =	vld.idx.msk [tilespmem:v9+s31+$0x0], $0xffff  }
0x4b1: {  	v13 =	vadd.f32 v13, v19;
	v55 =	vld.idx.msk [tilespmem:v11+s0+$0x0], $0xffff  }
0x4b2: {  	v11 =	vpop (erf);
	v9 =	vld.idx.msk [tilespmem:v9+s0+$0x0], $0xffff  }
0x4b3: {  	v39 =	vsub.f32 v0, v13;
	v13 =	vld [tilespmem:s15+$0xFFFFFFF0];
	[tilespmem:s11+$0x30] =	vst v11  }
0x4b4: {  	v56 =	vld.idx.msk [tilespmem:v8+s31+$0x0], $0xffff  }
0x4b5: {  	v32 =	vld.idx.msk [tilespmem:v10+s31+$0x0], $0xffff  }
0x4b6: {  	v33 =	vld.idx.msk [tilespmem:v8+s0+$0x0], $0xffff;
	v8 =	vpop (erf)  }
0x4b7: {  	v10 =	vld.idx.msk [tilespmem:v10+s0+$0x0], $0xffff;
	[tilespmem:s11+$0x40] =	vst v8  }
0x4b8: {  	v34 =	vld.idx.msk [tilespmem:v7+s31+$0x0], $0xffff  }
0x4b9: {  	v35 =	vld.idx.msk [tilespmem:v6+s31+$0x0], $0xffff  }
0x4ba: {  	v7 =	vld.idx.msk [tilespmem:v7+s0+$0x0], $0xffff  }
0x4bb: {  	v6 =	vld.idx.msk [tilespmem:v6+s0+$0x0], $0xffff  }
0x4bc: {  	v17 =	vmul.f32 v57, v57;
	v8 =	vpop (erf);
	v61 =	vsub.f32 v53, v54;
	v53 =	vld.idx.msk [tilespmem:v16+s25+$0x0], $0xffff  }
0x4bd: {  	v11 =	vsub.f32 v40, v41;
	[tilespmem:s11+$0x50] =	vst v8;
	v8 =	vsub.f32 v22, v15;
	v15 =	vld [tilespmem:s24+$0xFFFFFFD0]  }
0x4be: {  	v18 =	vsub.f32 v60, v62;
	v17 =	vadd.f32 v17, v58;
	v36 =	vld.idx.msk [tilespmem:v1+s31+$0x0], $0xffff  }
0x4bf: {  	v11 =	vmul.f32 v11, v11;
	v9 =	vsub.f32 v55, v9;
	v37 =	vld.idx.msk [tilespmem:v2+s31+$0x0], $0xffff;
	v8 =	vmul.f32 v8, v8  }
0x4c0: {  	v19 =	vsub.f32 v63, v38;
	v17 =	vsub.f32 v0, v17;
	v1 =	vld.idx.msk [tilespmem:v1+s0+$0x0], $0xffff  }
0x4c1: {  	v2 =	vld.idx.msk [tilespmem:v2+s0+$0x0], $0xffff;
	v21 =	vmul.f32 v61, v61;
	v9 =	vmul.f32 v9, v9;
	v8 =	vadd.f32 v11, v8  }
0x4c2: {  	v18 =	vmul.f32 v18, v18;
	v60 =	vld.idx.msk [tilespmem:v12+s2+$0x0], $0xffff;
	v40 =	vsub.f32 v56, v32;
	v42 =	vsub.f32 v33, v10  }
0x4c3: {  	v17 =	vmul.f32 $1.442695020e+00, v17;
	v10 =	vld [tilespmem:s15+$0x0];
	v41 =	vadd.f32 v9, v21;
	v59 =	vsub.f32 v0, v8  }
0x4c4: {  	v56 =	vld.idx.msk [tilespmem:v14+s2+$0x0], $0xffff;
	v43 =	vmul.f32 v40, v40;
	v44 =	vsub.f32 v34, v35;
	v47 =	vsub.f32 v7, v6  }
0x4c5: {  	v38 =	vld.idx.msk [tilespmem:v13+s25+$0x0], $0xffff;
	v46 =	vmul.f32 v42, v42;
	v48 =	vsub.f32 v36, v37;
	v20 =	vmul.f32 $1.442695020e+00, v59  }
0x4c6: {  	v9 =	vld [tilespmem:s24+$0x0];
	v27 =	vmul.f32 v44, v44;
	v21 =	vmul.f32 v47, v47;
	v2 =	vsub.f32 v1, v2  }
0x4c7: {  	v7 =	vld [tilespmem:s24+$0x10];
	v49 =	vmul.f32 v48, v48;
	(erf) = vpow2.f32 v20  }
0x4c8: {  	v6 =	vld [tilespmem:s15+$0x10];
	v50 =	vmul.f32 v2, v2;
	(erf) = vpow2.f32 v17;
	v17 =	vadd.f32 v46, v43  }
0x4c9: {  	v19 =	vmul.f32 v19, v19;
	v11 =	vld [tilespmem:s15+$0xFFFFFFE0];
	v45 =	vsub.f32 v0, v41;
	v21 =	vadd.f32 v21, v27  }
0x4ca: {  	v26 =	vmul.f32 $1.442695020e+00, v39;
	v20 =	vld [tilespmem:s24+$0xFFFFFFC0];
	v22 =	vadd.f32 v50, v49;
	v17 =	vsub.f32 v0, v17  }
0x4cb: {  	v18 =	vadd.f32 v19, v18;
	v44 =	vld.idx.msk [tilespmem:v12+s25+$0x0], $0xffff;
	v52 =	vmul.f32 $1.442695020e+00, v45;
	v21 =	vsub.f32 v0, v21  }
0x4cc: {  	v8 =	vld [tilespmem:s24+$0xFFFFFFF0];
	(erf) = vpow2.f32 v26;
	v54 =	vsub.f32 v0, v22;
	v17 =	vmul.f32 $1.442695020e+00, v17  }
0x4cd: {  	v18 =	vsub.f32 v0, v18;
	v1 =	vld [tilespmem:s24+$0x20];
	v21 =	vmul.f32 $1.442695020e+00, v21;
	(erf) = vpow2.f32 v52  }
0x4ce: {  	v55 =	vld.idx.msk [tilespmem:v15+s2+$0x0], $0xffff;
	v57 =	vmul.f32 $1.442695020e+00, v54;
	(erf) = vpow2.f32 v17  }
0x4cf: {  	v18 =	vmul.f32 $1.442695020e+00, v18;
	v58 =	vld.idx.msk [tilespmem:v15+s25+$0x0], $0xffff;
	(erf) = vpow2.f32 v21  }
0x4d0: {  	v59 =	vld.idx.msk [tilespmem:v14+s25+$0x0], $0xffff;
	(erf) = vpow2.f32 v57  }
0x4d1: {  	v2 =	vld [tilespmem:s15+$0x20];
	(erf) = vpow2.f32 v18  }
0x4d2: {  	v61 =	vld.idx.msk [tilespmem:v20+s2+$0x0], $0xffff  }
0x4d3: {  	v62 =	vld.idx.msk [tilespmem:v20+s25+$0x0], $0xffff;
	v33 =	vpop (erf)  }
0x4d4: {  	v40 =	vld.idx.msk [tilespmem:v10+s2+$0x0], $0xffff;
	v23 =	vpop (erf)  }
0x4d5: {  	v50 =	vld.idx.msk [tilespmem:v13+s2+$0x0], $0xffff;
	v45 =	vsub.f32 v55, v56;
	v47 =	vsub.f32 v58, v59;
	v22 =	vpop (erf)  }
0x4d6: {  	v41 =	vld.idx.msk [tilespmem:v9+s25+$0x0], $0xffff;
	v21 =	vpop (erf)  }
0x4d7: {  	v63 =	vld.idx.msk [tilespmem:v11+s2+$0x0], $0xffff;
	v49 =	vmul.f32 v45, v45;
	v29 =	vmul.f32 v47, v47;
	v19 =	vpop (erf)  }
0x4d8: {  	v46 =	vld.idx.msk [tilespmem:v11+s25+$0x0], $0xffff;
	v27 =	vsub.f32 v61, v51;
	v28 =	vsub.f32 v62, v53;
	v18 =	vpop (erf)  }
0x4d9: {  	v52 =	vld.idx.msk [tilespmem:v9+s2+$0x0], $0xffff;
	v29 =	vadd.f32 v29, v49;
	v17 =	vpop (erf)  }
0x4da: {  	s7 =	simm.s32 $0x19900;
	v48 =	vld.idx.msk [tilespmem:v8+s2+$0x0], $0xffff;
	v27 =	vmul.f32 v27, v27;
	v28 =	vmul.f32 v28, v28;
	v39 =	vpop (erf)  }
0x4db: {  	v51 =	vld.idx.msk [tilespmem:v8+s25+$0x0], $0xffff;
	v53 =	vsub.f32 v0, v29;
	[tilespmem:s7+$0xFFFFE070] =	vst v39  }
0x4dc: {  	v31 =	vsub.f32 v60, v63;
	v27 =	vadd.f32 v28, v27;
	v54 =	vld.idx.msk [tilespmem:v24+s26+$0x0], $0xffff  }
0x4dd: {  	v26 =	vsub.f32 v44, v46;
	v28 =	vmul.f32 $1.442695020e+00, v53;
	v55 =	vld.idx.msk [tilespmem:v25+s26+$0x0], $0xffff  }
0x4de: {  	v31 =	vmul.f32 v31, v31;
	v27 =	vsub.f32 v0, v27;
	v56 =	vld.idx.msk [tilespmem:v24+s28+$0x0], $0xffff  }
0x4df: {  	v26 =	vmul.f32 v26, v26;
	(erf) = vpow2.f32 v28;
	v39 =	vld.idx.msk [tilespmem:v25+s28+$0x0], $0xffff  }
0x4e0: {  	v58 =	vld.idx.msk [tilespmem:v10+s25+$0x0], $0xffff;
	v57 =	vsub.f32 v48, v50;
	v27 =	vmul.f32 $1.442695020e+00, v27  }
0x4e1: {  	v45 =	vld.idx.msk [tilespmem:v1+s2+$0x0], $0xffff;
	v26 =	vadd.f32 v26, v31;
	v59 =	vsub.f32 v51, v38  }
0x4e2: {  	v60 =	vld.idx.msk [tilespmem:v7+s2+$0x0], $0xffff;
	(erf) = vpow2.f32 v27  }
0x4e3: {  	v63 =	vld.idx.msk [tilespmem:v6+s25+$0x0], $0xffff;
	v26 =	vsub.f32 v0, v26;
	v28 =	vmul.f32 v57, v57;
	v31 =	vmul.f32 v59, v59  }
0x4e4: {  	v46 =	vld.idx.msk [tilespmem:v2+s2+$0x0], $0xffff;
	v29 =	vsub.f32 v54, v55;
	v44 =	vsub.f32 v56, v39  }
0x4e5: {  	v48 =	vld.idx.msk [tilespmem:v1+s25+$0x0], $0xffff;
	v26 =	vmul.f32 $1.442695020e+00, v26;
	v28 =	vadd.f32 v31, v28  }
0x4e6: {  	v62 =	vld.idx.msk [tilespmem:v7+s25+$0x0], $0xffff;
	v29 =	vmul.f32 v29, v29;
	v34 =	vmul.f32 v44, v44  }
0x4e7: {  	v61 =	vld.idx.msk [tilespmem:v6+s2+$0x0], $0xffff;
	(erf) = vpow2.f32 v26;
	v47 =	vsub.f32 v0, v28  }
0x4e8: {  	v49 =	vsub.f32 v52, v40;
	v50 =	vld.idx.msk [tilespmem:v2+s25+$0x0], $0xffff;
	[tilespmem:s11+$0x60] =	vst v33;
	v51 =	vpop (erf);
	v29 =	vadd.f32 v34, v29  }
0x4e9: {  	v30 =	vsub.f32 v41, v58;
	v26 =	vld.idx.msk [tilespmem:v4+s31+$0x0], $0xffff;
	v52 =	vmul.f32 $1.442695020e+00, v47;
	[tilespmem:s7+$0xFFFFE010] =	vst v51  }
0x4ea: {  	v33 =	vmul.f32 v49, v49;
	v34 =	vld.idx.msk [tilespmem:v15+s26+$0x0], $0xffff;
	v29 =	vsub.f32 v0, v29  }
0x4eb: {  	v30 =	vmul.f32 v30, v30;
	v37 =	vsub.f32 v62, v63;
	v54 =	vld.idx.msk [tilespmem:v14+s26+$0x0], $0xffff;
	v53 =	vpop (erf);
	(erf) = vpow2.f32 v52  }
0x4ec: {  	v27 =	vsub.f32 v60, v61;
	v61 =	vld.idx.msk [tilespmem:v15+s28+$0x0], $0xffff;
	[tilespmem:s7+$0xFFFFE000] =	vst v53;
	v29 =	vmul.f32 $1.442695020e+00, v29  }
0x4ed: {  	v30 =	vadd.f32 v30, v33;
	v58 =	vmul.f32 v37, v37;
	v55 =	vld.idx.msk [tilespmem:v20+s26+$0x0], $0xffff  }
0x4ee: {  	v27 =	vmul.f32 v27, v27;
	v56 =	vld.idx.msk [tilespmem:v16+s26+$0x0], $0xffff;
	(erf) = vpow2.f32 v29  }
0x4ef: {  	v30 =	vsub.f32 v0, v30;
	v31 =	vsub.f32 v45, v46;
	v57 =	vld.idx.msk [tilespmem:v20+s28+$0x0], $0xffff  }
0x4f0: {  	v28 =	vsub.f32 v48, v50;
	v27 =	vadd.f32 v58, v27;
	v60 =	vpop (erf);
	v59 =	vld.idx.msk [tilespmem:v16+s28+$0x0], $0xffff  }
0x4f1: {  	v30 =	vmul.f32 $1.442695020e+00, v30;
	v62 =	vld.idx.msk [tilespmem:v14+s28+$0x0], $0xffff;
	[tilespmem:s7+$0xFFFFE020] =	vst v60  }
0x4f2: {  	v31 =	vmul.f32 v31, v31;
	v28 =	vmul.f32 v28, v28;
	v27 =	vsub.f32 v0, v27;
	v35 =	vld.idx.msk [tilespmem:v12+s26+$0x0], $0xffff  }
0x4f3: {  	v63 =	vld.idx.msk [tilespmem:v11+s26+$0x0], $0xffff;
	(erf) = vpow2.f32 v30  }
0x4f4: {  	v28 =	vadd.f32 v28, v31;
	v27 =	vmul.f32 $1.442695020e+00, v27;
	v45 =	vld.idx.msk [tilespmem:v12+s28+$0x0], $0xffff;
	v44 =	vpop (erf)  }
0x4f5: {  	v46 =	vld.idx.msk [tilespmem:v11+s28+$0x0], $0xffff;
	v32 =	vsub.f32 v55, v56;
	v47 =	vsub.f32 v57, v59;
	[tilespmem:s7+$0xFFFFE030] =	vst v44  }
0x4f6: {  	v28 =	vsub.f32 v0, v28;
	(erf) = vpow2.f32 v27;
	v36 =	vld.idx.msk [tilespmem:v8+s26+$0x0], $0xffff  }
0x4f7: {  	v32 =	vmul.f32 v32, v32;
	v33 =	vmul.f32 v47, v47;
	v48 =	vld.idx.msk [tilespmem:v13+s26+$0x0], $0xffff;
	v49 =	vpop (erf)  }
0x4f8: {  	v28 =	vmul.f32 $1.442695020e+00, v28;
	v34 =	vsub.f32 v34, v54;
	v50 =	vld.idx.msk [tilespmem:v8+s28+$0x0], $0xffff;
	[tilespmem:s7+$0xFFFFF070] =	vst v49  }
0x4f9: {  	v29 =	vsub.f32 v61, v62;
	v32 =	vadd.f32 v33, v32;
	v37 =	vld.idx.msk [tilespmem:v24+s29+$0x0], $0xffff  }
0x4fa: {  	(erf) = vpow2.f32 v28;
	v51 =	vld.idx.msk [tilespmem:v25+s29+$0x0], $0xffff  }
0x4fb: {  	v34 =	vmul.f32 v34, v34;
	v29 =	vmul.f32 v29, v29;
	v32 =	vsub.f32 v0, v32;
	v52 =	vld.idx.msk [tilespmem:v24+s30+$0x0], $0xffff  }
0x4fc: {  	v30 =	vsub.f32 v35, v63;
	v53 =	vpop (erf);
	v54 =	vld.idx.msk [tilespmem:v25+s30+$0x0], $0xffff  }
0x4fd: {  	v31 =	vsub.f32 v45, v46;
	v29 =	vadd.f32 v29, v34;
	v55 =	vld.idx.msk [tilespmem:v13+s28+$0x0], $0xffff;
	[tilespmem:s7+$0xFFFFE040] =	vst v53;
	v32 =	vmul.f32 $1.442695020e+00, v32  }
0x4fe: {  	v30 =	vmul.f32 v30, v30;
	v56 =	vld.idx.msk [tilespmem:v9+s26+$0x0], $0xffff  }
0x4ff: {  	v31 =	vmul.f32 v31, v31;
	v29 =	vsub.f32 v0, v29;
	v39 =	vld.idx.msk [tilespmem:v10+s26+$0x0], $0xffff;
	v57 =	vpop (erf);
	(erf) = vpow2.f32 v32  }
0x500: {  	v58 =	vld.idx.msk [tilespmem:v9+s28+$0x0], $0xffff;
	v33 =	vsub.f32 v37, v51  }
0x501: {  	v30 =	vadd.f32 v31, v30;
	v29 =	vmul.f32 $1.442695020e+00, v29;
	v59 =	vld.idx.msk [tilespmem:v10+s28+$0x0], $0xffff;
	[tilespmem:s7+$0xFFFFE050] =	vst v57;
	v28 =	vsub.f32 v52, v54  }
0x502: {  	v60 =	vld.idx.msk [tilespmem:v7+s26+$0x0], $0xffff;
	v33 =	vmul.f32 v33, v33  }
0x503: {  	v30 =	vsub.f32 v0, v30;
	v61 =	vld.idx.msk [tilespmem:v6+s26+$0x0], $0xffff;
	v28 =	vmul.f32 v28, v28;
	v62 =	vpop (erf);
	(erf) = vpow2.f32 v29  }
0x504: {  	v63 =	vld.idx.msk [tilespmem:v7+s28+$0x0], $0xffff  }
0x505: {  	v30 =	vmul.f32 $1.442695020e+00, v30;
	v44 =	vld.idx.msk [tilespmem:v6+s28+$0x0], $0xffff;
	[tilespmem:s7+$0xFFFFE060] =	vst v62;
	v28 =	vadd.f32 v28, v33  }
0x506: {  	v27 =	vsub.f32 v36, v48;
	v45 =	vsub.f32 v50, v55;
	v46 =	vld.idx.msk [tilespmem:v1+s26+$0x0], $0xffff  }
0x507: {  	(erf) = vpow2.f32 v30;
	v47 =	vld.idx.msk [tilespmem:v2+s26+$0x0], $0xffff;
	v28 =	vsub.f32 v0, v28  }
0x508: {  	v27 =	vmul.f32 v27, v27;
	v33 =	vmul.f32 v45, v45;
	v48 =	vld.idx.msk [tilespmem:v1+s28+$0x0], $0xffff;
	v50 =	vpop (erf)  }
0x509: {  	v34 =	vsub.f32 v56, v39;
	v49 =	vld.idx.msk [tilespmem:v2+s28+$0x0], $0xffff;
	v28 =	vmul.f32 $1.442695020e+00, v28;
	[tilespmem:s7+$0xFFFFF000] =	vst v50  }
0x50a: {  	v32 =	vsub.f32 v58, v59;
	v33 =	vadd.f32 v33, v27;
	v40 =	vld.idx.msk [tilespmem:v20+s29+$0x0], $0xffff  }
0x50b: {  	v52 =	vld.idx.msk [tilespmem:v16+s29+$0x0], $0xffff;
	(erf) = vpow2.f32 v28  }
0x50c: {  	v51 =	vmul.f32 v34, v34;
	v32 =	vmul.f32 v32, v32;
	v33 =	vsub.f32 v0, v33;
	v54 =	vld.idx.msk [tilespmem:v20+s30+$0x0], $0xffff;
	v53 =	vpop (erf)  }
0x50d: {  	v31 =	vsub.f32 v60, v61;
	v56 =	vld.idx.msk [tilespmem:v16+s30+$0x0], $0xffff;
	[tilespmem:s7+$0xFFFFF010] =	vst v53  }
0x50e: {  	v29 =	vsub.f32 v63, v44;
	v28 =	vadd.f32 v32, v51;
	v55 =	vmul.f32 $1.442695020e+00, v33;
	v36 =	vld.idx.msk [tilespmem:v15+s29+$0x0], $0xffff  }
0x50f: {  	v31 =	vmul.f32 v31, v31;
	v57 =	vld.idx.msk [tilespmem:v14+s29+$0x0], $0xffff  }
0x510: {  	v29 =	vmul.f32 v29, v29;
	v28 =	vsub.f32 v0, v28;
	(erf) = vpow2.f32 v55;
	v58 =	vpop (erf);
	v59 =	vld.idx.msk [tilespmem:v15+s30+$0x0], $0xffff  }
0x511: {  	v35 =	vsub.f32 v46, v47;
	[tilespmem:s7+$0xFFFFF020] =	vst v58;
	v60 =	vld.idx.msk [tilespmem:v14+s30+$0x0], $0xffff  }
0x512: {  	v29 =	vadd.f32 v29, v31;
	v30 =	vsub.f32 v48, v49;
	v28 =	vmul.f32 $1.442695020e+00, v28;
	v61 =	vld.idx.msk [tilespmem:v12+s29+$0x0], $0xffff  }
0x513: {  	v35 =	vmul.f32 v35, v35;
	v62 =	vld.idx.msk [tilespmem:v11+s29+$0x0], $0xffff  }
0x514: {  	v29 =	vsub.f32 v0, v29;
	v30 =	vmul.f32 v30, v30;
	v41 =	vld.idx.msk [tilespmem:v12+s30+$0x0], $0xffff;
	(erf) = vpow2.f32 v28;
	v63 =	vpop (erf)  }
0x515: {  	v46 =	vld.idx.msk [tilespmem:v11+s30+$0x0], $0xffff;
	[tilespmem:s7+$0x70] =	vst v63  }
0x516: {  	v30 =	vadd.f32 v30, v35;
	v29 =	vmul.f32 $1.442695020e+00, v29;
	v42 =	vld.idx.msk [tilespmem:v24+s31+$0x0], $0xffff  }
0x517: {  	v34 =	vsub.f32 v40, v52;
	v33 =	vsub.f32 v54, v56;
	v44 =	vld.idx.msk [tilespmem:v25+s31+$0x0], $0xffff  }
0x518: {  	v30 =	vsub.f32 v0, v30;
	(erf) = vpow2.f32 v29;
	v24 =	vld.idx.msk [tilespmem:v24+s0+$0x0], $0xffff  }
0x519: {  	v34 =	vmul.f32 v34, v34;
	v43 =	vmul.f32 v33, v33;
	v45 =	vpop (erf);
	v25 =	vld.idx.msk [tilespmem:v25+s0+$0x0], $0xffff  }
0x51a: {  	v4 =	vld.idx.msk [tilespmem:v4+s0+$0x0], $0xffff;
	v30 =	vmul.f32 $1.442695020e+00, v30;
	v32 =	vsub.f32 v36, v57;
	[tilespmem:s7+$0xFFFFF030] =	vst v45  }
0x51b: {  	v31 =	vsub.f32 v59, v60;
	v29 =	vadd.f32 v43, v34;
	v36 =	vld.idx.msk [tilespmem:v8+s29+$0x0], $0xffff  }
0x51c: {  	v28 =	vsub.f32 v61, v62;
	v34 =	vsub.f32 v41, v46;
	(erf) = vpow2.f32 v30;
	v48 =	vld.idx.msk [tilespmem:v13+s29+$0x0], $0xffff  }
0x51d: {  	v32 =	vmul.f32 v32, v32;
	v31 =	vmul.f32 v31, v31;
	v29 =	vsub.f32 v0, v29;
	v50 =	vld.idx.msk [tilespmem:v8+s30+$0x0], $0xffff;
	v49 =	vpop (erf)  }
0x51e: {  	v51 =	vld.idx.msk [tilespmem:v13+s30+$0x0], $0xffff;
	[tilespmem:s7+$0xFFFFF040] =	vst v49;
	v33 =	vsub.f32 v42, v44;
	v24 =	vsub.f32 v24, v25  }
0x51f: {  	v28 =	vmul.f32 v28, v28;
	v47 =	vadd.f32 v31, v32;
	v29 =	vmul.f32 $1.442695020e+00, v29;
	v52 =	vld.idx.msk [tilespmem:v9+s29+$0x0], $0xffff  }
0x520: {  	v54 =	vld.idx.msk [tilespmem:v10+s29+$0x0], $0xffff;
	v33 =	vmul.f32 v33, v33;
	v24 =	vmul.f32 v24, v24  }
0x521: {  	v34 =	vmul.f32 v34, v34;
	v30 =	vsub.f32 v0, v47;
	(erf) = vpow2.f32 v29;
	v55 =	vld.idx.msk [tilespmem:v9+s30+$0x0], $0xffff;
	v53 =	vpop (erf)  }
0x522: {  	v56 =	vld.idx.msk [tilespmem:v10+s30+$0x0], $0xffff;
	[tilespmem:s7+$0xFFFFF050] =	vst v53;
	v24 =	vadd.f32 v24, v33  }
0x523: {  	v28 =	vadd.f32 v34, v28;
	v30 =	vmul.f32 $1.442695020e+00, v30;
	v31 =	vsub.f32 v36, v48;
	v57 =	vld.idx.msk [tilespmem:v7+s29+$0x0], $0xffff  }
0x524: {  	v32 =	vsub.f32 v50, v51;
	v58 =	vld.idx.msk [tilespmem:v6+s29+$0x0], $0xffff;
	v24 =	vsub.f32 v0, v24  }
0x525: {  	(erf) = vpow2.f32 v30;
	v59 =	vpop (erf);
	v31 =	vmul.f32 v31, v31;
	v60 =	vld.idx.msk [tilespmem:v7+s30+$0x0], $0xffff  }
0x526: {  	v28 =	vsub.f32 v0, v28;
	v32 =	vmul.f32 v32, v32;
	v61 =	vld.idx.msk [tilespmem:v6+s30+$0x0], $0xffff;
	[tilespmem:s7+$0xFFFFF060] =	vst v59;
	v24 =	vmul.f32 $1.442695020e+00, v24  }
0x527: {  	v25 =	vsub.f32 v52, v54;
	v62 =	vld.idx.msk [tilespmem:v1+s29+$0x0], $0xffff;
	v29 =	vsub.f32 v55, v56  }
0x528: {  	v28 =	vmul.f32 $1.442695020e+00, v28;
	v31 =	vadd.f32 v32, v31;
	v63 =	vld.idx.msk [tilespmem:v2+s29+$0x0], $0xffff;
	(erf) = vpow2.f32 v24  }
0x529: {  	v41 =	vld.idx.msk [tilespmem:v1+s30+$0x0], $0xffff;
	v25 =	vmul.f32 v25, v25;
	v29 =	vmul.f32 v29, v29  }
0x52a: {  	v42 =	vld.idx.msk [tilespmem:v2+s30+$0x0], $0xffff;
	v40 =	vpop (erf);
	v31 =	vsub.f32 v0, v31;
	(erf) = vpow2.f32 v28  }
0x52b: {  	v27 =	vld.idx.msk [tilespmem:v3+s31+$0x0], $0xffff;
	[tilespmem:s7+$0x0] =	vst v40;
	v30 =	vsub.f32 v57, v58;
	v25 =	vadd.f32 v29, v25  }
0x52c: {  	v34 =	vsub.f32 v60, v61;
	v43 =	vld.idx.msk [tilespmem:v20+s31+$0x0], $0xffff;
	v31 =	vmul.f32 $1.442695020e+00, v31  }
0x52d: {  	v36 =	vld.idx.msk [tilespmem:v16+s31+$0x0], $0xffff;
	v45 =	vmul.f32 v30, v30;
	v25 =	vsub.f32 v0, v25  }
0x52e: {  	v20 =	vld.idx.msk [tilespmem:v20+s0+$0x0], $0xffff;
	v44 =	vpop (erf);
	v46 =	vmul.f32 v34, v34;
	v47 =	vsub.f32 v62, v63;
	(erf) = vpow2.f32 v31  }
0x52f: {  	v16 =	vld.idx.msk [tilespmem:v16+s0+$0x0], $0xffff;
	v24 =	vsub.f32 v41, v42;
	[tilespmem:s7+$0x10] =	vst v44;
	v25 =	vmul.f32 $1.442695020e+00, v25  }
0x530: {  	v48 =	vld.idx.msk [tilespmem:v15+s31+$0x0], $0xffff;
	v49 =	vadd.f32 v46, v45;
	v51 =	vmul.f32 v47, v47  }
0x531: {  	v50 =	vld.idx.msk [tilespmem:v14+s31+$0x0], $0xffff;
	v24 =	vmul.f32 v24, v24;
	v52 =	vpop (erf);
	(erf) = vpow2.f32 v25  }
0x532: {  	v15 =	vld.idx.msk [tilespmem:v15+s0+$0x0], $0xffff;
	v28 =	vsub.f32 v0, v49  }
0x533: {  	[tilespmem:s11+$0x1070] =	vst v5;
	v14 =	vld.idx.msk [tilespmem:v14+s0+$0x0], $0xffff;
	v5 =	vadd.f32 v24, v51;
	v53 =	vpop (erf)  }
0x534: {  	v3 =	vld.idx.msk [tilespmem:v3+s0+$0x0], $0xffff;
	v56 =	vsub.f32 v43, v36;
	v54 =	vmul.f32 $1.442695020e+00, v28;
	[tilespmem:s7+$0x20] =	vst v53  }
0x535: {  	v16 =	vsub.f32 v20, v16;
	v5 =	vsub.f32 v0, v5;
	v55 =	vld.idx.msk [tilespmem:v12+s31+$0x0], $0xffff  }
0x536: {  	[tilespmem:s11+$0x1010] =	vst v22;
	v22 =	vmul.f32 v56, v56;
	(erf) = vpow2.f32 v54;
	v57 =	vld.idx.msk [tilespmem:v11+s31+$0x0], $0xffff  }
0x537: {  	v16 =	vmul.f32 v16, v16;
	v5 =	vmul.f32 $1.442695020e+00, v5;
	v58 =	vpop (erf);
	v12 =	vld.idx.msk [tilespmem:v12+s0+$0x0], $0xffff  }
0x538: {  	v59 =	vsub.f32 v48, v50;
	v14 =	vsub.f32 v15, v14;
	v11 =	vld.idx.msk [tilespmem:v11+s0+$0x0], $0xffff;
	[tilespmem:s7+$0x30] =	vst v58  }
0x539: {  	[tilespmem:s11+$0x1030] =	vst v19;
	v3 =	vsub.f32 v4, v3;
	v16 =	vadd.f32 v16, v22;
	(erf) = vpow2.f32 v5;
	v15 =	vld.idx.msk [tilespmem:v8+s31+$0x0], $0xffff  }
0x53a: {  	v19 =	vmul.f32 v59, v59;
	v14 =	vmul.f32 v14, v14;
	v5 =	vsub.f32 v26, v27;
	v4 =	vld.idx.msk [tilespmem:v8+s0+$0x0], $0xffff;
	v8 =	vpop (erf)  }
0x53b: {  	v16 =	vsub.f32 v0, v16;
	v60 =	vld.idx.msk [tilespmem:v13+s31+$0x0], $0xffff;
	[tilespmem:s7+$0x40] =	vst v8;
	v8 =	vsub.f32 v55, v57  }
0x53c: {  	[tilespmem:s11+$0x1000] =	vst v23;
	v3 =	vmul.f32 v3, v3;
	v14 =	vadd.f32 v14, v19;
	v13 =	vld.idx.msk [tilespmem:v13+s0+$0x0], $0xffff  }
0x53d: {  	[tilespmem:s11+$0x1020] =	vst v21;
	v5 =	vmul.f32 v5, v5;
	v16 =	vmul.f32 $1.442695020e+00, v16;
	v61 =	vld.idx.msk [tilespmem:v9+s31+$0x0], $0xffff  }
0x53e: {  	v14 =	vsub.f32 v0, v14;
	v11 =	vsub.f32 v12, v11;
	v62 =	vld.idx.msk [tilespmem:v10+s31+$0x0], $0xffff;
	v12 =	vmul.f32 v8, v8  }
0x53f: {  	[tilespmem:s11+$0x1040] =	vst v18;
	v3 =	vadd.f32 v3, v5;
	(erf) = vpow2.f32 v16;
	v5 =	vld.idx.msk [tilespmem:v9+s0+$0x0], $0xffff;
	v8 =	vpop (erf)  }
0x540: {  	v14 =	vmul.f32 $1.442695020e+00, v14;
	v11 =	vmul.f32 v11, v11;
	v9 =	vld.idx.msk [tilespmem:v10+s0+$0x0], $0xffff;
	[tilespmem:s7+$0x50] =	vst v8  }
0x541: {  	[tilespmem:s11+$0x1050] =	vst v17;
	v3 =	vsub.f32 v0, v3;
	v13 =	vsub.f32 v4, v13;
	v8 =	vld.idx.msk [tilespmem:v7+s31+$0x0], $0xffff  }
0x542: {  	[tilespmem:s7+$0x1070] =	vst v52;
	v15 =	vsub.f32 v15, v60;
	(erf) = vpow2.f32 v14;
	v63 =	vadd.f32 v11, v12;
	v10 =	vld.idx.msk [tilespmem:v6+s31+$0x0], $0xffff;
	v12 =	vpop (erf)  }
0x543: {  	v13 =	vmul.f32 v13, v13;
	v4 =	vld.idx.msk [tilespmem:v7+s0+$0x0], $0xffff;
	[tilespmem:s7+$0x60] =	vst v12;
	v12 =	vmul.f32 $1.442695020e+00, v3  }
0x544: {  	s12 =	simm.s32 $0x139C0;
	s9 =	simm.s32 $0x8;
	v11 =	vmul.f32 v15, v15;
	v7 =	vsub.f32 v0, v63;
	v14 =	vsub.f32 v61, v62;
	v3 =	vld.idx.msk [tilespmem:v6+s0+$0x0], $0xffff  }
.LBB2_8:
0x545: {  	v17 =	vld [tilespmem:s12+$0x30];
	s15 =	sadd.s32 $0x80, s15;
	(erf) = vpow2.f32 v12  }
0x546: {  	v5 =	vsub.f32 v5, v9;
	v18 =	vld [tilespmem:s15+$0x30];
	v6 =	vadd.f32 v13, v11;
	v14 =	vmul.f32 v14, v14  }
0x547: {  	v7 =	vmul.f32 $1.442695020e+00, v7;
	v13 =	vld [tilespmem:s15+$0xFFFFFFC0]  }
0x548: {  	v5 =	vmul.f32 v5, v5;
	v8 =	vsub.f32 v8, v10;
	v11 =	vld [tilespmem:s12+$0xFFFFFFD0];
	v6 =	vsub.f32 v0, v6;
	v9 =	vpop (erf)  }
0x549: {  	v12 =	vld [tilespmem:s15+$0xFFFFFFD0];
	[tilespmem:s7+$0x1000] =	vst v9;
	(erf) = vpow2.f32 v7  }
0x54a: {  	v7 =	vadd.f32 v5, v14;
	v3 =	vsub.f32 v4, v3;
	v4 =	vmul.f32 v8, v8;
	v9 =	vld [tilespmem:s12+$0xFFFFFFE0]  }
0x54b: {  	v6 =	vmul.f32 $1.442695020e+00, v6;
	v8 =	vld [tilespmem:s15+$0xFFFFFFE0]  }
0x54c: {  	v7 =	vsub.f32 v0, v7;
	v3 =	vmul.f32 v3, v3;
	v5 =	vld [tilespmem:s12+$0xFFFFFFF0];
	v10 =	vpop (erf)  }
0x54d: {  	v14 =	vld.idx.msk [tilespmem:v17+s2+$0x0], $0xffff;
	[tilespmem:s7+$0x1010] =	vst v10;
	(erf) = vpow2.f32 v6  }
0x54e: {  	v6 =	vmul.f32 $1.442695020e+00, v7;
	v3 =	vadd.f32 v3, v4;
	v16 =	vld.idx.msk [tilespmem:v18+s2+$0x0], $0xffff;
	v4 =	vpop (erf)  }
0x54f: {  	v19 =	vld.idx.msk [tilespmem:v17+s25+$0x0], $0xffff;
	[tilespmem:s11+$0x1060] =	vst v4;
	s11 =	smov.u32 s7  }
0x550: {  	v3 =	vsub.f32 v0, v3;
	v20 =	vld.idx.msk [tilespmem:v18+s25+$0x0], $0xffff;
	(erf) = vpow2.f32 v6  }
0x551: {  	s9 =	sadd.s32 $0x8, s9;
	v10 =	vld [tilespmem:s15+$0xFFFFFFF0]  }
0x552: {  	p0 =	slt.u32 s9, $0xF8;
	v3 =	vmul.f32 $1.442695020e+00, v3;
	v7 =	vld [tilespmem:s12+$0x0];
	v4 =	vpop (erf)  }
0x553: {  	v6 =	vld [tilespmem:s15+$0x0];
	[tilespmem:s7+$0x1020] =	vst v4  }
0x554: {  	v4 =	vld [tilespmem:s12+$0x10];
	(erf) = vpow2.f32 v3  }
0x555: {  	v3 =	vld [tilespmem:s15+$0x10]  }
0x556: {  	v21 =	vsub.f32 v14, v16;
	v19 =	vsub.f32 v19, v20;
	v15 =	vld [tilespmem:s12+$0x20];
	v16 =	vpop (erf)  }
0x557: {  	v14 =	vld [tilespmem:s15+$0x20];
	[tilespmem:s7+$0x1030] =	vst v16  }
0x558: {  	v20 =	vmul.f32 v21, v21;
	v19 =	vmul.f32 v19, v19;
	v16 =	vld [tilespmem:s12+$0xFFFFFFC0]  }
0x559: {  	v21 =	vld.idx.msk [tilespmem:v13+s2+$0x0], $0xffff;
	v22 =	vpop (erf)  }
0x55a: {  	v19 =	vadd.f32 v19, v20;
	v23 =	vld.idx.msk [tilespmem:v13+s25+$0x0], $0xffff;
	[tilespmem:s7+$0x1040] =	vst v22  }
0x55b: {  	v20 =	vld.idx.msk [tilespmem:v11+s2+$0x0], $0xffff  }
0x55c: {  	v19 =	vsub.f32 v0, v19;
	v22 =	vld.idx.msk [tilespmem:v12+s2+$0x0], $0xffff  }
0x55d: {  	v24 =	vld.idx.msk [tilespmem:v11+s25+$0x0], $0xffff;
	v25 =	vpop (erf)  }
0x55e: {  	v19 =	vmul.f32 $1.442695020e+00, v19;
	v26 =	vld.idx.msk [tilespmem:v12+s25+$0x0], $0xffff;
	[tilespmem:s7+$0x1050] =	vst v25  }
0x55f: {  	v25 =	vld.idx.msk [tilespmem:v9+s2+$0x0], $0xffff  }
0x560: {  	v27 =	vld.idx.msk [tilespmem:v16+s2+$0x0], $0xffff;
	(erf) = vpow2.f32 v19  }
0x561: {  	v19 =	vld.idx.msk [tilespmem:v16+s25+$0x0], $0xffff  }
0x562: {  	v20 =	vsub.f32 v20, v22;
	v22 =	vld.idx.msk [tilespmem:v8+s2+$0x0], $0xffff  }
0x563: {  	v28 =	vld.idx.msk [tilespmem:v9+s25+$0x0], $0xffff  }
0x564: {  	v24 =	vsub.f32 v24, v26;
	v20 =	vmul.f32 v20, v20;
	v26 =	vld.idx.msk [tilespmem:v8+s25+$0x0], $0xffff  }
0x565: {  	v29 =	vld.idx.msk [tilespmem:v5+s2+$0x0], $0xffff  }
0x566: {  	v21 =	vsub.f32 v27, v21;
	v24 =	vmul.f32 v24, v24;
	v27 =	vld.idx.msk [tilespmem:v10+s2+$0x0], $0xffff  }
0x567: {  	v19 =	vsub.f32 v19, v23;
	v23 =	vld.idx.msk [tilespmem:v5+s25+$0x0], $0xffff  }
0x568: {  	v21 =	vmul.f32 v21, v21;
	v20 =	vadd.f32 v24, v20;
	v22 =	vsub.f32 v25, v22;
	v24 =	vld.idx.msk [tilespmem:v10+s25+$0x0], $0xffff  }
0x569: {  	s7 =	sadd.s32 $0x80, s7;
	v19 =	vmul.f32 v19, v19;
	v25 =	vld.idx.msk [tilespmem:v7+s2+$0x0], $0xffff;
	v30 =	vpop (erf)  }
0x56a: {  	v26 =	vsub.f32 v28, v26;
	v22 =	vmul.f32 v22, v22;
	v28 =	vld.idx.msk [tilespmem:v6+s2+$0x0], $0xffff;
	[tilespmem:s7+$0xFFFFE070] =	vst v30  }
0x56b: {  	v20 =	vsub.f32 v0, v20;
	v19 =	vadd.f32 v19, v21;
	v21 =	vld.idx.msk [tilespmem:v17+s26+$0x0], $0xffff  }
0x56c: {  	v26 =	vmul.f32 v26, v26;
	v27 =	vsub.f32 v29, v27;
	v29 =	vld.idx.msk [tilespmem:v18+s26+$0x0], $0xffff  }
0x56d: {  	v20 =	vmul.f32 $1.442695020e+00, v20;
	v19 =	vsub.f32 v0, v19;
	v30 =	vld.idx.msk [tilespmem:v17+s28+$0x0], $0xffff  }
0x56e: {  	v22 =	vadd.f32 v26, v22;
	v23 =	vsub.f32 v23, v24;
	v24 =	vmul.f32 v27, v27;
	v26 =	vld.idx.msk [tilespmem:v18+s28+$0x0], $0xffff  }
0x56f: {  	v19 =	vmul.f32 $1.442695020e+00, v19;
	v27 =	vld.idx.msk [tilespmem:v7+s25+$0x0], $0xffff;
	(erf) = vpow2.f32 v20  }
0x570: {  	v20 =	vsub.f32 v0, v22;
	v22 =	vmul.f32 v23, v23;
	v23 =	vsub.f32 v25, v28;
	v25 =	vld.idx.msk [tilespmem:v6+s25+$0x0], $0xffff  }
0x571: {  	v28 =	vld.idx.msk [tilespmem:v4+s2+$0x0], $0xffff;
	(erf) = vpow2.f32 v19  }
0x572: {  	v19 =	vmul.f32 $1.442695020e+00, v20;
	v20 =	vadd.f32 v22, v24;
	v22 =	vmul.f32 v23, v23;
	v23 =	vld.idx.msk [tilespmem:v3+s2+$0x0], $0xffff  }
0x573: {  	v24 =	vld.idx.msk [tilespmem:v4+s25+$0x0], $0xffff  }
0x574: {  	v21 =	vsub.f32 v21, v29;
	v26 =	vsub.f32 v30, v26;
	v31 =	vld.idx.msk [tilespmem:v3+s25+$0x0], $0xffff;
	(erf) = vpow2.f32 v19  }
0x575: {  	v19 =	vsub.f32 v0, v20;
	v20 =	vld.idx.msk [tilespmem:v15+s2+$0x0], $0xffff  }
0x576: {  	v21 =	vmul.f32 v21, v21;
	v25 =	vsub.f32 v27, v25;
	v30 =	vmul.f32 v26, v26;
	v27 =	vld.idx.msk [tilespmem:v14+s2+$0x0], $0xffff  }
0x577: {  	v19 =	vmul.f32 $1.442695020e+00, v19;
	v29 =	vld.idx.msk [tilespmem:v15+s25+$0x0], $0xffff  }
0x578: {  	v25 =	vmul.f32 v25, v25;
	v23 =	vsub.f32 v28, v23;
	v21 =	vadd.f32 v30, v21;
	v28 =	vld.idx.msk [tilespmem:v14+s25+$0x0], $0xffff;
	v26 =	vpop (erf)  }
0x579: {  	[tilespmem:s7+$0xFFFFE010] =	vst v26;
	(erf) = vpow2.f32 v19;
	v19 =	vld.idx.msk [tilespmem:v1+s31+$0x0], $0xffff  }
0x57a: {  	v24 =	vsub.f32 v24, v31;
	v23 =	vmul.f32 v23, v23;
	v21 =	vsub.f32 v0, v21;
	v26 =	vld.idx.msk [tilespmem:v11+s26+$0x0], $0xffff;
	v30 =	vpop (erf)  }
0x57b: {  	v22 =	vadd.f32 v25, v22;
	[tilespmem:s7+$0xFFFFE000] =	vst v30;
	v30 =	vld.idx.msk [tilespmem:v12+s26+$0x0], $0xffff  }
0x57c: {  	v24 =	vmul.f32 v24, v24;
	v20 =	vsub.f32 v20, v27;
	v21 =	vmul.f32 $1.442695020e+00, v21;
	v25 =	vld.idx.msk [tilespmem:v16+s26+$0x0], $0xffff  }
0x57d: {  	v22 =	vsub.f32 v0, v22;
	v27 =	vld.idx.msk [tilespmem:v13+s26+$0x0], $0xffff;
	v31 =	vpop (erf)  }
0x57e: {  	v28 =	vsub.f32 v29, v28;
	v20 =	vmul.f32 v20, v20;
	v32 =	vld.idx.msk [tilespmem:v16+s28+$0x0], $0xffff;
	[tilespmem:s7+$0xFFFFE020] =	vst v31;
	(erf) = vpow2.f32 v21  }
0x57f: {  	v22 =	vmul.f32 $1.442695020e+00, v22;
	v23 =	vadd.f32 v24, v23;
	v21 =	vld.idx.msk [tilespmem:v13+s28+$0x0], $0xffff  }
0x580: {  	v31 =	vmul.f32 v28, v28;
	v24 =	vld.idx.msk [tilespmem:v11+s28+$0x0], $0xffff  }
0x581: {  	v23 =	vsub.f32 v0, v23;
	v26 =	vsub.f32 v26, v30;
	v29 =	vld.idx.msk [tilespmem:v12+s28+$0x0], $0xffff;
	(erf) = vpow2.f32 v22  }
0x582: {  	v20 =	vadd.f32 v31, v20;
	v22 =	vld.idx.msk [tilespmem:v9+s26+$0x0], $0xffff;
	v28 =	vpop (erf)  }
0x583: {  	v23 =	vmul.f32 $1.442695020e+00, v23;
	v25 =	vsub.f32 v25, v27;
	v26 =	vmul.f32 v26, v26;
	v27 =	vld.idx.msk [tilespmem:v8+s26+$0x0], $0xffff;
	[tilespmem:s7+$0xFFFFE030] =	vst v28  }
0x584: {  	v20 =	vsub.f32 v0, v20;
	v28 =	vld.idx.msk [tilespmem:v9+s28+$0x0], $0xffff  }
0x585: {  	v21 =	vsub.f32 v32, v21;
	v25 =	vmul.f32 v25, v25;
	v30 =	vld.idx.msk [tilespmem:v8+s28+$0x0], $0xffff;
	(erf) = vpow2.f32 v23  }
0x586: {  	v20 =	vmul.f32 $1.442695020e+00, v20;
	v23 =	vld.idx.msk [tilespmem:v5+s26+$0x0], $0xffff  }
0x587: {  	v21 =	vmul.f32 v21, v21;
	v24 =	vsub.f32 v24, v29;
	v29 =	vld.idx.msk [tilespmem:v10+s26+$0x0], $0xffff;
	v31 =	vpop (erf)  }
0x588: {  	v32 =	vld.idx.msk [tilespmem:v5+s28+$0x0], $0xffff;
	[tilespmem:s7+$0xFFFFF070] =	vst v31;
	(erf) = vpow2.f32 v20  }
0x589: {  	v20 =	vadd.f32 v21, v25;
	v21 =	vmul.f32 v24, v24;
	v22 =	vsub.f32 v22, v27;
	v24 =	vld.idx.msk [tilespmem:v17+s29+$0x0], $0xffff  }
0x58a: {  	v25 =	vld.idx.msk [tilespmem:v18+s29+$0x0], $0xffff;
	v27 =	vpop (erf)  }
0x58b: {  	v28 =	vsub.f32 v28, v30;
	v22 =	vmul.f32 v22, v22;
	[tilespmem:s7+$0xFFFFE040] =	vst v27;
	v27 =	vld.idx.msk [tilespmem:v17+s30+$0x0], $0xffff  }
0x58c: {  	v20 =	vsub.f32 v0, v20;
	v21 =	vadd.f32 v21, v26;
	v26 =	vld.idx.msk [tilespmem:v18+s30+$0x0], $0xffff  }
0x58d: {  	v28 =	vmul.f32 v28, v28;
	v23 =	vsub.f32 v23, v29;
	v29 =	vld.idx.msk [tilespmem:v10+s28+$0x0], $0xffff  }
0x58e: {  	v20 =	vmul.f32 $1.442695020e+00, v20;
	v21 =	vsub.f32 v0, v21;
	v30 =	vld.idx.msk [tilespmem:v7+s26+$0x0], $0xffff;
	v31 =	vpop (erf)  }
0x58f: {  	v22 =	vadd.f32 v28, v22;
	v23 =	vmul.f32 v23, v23;
	v28 =	vld.idx.msk [tilespmem:v6+s26+$0x0], $0xffff;
	[tilespmem:s7+$0xFFFFE050] =	vst v31  }
0x590: {  	v21 =	vmul.f32 $1.442695020e+00, v21;
	v31 =	vld.idx.msk [tilespmem:v7+s28+$0x0], $0xffff;
	(erf) = vpow2.f32 v20  }
0x591: {  	v20 =	vsub.f32 v0, v22;
	v22 =	vld.idx.msk [tilespmem:v6+s28+$0x0], $0xffff;
	v33 =	vpop (erf)  }
0x592: {  	v24 =	vsub.f32 v24, v25;
	v25 =	vsub.f32 v27, v26;
	v34 =	vld.idx.msk [tilespmem:v4+s26+$0x0], $0xffff;
	[tilespmem:s7+$0xFFFFE060] =	vst v33;
	(erf) = vpow2.f32 v21  }
0x593: {  	v20 =	vmul.f32 $1.442695020e+00, v20;
	v21 =	vsub.f32 v32, v29;
	v26 =	vld.idx.msk [tilespmem:v3+s26+$0x0], $0xffff  }
0x594: {  	v24 =	vmul.f32 v24, v24;
	v25 =	vmul.f32 v25, v25;
	v27 =	vld.idx.msk [tilespmem:v4+s28+$0x0], $0xffff  }
0x595: {  	v21 =	vmul.f32 v21, v21;
	v28 =	vsub.f32 v30, v28;
	v29 =	vld.idx.msk [tilespmem:v3+s28+$0x0], $0xffff;
	(erf) = vpow2.f32 v20  }
0x596: {  	v24 =	vadd.f32 v25, v24;
	v20 =	vld.idx.msk [tilespmem:v15+s26+$0x0], $0xffff  }
0x597: {  	v21 =	vadd.f32 v21, v23;
	v22 =	vsub.f32 v31, v22;
	v23 =	vmul.f32 v28, v28;
	v25 =	vld.idx.msk [tilespmem:v14+s26+$0x0], $0xffff  }
0x598: {  	v24 =	vsub.f32 v0, v24;
	v28 =	vld.idx.msk [tilespmem:v15+s28+$0x0], $0xffff  }
0x599: {  	v21 =	vsub.f32 v0, v21;
	v22 =	vmul.f32 v22, v22;
	v26 =	vsub.f32 v34, v26;
	v30 =	vld.idx.msk [tilespmem:v14+s28+$0x0], $0xffff;
	v31 =	vpop (erf)  }
0x59a: {  	v24 =	vmul.f32 $1.442695020e+00, v24;
	[tilespmem:s7+$0xFFFFF000] =	vst v31;
	v31 =	vld.idx.msk [tilespmem:v2+s31+$0x0], $0xffff  }
0x59b: {  	v22 =	vadd.f32 v22, v23;
	v23 =	vsub.f32 v27, v29;
	v26 =	vmul.f32 v26, v26;
	v32 =	vld.idx.msk [tilespmem:v16+s29+$0x0], $0xffff;
	v27 =	vpop (erf)  }
0x59c: {  	v21 =	vmul.f32 $1.442695020e+00, v21;
	v29 =	vld.idx.msk [tilespmem:v13+s29+$0x0], $0xffff;
	[tilespmem:s7+$0xFFFFF010] =	vst v27;
	(erf) = vpow2.f32 v24  }
0x59d: {  	v22 =	vsub.f32 v0, v22;
	v23 =	vmul.f32 v23, v23;
	v20 =	vsub.f32 v20, v25;
	v24 =	vld.idx.msk [tilespmem:v16+s30+$0x0], $0xffff  }
0x59e: {  	v25 =	vld.idx.msk [tilespmem:v13+s30+$0x0], $0xffff;
	v27 =	vpop (erf);
	(erf) = vpow2.f32 v21  }
0x59f: {  	v21 =	vadd.f32 v23, v26;
	v23 =	vsub.f32 v28, v30;
	v20 =	vmul.f32 v20, v20;
	[tilespmem:s7+$0xFFFFF020] =	vst v27  }
0x5a0: {  	v22 =	vmul.f32 $1.442695020e+00, v22;
	v19 =	vsub.f32 v19, v31;
	v26 =	vld.idx.msk [tilespmem:v11+s29+$0x0], $0xffff  }
0x5a1: {  	v21 =	vsub.f32 v0, v21;
	v23 =	vmul.f32 v23, v23;
	v27 =	vld.idx.msk [tilespmem:v12+s29+$0x0], $0xffff  }
0x5a2: {  	v28 =	vsub.f32 v32, v29;
	v19 =	vmul.f32 v19, v19;
	v29 =	vld.idx.msk [tilespmem:v11+s30+$0x0], $0xffff;
	(erf) = vpow2.f32 v22  }
0x5a3: {  	v30 =	vmul.f32 $1.442695020e+00, v21;
	v20 =	vadd.f32 v23, v20;
	v22 =	vld.idx.msk [tilespmem:v12+s30+$0x0], $0xffff  }
0x5a4: {  	v23 =	vsub.f32 v24, v25;
	v24 =	vmul.f32 v28, v28;
	v25 =	vld.idx.msk [tilespmem:v9+s29+$0x0], $0xffff  }
0x5a5: {  	v20 =	vsub.f32 v0, v20;
	v28 =	vld.idx.msk [tilespmem:v8+s29+$0x0], $0xffff;
	(erf) = vpow2.f32 v30;
	v21 =	vpop (erf)  }
0x5a6: {  	v23 =	vmul.f32 v23, v23;
	v30 =	vld.idx.msk [tilespmem:v9+s30+$0x0], $0xffff;
	[tilespmem:s7+$0x70] =	vst v21  }
0x5a7: {  	v21 =	vsub.f32 v26, v27;
	v20 =	vmul.f32 $1.442695020e+00, v20;
	v26 =	vld.idx.msk [tilespmem:v17+s31+$0x0], $0xffff;
	v27 =	vpop (erf)  }
0x5a8: {  	v23 =	vadd.f32 v23, v24;
	[tilespmem:s7+$0xFFFFF030] =	vst v27;
	v24 =	vld.idx.msk [tilespmem:v18+s31+$0x0], $0xffff  }
0x5a9: {  	v22 =	vsub.f32 v29, v22;
	v21 =	vmul.f32 v21, v21;
	v17 =	vld.idx.msk [tilespmem:v17+s0+$0x0], $0xffff;
	(erf) = vpow2.f32 v20  }
0x5aa: {  	v20 =	vsub.f32 v0, v23;
	v18 =	vld.idx.msk [tilespmem:v18+s0+$0x0], $0xffff  }
0x5ab: {  	v22 =	vmul.f32 v22, v22;
	v23 =	vsub.f32 v25, v28;
	v25 =	vld.idx.msk [tilespmem:v8+s30+$0x0], $0xffff;
	v27 =	vpop (erf)  }
0x5ac: {  	v29 =	vmul.f32 $1.442695020e+00, v20;
	v28 =	vld.idx.msk [tilespmem:v5+s29+$0x0], $0xffff;
	[tilespmem:s7+$0xFFFFF040] =	vst v27  }
0x5ad: {  	v21 =	vadd.f32 v22, v21;
	v22 =	vmul.f32 v23, v23;
	v23 =	vld.idx.msk [tilespmem:v10+s29+$0x0], $0xffff  }
0x5ae: {  	v27 =	vld.idx.msk [tilespmem:v5+s30+$0x0], $0xffff;
	(erf) = vpow2.f32 v29;
	v20 =	vpop (erf)  }
0x5af: {  	v21 =	vsub.f32 v0, v21;
	v29 =	vld.idx.msk [tilespmem:v10+s30+$0x0], $0xffff;
	[tilespmem:s7+$0xFFFFF050] =	vst v20  }
0x5b0: {  	v24 =	vsub.f32 v26, v24;
	v17 =	vsub.f32 v17, v18;
	v20 =	vld.idx.msk [tilespmem:v7+s29+$0x0], $0xffff  }
0x5b1: {  	v18 =	vmul.f32 $1.442695020e+00, v21;
	v21 =	vsub.f32 v30, v25;
	v25 =	vld.idx.msk [tilespmem:v6+s29+$0x0], $0xffff  }
0x5b2: {  	v24 =	vmul.f32 v24, v24;
	v17 =	vmul.f32 v17, v17;
	v26 =	vld.idx.msk [tilespmem:v7+s30+$0x0], $0xffff;
	v30 =	vpop (erf)  }
0x5b3: {  	v21 =	vmul.f32 v21, v21;
	v23 =	vsub.f32 v28, v23;
	v28 =	vld.idx.msk [tilespmem:v6+s30+$0x0], $0xffff;
	[tilespmem:s7+$0xFFFFF060] =	vst v30;
	(erf) = vpow2.f32 v18  }
0x5b4: {  	v17 =	vadd.f32 v17, v24;
	v18 =	vld.idx.msk [tilespmem:v4+s29+$0x0], $0xffff  }
0x5b5: {  	v21 =	vadd.f32 v21, v22;
	v22 =	vsub.f32 v27, v29;
	v23 =	vmul.f32 v23, v23;
	v24 =	vld.idx.msk [tilespmem:v3+s29+$0x0], $0xffff  }
0x5b6: {  	v17 =	vsub.f32 v0, v17;
	v27 =	vld.idx.msk [tilespmem:v4+s30+$0x0], $0xffff  }
0x5b7: {  	v21 =	vsub.f32 v0, v21;
	v22 =	vmul.f32 v22, v22;
	v20 =	vsub.f32 v20, v25;
	v25 =	vld.idx.msk [tilespmem:v3+s30+$0x0], $0xffff;
	v29 =	vpop (erf)  }
0x5b8: {  	v17 =	vmul.f32 $1.442695020e+00, v17;
	[tilespmem:s7+$0x0] =	vst v29;
	v29 =	vld.idx.msk [tilespmem:v15+s29+$0x0], $0xffff  }
0x5b9: {  	v22 =	vadd.f32 v22, v23;
	v23 =	vsub.f32 v26, v28;
	v20 =	vmul.f32 v20, v20;
	v26 =	vld.idx.msk [tilespmem:v14+s29+$0x0], $0xffff  }
0x5ba: {  	v21 =	vmul.f32 $1.442695020e+00, v21;
	v28 =	vld.idx.msk [tilespmem:v15+s30+$0x0], $0xffff;
	(erf) = vpow2.f32 v17  }
0x5bb: {  	v17 =	vsub.f32 v0, v22;
	v22 =	vmul.f32 v23, v23;
	v18 =	vsub.f32 v18, v24;
	v23 =	vld.idx.msk [tilespmem:v14+s30+$0x0], $0xffff  }
0x5bc: {  	v24 =	vld.idx.msk [tilespmem:v16+s31+$0x0], $0xffff;
	v30 =	vpop (erf);
	(erf) = vpow2.f32 v21  }
0x5bd: {  	v20 =	vadd.f32 v22, v20;
	v21 =	vsub.f32 v27, v25;
	v18 =	vmul.f32 v18, v18;
	[tilespmem:s7+$0x10] =	vst v30  }
0x5be: {  	v17 =	vmul.f32 $1.442695020e+00, v17;
	v22 =	vld.idx.msk [tilespmem:v13+s31+$0x0], $0xffff  }
0x5bf: {  	v20 =	vsub.f32 v0, v20;
	v21 =	vmul.f32 v21, v21;
	v25 =	vsub.f32 v29, v26;
	v16 =	vld.idx.msk [tilespmem:v16+s0+$0x0], $0xffff  }
0x5c0: {  	v13 =	vld.idx.msk [tilespmem:v13+s0+$0x0], $0xffff;
	(erf) = vpow2.f32 v17  }
0x5c1: {  	v18 =	vadd.f32 v21, v18;
	v21 =	vsub.f32 v28, v23;
	v23 =	vmul.f32 v25, v25;
	v17 =	vld.idx.msk [tilespmem:v11+s31+$0x0], $0xffff  }
0x5c2: {  	v20 =	vmul.f32 $1.442695020e+00, v20;
	v25 =	vld.idx.msk [tilespmem:v12+s31+$0x0], $0xffff  }
0x5c3: {  	v18 =	vsub.f32 v0, v18;
	v27 =	vmul.f32 v21, v21;
	v11 =	vld.idx.msk [tilespmem:v11+s0+$0x0], $0xffff;
	v26 =	vpop (erf)  }
0x5c4: {  	v22 =	vsub.f32 v24, v22;
	v12 =	vld.idx.msk [tilespmem:v12+s0+$0x0], $0xffff;
	[tilespmem:s7+$0x1070] =	vst v26;
	(erf) = vpow2.f32 v20  }
0x5c5: {  	v18 =	vmul.f32 $1.442695020e+00, v18;
	v20 =	vadd.f32 v27, v23;
	v21 =	vpop (erf);
	v23 =	vld.idx.msk [tilespmem:v1+s0+$0x0], $0xffff;
	v1 =	vmov v15  }
0x5c6: {  	v13 =	vsub.f32 v16, v13;
	v15 =	vmul.f32 v22, v22;
	[tilespmem:s7+$0x20] =	vst v21;
	v16 =	vld.idx.msk [tilespmem:v2+s0+$0x0], $0xffff;
	v2 =	vmov v14  }
0x5c7: {  	v20 =	vsub.f32 v0, v20;
	v14 =	vld.idx.msk [tilespmem:v9+s31+$0x0], $0xffff;
	(erf) = vpow2.f32 v18  }
0x5c8: {  	v13 =	vmul.f32 v13, v13;
	v17 =	vsub.f32 v17, v25;
	v18 =	vld.idx.msk [tilespmem:v8+s31+$0x0], $0xffff  }
0x5c9: {  	v20 =	vmul.f32 $1.442695020e+00, v20;
	v9 =	vld.idx.msk [tilespmem:v9+s0+$0x0], $0xffff;
	v21 =	vpop (erf)  }
0x5ca: {  	v11 =	vsub.f32 v11, v12;
	v12 =	vmul.f32 v17, v17;
	v8 =	vld.idx.msk [tilespmem:v8+s0+$0x0], $0xffff;
	[tilespmem:s7+$0x30] =	vst v21  }
0x5cb: {  	v13 =	vadd.f32 v13, v15;
	v15 =	vld.idx.msk [tilespmem:v5+s31+$0x0], $0xffff;
	(erf) = vpow2.f32 v20  }
0x5cc: {  	v11 =	vmul.f32 v11, v11;
	v16 =	vsub.f32 v23, v16;
	v17 =	vld.idx.msk [tilespmem:v10+s31+$0x0], $0xffff  }
0x5cd: {  	v13 =	vsub.f32 v0, v13;
	v20 =	vld.idx.msk [tilespmem:v5+s0+$0x0], $0xffff;
	v5 =	vpop (erf)  }
0x5ce: {  	v14 =	vsub.f32 v14, v18;
	v10 =	vld.idx.msk [tilespmem:v10+s0+$0x0], $0xffff;
	[tilespmem:s7+$0x40] =	vst v5;
	v5 =	vmul.f32 v16, v16  }
0x5cf: {  	v13 =	vmul.f32 $1.442695020e+00, v13;
	v11 =	vadd.f32 v11, v12;
	v16 =	vld.idx.msk [tilespmem:v7+s31+$0x0], $0xffff  }
0x5d0: {  	v8 =	vsub.f32 v9, v8;
	v12 =	vmul.f32 v14, v14;
	v14 =	vld.idx.msk [tilespmem:v6+s31+$0x0], $0xffff;
	v9 =	vpop (erf);
	v18 =	vadd.f32 v5, v19  }
0x5d1: {  	v11 =	vsub.f32 v0, v11;
	v5 =	vld.idx.msk [tilespmem:v7+s0+$0x0], $0xffff;
	[tilespmem:s7+$0x50] =	vst v9;
	(erf) = vpow2.f32 v13  }
.Ltmp3:
0x5d2: {  	v7 =	vmul.f32 v8, v8;
	v13 =	vsub.f32 v15, v17;
	v9 =	vld.idx.msk [tilespmem:v6+s0+$0x0], $0xffff;
	v6 =	vsub.f32 v0, v18;
	(pc) =	sbr.rel @p0 .LBB2_8-.Ltmp3, $4  }
0x5d3: {  	v15 =	vmul.f32 $1.442695020e+00, v11;
	v8 =	vld.idx.msk [tilespmem:v4+s31+$0x0], $0xffff  }
0x5d4: {  	v7 =	vadd.f32 v7, v12;
	v17 =	vsub.f32 v20, v10;
	v11 =	vmul.f32 v13, v13;
	v10 =	vld.idx.msk [tilespmem:v3+s31+$0x0], $0xffff;
	v12 =	vpop (erf)  }
0x5d5: {  	v4 =	vld.idx.msk [tilespmem:v4+s0+$0x0], $0xffff;
	[tilespmem:s7+$0x60] =	vst v12;
	(erf) = vpow2.f32 v15;
	v12 =	vmul.f32 $1.442695020e+00, v6  }
0x5d6: {  	s12 =	sadd.s32 $0x80, s12;
	v7 =	vsub.f32 v0, v7;
	v13 =	vmul.f32 v17, v17;
	v14 =	vsub.f32 v16, v14;
	v3 =	vld.idx.msk [tilespmem:v3+s0+$0x0], $0xffff  }
0x5d7: {  	_ =	sdelay $0x3  }
0x5d8: {  	v6 =	vld.idx.msk [tilespmem:v1+s31+$0x0], $0xffff  }
0x5d9: {  	v15 =	vld.idx.msk [tilespmem:v2+s31+$0x0], $0xffff  }
0x5da: {  	v46 =	vld.idx.msk [tilespmem:v1+s0+$0x0], $0xffff  }
0x5db: {  	v47 =	vld.idx.msk [tilespmem:v2+s0+$0x0], $0xffff;
	_ =	sdelay $0x2  }
0x5dc: {  	v5 =	vsub.f32 v5, v9  }
0x5dd: {  	v48 =	vmul.f32 v14, v14;
	v8 =	vsub.f32 v8, v10;
	v3 =	vsub.f32 v4, v3  }
0x5de: {  	v49 =	vmul.f32 v5, v5;
	v50 =	vsub.f32 v6, v15;
	v1 =	vsub.f32 v46, v47  }
0x5df: {  	v51 =	vadd.f32 v13, v11;
	v52 =	vmul.f32 v8, v8;
	v3 =	vmul.f32 v3, v3  }
0x5e0: {  	v4 =	vadd.f32 v49, v48;
	v5 =	vmul.f32 v50, v50;
	v1 =	vmul.f32 v1, v1  }
0x5e1: {  	v2 =	vsub.f32 v0, v51;
	v3 =	vadd.f32 v3, v52  }
0x5e2: {  	v53 =	vmul.f32 $1.442695020e+00, v7;
	v4 =	vsub.f32 v0, v4;
	v1 =	vadd.f32 v1, v5  }
0x5e3: {  	(erf) = vpow2.f32 v12;
	v2 =	vmul.f32 $1.442695020e+00, v2;
	v3 =	vsub.f32 v0, v3  }
0x5e4: {  	(erf) = vpow2.f32 v53;
	v4 =	vmul.f32 $1.442695020e+00, v4;
	v54 =	vsub.f32 v0, v1  }
0x5e5: {  	(erf) = vpow2.f32 v2;
	v55 =	vmul.f32 $1.442695020e+00, v3  }
0x5e6: {  	(erf) = vpow2.f32 v4;
	v0 =	vmul.f32 $1.442695020e+00, v54  }
0x5e7: {  	(erf) = vpow2.f32 v55  }
0x5e8: {  	(erf) = vpow2.f32 v0;
	_ =	sdelay $0x1  }
0x5e9: {  	v56 =	vpop (erf)  }
0x5ea: {  	[tilespmem:s7+$0x1000] =	vst v56;
	v57 =	vpop (erf)  }
0x5eb: {  	[tilespmem:s7+$0x1010] =	vst v57;
	v58 =	vpop (erf)  }
0x5ec: {  	[tilespmem:s11+$0x1060] =	vst v58;
	v59 =	vpop (erf)  }
0x5ed: {  	[tilespmem:s7+$0x1020] =	vst v59;
	v60 =	vpop (erf)  }
0x5ee: {  	[tilespmem:s7+$0x1030] =	vst v60;
	v61 =	vpop (erf)  }
0x5ef: {  	[tilespmem:s7+$0x1040] =	vst v61;
	v62 =	vpop (erf)  }
0x5f0: {  	[tilespmem:s7+$0x1050] =	vst v62;
	v63 =	vpop (erf)  }
0x5f1: {  	[tilespmem:s7+$0x1060] =	vst v63  }
0x5f2: {  	s7 =	rddreg [dreg:$0xc]  }
0x5f3: {  	[hbm4b:s7+s2] =	stream.linear.scatter [tilespmem:s18], [sflag:$0x3], $0x1000, $0x38;
	[tilespmem:$0x1F890] =	vst v63  }
0x5f4: {  	s11 =	rddreg [dreg:$0xd]  }
0x5f5: {  	[hbm4b:s11+s2] =	stream.linear.scatter [tilespmem:s19], [sflag:$0x3], $0x1000, $0x38;
	[tilespmem:$0x1F890] =	vst v63  }
0x5f6: {  	s12 =	rddreg [dreg:$0xe]  }
0x5f7: {  	[hbm4b:s12+s2] =	stream.linear.scatter [tilespmem:s20], [sflag:$0x3], $0x1000, $0x38;
	[tilespmem:$0x1F890] =	vst v63  }
0x5f8: {  	s15 =	rddreg [dreg:$0xf]  }
0x5f9: {  	[hbm4b:s15+s2] =	stream.linear.scatter [tilespmem:s21], [sflag:$0x3], $0x1000, $0x38;
	[tilespmem:$0x1F890] =	vst v63  }
0x5fa: {  	_ =	swait.ge [sflag:s17], $0x1000  }
0x5fb: {  	[sflag:s17] =	ssyncset.done $0x0  }
0x5fc: {  	[sflag:s17] =	ssyncadd.s32 $0xFFFFF000  }
0x5fd: {  	_ =	swait.ge [sflag:s17], $0x1000  }
0x5fe: {  	[sflag:s17] =	ssyncset.done $0x0  }
0x5ff: {  	[sflag:s17] =	ssyncadd.s32 $0xFFFFF000  }
0x600: {  	_ =	swait.ge [sflag:s17], $0x1000  }
0x601: {  	[sflag:s17] =	ssyncset.done $0x0  }
0x602: {  	[sflag:s17] =	ssyncadd.s32 $0xFFFFF000  }
0x603: {  	_ =	swait.ge [sflag:s17], $0x1000  }
0x604: {  	[sflag:s17] =	ssyncset.done $0x0  }
0x605: {  	s9 =	simm.s32 $0x4;
	[sflag:s17] =	ssyncadd.s32 $0xFFFFF000  }
0x606: {  	_ =	swait.ge [sflag:s9], $0x1000  }
0x607: {  	[sflag:s9] =	ssyncset.done $0x0  }
0x608: {  	[sflag:s9] =	ssyncadd.s32 $0xFFFFF000  }
0x609: {  	_ =	swait.ge [sflag:s9], $0x1000  }
0x60a: {  	[sflag:s9] =	ssyncset.done $0x0  }
0x60b: {  	[sflag:s9] =	ssyncadd.s32 $0xFFFFF000  }
0x60c: {  	_ =	swait.ge [sflag:s9], $0x1000  }
0x60d: {  	[sflag:s9] =	ssyncset.done $0x0  }
0x60e: {  	[sflag:s9] =	ssyncadd.s32 $0xFFFFF000  }
0x60f: {  	_ =	swait.ge [sflag:s9], $0x1000  }
0x610: {  	s23 =	rddreg [dreg:$0x11]  }
0x611: {  	s24 =	rddreg [dreg:$0x10];
	s11 =	sadd.s32 $0x1, s23  }
0x612: {  	p0 =	sne.s32 s11, s24  }
.Ltmp4:
0x613: {  	_ = 	snop;
	(pc) =	sbr.rel @p0 .LBB2_1-.Ltmp4, $3  }
0x614: {  	_ =	sdelay $0x1  }
0x615: {  	[sflag:s9] =	ssyncset.done $0x0  }
0x616: {  	[sflag:s9] =	ssyncadd.s32 $0xFFFFF000  }
0x617: {  	_ =	sfence.sel $0x180000  }
0x618: {  	[bflag:$0x0] =	sbarrier.arrive $0xFFFF  }
0x619: {  	_ =	strace $0x90000047  }
0x61a: {  	s0 =	stileid.u32;
	[bflag:$0x2] =	sbarrier.arrive $0xFFFF  }
0x61b: {  	p0 =	sne.s32 s0, $0x0;
	s0 =	rddreg [dreg:$0x2]  }
0x61c: {  	s0 =	sadd.s32 @!p0 $0x100000, s0  }
0x61d: {  	[sflag:s0] =	ssyncadd.tile.s32 @!p0 $0x1;
	_ =	shalt  }
.Lfunc_end2:
_tile_overlayer_lowered:
.L_overlay_start_2:
0x61e: {  	(tag) =	ssettag $0x2  }
0x61f: {  	s0 =	rddreg [dreg:$0x0];
	s2 =	stileid.u32  }
0x620: {  	s1 =	rddreg [dreg:$0x1];
	p0 =	sne.s32 s2, $0x0  }
0x621: {  	s3 =	rddreg [dreg:$0x2];
	[bflag:$0x3] =	sbarrier.arrive $0xFFFF;
	s2 =	simm.s32 @!p0 $0x1C05  }
0x622: {  	[timem:s3], [sflag:s2] =	dma.local @!p0 [hbm:s0], s1  }
0x623: {  	s0 =	simm.s32 @!p0 $0x5  }
0x624: {  	_ =	swait.ge @!p0 [sflag:s0], s1  }
0x625: {  	s1 =	ssub.s32 @!p0 $0x0, s1;
	[sflag:s0] =	ssyncset.done @!p0 $0x0  }
0x626: {  	[sflag:s0] =	ssyncadd.s32 @!p0 s1  }
0x627: {  	[bflag:$0x3] =	sbarrier.arrive $0xFFFF  }
0x628: {  	_ =	shalt  }

// kernel: sparse-core-data-format-call.cloned.1.call-start
scs
called_computation_lowered:
.L_overlay_start_0:
0x0: {  	s2 =	sld [smem:$0x3FD9]  }
0x1: {  	s3 =	sld [smem:$0x3FFE];
	_ =	sdelay $0x1  }
0x2: {  	s1 =	srdreg.scid  }
0x3: {  	s0 =	sand.u32 $0x1, s1  }
0x4: {  	s18 =	sshll.u32 s0, $0xA;
	s2 =	sadd.s32 s3, s2  }
0x5: {  	s2 =	sadd.s32 s2, s18  }
0x6: {  	[smem:$0x3FC3] =	sst s2  }
0x7: {  	_ = 	snop  }
0x8: {  	s2 =	sld [smem:$0x3FD0];
	(tm) =	ssettm $0x1  }
0x9: {  	s19 =	sld [smem:$0x3FFB];
	_ =	sdelay $0x3  }
0xa: {  	_ =	strace s19  }
0xb: {  	s3 =	sld [smem:$0x3FFC];
	_ =	sdelay $0x3  }
0xc: {  	_ =	strace s3  }
0xd: {  	s3 =	sld [smem:$0x3FFD];
	_ =	sdelay $0x3  }
0xe: {  	_ =	strace s3  }
0xf: {  	_ =	strace $0x8FFFFFFF  }
0x10: {  	s20 =	sld [smem:$0x3FDB];
	_ =	sdelay $0x1  }
0x11: {  	s4 =	simm.s32 $_scs_section_size  }
0x12: {  	s5 =	simm.s32 $_size__tile_overlayer_lowered;
	s6 =	simm.s32 $_tile_overlayer_lowered  }
0x13: {  	s23 =	simm.s32 $0x1BFF;
	s22 =	sshll.u32 s6, $0x1;
	s3 =	sadd.s32 s4, s20  }
0x14: {  	s7 =	simm.s32 $0x0;
	s21 =	sshll.u32 s5, $0x1;
	s5 =	sadd.s32 s22, s3  }
0x15: {  	[timem:s7], [sflag:s23] =	dma.local [hbm:s5], s21  }
0x16: {  	_ =	swait.ge [sflag:s23], s21  }
0x17: {  	s4 =	ssub.s32 $0x0, s21;
	[sflag:s23] =	ssyncset.done $0x0  }
0x18: {  	[sflag:s23] =	ssyncadd.s32 s4;
	_ =	sdelay $0x1  }
0x19: {  	s24 =	simm.s32 $0x1B8B  }
0x1a: {  	_ =	swait.ge [sflag:s24], $0x1  }
0x1b: {  	[sflag:s24] =	ssyncset.done $0x0  }
0x1c: {  	s26 =	simm.s32 $0x1B8E;
	s25 =	sld [smem:$0x3FFE];
	[sflag:s24] =	ssyncadd.s32 $0xFFFFFFFF  }
0x1d: {  	s27 =	simm.s32 $execute0_lowered;
	[smem:$0x3FD2] =	sst s26  }
0x1e: {  	s5 =	sshll.u32 s27, $0x1;
	_ =	strace $0x80000049;
	[dreg:$0x1] =	wrdreg $0xFFFFFFFF  }
0x1f: {  	s28 =	simm.s32 $_size_execute0_lowered;
	s3 =	sadd.s32 s3, s5;
	[dreg:$0x0] =	wrdreg $0x0  }
0x20: {  	s5 =	sshll.u32 s28, $0x1;
	[dreg:$0x2] =	wrdreg s3  }
0x21: {  	[dreg:$0x3] =	wrdreg s5  }
0x22: {  	[dreg:$0x4] =	wrdreg $0xC0  }
0x23: {  	_ =	task [dreg:s7], $0x5FFFF  }
0x24: {  	[dreg:$0x1] =	wrdreg $0xFFFFFFFF  }
0x25: {  	[dreg:$0x0] =	wrdreg $0x60  }
0x26: {  	[dreg:$0x2] =	wrdreg s25  }
0x27: {  	[dreg:$0x3] =	wrdreg s2  }
0x28: {  	[dreg:$0x4] =	wrdreg $0x9  }
0x29: {  	_ =	task.clear_ibuf [dreg:s7], $0x5FFFF;
	_ =	strace $0x90000049  }
0x2a: {  	s29 =	simm.s32 $0x9;
	_ =	strace $0x8000004B  }
0x2b: {  	_ =	swait.ge [sflag:s29], $0x1  }
0x2c: {  	[sflag:s29] =	ssyncadd.s32 $0xFFFFFFFF  }
0x2d: {  	_ =	strace $0x9000004B  }
0x2e: {  	_ =	sfence  }
0x2f: {  	s30 =	sld [smem:$0x0];
	_ =	sdelay $0x2  }
0x30: {  	s31 =	sshll.u32 s1, $0xD;
	s1 =	sshrl.u32 s1, $0x2  }
0x31: {  	s3 =	sand.u32 $0x4000, s31;
	s1 =	sadd.s32 s1, s30  }
0x32: {  	s0 =	sor.u32 s3, s0;
	s1 =	sshll.u32 s1, $0x11  }
0x33: {  	s0 =	sor.u32 s1, s0  }
0x34: {  	s0 =	sadd.s32 $0x8F2B, s0  }
0x35: {  	[sflag:s0] =	ssyncadd.remote.s32 $0x1  }
0x36: {  	_ =	sfence.sel $0xFFFF  }
0x37: {  	[dreg:$0x0] =	wrdreg $0xFFFFFFFF;
	(pc) =	sbr.abs _section_cstart, $3  }
0x38: {  	[dreg:$0x1] =	wrdreg $0xFFFFFFFF  }
0x39: {  	_ =	task.clear_ibuf [dreg:s7], $0x2FFFF;
	_ =	strace $0x9FFFFFFF  }
0x3a: {  	(tm) =	ssettm $0x7FFFFFFF  }
0x3b: {  	_ =	shalt  }
tec
execute0_lowered:
.L_overlay_start_1:
0x0: {  	(tag) =	ssettag $0x1  }
0x1: {  	s4 =	rddreg [dreg:$0x0]  }
0x2: {  	s0 =	srdreg.scid;
	s2 =	rddreg [dreg:$0x1]  }
0x3: {  	s1 =	stileid.u32;
	s5 =	simm.s32 $0x1;
	s7 =	simm.s32 $0x2  }
0x4: {  	s14 =	simm.s32 $0x0;
	p0 =	por $0x0, $0x0;
	s0 =	sshll.u32 s0, $0x4  }
0x5: {  	s13 =	simm.s32 $0x0;
	s8 =	simm.s32 $0x0;
	s3 =	sand.u32 $0x10, s0  }
.Ltmp0:
0x6: {  	s9 =	simm.s32 $0x0;
	s3 =	sor.u32 s1, s3;
	(pc) =	sbr.rel .LBB1_1-.Ltmp0, $4  }
0x7: {  	s11 =	simm.s32 $0x0;
	s12 =	simm.s32 $0x0;
	s3 =	sshll.u32 s3, $0x7  }
0x8: {  	s0 =	rddreg [dreg:$0x2];
	_ =	strace $0x8000004A;
	s6 =	ssub.s32 $0x18680, s3  }
0x9: {  	s4 =	sadd.s32 $0x200, s4;
	[sflag:s5] =	ssyncpa.u1 $0x0;
	s6 =	sshrl.u32 s6, $0xC  }
0xa: {  	[sflag:s7] =	ssyncpa.u1 $0x0;
	s10 =	smov.u32 s3;
	s7 =	sadd.s32 $0x2, s6  }
.LBB1_5:
0xb: {  	p1 =	slt.u32 s12, $0x2  }
0xc: {  	p2 =	sgt.s32 @!p1 s14, $0x18620  }
0xd: {  	s15 =	smov.u32 s14;
	s16 =	sshra.s32 @!p1 s14, $0x1F;
	p2 =	por !p2, p1  }
0xe: {  	s14 =	sand.u32 @!p1 s16, s14;
	s15 =	simm.s32 @p2 $0x18620  }
0xf: {  	s14 =	ssub.s32 @!p1 s15, s14;
	s15 =	ssub.s32 @!p1 $0x0, s13  }
0x10: {  	s17 =	smov.u32 s11;
	s16 =	sadd.s32 @!p1 $0xFFFE79E0, s14;
	s13 =	smin.u32 @!p1 s13, s15  }
0x11: {  	s14 =	ssub.s32 @!p1 $0x186A0, s14;
	p2 =	sgt.s32 @!p1 s16, $0x7F;
	p3 =	sgt.s32 @!p1 s13, $0x7F  }
0x12: {  	s13 =	ssub.s32 @!p1 $0x80, s13;
	p2 =	por !p2, p1;
	p3 =	por !p3, p1  }
0x13: {  	s15 =	sadd.s32 $0x1000, s10;
	s14 =	simm.s32 @!p2 $0x0;
	s13 =	simm.s32 @!p3 $0x0  }
0x14: {  	p2 =	sgt.s32 s15, $0x1869F;
	s13 =	smul.u32 @!p1 s13, s14;
	s14 =	sadd.s32 $0x80, s11  }
0x15: {  	s17 =	smov.u32 @p2 s14  }
0x16: {  	s15 =	smov.u32 @p2 s3;
	p2 =	sgt.s32 s17, $0x7F  }
0x17: {  	s17 =	simm.s32 @p2 $0x0;
	p2 =	sne.s32 s12, s7  }
.Ltmp1:
0x18: {  	p0 =	por !p0, !p0;
	s16 =	simm.s32 @!p1 $0x2;
	(pc) =	sbr.rel @!p2 .LBB1_6-.Ltmp1, $4  }
0x19: {  	s14 =	smov.u32 s8;
	s8 =	smov.u32 s10;
	s13 =	sand.u32 @!p1 $0x3FFFFFFF, s13  }
0x1a: {  	s10 =	smov.u32 s15;
	_ =	swait.ge @!p1 [sflag:s16], s13;
	s18 =	ssub.s32 @!p1 $0x0, s13  }
0x1b: {  	s13 =	smov.u32 s9;
	s12 =	sadd.s32 $0x1, s12;
	[sflag:s16] =	ssyncset.done @!p1 $0x0  }
0x1c: {  	s9 =	smov.u32 s11;
	s11 =	smov.u32 s17;
	[sflag:s16] =	ssyncadd.s32 @!p1 s18  }
.LBB1_1:
0x1d: {  	p1 =	sgt.u32 s12, s6  }
0x1e: {  	s15 =	sshrl.u32 @!p1 s11, $0x3  }
0x1f: {  	s16 =	sshll.u32 @!p1 s10, $0x3;
	s15 =	smul.u32 @!p1 $0xC3800, s15  }
0x20: {  	s17 =	sshll.u32 @!p1 s11, $0x7;
	s16 =	sand.u32 @!p1 $0xFFFFFC00, s16  }
0x21: {  	s15 =	sadd.s32 @!p1 s15, s16;
	s16 =	sand.u32 @!p1 $0x380, s17  }
0x22: {  	s17 =	sand.u32 @!p1 $0x7F, s10;
	s15 =	sor.u32 @!p1 s16, s15  }
0x23: {  	s16 =	sor.u32 @!p1 s17, s15  }
0x24: {  	s17 =	smulhi.u32 @!p1 $0xA79C7B17, s16;
	_ =	sdelay $0x1  }
0x25: {  	s15 =	smulhi.u32 @!p1 $0xA79C7B17, s15;
	s17 =	sshrl.u32 @!p1 s17, $0x10  }
0x26: {  	s17 =	smul.u32 @!p1 $0x18700, s17  }
0x27: {  	s18 =	sxor.u32 @!p1 $0xFFFFFFFF, s12;
	s15 =	sshrl.u32 @!p1 s15, $0x10  }
0x28: {  	s18 =	sshll.u32 @!p1 s18, $0xE;
	s15 =	sand.u32 @!p1 $0x7F, s15;
	s16 =	ssub.s32 @!p1 s16, s17  }
0x29: {  	s15 =	smul.u32 @!p1 $0x30E0, s15;
	s17 =	sshrl.u32 @!p1 s16, $0x3;
	s16 =	sand.u32 @!p1 $0x7, s16  }
0x2a: {  	s18 =	sand.u32 @!p1 $0x4000, s18;
	s17 =	sadd.s32 @!p1 s4, s17;
	s16 =	sshll.u32 @!p1 s16, $0x12  }
0x2b: {  	s15 =	sadd.s32 @!p1 s15, s17;
	s16 =	sor.u32 @!p1 $0x400, s16;
	s17 =	simm.s32 @!p1 $0xC3800  }
0x2c: {  	[tilespmem:s18], [sflag:$0x1] =	stream.strided.gather @!p1 [hbm4b:s15+s16], $0x4000, s17, s16, $0x38;
	[tilespmem:$0x10100] =	vst v63  }
0x2d: {  	p1 =	seq.s32 s12, $0x0  }
0x2e: {  	p2 =	sge.u32 @!p1 s12, s7  }
0x2f: {  	p1 =	por p1, p2  }
.Ltmp2:
0x30: {  	_ = 	snop;
	(pc) =	sbr.rel @p1 .LBB1_5-.Ltmp2, $1  }
0x31: {  	_ =	sdelay $0x3  }
0x32: {  	s15 =	simm.s32 $0x1  }
0x33: {  	_ =	swait.ge [sflag:s5], $0x4000;
	s15 =	simm.s32 @!p0 $0x0  }
0x34: {  	[sflag:s5] =	ssyncset.done $0x0;
	s16 =	sshll.u32 s15, $0xE  }
0x35: {  	[sflag:s5] =	ssyncadd.s32 $0xFFFFC000;
	s16 =	sor.u32 $0x40, s16  }
0x36: {  	s15 =	smul.u32 $0x10200, s15;
	v0 =	vld [tilespmem:s16+$0x30]  }
0x37: {  	v1 =	vld [tilespmem:s16+$0xFFFFFFD0]  }
0x38: {  	s15 =	sshrl.u32 s15, $0x2;
	v5 =	vld [tilespmem:s16+$0xFFFFFFE0]  }
0x39: {  	v6 =	vld [tilespmem:s16+$0xFFFFFFF0];
	s18 =	sor.u32 $0x8000, s15  }
0x3a: {  	s31 =	sand.u32 $0x1, s12;
	v4 =	vld [tilespmem:s16+$0x0];
	s17 =	sadd.s32 $0x0, s18  }
0x3b: {  	v3 =	vld [tilespmem:s16+$0x10];
	s15 =	smul.u32 $0x10200, s31;
	[tilespmem:s17+$0x3870 ss:$0x81] =	vst.msk $0xffff, v0  }
0x3c: {  	v2 =	vld [tilespmem:s16+$0x20];
	[tilespmem:s17+$0x810 ss:$0x81] =	vst.msk $0xffff, v1  }
0x3d: {  	s15 =	sshrl.u32 s15, $0x2;
	v0 =	vld [tilespmem:s16+$0xFFFFFFC0];
	[tilespmem:s17+$0x1020 ss:$0x81] =	vst.msk $0xffff, v5;
	s16 =	sadd.s32 $0x80, s16  }
0x3e: {  	s19 =	simm.s32 $0x4;
	s20 =	simm.s32 $0x8;
	s15 =	sor.u32 $0x8000, s15;
	[tilespmem:s17+$0x1830 ss:$0x81] =	vst.msk $0xffff, v6;
	v1 =	vld [tilespmem:s16+$0x30]  }
.LBB1_3:
0x3f: {  	p1 =	sne.s32 s20, $0x1FC;
	v5 =	vld [tilespmem:s16+$0xFFFFFFD0];
	[tilespmem:s17+$0x2040 ss:$0x81] =	vst.msk $0xffff, v4  }
0x40: {  	v6 =	vld [tilespmem:s16+$0xFFFFFFE0];
	[tilespmem:s17+$0x2850 ss:$0x81] =	vst.msk $0xffff, v3  }
0x41: {  	s21 =	sshra.s32 s19, $0x2;
	s19 =	smov.u32 s20;
	v7 =	vld [tilespmem:s16+$0xFFFFFFF0];
	[tilespmem:s17+$0x3060 ss:$0x81] =	vst.msk $0xffff, v2  }
.Ltmp3:
0x42: {  	v4 =	vld [tilespmem:s16+$0x0];
	[tilespmem:s17+$0x0 ss:$0x81] =	vst.msk $0xffff, v0;
	s17 =	sadd.s32 s21, s18;
	(pc) =	sbr.rel @p1 .LBB1_3-.Ltmp3, $4  }
0x43: {  	v3 =	vld [tilespmem:s16+$0x10];
	[tilespmem:s17+$0x3870 ss:$0x81] =	vst.msk $0xffff, v1  }
0x44: {  	[tilespmem:s17+$0x810 ss:$0x81] =	vst.msk $0xffff, v5;
	v2 =	vld [tilespmem:s16+$0x20]  }
0x45: {  	v0 =	vld [tilespmem:s16+$0xFFFFFFC0];
	[tilespmem:s17+$0x1020 ss:$0x81] =	vst.msk $0xffff, v6;
	s16 =	sadd.s32 $0x80, s16  }
0x46: {  	s20 =	sadd.s32 $0x4, s20;
	v1 =	vld [tilespmem:s16+$0x30];
	[tilespmem:s17+$0x1830 ss:$0x81] =	vst.msk $0xffff, v7  }
0x47: {  	s20 =	sshll.u32 s8, $0x7;
	s21 =	sshll.u32 s9, $0x3;
	s19 =	sshra.s32 s19, $0x2  }
0x48: {  	v5 =	vld [tilespmem:s16+$0xFFFFFFD0];
	[tilespmem:s17+$0x2040 ss:$0x81] =	vst.msk $0xffff, v4;
	p1 =	sgt.s32 s8, $0x18620;
	s22 =	sand.u32 $0xFFFFFC00, s20;
	s21 =	sand.u32 $0xFFFFFC00, s21  }
0x49: {  	v58 =	vld [tilespmem:s16+$0xFFFFFFE0];
	s24 =	sshra.s32 s8, $0x1F;
	s20 =	sand.u32 $0x380, s20;
	[tilespmem:s17+$0x2850 ss:$0x81] =	vst.msk $0xffff, v3;
	s21 =	sadd.s32 s21, s22  }
0x4a: {  	v59 =	vld [tilespmem:s16+$0xFFFFFFF0];
	s26 =	ssub.s32 $0x0, s9;
	s18 =	sadd.s32 s19, s18;
	[tilespmem:s17+$0x3060 ss:$0x81] =	vst.msk $0xffff, v2;
	s23 =	sor.u32 s20, s21  }
0x4b: {  	v60 =	vld [tilespmem:s16+$0x0];
	s28 =	smin.u32 s9, s26;
	s20 =	smov.u32 s8;
	[tilespmem:s17+$0x0 ss:$0x81] =	vst.msk $0xffff, v0;
	s19 =	sshrl.u32 s23, $0x7  }
0x4c: {  	v61 =	vld [tilespmem:s16+$0x10];
	s21 =	sand.u32 s24, s8;
	s20 =	simm.s32 @!p1 $0x18620;
	[tilespmem:s18+$0x3870 ss:$0x81] =	vst.msk $0xffff, v1;
	s25 =	smulhi.u32 $0x14F8B59, s19  }
0x4d: {  	v62 =	vld [tilespmem:s16+$0x20];
	s29 =	sshrl.u32 s9, $0x3;
	p2 =	sgt.s32 s28, $0x7F;
	s20 =	ssub.s32 s20, s21;
	[tilespmem:s18+$0x810 ss:$0x81] =	vst.msk $0xffff, v5  }
0x4e: {  	v63 =	vld [tilespmem:s16+$0xFFFFFFC0];
	[tilespmem:s18+$0x1020 ss:$0x81] =	vst.msk $0xffff, v58;
	s21 =	sadd.s32 $0xFFFE79E0, s20;
	s20 =	ssub.s32 $0x186A0, s20;
	s17 =	sshrl.u32 s25, $0x9  }
0x4f: {  	[tilespmem:s18+$0x1830 ss:$0x81] =	vst.msk $0xffff, v59;
	p1 =	sgt.s32 s21, $0x7F;
	s27 =	smul.u32 $0x186A0, s17;
	s17 =	ssub.s32 $0x80, s28  }
.Ltmp4:
0x50: {  	[tilespmem:s18+$0x2040 ss:$0x81] =	vst.msk $0xffff, v60;
	s20 =	simm.s32 @p1 $0x0;
	s17 =	simm.s32 @p2 $0x0;
	(pc) =	sbr.rel .LBB1_5-.Ltmp4, $4  }
0x51: {  	s30 =	sand.u32 $0xF, s29;
	[tilespmem:s18+$0x2850 ss:$0x81] =	vst.msk $0xffff, v61;
	s16 =	ssub.s32 s19, s27;
	s17 =	smul.u32 s17, s20  }
0x52: {  	[tilespmem:s18+$0x3060 ss:$0x81] =	vst.msk $0xffff, v62;
	s19 =	sadd.s32 s2, s30;
	s16 =	sshll.u32 s16, $0x4  }
0x53: {  	s31 =	sand.u32 $0x7, s9;
	[tilespmem:s18+$0x0 ss:$0x81] =	vst.msk $0xffff, v63;
	s17 =	sand.u32 $0x3FFFFFFF, s17;
	s16 =	sadd.s32 s16, s19  }
0x54: {  	[hbm4b:s16+s31] =	stream.linear.scatter [tilespmem:s15], [sflag:$0x2], s17, $0x20;
	[tilespmem:$0x10100] =	vst v63  }
.LBB1_6:
0x55: {  	_ =	sfence.sel $0x180000  }
0x56: {  	s2 =	simm.s32 $0x1;
	[bflag:$0x0] =	sbarrier.arrive $0xFFFF  }
0x57: {  	s31 =	simm.s32 $0x2;
	[sflag:s2] =	ssyncpa.u1 $0x1  }
0x58: {  	[sflag:s31] =	ssyncpa.u1 $0x1  }
0x59: {  	p0 =	sne.s32 s1, $0x0;
	_ =	strace $0x9000004A  }
0x5a: {  	s0 =	sadd.s32 @!p0 $0x100000, s0;
	[bflag:$0x2] =	sbarrier.arrive $0xFFFF  }
0x5b: {  	[sflag:s0] =	ssyncadd.tile.s32 @!p0 $0x1;
	_ =	shalt  }
.Lfunc_end1:
_tile_overlayer_lowered:
.L_overlay_start_2:
0x5c: {  	(tag) =	ssettag $0x2  }
0x5d: {  	s0 =	rddreg [dreg:$0x0];
	s2 =	stileid.u32  }
0x5e: {  	s1 =	rddreg [dreg:$0x1];
	p0 =	sne.s32 s2, $0x0  }
0x5f: {  	s3 =	rddreg [dreg:$0x2];
	[bflag:$0x3] =	sbarrier.arrive $0xFFFF;
	s2 =	simm.s32 @!p0 $0x1C01  }
0x60: {  	[timem:s3], [sflag:s2] =	dma.local @!p0 [hbm:s0], s1  }
0x61: {  	s0 =	simm.s32 @!p0 $0x1  }
0x62: {  	_ =	swait.ge @!p0 [sflag:s0], s1  }
0x63: {  	s1 =	ssub.s32 @!p0 $0x0, s1;
	[sflag:s0] =	ssyncset.done @!p0 $0x0  }
0x64: {  	[sflag:s0] =	ssyncadd.s32 @!p0 s1  }
0x65: {  	[bflag:$0x3] =	sbarrier.arrive $0xFFFF  }
0x66: {  	_ =	shalt  }

</sc_bundles>
